<compile_context>
chip_gen: v7x
topology: tpu7x:2x2x1
jax: 0.10.2.dev20260603
libtpu: 0.0.44.dev20260713+nightly
codegen_flags: <defaults>
</compile_context>

<pallas_src>
import functools

import jax
import jax.numpy as jnp
from jax import lax
from jax.experimental import pallas as pl
from jax.experimental.pallas import tpu as pltpu
from jax.experimental.pallas import tpu_sc as plsc

NC = 2
NSC = 16
NW = NC * NSC
L = 16
SSP = 104


def _sc_mesh():
    return plsc.VectorSubcoreMesh(
        core_axis_name="c", subcore_axis_name="s",
        num_cores=NC, num_subcores=NSC)


def _tc_project(feat, W1):
    n, d = feat.shape
    e = W1.shape[0]
    blk = 1000
    assert n % blk == 0

    def body(x_ref, w_ref, o_ref):
        o_ref[...] = lax.dot_general(
            x_ref[...], w_ref[...], (((1,), (1,)), ((), ())),
            preferred_element_type=jnp.float32)

    return pl.pallas_call(
        body,
        grid=(n // blk,),
        in_specs=[
            pl.BlockSpec((blk, d), lambda i: (i, 0)),
            pl.BlockSpec((e, d), lambda i: (0, 0)),
        ],
        out_specs=pl.BlockSpec((blk, e), lambda i: (i, 0)),
        out_shape=jax.ShapeDtypeStruct((n, e), jnp.float32),
    )(feat, W1)


def _tc_pad_neigh(neigh_idx, width):
    n, s = neigh_idx.shape
    blk = 1000
    assert n % blk == 0

    def body(x_ref, o_ref):
        o_ref[...] = jnp.concatenate(
            [x_ref[...], jnp.zeros((blk, width - s), jnp.int32)], axis=1)

    return pl.pallas_call(
        body,
        grid=(n // blk,),
        in_specs=[pl.BlockSpec((blk, s), lambda i: (i, 0))],
        out_specs=pl.BlockSpec((blk, width), lambda i: (i, 0)),
        out_shape=jax.ShapeDtypeStruct((n, width), jnp.int32),
    )(neigh_idx)


def _tc_head(P, W2, W_cls, scale):
    b2, e = P.shape
    c = W_cls.shape[0]

    def body(p_ref, w2_ref, wc_ref, o_ref):
        wc2 = lax.dot_general(
            wc_ref[...], w2_ref[...], (((1,), (0,)), ((), ())),
            preferred_element_type=jnp.float32)
        o_ref[...] = scale * lax.dot_general(
            p_ref[...], wc2, (((1,), (1,)), ((), ())),
            preferred_element_type=jnp.float32)

    return pl.pallas_call(
        body, out_shape=jax.ShapeDtypeStruct((b2, c), jnp.float32),
    )(P, W2, W_cls)


def _sc_indices(neigh_pad, nodes_flat, s):
    n, emb = neigh_pad.shape
    nslot = nodes_flat.shape[0]
    slots_w = nslot // NW
    ss = s * s
    lvl1 = slots_w * s
    nchunk = lvl1 // slots_w

    @functools.partial(
        pl.kernel,
        out_type=jax.ShapeDtypeStruct((NW, slots_w * SSP), jnp.int32),
        mesh=_sc_mesh(),
        compiler_params=pltpu.CompilerParams(needs_layout_passes=False),
        scratch_types=[
            pltpu.VMEM((slots_w,), jnp.int32),
            pltpu.VMEM((lvl1,), jnp.int32),
            pltpu.VMEM((2, slots_w, emb), jnp.int32),
            pltpu.VMEM((slots_w * SSP,), jnp.int32),
            pltpu.SemaphoreType.DMA,
            pltpu.SemaphoreType.DMA,
        ],
    )
    def idx_kernel(ni_hbm, nodes_hbm, out_hbm,
                   nodes_v, nb2f, nbd2, nbf, semc0, semc1):
        semc = (semc0, semc1)
        wid = lax.axis_index("s") * NC + lax.axis_index("c")
        base_slot = wid * slots_w

        pltpu.sync_copy(nodes_hbm.at[pl.ds(base_slot, slots_w)], nodes_v)
        pltpu.async_copy(ni_hbm.at[nodes_v], nbd2.at[0], semc[0]).wait()

        iota = lax.iota(jnp.int32, L)
        zero16 = jnp.zeros((L,), jnp.int32)

        def div_s(x):
            assert s == 10
            return (x * 6554) >> 16

        def flat1(t, carry):
            k = t * L + iota
            row = div_s(k)
            col = k - row * s
            v = plsc.load_gather(nbd2, [zero16, row, col])
            nb2f[pl.ds(pl.multiple_of(t * L, L), L)] = v
            return carry
        lax.fori_loop(0, lvl1 // L, flat1, 0)

        def fillpad(t, carry):
            r = t * L + iota
            for dc in range(SSP - ss):
                plsc.store_scatter(nbf, [r * SSP + (ss + dc)], zero16)
            return carry
        lax.fori_loop(0, slots_w // L, fillpad, 0)

        def scat_chunk(c, p):
            def scat(t, carry2):
                k = t * L + iota
                j = div_s(k)
                sp = k - j * s
                m = c * slots_w + j
                i = div_s(m)
                s1 = m - i * s
                v = plsc.load_gather(nbd2, [zero16 + p, j, sp])
                plsc.store_scatter(nbf, [i * SSP + s1 * s + sp], v)
                return carry2
            lax.fori_loop(0, lvl1 // L, scat, 0)

        def lvl2(cc, carry):
            cps = []
            for p in range(2):
                c = cc * 2 + p
                idx = nb2f.at[pl.ds(pl.multiple_of(c * slots_w, 8), slots_w)]
                cps.append(
                    pltpu.async_copy(ni_hbm.at[idx], nbd2.at[p], semc[p]))
            for p in range(2):
                cps[p].wait()
                scat_chunk(cc * 2 + p, p)
            return carry
        lax.fori_loop(0, nchunk // 2, lvl2, 0)

        pltpu.sync_copy(nbf, out_hbm.at[wid])

    return idx_kernel(neigh_pad, nodes_flat)


def _sc_main(G, nbf_all, s):
    n, emb = G.shape
    nw, wlen = nbf_all.shape
    slots_w = wlen // SSP
    bw = slots_w // 2
    nb = NW * bw
    nv = emb // L
    ndeep = 4

    @functools.partial(
        pl.kernel,
        out_type=jax.ShapeDtypeStruct((nb, emb), jnp.float32),
        mesh=_sc_mesh(),
        compiler_params=pltpu.CompilerParams(needs_layout_passes=False),
        scratch_types=[
            pltpu.VMEM((slots_w * SSP,), jnp.int32),
            pltpu.VMEM((ndeep, SSP, emb), jnp.float32),
            pltpu.VMEM((bw, emb), jnp.float32),
            pltpu.SemaphoreType.DMA,
            pltpu.SemaphoreType.DMA,
            pltpu.SemaphoreType.DMA,
            pltpu.SemaphoreType.DMA,
        ],
    )
    def main_kernel(g_hbm, nbf_hbm, out_hbm,
                    nbf, grow, out_v, sem0, sem1, sem2, sem3):
        sems = (sem0, sem1, sem2, sem3)
        wid = lax.axis_index("s") * NC + lax.axis_index("c")
        pltpu.sync_copy(nbf_hbm.at[wid], nbf)

        def per_bb(bb, carry):
            cps = []
            for j in range(ndeep):
                slot4 = bb * 4 + j
                idx3 = nbf.at[pl.ds(pl.multiple_of(slot4 * SSP, 8), SSP)]
                cps.append(
                    pltpu.async_copy(g_hbm.at[idx3], grow.at[j], sems[j]))
            for bpair in range(2):
                b = bb * 2 + bpair
                acc = [jnp.zeros((L,), jnp.float32) for _ in range(nv)]
                for e in range(2):
                    j = bpair * 2 + e
                    cps[j].wait()

                    def per_s(si, acc_c):
                        part = [jnp.zeros((L,), jnp.float32)
                                for _ in range(nv)]
                        for t in range(s):
                            r = si * s + t
                            for v in range(nv):
                                part[v] = part[v] + grow[j, r,
                                                         pl.ds(v * L, L)]
                        return [a + jnp.maximum(p, 0.0)
                                for a, p in zip(acc_c, part)]
                    acc = lax.fori_loop(0, s, per_s, acc)
                for v in range(nv):
                    out_v[b, pl.ds(v * L, L)] = acc[v]
            return carry
        lax.fori_loop(0, bw // 2, per_bb, 0)

        pltpu.sync_copy(out_v, out_hbm.at[pl.ds(wid * bw, bw)])

    return main_kernel(G, nbf_all)


def kernel(feat, W1, W2, W_cls, neigh_idx, nodes):
    s = neigh_idx.shape[1]
    ni_pad = _tc_pad_neigh(neigh_idx.astype(jnp.int32), feat.shape[1])
    nbf_all = _sc_indices(ni_pad, nodes.reshape(-1).astype(jnp.int32), s)
    G = _tc_project(feat, W1)
    P = _sc_main(G, nbf_all, s)
    return _tc_head(P, W2, W_cls, 1.0 / (s * s * 2))

# --- scband reference (transcript-rebuilt; emitter-appended) ---
"""Pipeline reference for scband-tdgnn-graph-sage-30099130811051 (READ-ONLY COPY).

The authoritative reference and input builder live on the scoring server;
editing this copy changes nothing except your own understanding.
"""

import jax, jax.numpy as jnp
import numpy as np

N = 50000
D_FEAT = 128
EMBED = 128
S = 10
B = 2048
NUM_CLASSES = 2


def setup_inputs(seed: int = 0) -> dict:
    key = jax.random.key(seed)
    k1, k2, k3, k4, k5, k6 = jax.random.split(key, 6)
    feat = jax.random.normal(k1, (N, D_FEAT), dtype=jnp.float32)
    neigh_idx = jax.random.randint(k2, (N, S), 0, N, dtype=jnp.int64 if jax.config.jax_enable_x64 else jnp.int32)
    nodes = jax.random.randint(k3, (B, 2), 0, N, dtype=jnp.int64 if jax.config.jax_enable_x64 else jnp.int32)
    W1 = jax.random.normal(k4, (EMBED, D_FEAT), dtype=jnp.float32) * (1.0 / np.sqrt(D_FEAT))
    W2 = jax.random.normal(k5, (EMBED, EMBED), dtype=jnp.float32) * (1.0 / np.sqrt(EMBED))
    W_cls = jax.random.normal(k6, (NUM_CLASSES, EMBED), dtype=jnp.float32) * (1.0 / np.sqrt(EMBED))
    return {"feat": feat, "W1": W1, "W2": W2, "W_cls": W_cls, "neigh_idx": neigh_idx, "nodes": nodes}


def reference(feat, W1, W2, W_cls, neigh_idx, nodes):
    # Layer-1 encoder (gcn=True): mean of sampled-neighbor raw features, linear, relu.
    def enc1(node_ids):
        nb = jnp.take(neigh_idx, node_ids, axis=0)          # [..., S]
        nb_feats = jnp.take(feat, nb, axis=0)               # [..., S, D_FEAT]
        agg = jnp.mean(nb_feats, axis=-2)                   # [..., D_FEAT]
        return jax.nn.relu(agg @ W1.T)                      # [..., EMBED]

    # Layer-2 encoder (last=True -> no relu): mean of layer-1 embeddings of neighbors, linear.
    nb2 = jnp.take(neigh_idx, nodes, axis=0)                # [B, 2, S]
    h1 = enc1(nb2)                                          # [B, 2, S, EMBED]
    agg2 = jnp.mean(h1, axis=2)                             # [B, 2, EMBED]
    h2 = agg2 @ W2.T                                        # [B, 2, EMBED]

    # pool_embeds with edge_agg_name='mean': average the two endpoint embeddings.
    pooled = (h2[:, 0, :] + h2[:, 1, :]) / 2.0              # [B, EMBED]

    # scores = weight.mm(embeds).t()  -> [B, num_classes]
    scores = pooled @ W_cls.T
    return scores

if __name__ == "__main__":
    import jax
    _d = setup_inputs()
    print(jax.jit(kernel)(*tuple(_d.values())))

</pallas_src>

<mosaic_0001>
#map = affine_map<(d0, d1) -> (0, 0)>
module attributes {stable_mosaic.version = 14 : i64} {
  func.func @main_kernel(%arg0: i32, %arg1: i32, %arg2: memref<50000x128xf32, #tpu.memory_space<hbm>>, %arg3: memref<32x13312xi32, #tpu.memory_space<hbm>>, %arg4: memref<2048x128xf32, #tpu.memory_space<hbm>>, %arg5: memref<13312xi32, #tpu.memory_space<vmem>>, %arg6: memref<4x104x128xf32, #tpu.memory_space<vmem>>, %arg7: memref<64x128xf32, #tpu.memory_space<vmem>>, %arg8: memref<!tpu.dma_semaphore, #tpu.memory_space<semaphore_mem>>, %arg9: memref<!tpu.dma_semaphore, #tpu.memory_space<semaphore_mem>>, %arg10: memref<!tpu.dma_semaphore, #tpu.memory_space<semaphore_mem>>, %arg11: memref<!tpu.dma_semaphore, #tpu.memory_space<semaphore_mem>>) attributes {dimension_semantics = [#tpu.dimension_semantics<core_parallel>, #tpu.dimension_semantics<subcore_parallel>], iteration_bounds = array<i64: 2, 16>, scalar_prefetch = 0 : i64, scratch_operands = 7 : i64, tpu.core_type = #tpu.core_type<sc_vector_subcore>, window_params = [{transform_indices = #map}, {transform_indices = #map}, {transform_indices = #map}]} {
    %mul3A = arith.constant 2 : i32
    %mul3A_0 = arith.muli %arg1, %mul3A : i32
    %add3A = arith.addi %mul3A_0, %arg0 : i32
    "tpu.region"() ({
      %run_scoped3A = tpu.sem_alloc : memref<!tpu.dma_semaphore, #tpu.memory_space<semaphore_mem>>
      %dma_start3A = arith.constant 0 : i32
      %dma_start3A_8 = tpu.memref_slice %arg3[%add3A, %dma_start3A] : memref<32x13312xi32, #tpu.memory_space<hbm>> -> memref<1x13312xi32, #tpu.memory_space<hbm>>
      %dma_start3A_9 = tpu.memref_squeeze %dma_start3A_8 : memref<1x13312xi32, #tpu.memory_space<hbm>> -> memref<13312xi32, #tpu.memory_space<hbm>>
      %dma_start3A_10 = arith.constant 0 : i32
      %dma_start3A_11 = tpu.memref_slice %arg3[%add3A, %dma_start3A_10] : memref<32x13312xi32, #tpu.memory_space<hbm>> -> memref<1x13312xi32, #tpu.memory_space<hbm>>
      %dma_start3A_12 = tpu.memref_squeeze %dma_start3A_11 : memref<1x13312xi32, #tpu.memory_space<hbm>> -> memref<13312xi32, #tpu.memory_space<hbm>>
      tpu.enqueue_dma source(%dma_start3A_12 : memref<13312xi32, #tpu.memory_space<hbm>>) target(%arg5 : memref<13312xi32, #tpu.memory_space<vmem>>) target_semaphore(%run_scoped3A : memref<!tpu.dma_semaphore, #tpu.memory_space<semaphore_mem>>)
      %dma_wait3A = arith.constant 0 : i32
      %dma_wait3A_13 = tpu.memref_slice %arg3[%add3A, %dma_wait3A] : memref<32x13312xi32, #tpu.memory_space<hbm>> -> memref<1x13312xi32, #tpu.memory_space<hbm>>
      %dma_wait3A_14 = tpu.memref_squeeze %dma_wait3A_13 : memref<1x13312xi32, #tpu.memory_space<hbm>> -> memref<13312xi32, #tpu.memory_space<hbm>>
      %dma_wait3A_15 = arith.constant 0 : i32
      %dma_wait3A_16 = tpu.memref_slice %arg3[%add3A, %dma_wait3A_15] : memref<32x13312xi32, #tpu.memory_space<hbm>> -> memref<1x13312xi32, #tpu.memory_space<hbm>>
      %dma_wait3A_17 = tpu.memref_squeeze %dma_wait3A_16 : memref<1x13312xi32, #tpu.memory_space<hbm>> -> memref<13312xi32, #tpu.memory_space<hbm>>
      tpu.wait_dma2 semaphore(%run_scoped3A : memref<!tpu.dma_semaphore, #tpu.memory_space<semaphore_mem>>) src(%dma_wait3A_17 : memref<13312xi32, #tpu.memory_space<hbm>>) dst(%arg5 : memref<13312xi32, #tpu.memory_space<vmem>>)
      tpu.yield
    }) : () -> ()
    %scan3A = arith.constant 0 : i32
    %scan3A_1 = arith.constant 0 : i32
    %scan3A_2 = arith.constant 32 : i32
    %scan3A_3 = arith.addi %scan3A_1, %scan3A_2 : i32
    %scan3A_4 = arith.constant 1 : i32
    scf.for %scan3A_8 = %scan3A_1 to %scan3A_3 step %scan3A_4  : i32 {
      %mul3A_9 = arith.constant 4 : i32
      %mul3A_10 = arith.muli %scan3A_8, %mul3A_9 : i32
      %add3A_11 = arith.constant 0 : i32
      %add3A_12 = arith.addi %mul3A_10, %add3A_11 : i32
      %mul3A_13 = arith.constant 104 : i32
      %mul3A_14 = arith.muli %add3A_12, %mul3A_13 : i32
      %multiple_of3A = tpu.assume_multiple %mul3A_14, 8 : i32
      %dma_start3A = arith.constant 0 : i32
      %dma_start3A_15 = arith.constant 0 : i32
      %dma_start3A_16 = arith.constant 0 : i32
      %dma_start3A_17 = tpu.memref_slice %arg6[%dma_start3A, %dma_start3A_15, %dma_start3A_16] : memref<4x104x128xf32, #tpu.memory_space<vmem>> -> memref<1x104x128xf32, #tpu.memory_space<vmem>>
      %dma_start3A_18 = tpu.memref_squeeze %dma_start3A_17 : memref<1x104x128xf32, #tpu.memory_space<vmem>> -> memref<104x128xf32, #tpu.memory_space<vmem>>
      %dma_start3A_19 = tpu.memref_slice %arg5[%multiple_of3A] : memref<13312xi32, #tpu.memory_space<vmem>> -> memref<104xi32, #tpu.memory_space<vmem>>
      %dma_start3A_20 = arith.constant 0 : i32
      %dma_start3A_21 = arith.constant 0 : i32
      %dma_start3A_22 = tpu.memref_slice %arg2[%dma_start3A_20, %dma_start3A_21] : memref<50000x128xf32, #tpu.memory_space<hbm>> -> memref<50000x128xf32, #tpu.memory_space<hbm>>
      tpu.enqueue_indirect_dma source(%dma_start3A_22 : memref<50000x128xf32, #tpu.memory_space<hbm>>) target(%dma_start3A_18 : memref<104x128xf32, #tpu.memory_space<vmem>>) offsets(%dma_start3A_19 : memref<104xi32, #tpu.memory_space<vmem>>) semaphore(%arg8 : memref<!tpu.dma_semaphore, #tpu.memory_space<semaphore_mem>>)
      %mul3A_23 = arith.constant 4 : i32
      %mul3A_24 = arith.muli %scan3A_8, %mul3A_23 : i32
      %add3A_25 = arith.constant 1 : i32
      %add3A_26 = arith.addi %mul3A_24, %add3A_25 : i32
      %mul3A_27 = arith.constant 104 : i32
      %mul3A_28 = arith.muli %add3A_26, %mul3A_27 : i32
      %multiple_of3A_29 = tpu.assume_multiple %mul3A_28, 8 : i32
      %dma_start3A_30 = arith.constant 1 : i32
      %dma_start3A_31 = arith.constant 0 : i32
      %dma_start3A_32 = arith.constant 0 : i32
      %dma_start3A_33 = tpu.memref_slice %arg6[%dma_start3A_30, %dma_start3A_31, %dma_start3A_32] : memref<4x104x128xf32, #tpu.memory_space<vmem>> -> memref<1x104x128xf32, #tpu.memory_space<vmem>>
      %dma_start3A_34 = tpu.memref_squeeze %dma_start3A_33 : memref<1x104x128xf32, #tpu.memory_space<vmem>> -> memref<104x128xf32, #tpu.memory_space<vmem>>
      %dma_start3A_35 = tpu.memref_slice %arg5[%multiple_of3A_29] : memref<13312xi32, #tpu.memory_space<vmem>> -> memref<104xi32, #tpu.memory_space<vmem>>
      %dma_start3A_36 = arith.constant 0 : i32
      %dma_start3A_37 = arith.constant 0 : i32
      %dma_start3A_38 = tpu.memref_slice %arg2[%dma_start3A_36, %dma_start3A_37] : memref<50000x128xf32, #tpu.memory_space<hbm>> -> memref<50000x128xf32, #tpu.memory_space<hbm>>
      tpu.enqueue_indirect_dma source(%dma_start3A_38 : memref<50000x128xf32, #tpu.memory_space<hbm>>) target(%dma_start3A_34 : memref<104x128xf32, #tpu.memory_space<vmem>>) offsets(%dma_start3A_35 : memref<104xi32, #tpu.memory_space<vmem>>) semaphore(%arg9 : memref<!tpu.dma_semaphore, #tpu.memory_space<semaphore_mem>>)
      %mul3A_39 = arith.constant 4 : i32
      %mul3A_40 = arith.muli %scan3A_8, %mul3A_39 : i32
      %add3A_41 = arith.constant 2 : i32
      %add3A_42 = arith.addi %mul3A_40, %add3A_41 : i32
      %mul3A_43 = arith.constant 104 : i32
      %mul3A_44 = arith.muli %add3A_42, %mul3A_43 : i32
      %multiple_of3A_45 = tpu.assume_multiple %mul3A_44, 8 : i32
      %dma_start3A_46 = arith.constant 2 : i32
      %dma_start3A_47 = arith.constant 0 : i32
      %dma_start3A_48 = arith.constant 0 : i32
      %dma_start3A_49 = tpu.memref_slice %arg6[%dma_start3A_46, %dma_start3A_47, %dma_start3A_48] : memref<4x104x128xf32, #tpu.memory_space<vmem>> -> memref<1x104x128xf32, #tpu.memory_space<vmem>>
      %dma_start3A_50 = tpu.memref_squeeze %dma_start3A_49 : memref<1x104x128xf32, #tpu.memory_space<vmem>> -> memref<104x128xf32, #tpu.memory_space<vmem>>
      %dma_start3A_51 = tpu.memref_slice %arg5[%multiple_of3A_45] : memref<13312xi32, #tpu.memory_space<vmem>> -> memref<104xi32, #tpu.memory_space<vmem>>
      %dma_start3A_52 = arith.constant 0 : i32
      %dma_start3A_53 = arith.constant 0 : i32
      %dma_start3A_54 = tpu.memref_slice %arg2[%dma_start3A_52, %dma_start3A_53] : memref<50000x128xf32, #tpu.memory_space<hbm>> -> memref<50000x128xf32, #tpu.memory_space<hbm>>
      tpu.enqueue_indirect_dma source(%dma_start3A_54 : memref<50000x128xf32, #tpu.memory_space<hbm>>) target(%dma_start3A_50 : memref<104x128xf32, #tpu.memory_space<vmem>>) offsets(%dma_start3A_51 : memref<104xi32, #tpu.memory_space<vmem>>) semaphore(%arg10 : memref<!tpu.dma_semaphore, #tpu.memory_space<semaphore_mem>>)
      %mul3A_55 = arith.constant 4 : i32
      %mul3A_56 = arith.muli %scan3A_8, %mul3A_55 : i32
      %add3A_57 = arith.constant 3 : i32
      %add3A_58 = arith.addi %mul3A_56, %add3A_57 : i32
      %mul3A_59 = arith.constant 104 : i32
      %mul3A_60 = arith.muli %add3A_58, %mul3A_59 : i32
      %multiple_of3A_61 = tpu.assume_multiple %mul3A_60, 8 : i32
      %dma_start3A_62 = arith.constant 3 : i32
      %dma_start3A_63 = arith.constant 0 : i32
      %dma_start3A_64 = arith.constant 0 : i32
      %dma_start3A_65 = tpu.memref_slice %arg6[%dma_start3A_62, %dma_start3A_63, %dma_start3A_64] : memref<4x104x128xf32, #tpu.memory_space<vmem>> -> memref<1x104x128xf32, #tpu.memory_space<vmem>>
      %dma_start3A_66 = tpu.memref_squeeze %dma_start3A_65 : memref<1x104x128xf32, #tpu.memory_space<vmem>> -> memref<104x128xf32, #tpu.memory_space<vmem>>
      %dma_start3A_67 = tpu.memref_slice %arg5[%multiple_of3A_61] : memref<13312xi32, #tpu.memory_space<vmem>> -> memref<104xi32, #tpu.memory_space<vmem>>
      %dma_start3A_68 = arith.constant 0 : i32
      %dma_start3A_69 = arith.constant 0 : i32
      %dma_start3A_70 = tpu.memref_slice %arg2[%dma_start3A_68, %dma_start3A_69] : memref<50000x128xf32, #tpu.memory_space<hbm>> -> memref<50000x128xf32, #tpu.memory_space<hbm>>
      tpu.enqueue_indirect_dma source(%dma_start3A_70 : memref<50000x128xf32, #tpu.memory_space<hbm>>) target(%dma_start3A_66 : memref<104x128xf32, #tpu.memory_space<vmem>>) offsets(%dma_start3A_67 : memref<104xi32, #tpu.memory_space<vmem>>) semaphore(%arg11 : memref<!tpu.dma_semaphore, #tpu.memory_space<semaphore_mem>>)
      %mul3A_71 = arith.constant 2 : i32
      %mul3A_72 = arith.muli %scan3A_8, %mul3A_71 : i32
      %add3A_73 = arith.constant 0 : i32
      %add3A_74 = arith.addi %mul3A_72, %add3A_73 : i32
      %broadcast_in_dim3A = arith.constant 0.000000e+00 : f32
      %broadcast_in_dim3A_75 = vector.broadcast %broadcast_in_dim3A : f32 to vector<16xf32>
      %broadcast_in_dim3A_76 = arith.constant 0.000000e+00 : f32
      %broadcast_in_dim3A_77 = vector.broadcast %broadcast_in_dim3A_76 : f32 to vector<16xf32>
      %broadcast_in_dim3A_78 = arith.constant 0.000000e+00 : f32
      %broadcast_in_dim3A_79 = vector.broadcast %broadcast_in_dim3A_78 : f32 to vector<16xf32>
      %broadcast_in_dim3A_80 = arith.constant 0.000000e+00 : f32
      %broadcast_in_dim3A_81 = vector.broadcast %broadcast_in_dim3A_80 : f32 to vector<16xf32>
      %broadcast_in_dim3A_82 = arith.constant 0.000000e+00 : f32
      %broadcast_in_dim3A_83 = vector.broadcast %broadcast_in_dim3A_82 : f32 to vector<16xf32>
      %broadcast_in_dim3A_84 = arith.constant 0.000000e+00 : f32
      %broadcast_in_dim3A_85 = vector.broadcast %broadcast_in_dim3A_84 : f32 to vector<16xf32>
      %broadcast_in_dim3A_86 = arith.constant 0.000000e+00 : f32
      %broadcast_in_dim3A_87 = vector.broadcast %broadcast_in_dim3A_86 : f32 to vector<16xf32>
      %broadcast_in_dim3A_88 = arith.constant 0.000000e+00 : f32
      %broadcast_in_dim3A_89 = vector.broadcast %broadcast_in_dim3A_88 : f32 to vector<16xf32>
      %dma_wait3A = arith.constant 0 : i32
      %dma_wait3A_90 = arith.constant 0 : i32
      %dma_wait3A_91 = arith.constant 0 : i32
      %dma_wait3A_92 = tpu.memref_slice %arg6[%dma_wait3A, %dma_wait3A_90, %dma_wait3A_91] : memref<4x104x128xf32, #tpu.memory_space<vmem>> -> memref<1x104x128xf32, #tpu.memory_space<vmem>>
      %dma_wait3A_93 = tpu.memref_squeeze %dma_wait3A_92 : memref<1x104x128xf32, #tpu.memory_space<vmem>> -> memref<104x128xf32, #tpu.memory_space<vmem>>
      %dma_wait3A_94 = tpu.memref_slice %arg5[%multiple_of3A] : memref<13312xi32, #tpu.memory_space<vmem>> -> memref<104xi32, #tpu.memory_space<vmem>>
      %dma_wait3A_95 = arith.constant 0 : i32
      %dma_wait3A_96 = arith.constant 0 : i32
      %dma_wait3A_97 = tpu.memref_slice %arg2[%dma_wait3A_95, %dma_wait3A_96] : memref<50000x128xf32, #tpu.memory_space<hbm>> -> memref<50000x128xf32, #tpu.memory_space<hbm>>
      tpu.wait_indirect_dma semaphore(%arg8 : memref<!tpu.dma_semaphore, #tpu.memory_space<semaphore_mem>>) src(%dma_wait3A_97 : memref<50000x128xf32, #tpu.memory_space<hbm>>) dst(%dma_wait3A_93 : memref<104x128xf32, #tpu.memory_space<vmem>>)
      %scan3A_98 = arith.constant 0 : i32
      %scan3A_99 = arith.constant 10 : i32
      %scan3A_100 = arith.addi %scan3A_98, %scan3A_99 : i32
      %scan3A_101 = arith.constant 1 : i32
      %scan3A_102:8 = scf.for %scan3A_216 = %scan3A_98 to %scan3A_100 step %scan3A_101 iter_args(%scan3A_217 = %broadcast_in_dim3A_75, %scan3A_218 = %broadcast_in_dim3A_77, %scan3A_219 = %broadcast_in_dim3A_79, %scan3A_220 = %broadcast_in_dim3A_81, %scan3A_221 = %broadcast_in_dim3A_83, %scan3A_222 = %broadcast_in_dim3A_85, %scan3A_223 = %broadcast_in_dim3A_87, %scan3A_224 = %broadcast_in_dim3A_89) -> (vector<16xf32>, vector<16xf32>, vector<16xf32>, vector<16xf32>, vector<16xf32>, vector<16xf32>, vector<16xf32>, vector<16xf32>)  : i32 {
        %broadcast_in_dim3A_225 = arith.constant 0.000000e+00 : f32
        %broadcast_in_dim3A_226 = vector.broadcast %broadcast_in_dim3A_225 : f32 to vector<16xf32>
        %broadcast_in_dim3A_227 = arith.constant 0.000000e+00 : f32
        %broadcast_in_dim3A_228 = vector.broadcast %broadcast_in_dim3A_227 : f32 to vector<16xf32>
        %broadcast_in_dim3A_229 = arith.constant 0.000000e+00 : f32
        %broadcast_in_dim3A_230 = vector.broadcast %broadcast_in_dim3A_229 : f32 to vector<16xf32>
        %broadcast_in_dim3A_231 = arith.constant 0.000000e+00 : f32
        %broadcast_in_dim3A_232 = vector.broadcast %broadcast_in_dim3A_231 : f32 to vector<16xf32>
        %broadcast_in_dim3A_233 = arith.constant 0.000000e+00 : f32
        %broadcast_in_dim3A_234 = vector.broadcast %broadcast_in_dim3A_233 : f32 to vector<16xf32>
        %broadcast_in_dim3A_235 = arith.constant 0.000000e+00 : f32
        %broadcast_in_dim3A_236 = vector.broadcast %broadcast_in_dim3A_235 : f32 to vector<16xf32>
        %broadcast_in_dim3A_237 = arith.constant 0.000000e+00 : f32
        %broadcast_in_dim3A_238 = vector.broadcast %broadcast_in_dim3A_237 : f32 to vector<16xf32>
        %broadcast_in_dim3A_239 = arith.constant 0.000000e+00 : f32
        %broadcast_in_dim3A_240 = vector.broadcast %broadcast_in_dim3A_239 : f32 to vector<16xf32>
        %mul3A_241 = arith.constant 10 : i32
        %mul3A_242 = arith.muli %scan3A_216, %mul3A_241 : i32
        %add3A_243 = arith.constant 0 : i32
        %add3A_244 = arith.addi %mul3A_242, %add3A_243 : i32
        %get3A = arith.constant 0 : i32
        %get3A_245 = arith.index_cast %get3A : i32 to index
        %get3A_246 = arith.index_cast %add3A_244 : i32 to index
        %get3A_247 = arith.constant 0 : index
        %get3A_248 = tpu.vector_load %arg6[%get3A_245, %get3A_246, %get3A_247] {strides = array<i32>} : memref<4x104x128xf32, #tpu.memory_space<vmem>>, vector<16xf32>,
        %add3A_249 = arith.addf %broadcast_in_dim3A_226, %get3A_248 : vector<16xf32>
        %get3A_250 = arith.constant 0 : i32
        %get3A_251 = arith.index_cast %get3A_250 : i32 to index
        %get3A_252 = arith.index_cast %add3A_244 : i32 to index
        %get3A_253 = arith.constant 16 : index
        %get3A_254 = tpu.vector_load %arg6[%get3A_251, %get3A_252, %get3A_253] {strides = array<i32>} : memref<4x104x128xf32, #tpu.memory_space<vmem>>, vector<16xf32>,
        %add3A_255 = arith.addf %broadcast_in_dim3A_228, %get3A_254 : vector<16xf32>
        %get3A_256 = arith.constant 0 : i32
        %get3A_257 = arith.index_cast %get3A_256 : i32 to index
        %get3A_258 = arith.index_cast %add3A_244 : i32 to index
        %get3A_259 = arith.constant 32 : index
        %get3A_260 = tpu.vector_load %arg6[%get3A_257, %get3A_258, %get3A_259] {strides = array<i32>} : memref<4x104x128xf32, #tpu.memory_space<vmem>>, vector<16xf32>,
        %add3A_261 = arith.addf %broadcast_in_dim3A_230, %get3A_260 : vector<16xf32>
        %get3A_262 = arith.constant 0 : i32
        %get3A_263 = arith.index_cast %get3A_262 : i32 to index
        %get3A_264 = arith.index_cast %add3A_244 : i32 to index
        %get3A_265 = arith.constant 48 : index
        %get3A_266 = tpu.vector_load %arg6[%get3A_263, %get3A_264, %get3A_265] {strides = array<i32>} : memref<4x104x128xf32, #tpu.memory_space<vmem>>, vector<16xf32>,
        %add3A_267 = arith.addf %broadcast_in_dim3A_232, %get3A_266 : vector<16xf32>
        %get3A_268 = arith.constant 0 : i32
        %get3A_269 = arith.index_cast %get3A_268 : i32 to index
        %get3A_270 = arith.index_cast %add3A_244 : i32 to index
        %get3A_271 = arith.constant 64 : index
        %get3A_272 = tpu.vector_load %arg6[%get3A_269, %get3A_270, %get3A_271] {strides = array<i32>} : memref<4x104x128xf32, #tpu.memory_space<vmem>>, vector<16xf32>,
        %add3A_273 = arith.addf %broadcast_in_dim3A_234, %get3A_272 : vector<16xf32>
        %get3A_274 = arith.constant 0 : i32
        %get3A_275 = arith.index_cast %get3A_274 : i32 to index
        %get3A_276 = arith.index_cast %add3A_244 : i32 to index
        %get3A_277 = arith.constant 80 : index
        %get3A_278 = tpu.vector_load %arg6[%get3A_275, %get3A_276, %get3A_277] {strides = array<i32>} : memref<4x104x128xf32, #tpu.memory_space<vmem>>, vector<16xf32>,
        %add3A_279 = arith.addf %broadcast_in_dim3A_236, %get3A_278 : vector<16xf32>
        %get3A_280 = arith.constant 0 : i32
        %get3A_281 = arith.index_cast %get3A_280 : i32 to index
        %get3A_282 = arith.index_cast %add3A_244 : i32 to index
        %get3A_283 = arith.constant 96 : index
        %get3A_284 = tpu.vector_load %arg6[%get3A_281, %get3A_282, %get3A_283] {strides = array<i32>} : memref<4x104x128xf32, #tpu.memory_space<vmem>>, vector<16xf32>,
        %add3A_285 = arith.addf %broadcast_in_dim3A_238, %get3A_284 : vector<16xf32>
        %get3A_286 = arith.constant 0 : i32
        %get3A_287 = arith.index_cast %get3A_286 : i32 to index
        %get3A_288 = arith.index_cast %add3A_244 : i32 to index
        %get3A_289 = arith.constant 112 : index
        %get3A_290 = tpu.vector_load %arg6[%get3A_287, %get3A_288, %get3A_289] {strides = array<i32>} : memref<4x104x128xf32, #tpu.memory_space<vmem>>, vector<16xf32>,
        %add3A_291 = arith.addf %broadcast_in_dim3A_240, %get3A_290 : vector<16xf32>
        %mul3A_292 = arith.constant 10 : i32
        %mul3A_293 = arith.muli %scan3A_216, %mul3A_292 : i32
        %add3A_294 = arith.constant 1 : i32
        %add3A_295 = arith.addi %mul3A_293, %add3A_294 : i32
        %get3A_296 = arith.constant 0 : i32
        %get3A_297 = arith.index_cast %get3A_296 : i32 to index
        %get3A_298 = arith.index_cast %add3A_295 : i32 to index
        %get3A_299 = arith.constant 0 : index
        %get3A_300 = tpu.vector_load %arg6[%get3A_297, %get3A_298, %get3A_299] {strides = array<i32>} : memref<4x104x128xf32, #tpu.memory_space<vmem>>, vector<16xf32>,
        %add3A_301 = arith.addf %add3A_249, %get3A_300 : vector<16xf32>
        %get3A_302 = arith.constant 0 : i32
        %get3A_303 = arith.index_cast %get3A_302 : i32 to index
        %get3A_304 = arith.index_cast %add3A_295 : i32 to index
        %get3A_305 = arith.constant 16 : index
        %get3A_306 = tpu.vector_load %arg6[%get3A_303, %get3A_304, %get3A_305] {strides = array<i32>} : memref<4x104x128xf32, #tpu.memory_space<vmem>>, vector<16xf32>,
        %add3A_307 = arith.addf %add3A_255, %get3A_306 : vector<16xf32>
        %get3A_308 = arith.constant 0 : i32
        %get3A_309 = arith.index_cast %get3A_308 : i32 to index
        %get3A_310 = arith.index_cast %add3A_295 : i32 to index
        %get3A_311 = arith.constant 32 : index
        %get3A_312 = tpu.vector_load %arg6[%get3A_309, %get3A_310, %get3A_311] {strides = array<i32>} : memref<4x104x128xf32, #tpu.memory_space<vmem>>, vector<16xf32>,
        %add3A_313 = arith.addf %add3A_261, %get3A_312 : vector<16xf32>
        %get3A_314 = arith.constant 0 : i32
        %get3A_315 = arith.index_cast %get3A_314 : i32 to index
        %get3A_316 = arith.index_cast %add3A_295 : i32 to index
        %get3A_317 = arith.constant 48 : index
        %get3A_318 = tpu.vector_load %arg6[%get3A_315, %get3A_316, %get3A_317] {strides = array<i32>} : memref<4x104x128xf32, #tpu.memory_space<vmem>>, vector<16xf32>,
        %add3A_319 = arith.addf %add3A_267, %get3A_318 : vector<16xf32>
        %get3A_320 = arith.constant 0 : i32
        %get3A_321 = arith.index_cast %get3A_320 : i32 to index
        %get3A_322 = arith.index_cast %add3A_295 : i32 to index
        %get3A_323 = arith.constant 64 : index
        %get3A_324 = tpu.vector_load %arg6[%get3A_321, %get3A_322, %get3A_323] {strides = array<i32>} : memref<4x104x128xf32, #tpu.memory_space<vmem>>, vector<16xf32>,
        %add3A_325 = arith.addf %add3A_273, %get3A_324 : vector<16xf32>
        %get3A_326 = arith.constant 0 : i32
        %get3A_327 = arith.index_cast %get3A_326 : i32 to index
        %get3A_328 = arith.index_cast %add3A_295 : i32 to index
        %get3A_329 = arith.constant 80 : index
        %get3A_330 = tpu.vector_load %arg6[%get3A_327, %get3A_328, %get3A_329] {strides = array<i32>} : memref<4x104x128xf32, #tpu.memory_space<vmem>>, vector<16xf32>,
        %add3A_331 = arith.addf %add3A_279, %get3A_330 : vector<16xf32>
        %get3A_332 = arith.constant 0 : i32
        %get3A_333 = arith.index_cast %get3A_332 : i32 to index
        %get3A_334 = arith.index_cast %add3A_295 : i32 to index
        %get3A_335 = arith.constant 96 : index
        %get3A_336 = tpu.vector_load %arg6[%get3A_333, %get3A_334, %get3A_335] {strides = array<i32>} : memref<4x104x128xf32, #tpu.memory_space<vmem>>, vector<16xf32>,
        %add3A_337 = arith.addf %add3A_285, %get3A_336 : vector<16xf32>
        %get3A_338 = arith.constant 0 : i32
        %get3A_339 = arith.index_cast %get3A_338 : i32 to index
        %get3A_340 = arith.index_cast %add3A_295 : i32 to index
        %get3A_341 = arith.constant 112 : index
        %get3A_342 = tpu.vector_load %arg6[%get3A_339, %get3A_340, %get3A_341] {strides = array<i32>} : memref<4x104x128xf32, #tpu.memory_space<vmem>>, vector<16xf32>,
        %add3A_343 = arith.addf %add3A_291, %get3A_342 : vector<16xf32>
        %mul3A_344 = arith.constant 10 : i32
        %mul3A_345 = arith.muli %scan3A_216, %mul3A_344 : i32
        %add3A_346 = arith.constant 2 : i32
        %add3A_347 = arith.addi %mul3A_345, %add3A_346 : i32
        %get3A_348 = arith.constant 0 : i32
        %get3A_349 = arith.index_cast %get3A_348 : i32 to index
        %get3A_350 = arith.index_cast %add3A_347 : i32 to index
        %get3A_351 = arith.constant 0 : index
        %get3A_352 = tpu.vector_load %arg6[%get3A_349, %get3A_350, %get3A_351] {strides = array<i32>} : memref<4x104x128xf32, #tpu.memory_space<vmem>>, vector<16xf32>,
        %add3A_353 = arith.addf %add3A_301, %get3A_352 : vector<16xf32>
        %get3A_354 = arith.constant 0 : i32
        %get3A_355 = arith.index_cast %get3A_354 : i32 to index
        %get3A_356 = arith.index_cast %add3A_347 : i32 to index
        %get3A_357 = arith.constant 16 : index
        %get3A_358 = tpu.vector_load %arg6[%get3A_355, %get3A_356, %get3A_357] {strides = array<i32>} : memref<4x104x128xf32, #tpu.memory_space<vmem>>, vector<16xf32>,
        %add3A_359 = arith.addf %add3A_307, %get3A_358 : vector<16xf32>
        %get3A_360 = arith.constant 0 : i32
        %get3A_361 = arith.index_cast %get3A_360 : i32 to index
        %get3A_362 = arith.index_cast %add3A_347 : i32 to index
        %get3A_363 = arith.constant 32 : index
        %get3A_364 = tpu.vector_load %arg6[%get3A_361, %get3A_362, %get3A_363] {strides = array<i32>} : memref<4x104x128xf32, #tpu.memory_space<vmem>>, vector<16xf32>,
        %add3A_365 = arith.addf %add3A_313, %get3A_364 : vector<16xf32>
        %get3A_366 = arith.constant 0 : i32
        %get3A_367 = arith.index_cast %get3A_366 : i32 to index
        %get3A_368 = arith.index_cast %add3A_347 : i32 to index
        %get3A_369 = arith.constant 48 : index
        %get3A_370 = tpu.vector_load %arg6[%get3A_367, %get3A_368, %get3A_369] {strides = array<i32>} : memref<4x104x128xf32, #tpu.memory_space<vmem>>, vector<16xf32>,
        %add3A_371 = arith.addf %add3A_319, %get3A_370 : vector<16xf32>
        %get3A_372 = arith.constant 0 : i32
        %get3A_373 = arith.index_cast %get3A_372 : i32 to index
        %get3A_374 = arith.index_cast %add3A_347 : i32 to index
        %get3A_375 = arith.constant 64 : index
        %get3A_376 = tpu.vector_load %arg6[%get3A_373, %get3A_374, %get3A_375] {strides = array<i32>} : memref<4x104x128xf32, #tpu.memory_space<vmem>>, vector<16xf32>,
        %add3A_377 = arith.addf %add3A_325, %get3A_376 : vector<16xf32>
        %get3A_378 = arith.constant 0 : i32
        %get3A_379 = arith.index_cast %get3A_378 : i32 to index
        %get3A_380 = arith.index_cast %add3A_347 : i32 to index
        %get3A_381 = arith.constant 80 : index
        %get3A_382 = tpu.vector_load %arg6[%get3A_379, %get3A_380, %get3A_381] {strides = array<i32>} : memref<4x104x128xf32, #tpu.memory_space<vmem>>, vector<16xf32>,
        %add3A_383 = arith.addf %add3A_331, %get3A_382 : vector<16xf32>
        %get3A_384 = arith.constant 0 : i32
        %get3A_385 = arith.index_cast %get3A_384 : i32 to index
        %get3A_386 = arith.index_cast %add3A_347 : i32 to index
        %get3A_387 = arith.constant 96 : index
        %get3A_388 = tpu.vector_load %arg6[%get3A_385, %get3A_386, %get3A_387] {strides = array<i32>} : memref<4x104x128xf32, #tpu.memory_space<vmem>>, vector<16xf32>,
        %add3A_389 = arith.addf %add3A_337, %get3A_388 : vector<16xf32>
        %get3A_390 = arith.constant 0 : i32
        %get3A_391 = arith.index_cast %get3A_390 : i32 to index
        %get3A_392 = arith.index_cast %add3A_347 : i32 to index
        %get3A_393 = arith.constant 112 : index
        %get3A_394 = tpu.vector_load %arg6[%get3A_391, %get3A_392, %get3A_393] {strides = array<i32>} : memref<4x104x128xf32, #tpu.memory_space<vmem>>, vector<16xf32>,
        %add3A_395 = arith.addf %add3A_343, %get3A_394 : vector<16xf32>
        %mul3A_396 = arith.constant 10 : i32
        %mul3A_397 = arith.muli %scan3A_216, %mul3A_396 : i32
        %add3A_398 = arith.constant 3 : i32
        %add3A_399 = arith.addi %mul3A_397, %add3A_398 : i32
        %get3A_400 = arith.constant 0 : i32
        %get3A_401 = arith.index_cast %get3A_400 : i32 to index
        %get3A_402 = arith.index_cast %add3A_399 : i32 to index
        %get3A_403 = arith.constant 0 : index
        %get3A_404 = tpu.vector_load %arg6[%get3A_401, %get3A_402, %get3A_403] {strides = array<i32>} : memref<4x104x128xf32, #tpu.memory_space<vmem>>, vector<16xf32>,
        %add3A_405 = arith.addf %add3A_353, %get3A_404 : vector<16xf32>
        %get3A_406 = arith.constant 0 : i32
        %get3A_407 = arith.index_cast %get3A_406 : i32 to index
        %get3A_408 = arith.index_cast %add3A_399 : i32 to index
        %get3A_409 = arith.constant 16 : index
        %get3A_410 = tpu.vector_load %arg6[%get3A_407, %get3A_408, %get3A_409] {strides = array<i32>} : memref<4x104x128xf32, #tpu.memory_space<vmem>>, vector<16xf32>,
        %add3A_411 = arith.addf %add3A_359, %get3A_410 : vector<16xf32>
        %get3A_412 = arith.constant 0 : i32
        %get3A_413 = arith.index_cast %get3A_412 : i32 to index
        %get3A_414 = arith.index_cast %add3A_399 : i32 to index
        %get3A_415 = arith.constant 32 : index
        %get3A_416 = tpu.vector_load %arg6[%get3A_413, %get3A_414, %get3A_415] {strides = array<i32>} : memref<4x104x128xf32, #tpu.memory_space<vmem>>, vector<16xf32>,
        %add3A_417 = arith.addf %add3A_365, %get3A_416 : vector<16xf32>
        %get3A_418 = arith.constant 0 : i32
        %get3A_419 = arith.index_cast %get3A_418 : i32 to index
        %get3A_420 = arith.index_cast %add3A_399 : i32 to index
        %get3A_421 = arith.constant 48 : index
        %get3A_422 = tpu.vector_load %arg6[%get3A_419, %get3A_420, %get3A_421] {strides = array<i32>} : memref<4x104x128xf32, #tpu.memory_space<vmem>>, vector<16xf32>,
        %add3A_423 = arith.addf %add3A_371, %get3A_422 : vector<16xf32>
        %get3A_424 = arith.constant 0 : i32
        %get3A_425 = arith.index_cast %get3A_424 : i32 to index
        %get3A_426 = arith.index_cast %add3A_399 : i32 to index
        %get3A_427 = arith.constant 64 : index
        %get3A_428 = tpu.vector_load %arg6[%get3A_425, %get3A_426, %get3A_427] {strides = array<i32>} : memref<4x104x128xf32, #tpu.memory_space<vmem>>, vector<16xf32>,
        %add3A_429 = arith.addf %add3A_377, %get3A_428 : vector<16xf32>
        %get3A_430 = arith.constant 0 : i32
        %get3A_431 = arith.index_cast %get3A_430 : i32 to index
        %get3A_432 = arith.index_cast %add3A_399 : i32 to index
        %get3A_433 = arith.constant 80 : index
        %get3A_434 = tpu.vector_load %arg6[%get3A_431, %get3A_432, %get3A_433] {strides = array<i32>} : memref<4x104x128xf32, #tpu.memory_space<vmem>>, vector<16xf32>,
        %add3A_435 = arith.addf %add3A_383, %get3A_434 : vector<16xf32>
        %get3A_436 = arith.constant 0 : i32
        %get3A_437 = arith.index_cast %get3A_436 : i32 to index
        %get3A_438 = arith.index_cast %add3A_399 : i32 to index
        %get3A_439 = arith.constant 96 : index
        %get3A_440 = tpu.vector_load %arg6[%get3A_437, %get3A_438, %get3A_439] {strides = array<i32>} : memref<4x104x128xf32, #tpu.memory_space<vmem>>, vector<16xf32>,
        %add3A_441 = arith.addf %add3A_389, %get3A_440 : vector<16xf32>
        %get3A_442 = arith.constant 0 : i32
        %get3A_443 = arith.index_cast %get3A_442 : i32 to index
        %get3A_444 = arith.index_cast %add3A_399 : i32 to index
        %get3A_445 = arith.constant 112 : index
        %get3A_446 = tpu.vector_load %arg6[%get3A_443, %get3A_444, %get3A_445] {strides = array<i32>} : memref<4x104x128xf32, #tpu.memory_space<vmem>>, vector<16xf32>,
        %add3A_447 = arith.addf %add3A_395, %get3A_446 : vector<16xf32>
        %mul3A_448 = arith.constant 10 : i32
        %mul3A_449 = arith.muli %scan3A_216, %mul3A_448 : i32
        %add3A_450 = arith.constant 4 : i32
        %add3A_451 = arith.addi %mul3A_449, %add3A_450 : i32
        %get3A_452 = arith.constant 0 : i32
        %get3A_453 = arith.index_cast %get3A_452 : i32 to index
        %get3A_454 = arith.index_cast %add3A_451 : i32 to index
        %get3A_455 = arith.constant 0 : index
        %get3A_456 = tpu.vector_load %arg6[%get3A_453, %get3A_454, %get3A_455] {strides = array<i32>} : memref<4x104x128xf32, #tpu.memory_space<vmem>>, vector<16xf32>,
        %add3A_457 = arith.addf %add3A_405, %get3A_456 : vector<16xf32>
        %get3A_458 = arith.constant 0 : i32
        %get3A_459 = arith.index_cast %get3A_458 : i32 to index
        %get3A_460 = arith.index_cast %add3A_451 : i32 to index
        %get3A_461 = arith.constant 16 : index
        %get3A_462 = tpu.vector_load %arg6[%get3A_459, %get3A_460, %get3A_461] {strides = array<i32>} : memref<4x104x128xf32, #tpu.memory_space<vmem>>, vector<16xf32>,
        %add3A_463 = arith.addf %add3A_411, %get3A_462 : vector<16xf32>
        %get3A_464 = arith.constant 0 : i32
        %get3A_465 = arith.index_cast %get3A_464 : i32 to index
        %get3A_466 = arith.index_cast %add3A_451 : i32 to index
        %get3A_467 = arith.constant 32 : index
        %get3A_468 = tpu.vector_load %arg6[%get3A_465, %get3A_466, %get3A_467] {strides = array<i32>} : memref<4x104x128xf32, #tpu.memory_space<vmem>>, vector<16xf32>,
        %add3A_469 = arith.addf %add3A_417, %get3A_468 : vector<16xf32>
        %get3A_470 = arith.constant 0 : i32
        %get3A_471 = arith.index_cast %get3A_470 : i32 to index
        %get3A_472 = arith.index_cast %add3A_451 : i32 to index
        %get3A_473 = arith.constant 48 : index
        %get3A_474 = tpu.vector_load %arg6[%get3A_471, %get3A_472, %get3A_473] {strides = array<i32>} : memref<4x104x128xf32, #tpu.memory_space<vmem>>, vector<16xf32>,
        %add3A_475 = arith.addf %add3A_423, %get3A_474 : vector<16xf32>
        %get3A_476 = arith.constant 0 : i32
        %get3A_477 = arith.index_cast %get3A_476 : i32 to index
        %get3A_478 = arith.index_cast %add3A_451 : i32 to index
        %get3A_479 = arith.constant 64 : index
        %get3A_480 = tpu.vector_load %arg6[%get3A_477, %get3A_478, %get3A_479] {strides = array<i32>} : memref<4x104x128xf32, #tpu.memory_space<vmem>>, vector<16xf32>,
        %add3A_481 = arith.addf %add3A_429, %get3A_480 : vector<16xf32>
        %get3A_482 = arith.constant 0 : i32
        %get3A_483 = arith.index_cast %get3A_482 : i32 to index
        %get3A_484 = arith.index_cast %add3A_451 : i32 to index
        %get3A_485 = arith.constant 80 : index
        %get3A_486 = tpu.vector_load %arg6[%get3A_483, %get3A_484, %get3A_485] {strides = array<i32>} : memref<4x104x128xf32, #tpu.memory_space<vmem>>, vector<16xf32>,
        %add3A_487 = arith.addf %add3A_435, %get3A_486 : vector<16xf32>
        %get3A_488 = arith.constant 0 : i32
        %get3A_489 = arith.index_cast %get3A_488 : i32 to index
        %get3A_490 = arith.index_cast %add3A_451 : i32 to index
        %get3A_491 = arith.constant 96 : index
        %get3A_492 = tpu.vector_load %arg6[%get3A_489, %get3A_490, %get3A_491] {strides = array<i32>} : memref<4x104x128xf32, #tpu.memory_space<vmem>>, vector<16xf32>,
        %add3A_493 = arith.addf %add3A_441, %get3A_492 : vector<16xf32>
        %get3A_494 = arith.constant 0 : i32
        %get3A_495 = arith.index_cast %get3A_494 : i32 to index
        %get3A_496 = arith.index_cast %add3A_451 : i32 to index
        %get3A_497 = arith.constant 112 : index
        %get3A_498 = tpu.vector_load %arg6[%get3A_495, %get3A_496, %get3A_497] {strides = array<i32>} : memref<4x104x128xf32, #tpu.memory_space<vmem>>, vector<16xf32>,
        %add3A_499 = arith.addf %add3A_447, %get3A_498 : vector<16xf32>
        %mul3A_500 = arith.constant 10 : i32
        %mul3A_501 = arith.muli %scan3A_216, %mul3A_500 : i32
        %add3A_502 = arith.constant 5 : i32
        %add3A_503 = arith.addi %mul3A_501, %add3A_502 : i32
        %get3A_504 = arith.constant 0 : i32
        %get3A_505 = arith.index_cast %get3A_504 : i32 to index
        %get3A_506 = arith.index_cast %add3A_503 : i32 to index
        %get3A_507 = arith.constant 0 : index
        %get3A_508 = tpu.vector_load %arg6[%get3A_505, %get3A_506, %get3A_507] {strides = array<i32>} : memref<4x104x128xf32, #tpu.memory_space<vmem>>, vector<16xf32>,
        %add3A_509 = arith.addf %add3A_457, %get3A_508 : vector<16xf32>
        %get3A_510 = arith.constant 0 : i32
        %get3A_511 = arith.index_cast %get3A_510 : i32 to index
        %get3A_512 = arith.index_cast %add3A_503 : i32 to index
        %get3A_513 = arith.constant 16 : index
        %get3A_514 = tpu.vector_load %arg6[%get3A_511, %get3A_512, %get3A_513] {strides = array<i32>} : memref<4x104x128xf32, #tpu.memory_space<vmem>>, vector<16xf32>,
        %add3A_515 = arith.addf %add3A_463, %get3A_514 : vector<16xf32>
        %get3A_516 = arith.constant 0 : i32
        %get3A_517 = arith.index_cast %get3A_516 : i32 to index
        %get3A_518 = arith.index_cast %add3A_503 : i32 to index
        %get3A_519 = arith.constant 32 : index
        %get3A_520 = tpu.vector_load %arg6[%get3A_517, %get3A_518, %get3A_519] {strides = array<i32>} : memref<4x104x128xf32, #tpu.memory_space<vmem>>, vector<16xf32>,
        %add3A_521 = arith.addf %add3A_469, %get3A_520 : vector<16xf32>
        %get3A_522 = arith.constant 0 : i32
        %get3A_523 = arith.index_cast %get3A_522 : i32 to index
        %get3A_524 = arith.index_cast %add3A_503 : i32 to index
        %get3A_525 = arith.constant 48 : index
        %get3A_526 = tpu.vector_load %arg6[%get3A_523, %get3A_524, %get3A_525] {strides = array<i32>} : memref<4x104x128xf32, #tpu.memory_space<vmem>>, vector<16xf32>,
        %add3A_527 = arith.addf %add3A_475, %get3A_526 : vector<16xf32>
        %get3A_528 = arith.constant 0 : i32
        %get3A_529 = arith.index_cast %get3A_528 : i32 to index
        %get3A_530 = arith.index_cast %add3A_503 : i32 to index
        %get3A_531 = arith.constant 64 : index
        %get3A_532 = tpu.vector_load %arg6[%get3A_529, %get3A_530, %get3A_531] {strides = array<i32>} : memref<4x104x128xf32, #tpu.memory_space<vmem>>, vector<16xf32>,
        %add3A_533 = arith.addf %add3A_481, %get3A_532 : vector<16xf32>
        %get3A_534 = arith.constant 0 : i32
        %get3A_535 = arith.index_cast %get3A_534 : i32 to index
        %get3A_536 = arith.index_cast %add3A_503 : i32 to index
        %get3A_537 = arith.constant 80 : index
        %get3A_538 = tpu.vector_load %arg6[%get3A_535, %get3A_536, %get3A_537] {strides = array<i32>} : memref<4x104x128xf32, #tpu.memory_space<vmem>>, vector<16xf32>,
        %add3A_539 = arith.addf %add3A_487, %get3A_538 : vector<16xf32>
        %get3A_540 = arith.constant 0 : i32
        %get3A_541 = arith.index_cast %get3A_540 : i32 to index
        %get3A_542 = arith.index_cast %add3A_503 : i32 to index
        %get3A_543 = arith.constant 96 : index
        %get3A_544 = tpu.vector_load %arg6[%get3A_541, %get3A_542, %get3A_543] {strides = array<i32>} : memref<4x104x128xf32, #tpu.memory_space<vmem>>, vector<16xf32>,
        %add3A_545 = arith.addf %add3A_493, %get3A_544 : vector<16xf32>
        %get3A_546 = arith.constant 0 : i32
        %get3A_547 = arith.index_cast %get3A_546 : i32 to index
        %get3A_548 = arith.index_cast %add3A_503 : i32 to index
        %get3A_549 = arith.constant 112 : index
        %get3A_550 = tpu.vector_load %arg6[%get3A_547, %get3A_548, %get3A_549] {strides = array<i32>} : memref<4x104x128xf32, #tpu.memory_space<vmem>>, vector<16xf32>,
        %add3A_551 = arith.addf %add3A_499, %get3A_550 : vector<16xf32>
        %mul3A_552 = arith.constant 10 : i32
        %mul3A_553 = arith.muli %scan3A_216, %mul3A_552 : i32
        %add3A_554 = arith.constant 6 : i32
        %add3A_555 = arith.addi %mul3A_553, %add3A_554 : i32
        %get3A_556 = arith.constant 0 : i32
        %get3A_557 = arith.index_cast %get3A_556 : i32 to index
        %get3A_558 = arith.index_cast %add3A_555 : i32 to index
        %get3A_559 = arith.constant 0 : index
        %get3A_560 = tpu.vector_load %arg6[%get3A_557, %get3A_558, %get3A_559] {strides = array<i32>} : memref<4x104x128xf32, #tpu.memory_space<vmem>>, vector<16xf32>,
        %add3A_561 = arith.addf %add3A_509, %get3A_560 : vector<16xf32>
        %get3A_562 = arith.constant 0 : i32
        %get3A_563 = arith.index_cast %get3A_562 : i32 to index
        %get3A_564 = arith.index_cast %add3A_555 : i32 to index
        %get3A_565 = arith.constant 16 : index
        %get3A_566 = tpu.vector_load %arg6[%get3A_563, %get3A_564, %get3A_565] {strides = array<i32>} : memref<4x104x128xf32, #tpu.memory_space<vmem>>, vector<16xf32>,
        %add3A_567 = arith.addf %add3A_515, %get3A_566 : vector<16xf32>
        %get3A_568 = arith.constant 0 : i32
        %get3A_569 = arith.index_cast %get3A_568 : i32 to index
        %get3A_570 = arith.index_cast %add3A_555 : i32 to index
        %get3A_571 = arith.constant 32 : index
        %get3A_572 = tpu.vector_load %arg6[%get3A_569, %get3A_570, %get3A_571] {strides = array<i32>} : memref<4x104x128xf32, #tpu.memory_space<vmem>>, vector<16xf32>,
        %add3A_573 = arith.addf %add3A_521, %get3A_572 : vector<16xf32>
        %get3A_574 = arith.constant 0 : i32
        %get3A_575 = arith.index_cast %get3A_574 : i32 to index
        %get3A_576 = arith.index_cast %add3A_555 : i32 to index
        %get3A_577 = arith.constant 48 : index
        %get3A_578 = tpu.vector_load %arg6[%get3A_575, %get3A_576, %get3A_577] {strides = array<i32>} : memref<4x104x128xf32, #tpu.memory_space<vmem>>, vector<16xf32>,
        %add3A_579 = arith.addf %add3A_527, %get3A_578 : vector<16xf32>
        %get3A_580 = arith.constant 0 : i32
        %get3A_581 = arith.index_cast %get3A_580 : i32 to index
        %get3A_582 = arith.index_cast %add3A_555 : i32 to index
        %get3A_583 = arith.constant 64 : index
        %get3A_584 = tpu.vector_load %arg6[%get3A_581, %get3A_582, %get3A_583] {strides = array<i32>} : memref<4x104x128xf32, #tpu.memory_space<vmem>>, vector<16xf32>,
        %add3A_585 = arith.addf %add3A_533, %get3A_584 : vector<16xf32>
        %get3A_586 = arith.constant 0 : i32
        %get3A_587 = arith.index_cast %get3A_586 : i32 to index
        %get3A_588 = arith.index_cast %add3A_555 : i32 to index
        %get3A_589 = arith.constant 80 : index
        %get3A_590 = tpu.vector_load %arg6[%get3A_587, %get3A_588, %get3A_589] {strides = array<i32>} : memref<4x104x128xf32, #tpu.memory_space<vmem>>, vector<16xf32>,
        %add3A_591 = arith.addf %add3A_539, %get3A_590 : vector<16xf32>
        %get3A_592 = arith.constant 0 : i32
        %get3A_593 = arith.index_cast %get3A_592 : i32 to index
        %get3A_594 = arith.index_cast %add3A_555 : i32 to index
        %get3A_595 = arith.constant 96 : index
        %get3A_596 = tpu.vector_load %arg6[%get3A_593, %get3A_594, %get3A_595] {strides = array<i32>} : memref<4x104x128xf32, #tpu.memory_space<vmem>>, vector<16xf32>,
        %add3A_597 = arith.addf %add3A_545, %get3A_596 : vector<16xf32>
        %get3A_598 = arith.constant 0 : i32
        %get3A_599 = arith.index_cast %get3A_598 : i32 to index
        %get3A_600 = arith.index_cast %add3A_555 : i32 to index
        %get3A_601 = arith.constant 112 : index
        %get3A_602 = tpu.vector_load %arg6[%get3A_599, %get3A_600, %get3A_601] {strides = array<i32>} : memref<4x104x128xf32, #tpu.memory_space<vmem>>, vector<16xf32>,
        %add3A_603 = arith.addf %add3A_551, %get3A_602 : vector<16xf32>
        %mul3A_604 = arith.constant 10 : i32
        %mul3A_605 = arith.muli %scan3A_216, %mul3A_604 : i32
        %add3A_606 = arith.constant 7 : i32
        %add3A_607 = arith.addi %mul3A_605, %add3A_606 : i32
        %get3A_608 = arith.constant 0 : i32
        %get3A_609 = arith.index_cast %get3A_608 : i32 to index
        %get3A_610 = arith.index_cast %add3A_607 : i32 to index
        %get3A_611 = arith.constant 0 : index
        %get3A_612 = tpu.vector_load %arg6[%get3A_609, %get3A_610, %get3A_611] {strides = array<i32>} : memref<4x104x128xf32, #tpu.memory_space<vmem>>, vector<16xf32>,
        %add3A_613 = arith.addf %add3A_561, %get3A_612 : vector<16xf32>
        %get3A_614 = arith.constant 0 : i32
        %get3A_615 = arith.index_cast %get3A_614 : i32 to index
        %get3A_616 = arith.index_cast %add3A_607 : i32 to index
        %get3A_617 = arith.constant 16 : index
        %get3A_618 = tpu.vector_load %arg6[%get3A_615, %get3A_616, %get3A_617] {strides = array<i32>} : memref<4x104x128xf32, #tpu.memory_space<vmem>>, vector<16xf32>,
        %add3A_619 = arith.addf %add3A_567, %get3A_618 : vector<16xf32>
        %get3A_620 = arith.constant 0 : i32
        %get3A_621 = arith.index_cast %get3A_620 : i32 to index
        %get3A_622 = arith.index_cast %add3A_607 : i32 to index
        %get3A_623 = arith.constant 32 : index
        %get3A_624 = tpu.vector_load %arg6[%get3A_621, %get3A_622, %get3A_623] {strides = array<i32>} : memref<4x104x128xf32, #tpu.memory_space<vmem>>, vector<16xf32>,
        %add3A_625 = arith.addf %add3A_573, %get3A_624 : vector<16xf32>
        %get3A_626 = arith.constant 0 : i32
        %get3A_627 = arith.index_cast %get3A_626 : i32 to index
        %get3A_628 = arith.index_cast %add3A_607 : i32 to index
        %get3A_629 = arith.constant 48 : index
        %get3A_630 = tpu.vector_load %arg6[%get3A_627, %get3A_628, %get3A_629] {strides = array<i32>} : memref<4x104x128xf32, #tpu.memory_space<vmem>>, vector<16xf32>,
        %add3A_631 = arith.addf %add3A_579, %get3A_630 : vector<16xf32>
        %get3A_632 = arith.constant 0 : i32
        %get3A_633 = arith.index_cast %get3A_632 : i32 to index
        %get3A_634 = arith.index_cast %add3A_607 : i32 to index
        %get3A_635 = arith.constant 64 : index
        %get3A_636 = tpu.vector_load %arg6[%get3A_633, %get3A_634, %get3A_635] {strides = array<i32>} : memref<4x104x128xf32, #tpu.memory_space<vmem>>, vector<16xf32>,
        %add3A_637 = arith.addf %add3A_585, %get3A_636 : vector<16xf32>
        %get3A_638 = arith.constant 0 : i32
        %get3A_639 = arith.index_cast %get3A_638 : i32 to index
        %get3A_640 = arith.index_cast %add3A_607 : i32 to index
        %get3A_641 = arith.constant 80 : index
        %get3A_642 = tpu.vector_load %arg6[%get3A_639, %get3A_640, %get3A_641] {strides = array<i32>} : memref<4x104x128xf32, #tpu.memory_space<vmem>>, vector<16xf32>,
        %add3A_643 = arith.addf %add3A_591, %get3A_642 : vector<16xf32>
        %get3A_644 = arith.constant 0 : i32
        %get3A_645 = arith.index_cast %get3A_644 : i32 to index
        %get3A_646 = arith.index_cast %add3A_607 : i32 to index
        %get3A_647 = arith.constant 96 : index
        %get3A_648 = tpu.vector_load %arg6[%get3A_645, %get3A_646, %get3A_647] {strides = array<i32>} : memref<4x104x128xf32, #tpu.memory_space<vmem>>, vector<16xf32>,
        %add3A_649 = arith.addf %add3A_597, %get3A_648 : vector<16xf32>
        %get3A_650 = arith.constant 0 : i32
        %get3A_651 = arith.index_cast %get3A_650 : i32 to index
        %get3A_652 = arith.index_cast %add3A_607 : i32 to index
        %get3A_653 = arith.constant 112 : index
        %get3A_654 = tpu.vector_load %arg6[%get3A_651, %get3A_652, %get3A_653] {strides = array<i32>} : memref<4x104x128xf32, #tpu.memory_space<vmem>>, vector<16xf32>,
        %add3A_655 = arith.addf %add3A_603, %get3A_654 : vector<16xf32>
        %mul3A_656 = arith.constant 10 : i32
        %mul3A_657 = arith.muli %scan3A_216, %mul3A_656 : i32
        %add3A_658 = arith.constant 8 : i32
        %add3A_659 = arith.addi %mul3A_657, %add3A_658 : i32
        %get3A_660 = arith.constant 0 : i32
        %get3A_661 = arith.index_cast %get3A_660 : i32 to index
        %get3A_662 = arith.index_cast %add3A_659 : i32 to index
        %get3A_663 = arith.constant 0 : index
        %get3A_664 = tpu.vector_load %arg6[%get3A_661, %get3A_662, %get3A_663] {strides = array<i32>} : memref<4x104x128xf32, #tpu.memory_space<vmem>>, vector<16xf32>,
        %add3A_665 = arith.addf %add3A_613, %get3A_664 : vector<16xf32>
        %get3A_666 = arith.constant 0 : i32
        %get3A_667 = arith.index_cast %get3A_666 : i32 to index
        %get3A_668 = arith.index_cast %add3A_659 : i32 to index
        %get3A_669 = arith.constant 16 : index
        %get3A_670 = tpu.vector_load %arg6[%get3A_667, %get3A_668, %get3A_669] {strides = array<i32>} : memref<4x104x128xf32, #tpu.memory_space<vmem>>, vector<16xf32>,
        %add3A_671 = arith.addf %add3A_619, %get3A_670 : vector<16xf32>
        %get3A_672 = arith.constant 0 : i32
        %get3A_673 = arith.index_cast %get3A_672 : i32 to index
        %get3A_674 = arith.index_cast %add3A_659 : i32 to index
        %get3A_675 = arith.constant 32 : index
        %get3A_676 = tpu.vector_load %arg6[%get3A_673, %get3A_674, %get3A_675] {strides = array<i32>} : memref<4x104x128xf32, #tpu.memory_space<vmem>>, vector<16xf32>,
        %add3A_677 = arith.addf %add3A_625, %get3A_676 : vector<16xf32>
        %get3A_678 = arith.constant 0 : i32
        %get3A_679 = arith.index_cast %get3A_678 : i32 to index
        %get3A_680 = arith.index_cast %add3A_659 : i32 to index
        %get3A_681 = arith.constant 48 : index
        %get3A_682 = tpu.vector_load %arg6[%get3A_679, %get3A_680, %get3A_681] {strides = array<i32>} : memref<4x104x128xf32, #tpu.memory_space<vmem>>, vector<16xf32>,
        %add3A_683 = arith.addf %add3A_631, %get3A_682 : vector<16xf32>
        %get3A_684 = arith.constant 0 : i32
        %get3A_685 = arith.index_cast %get3A_684 : i32 to index
        %get3A_686 = arith.index_cast %add3A_659 : i32 to index
        %get3A_687 = arith.constant 64 : index
        %get3A_688 = tpu.vector_load %arg6[%get3A_685, %get3A_686, %get3A_687] {strides = array<i32>} : memref<4x104x128xf32, #tpu.memory_space<vmem>>, vector<16xf32>,
        %add3A_689 = arith.addf %add3A_637, %get3A_688 : vector<16xf32>
        %get3A_690 = arith.constant 0 : i32
        %get3A_691 = arith.index_cast %get3A_690 : i32 to index
        %get3A_692 = arith.index_cast %add3A_659 : i32 to index
        %get3A_693 = arith.constant 80 : index
        %get3A_694 = tpu.vector_load %arg6[%get3A_691, %get3A_692, %get3A_693] {strides = array<i32>} : memref<4x104x128xf32, #tpu.memory_space<vmem>>, vector<16xf32>,
        %add3A_695 = arith.addf %add3A_643, %get3A_694 : vector<16xf32>
        %get3A_696 = arith.constant 0 : i32
        %get3A_697 = arith.index_cast %get3A_696 : i32 to index
        %get3A_698 = arith.index_cast %add3A_659 : i32 to index
        %get3A_699 = arith.constant 96 : index
        %get3A_700 = tpu.vector_load %arg6[%get3A_697, %get3A_698, %get3A_699] {strides = array<i32>} : memref<4x104x128xf32, #tpu.memory_space<vmem>>, vector<16xf32>,
        %add3A_701 = arith.addf %add3A_649, %get3A_700 : vector<16xf32>
        %get3A_702 = arith.constant 0 : i32
        %get3A_703 = arith.index_cast %get3A_702 : i32 to index
        %get3A_704 = arith.index_cast %add3A_659 : i32 to index
        %get3A_705 = arith.constant 112 : index
        %get3A_706 = tpu.vector_load %arg6[%get3A_703, %get3A_704, %get3A_705] {strides = array<i32>} : memref<4x104x128xf32, #tpu.memory_space<vmem>>, vector<16xf32>,
        %add3A_707 = arith.addf %add3A_655, %get3A_706 : vector<16xf32>
        %mul3A_708 = arith.constant 10 : i32
        %mul3A_709 = arith.muli %scan3A_216, %mul3A_708 : i32
        %add3A_710 = arith.constant 9 : i32
        %add3A_711 = arith.addi %mul3A_709, %add3A_710 : i32
        %get3A_712 = arith.constant 0 : i32
        %get3A_713 = arith.index_cast %get3A_712 : i32 to index
        %get3A_714 = arith.index_cast %add3A_711 : i32 to index
        %get3A_715 = arith.constant 0 : index
        %get3A_716 = tpu.vector_load %arg6[%get3A_713, %get3A_714, %get3A_715] {strides = array<i32>} : memref<4x104x128xf32, #tpu.memory_space<vmem>>, vector<16xf32>,
        %add3A_717 = arith.addf %add3A_665, %get3A_716 : vector<16xf32>
        %get3A_718 = arith.constant 0 : i32
        %get3A_719 = arith.index_cast %get3A_718 : i32 to index
        %get3A_720 = arith.index_cast %add3A_711 : i32 to index
        %get3A_721 = arith.constant 16 : index
        %get3A_722 = tpu.vector_load %arg6[%get3A_719, %get3A_720, %get3A_721] {strides = array<i32>} : memref<4x104x128xf32, #tpu.memory_space<vmem>>, vector<16xf32>,
        %add3A_723 = arith.addf %add3A_671, %get3A_722 : vector<16xf32>
        %get3A_724 = arith.constant 0 : i32
        %get3A_725 = arith.index_cast %get3A_724 : i32 to index
        %get3A_726 = arith.index_cast %add3A_711 : i32 to index
        %get3A_727 = arith.constant 32 : index
        %get3A_728 = tpu.vector_load %arg6[%get3A_725, %get3A_726, %get3A_727] {strides = array<i32>} : memref<4x104x128xf32, #tpu.memory_space<vmem>>, vector<16xf32>,
        %add3A_729 = arith.addf %add3A_677, %get3A_728 : vector<16xf32>
        %get3A_730 = arith.constant 0 : i32
        %get3A_731 = arith.index_cast %get3A_730 : i32 to index
        %get3A_732 = arith.index_cast %add3A_711 : i32 to index
        %get3A_733 = arith.constant 48 : index
        %get3A_734 = tpu.vector_load %arg6[%get3A_731, %get3A_732, %get3A_733] {strides = array<i32>} : memref<4x104x128xf32, #tpu.memory_space<vmem>>, vector<16xf32>,
        %add3A_735 = arith.addf %add3A_683, %get3A_734 : vector<16xf32>
        %get3A_736 = arith.constant 0 : i32
        %get3A_737 = arith.index_cast %get3A_736 : i32 to index
        %get3A_738 = arith.index_cast %add3A_711 : i32 to index
        %get3A_739 = arith.constant 64 : index
        %get3A_740 = tpu.vector_load %arg6[%get3A_737, %get3A_738, %get3A_739] {strides = array<i32>} : memref<4x104x128xf32, #tpu.memory_space<vmem>>, vector<16xf32>,
        %add3A_741 = arith.addf %add3A_689, %get3A_740 : vector<16xf32>
        %get3A_742 = arith.constant 0 : i32
        %get3A_743 = arith.index_cast %get3A_742 : i32 to index
        %get3A_744 = arith.index_cast %add3A_711 : i32 to index
        %get3A_745 = arith.constant 80 : index
        %get3A_746 = tpu.vector_load %arg6[%get3A_743, %get3A_744, %get3A_745] {strides = array<i32>} : memref<4x104x128xf32, #tpu.memory_space<vmem>>, vector<16xf32>,
        %add3A_747 = arith.addf %add3A_695, %get3A_746 : vector<16xf32>
        %get3A_748 = arith.constant 0 : i32
        %get3A_749 = arith.index_cast %get3A_748 : i32 to index
        %get3A_750 = arith.index_cast %add3A_711 : i32 to index
        %get3A_751 = arith.constant 96 : index
        %get3A_752 = tpu.vector_load %arg6[%get3A_749, %get3A_750, %get3A_751] {strides = array<i32>} : memref<4x104x128xf32, #tpu.memory_space<vmem>>, vector<16xf32>,
        %add3A_753 = arith.addf %add3A_701, %get3A_752 : vector<16xf32>
        %get3A_754 = arith.constant 0 : i32
        %get3A_755 = arith.index_cast %get3A_754 : i32 to index
        %get3A_756 = arith.index_cast %add3A_711 : i32 to index
        %get3A_757 = arith.constant 112 : index
        %get3A_758 = tpu.vector_load %arg6[%get3A_755, %get3A_756, %get3A_757] {strides = array<i32>} : memref<4x104x128xf32, #tpu.memory_space<vmem>>, vector<16xf32>,
        %add3A_759 = arith.addf %add3A_707, %get3A_758 : vector<16xf32>
        %max3A = arith.constant 0.000000e+00 : f32
        %max3A_760 = vector.broadcast %max3A : f32 to vector<16xf32>
        %max3A_761 = arith.maximumf %add3A_717, %max3A_760 : vector<16xf32>
        %add3A_762 = arith.addf %scan3A_217, %max3A_761 : vector<16xf32>
        %max3A_763 = arith.constant 0.000000e+00 : f32
        %max3A_764 = vector.broadcast %max3A_763 : f32 to vector<16xf32>
        %max3A_765 = arith.maximumf %add3A_723, %max3A_764 : vector<16xf32>
        %add3A_766 = arith.addf %scan3A_218, %max3A_765 : vector<16xf32>
        %max3A_767 = arith.constant 0.000000e+00 : f32
        %max3A_768 = vector.broadcast %max3A_767 : f32 to vector<16xf32>
        %max3A_769 = arith.maximumf %add3A_729, %max3A_768 : vector<16xf32>
        %add3A_770 = arith.addf %scan3A_219, %max3A_769 : vector<16xf32>
        %max3A_771 = arith.constant 0.000000e+00 : f32
        %max3A_772 = vector.broadcast %max3A_771 : f32 to vector<16xf32>
        %max3A_773 = arith.maximumf %add3A_735, %max3A_772 : vector<16xf32>
        %add3A_774 = arith.addf %scan3A_220, %max3A_773 : vector<16xf32>
        %max3A_775 = arith.constant 0.000000e+00 : f32
        %max3A_776 = vector.broadcast %max3A_775 : f32 to vector<16xf32>
        %max3A_777 = arith.maximumf %add3A_741, %max3A_776 : vector<16xf32>
        %add3A_778 = arith.addf %scan3A_221, %max3A_777 : vector<16xf32>
        %max3A_779 = arith.constant 0.000000e+00 : f32
        %max3A_780 = vector.broadcast %max3A_779 : f32 to vector<16xf32>
        %max3A_781 = arith.maximumf %add3A_747, %max3A_780 : vector<16xf32>
        %add3A_782 = arith.addf %scan3A_222, %max3A_781 : vector<16xf32>
        %max3A_783 = arith.constant 0.000000e+00 : f32
        %max3A_784 = vector.broadcast %max3A_783 : f32 to vector<16xf32>
        %max3A_785 = arith.maximumf %add3A_753, %max3A_784 : vector<16xf32>
        %add3A_786 = arith.addf %scan3A_223, %max3A_785 : vector<16xf32>
        %max3A_787 = arith.constant 0.000000e+00 : f32
        %max3A_788 = vector.broadcast %max3A_787 : f32 to vector<16xf32>
        %max3A_789 = arith.maximumf %add3A_759, %max3A_788 : vector<16xf32>
        %add3A_790 = arith.addf %scan3A_224, %max3A_789 : vector<16xf32>
        scf.yield %add3A_762, %add3A_766, %add3A_770, %add3A_774, %add3A_778, %add3A_782, %add3A_786, %add3A_790 : vector<16xf32>, vector<16xf32>, vector<16xf32>, vector<16xf32>, vector<16xf32>, vector<16xf32>, vector<16xf32>, vector<16xf32>
      }
      %scan3A_103 = arith.constant 10 : i32
      %dma_wait3A_104 = arith.constant 1 : i32
      %dma_wait3A_105 = arith.constant 0 : i32
      %dma_wait3A_106 = arith.constant 0 : i32
      %dma_wait3A_107 = tpu.memref_slice %arg6[%dma_wait3A_104, %dma_wait3A_105, %dma_wait3A_106] : memref<4x104x128xf32, #tpu.memory_space<vmem>> -> memref<1x104x128xf32, #tpu.memory_space<vmem>>
      %dma_wait3A_108 = tpu.memref_squeeze %dma_wait3A_107 : memref<1x104x128xf32, #tpu.memory_space<vmem>> -> memref<104x128xf32, #tpu.memory_space<vmem>>
      %dma_wait3A_109 = tpu.memref_slice %arg5[%multiple_of3A_29] : memref<13312xi32, #tpu.memory_space<vmem>> -> memref<104xi32, #tpu.memory_space<vmem>>
      %dma_wait3A_110 = arith.constant 0 : i32
      %dma_wait3A_111 = arith.constant 0 : i32
      %dma_wait3A_112 = tpu.memref_slice %arg2[%dma_wait3A_110, %dma_wait3A_111] : memref<50000x128xf32, #tpu.memory_space<hbm>> -> memref<50000x128xf32, #tpu.memory_space<hbm>>
      tpu.wait_indirect_dma semaphore(%arg9 : memref<!tpu.dma_semaphore, #tpu.memory_space<semaphore_mem>>) src(%dma_wait3A_112 : memref<50000x128xf32, #tpu.memory_space<hbm>>) dst(%dma_wait3A_108 : memref<104x128xf32, #tpu.memory_space<vmem>>)
      %scan3A_113 = arith.constant 0 : i32
      %scan3A_114 = arith.constant 10 : i32
      %scan3A_115 = arith.addi %scan3A_113, %scan3A_114 : i32
      %scan3A_116 = arith.constant 1 : i32
      %scan3A_117:8 = scf.for %scan3A_216 = %scan3A_113 to %scan3A_115 step %scan3A_116 iter_args(%scan3A_217 = %scan3A_102#0, %scan3A_218 = %scan3A_102#1, %scan3A_219 = %scan3A_102#2, %scan3A_220 = %scan3A_102#3, %scan3A_221 = %scan3A_102#4, %scan3A_222 = %scan3A_102#5, %scan3A_223 = %scan3A_102#6, %scan3A_224 = %scan3A_102#7) -> (vector<16xf32>, vector<16xf32>, vector<16xf32>, vector<16xf32>, vector<16xf32>, vector<16xf32>, vector<16xf32>, vector<16xf32>)  : i32 {
        %broadcast_in_dim3A_225 = arith.constant 0.000000e+00 : f32
        %broadcast_in_dim3A_226 = vector.broadcast %broadcast_in_dim3A_225 : f32 to vector<16xf32>
        %broadcast_in_dim3A_227 = arith.constant 0.000000e+00 : f32
        %broadcast_in_dim3A_228 = vector.broadcast %broadcast_in_dim3A_227 : f32 to vector<16xf32>
        %broadcast_in_dim3A_229 = arith.constant 0.000000e+00 : f32
        %broadcast_in_dim3A_230 = vector.broadcast %broadcast_in_dim3A_229 : f32 to vector<16xf32>
        %broadcast_in_dim3A_231 = arith.constant 0.000000e+00 : f32
        %broadcast_in_dim3A_232 = vector.broadcast %broadcast_in_dim3A_231 : f32 to vector<16xf32>
        %broadcast_in_dim3A_233 = arith.constant 0.000000e+00 : f32
        %broadcast_in_dim3A_234 = vector.broadcast %broadcast_in_dim3A_233 : f32 to vector<16xf32>
        %broadcast_in_dim3A_235 = arith.constant 0.000000e+00 : f32
        %broadcast_in_dim3A_236 = vector.broadcast %broadcast_in_dim3A_235 : f32 to vector<16xf32>
        %broadcast_in_dim3A_237 = arith.constant 0.000000e+00 : f32
        %broadcast_in_dim3A_238 = vector.broadcast %broadcast_in_dim3A_237 : f32 to vector<16xf32>
        %broadcast_in_dim3A_239 = arith.constant 0.000000e+00 : f32
        %broadcast_in_dim3A_240 = vector.broadcast %broadcast_in_dim3A_239 : f32 to vector<16xf32>
        %mul3A_241 = arith.constant 10 : i32
        %mul3A_242 = arith.muli %scan3A_216, %mul3A_241 : i32
        %add3A_243 = arith.constant 0 : i32
        %add3A_244 = arith.addi %mul3A_242, %add3A_243 : i32
        %get3A = arith.constant 1 : i32
        %get3A_245 = arith.index_cast %get3A : i32 to index
        %get3A_246 = arith.index_cast %add3A_244 : i32 to index
        %get3A_247 = arith.constant 0 : index
        %get3A_248 = tpu.vector_load %arg6[%get3A_245, %get3A_246, %get3A_247] {strides = array<i32>} : memref<4x104x128xf32, #tpu.memory_space<vmem>>, vector<16xf32>,
        %add3A_249 = arith.addf %broadcast_in_dim3A_226, %get3A_248 : vector<16xf32>
        %get3A_250 = arith.constant 1 : i32
        %get3A_251 = arith.index_cast %get3A_250 : i32 to index
        %get3A_252 = arith.index_cast %add3A_244 : i32 to index
        %get3A_253 = arith.constant 16 : index
        %get3A_254 = tpu.vector_load %arg6[%get3A_251, %get3A_252, %get3A_253] {strides = array<i32>} : memref<4x104x128xf32, #tpu.memory_space<vmem>>, vector<16xf32>,
        %add3A_255 = arith.addf %broadcast_in_dim3A_228, %get3A_254 : vector<16xf32>
        %get3A_256 = arith.constant 1 : i32
        %get3A_257 = arith.index_cast %get3A_256 : i32 to index
        %get3A_258 = arith.index_cast %add3A_244 : i32 to index
        %get3A_259 = arith.constant 32 : index
        %get3A_260 = tpu.vector_load %arg6[%get3A_257, %get3A_258, %get3A_259] {strides = array<i32>} : memref<4x104x128xf32, #tpu.memory_space<vmem>>, vector<16xf32>,
        %add3A_261 = arith.addf %broadcast_in_dim3A_230, %get3A_260 : vector<16xf32>
        %get3A_262 = arith.constant 1 : i32
        %get3A_263 = arith.index_cast %get3A_262 : i32 to index
        %get3A_264 = arith.index_cast %add3A_244 : i32 to index
        %get3A_265 = arith.constant 48 : index
        %get3A_266 = tpu.vector_load %arg6[%get3A_263, %get3A_264, %get3A_265] {strides = array<i32>} : memref<4x104x128xf32, #tpu.memory_space<vmem>>, vector<16xf32>,
        %add3A_267 = arith.addf %broadcast_in_dim3A_232, %get3A_266 : vector<16xf32>
        %get3A_268 = arith.constant 1 : i32
        %get3A_269 = arith.index_cast %get3A_268 : i32 to index
        %get3A_270 = arith.index_cast %add3A_244 : i32 to index
        %get3A_271 = arith.constant 64 : index
        %get3A_272 = tpu.vector_load %arg6[%get3A_269, %get3A_270, %get3A_271] {strides = array<i32>} : memref<4x104x128xf32, #tpu.memory_space<vmem>>, vector<16xf32>,
        %add3A_273 = arith.addf %broadcast_in_dim3A_234, %get3A_272 : vector<16xf32>
        %get3A_274 = arith.constant 1 : i32
        %get3A_275 = arith.index_cast %get3A_274 : i32 to index
        %get3A_276 = arith.index_cast %add3A_244 : i32 to index
        %get3A_277 = arith.constant 80 : index
        %get3A_278 = tpu.vector_load %arg6[%get3A_275, %get3A_276, %get3A_277] {strides = array<i32>} : memref<4x104x128xf32, #tpu.memory_space<vmem>>, vector<16xf32>,
        %add3A_279 = arith.addf %broadcast_in_dim3A_236, %get3A_278 : vector<16xf32>
        %get3A_280 = arith.constant 1 : i32
        %get3A_281 = arith.index_cast %get3A_280 : i32 to index
        %get3A_282 = arith.index_cast %add3A_244 : i32 to index
        %get3A_283 = arith.constant 96 : index
        %get3A_284 = tpu.vector_load %arg6[%get3A_281, %get3A_282, %get3A_283] {strides = array<i32>} : memref<4x104x128xf32, #tpu.memory_space<vmem>>, vector<16xf32>,
        %add3A_285 = arith.addf %broadcast_in_dim3A_238, %get3A_284 : vector<16xf32>
        %get3A_286 = arith.constant 1 : i32
        %get3A_287 = arith.index_cast %get3A_286 : i32 to index
        %get3A_288 = arith.index_cast %add3A_244 : i32 to index
        %get3A_289 = arith.constant 112 : index
        %get3A_290 = tpu.vector_load %arg6[%get3A_287, %get3A_288, %get3A_289] {strides = array<i32>} : memref<4x104x128xf32, #tpu.memory_space<vmem>>, vector<16xf32>,
        %add3A_291 = arith.addf %broadcast_in_dim3A_240, %get3A_290 : vector<16xf32>
        %mul3A_292 = arith.constant 10 : i32
        %mul3A_293 = arith.muli %scan3A_216, %mul3A_292 : i32
        %add3A_294 = arith.constant 1 : i32
        %add3A_295 = arith.addi %mul3A_293, %add3A_294 : i32
        %get3A_296 = arith.constant 1 : i32
        %get3A_297 = arith.index_cast %get3A_296 : i32 to index
        %get3A_298 = arith.index_cast %add3A_295 : i32 to index
        %get3A_299 = arith.constant 0 : index
        %get3A_300 = tpu.vector_load %arg6[%get3A_297, %get3A_298, %get3A_299] {strides = array<i32>} : memref<4x104x128xf32, #tpu.memory_space<vmem>>, vector<16xf32>,
        %add3A_301 = arith.addf %add3A_249, %get3A_300 : vector<16xf32>
        %get3A_302 = arith.constant 1 : i32
        %get3A_303 = arith.index_cast %get3A_302 : i32 to index
        %get3A_304 = arith.index_cast %add3A_295 : i32 to index
        %get3A_305 = arith.constant 16 : index
        %get3A_306 = tpu.vector_load %arg6[%get3A_303, %get3A_304, %get3A_305] {strides = array<i32>} : memref<4x104x128xf32, #tpu.memory_space<vmem>>, vector<16xf32>,
        %add3A_307 = arith.addf %add3A_255, %get3A_306 : vector<16xf32>
        %get3A_308 = arith.constant 1 : i32
        %get3A_309 = arith.index_cast %get3A_308 : i32 to index
        %get3A_310 = arith.index_cast %add3A_295 : i32 to index
        %get3A_311 = arith.constant 32 : index
        %get3A_312 = tpu.vector_load %arg6[%get3A_309, %get3A_310, %get3A_311] {strides = array<i32>} : memref<4x104x128xf32, #tpu.memory_space<vmem>>, vector<16xf32>,
        %add3A_313 = arith.addf %add3A_261, %get3A_312 : vector<16xf32>
        %get3A_314 = arith.constant 1 : i32
        %get3A_315 = arith.index_cast %get3A_314 : i32 to index
        %get3A_316 = arith.index_cast %add3A_295 : i32 to index
        %get3A_317 = arith.constant 48 : index
        %get3A_318 = tpu.vector_load %arg6[%get3A_315, %get3A_316, %get3A_317] {strides = array<i32>} : memref<4x104x128xf32, #tpu.memory_space<vmem>>, vector<16xf32>,
        %add3A_319 = arith.addf %add3A_267, %get3A_318 : vector<16xf32>
        %get3A_320 = arith.constant 1 : i32
        %get3A_321 = arith.index_cast %get3A_320 : i32 to index
        %get3A_322 = arith.index_cast %add3A_295 : i32 to index
        %get3A_323 = arith.constant 64 : index
        %get3A_324 = tpu.vector_load %arg6[%get3A_321, %get3A_322, %get3A_323] {strides = array<i32>} : memref<4x104x128xf32, #tpu.memory_space<vmem>>, vector<16xf32>,
        %add3A_325 = arith.addf %add3A_273, %get3A_324 : vector<16xf32>
        %get3A_326 = arith.constant 1 : i32
        %get3A_327 = arith.index_cast %get3A_326 : i32 to index
        %get3A_328 = arith.index_cast %add3A_295 : i32 to index
        %get3A_329 = arith.constant 80 : index
        %get3A_330 = tpu.vector_load %arg6[%get3A_327, %get3A_328, %get3A_329] {strides = array<i32>} : memref<4x104x128xf32, #tpu.memory_space<vmem>>, vector<16xf32>,
        %add3A_331 = arith.addf %add3A_279, %get3A_330 : vector<16xf32>
        %get3A_332 = arith.constant 1 : i32
        %get3A_333 = arith.index_cast %get3A_332 : i32 to index
        %get3A_334 = arith.index_cast %add3A_295 : i32 to index
        %get3A_335 = arith.constant 96 : index
        %get3A_336 = tpu.vector_load %arg6[%get3A_333, %get3A_334, %get3A_335] {strides = array<i32>} : memref<4x104x128xf32, #tpu.memory_space<vmem>>, vector<16xf32>,
        %add3A_337 = arith.addf %add3A_285, %get3A_336 : vector<16xf32>
        %get3A_338 = arith.constant 1 : i32
        %get3A_339 = arith.index_cast %get3A_338 : i32 to index
        %get3A_340 = arith.index_cast %add3A_295 : i32 to index
        %get3A_341 = arith.constant 112 : index
        %get3A_342 = tpu.vector_load %arg6[%get3A_339, %get3A_340, %get3A_341] {strides = array<i32>} : memref<4x104x128xf32, #tpu.memory_space<vmem>>, vector<16xf32>,
        %add3A_343 = arith.addf %add3A_291, %get3A_342 : vector<16xf32>
        %mul3A_344 = arith.constant 10 : i32
        %mul3A_345 = arith.muli %scan3A_216, %mul3A_344 : i32
        %add3A_346 = arith.constant 2 : i32
        %add3A_347 = arith.addi %mul3A_345, %add3A_346 : i32
        %get3A_348 = arith.constant 1 : i32
        %get3A_349 = arith.index_cast %get3A_348 : i32 to index
        %get3A_350 = arith.index_cast %add3A_347 : i32 to index
        %get3A_351 = arith.constant 0 : index
        %get3A_352 = tpu.vector_load %arg6[%get3A_349, %get3A_350, %get3A_351] {strides = array<i32>} : memref<4x104x128xf32, #tpu.memory_space<vmem>>, vector<16xf32>,
        %add3A_353 = arith.addf %add3A_301, %get3A_352 : vector<16xf32>
        %get3A_354 = arith.constant 1 : i32
        %get3A_355 = arith.index_cast %get3A_354 : i32 to index
        %get3A_356 = arith.index_cast %add3A_347 : i32 to index
        %get3A_357 = arith.constant 16 : index
        %get3A_358 = tpu.vector_load %arg6[%get3A_355, %get3A_356, %get3A_357] {strides = array<i32>} : memref<4x104x128xf32, #tpu.memory_space<vmem>>, vector<16xf32>,
        %add3A_359 = arith.addf %add3A_307, %get3A_358 : vector<16xf32>
        %get3A_360 = arith.constant 1 : i32
        %get3A_361 = arith.index_cast %get3A_360 : i32 to index
        %get3A_362 = arith.index_cast %add3A_347 : i32 to index
        %get3A_363 = arith.constant 32 : index
        %get3A_364 = tpu.vector_load %arg6[%get3A_361, %get3A_362, %get3A_363] {strides = array<i32>} : memref<4x104x128xf32, #tpu.memory_space<vmem>>, vector<16xf32>,
        %add3A_365 = arith.addf %add3A_313, %get3A_364 : vector<16xf32>
        %get3A_366 = arith.constant 1 : i32
        %get3A_367 = arith.index_cast %get3A_366 : i32 to index
        %get3A_368 = arith.index_cast %add3A_347 : i32 to index
        %get3A_369 = arith.constant 48 : index
        %get3A_370 = tpu.vector_load %arg6[%get3A_367, %get3A_368, %get3A_369] {strides = array<i32>} : memref<4x104x128xf32, #tpu.memory_space<vmem>>, vector<16xf32>,
        %add3A_371 = arith.addf %add3A_319, %get3A_370 : vector<16xf32>
        %get3A_372 = arith.constant 1 : i32
        %get3A_373 = arith.index_cast %get3A_372 : i32 to index
        %get3A_374 = arith.index_cast %add3A_347 : i32 to index
        %get3A_375 = arith.constant 64 : index
        %get3A_376 = tpu.vector_load %arg6[%get3A_373, %get3A_374, %get3A_375] {strides = array<i32>} : memref<4x104x128xf32, #tpu.memory_space<vmem>>, vector<16xf32>,
        %add3A_377 = arith.addf %add3A_325, %get3A_376 : vector<16xf32>
        %get3A_378 = arith.constant 1 : i32
        %get3A_379 = arith.index_cast %get3A_378 : i32 to index
        %get3A_380 = arith.index_cast %add3A_347 : i32 to index
        %get3A_381 = arith.constant 80 : index
        %get3A_382 = tpu.vector_load %arg6[%get3A_379, %get3A_380, %get3A_381] {strides = array<i32>} : memref<4x104x128xf32, #tpu.memory_space<vmem>>, vector<16xf32>,
        %add3A_383 = arith.addf %add3A_331, %get3A_382 : vector<16xf32>
        %get3A_384 = arith.constant 1 : i32
        %get3A_385 = arith.index_cast %get3A_384 : i32 to index
        %get3A_386 = arith.index_cast %add3A_347 : i32 to index
        %get3A_387 = arith.constant 96 : index
        %get3A_388 = tpu.vector_load %arg6[%get3A_385, %get3A_386, %get3A_387] {strides = array<i32>} : memref<4x104x128xf32, #tpu.memory_space<vmem>>, vector<16xf32>,
        %add3A_389 = arith.addf %add3A_337, %get3A_388 : vector<16xf32>
        %get3A_390 = arith.constant 1 : i32
        %get3A_391 = arith.index_cast %get3A_390 : i32 to index
        %get3A_392 = arith.index_cast %add3A_347 : i32 to index
        %get3A_393 = arith.constant 112 : index
        %get3A_394 = tpu.vector_load %arg6[%get3A_391, %get3A_392, %get3A_393] {strides = array<i32>} : memref<4x104x128xf32, #tpu.memory_space<vmem>>, vector<16xf32>,
        %add3A_395 = arith.addf %add3A_343, %get3A_394 : vector<16xf32>
        %mul3A_396 = arith.constant 10 : i32
        %mul3A_397 = arith.muli %scan3A_216, %mul3A_396 : i32
        %add3A_398 = arith.constant 3 : i32
        %add3A_399 = arith.addi %mul3A_397, %add3A_398 : i32
        %get3A_400 = arith.constant 1 : i32
        %get3A_401 = arith.index_cast %get3A_400 : i32 to index
        %get3A_402 = arith.index_cast %add3A_399 : i32 to index
        %get3A_403 = arith.constant 0 : index
        %get3A_404 = tpu.vector_load %arg6[%get3A_401, %get3A_402, %get3A_403] {strides = array<i32>} : memref<4x104x128xf32, #tpu.memory_space<vmem>>, vector<16xf32>,
        %add3A_405 = arith.addf %add3A_353, %get3A_404 : vector<16xf32>
        %get3A_406 = arith.constant 1 : i32
        %get3A_407 = arith.index_cast %get3A_406 : i32 to index
        %get3A_408 = arith.index_cast %add3A_399 : i32 to index
        %get3A_409 = arith.constant 16 : index
        %get3A_410 = tpu.vector_load %arg6[%get3A_407, %get3A_408, %get3A_409] {strides = array<i32>} : memref<4x104x128xf32, #tpu.memory_space<vmem>>, vector<16xf32>,
        %add3A_411 = arith.addf %add3A_359, %get3A_410 : vector<16xf32>
        %get3A_412 = arith.constant 1 : i32
        %get3A_413 = arith.index_cast %get3A_412 : i32 to index
        %get3A_414 = arith.index_cast %add3A_399 : i32 to index
        %get3A_415 = arith.constant 32 : index
        %get3A_416 = tpu.vector_load %arg6[%get3A_413, %get3A_414, %get3A_415] {strides = array<i32>} : memref<4x104x128xf32, #tpu.memory_space<vmem>>, vector<16xf32>,
        %add3A_417 = arith.addf %add3A_365, %get3A_416 : vector<16xf32>
        %get3A_418 = arith.constant 1 : i32
        %get3A_419 = arith.index_cast %get3A_418 : i32 to index
        %get3A_420 = arith.index_cast %add3A_399 : i32 to index
        %get3A_421 = arith.constant 48 : index
        %get3A_422 = tpu.vector_load %arg6[%get3A_419, %get3A_420, %get3A_421] {strides = array<i32>} : memref<4x104x128xf32, #tpu.memory_space<vmem>>, vector<16xf32>,
        %add3A_423 = arith.addf %add3A_371, %get3A_422 : vector<16xf32>
        %get3A_424 = arith.constant 1 : i32
        %get3A_425 = arith.index_cast %get3A_424 : i32 to index
        %get3A_426 = arith.index_cast %add3A_399 : i32 to index
        %get3A_427 = arith.constant 64 : index
        %get3A_428 = tpu.vector_load %arg6[%get3A_425, %get3A_426, %get3A_427] {strides = array<i32>} : memref<4x104x128xf32, #tpu.memory_space<vmem>>, vector<16xf32>,
        %add3A_429 = arith.addf %add3A_377, %get3A_428 : vector<16xf32>
        %get3A_430 = arith.constant 1 : i32
        %get3A_431 = arith.index_cast %get3A_430 : i32 to index
        %get3A_432 = arith.index_cast %add3A_399 : i32 to index
        %get3A_433 = arith.constant 80 : index
        %get3A_434 = tpu.vector_load %arg6[%get3A_431, %get3A_432, %get3A_433] {strides = array<i32>} : memref<4x104x128xf32, #tpu.memory_space<vmem>>, vector<16xf32>,
        %add3A_435 = arith.addf %add3A_383, %get3A_434 : vector<16xf32>
        %get3A_436 = arith.constant 1 : i32
        %get3A_437 = arith.index_cast %get3A_436 : i32 to index
        %get3A_438 = arith.index_cast %add3A_399 : i32 to index
        %get3A_439 = arith.constant 96 : index
        %get3A_440 = tpu.vector_load %arg6[%get3A_437, %get3A_438, %get3A_439] {strides = array<i32>} : memref<4x104x128xf32, #tpu.memory_space<vmem>>, vector<16xf32>,
        %add3A_441 = arith.addf %add3A_389, %get3A_440 : vector<16xf32>
        %get3A_442 = arith.constant 1 : i32
        %get3A_443 = arith.index_cast %get3A_442 : i32 to index
        %get3A_444 = arith.index_cast %add3A_399 : i32 to index
        %get3A_445 = arith.constant 112 : index
        %get3A_446 = tpu.vector_load %arg6[%get3A_443, %get3A_444, %get3A_445] {strides = array<i32>} : memref<4x104x128xf32, #tpu.memory_space<vmem>>, vector<16xf32>,
        %add3A_447 = arith.addf %add3A_395, %get3A_446 : vector<16xf32>
        %mul3A_448 = arith.constant 10 : i32
        %mul3A_449 = arith.muli %scan3A_216, %mul3A_448 : i32
        %add3A_450 = arith.constant 4 : i32
        %add3A_451 = arith.addi %mul3A_449, %add3A_450 : i32
        %get3A_452 = arith.constant 1 : i32
        %get3A_453 = arith.index_cast %get3A_452 : i32 to index
        %get3A_454 = arith.index_cast %add3A_451 : i32 to index
        %get3A_455 = arith.constant 0 : index
        %get3A_456 = tpu.vector_load %arg6[%get3A_453, %get3A_454, %get3A_455] {strides = array<i32>} : memref<4x104x128xf32, #tpu.memory_space<vmem>>, vector<16xf32>,
        %add3A_457 = arith.addf %add3A_405, %get3A_456 : vector<16xf32>
        %get3A_458 = arith.constant 1 : i32
        %get3A_459 = arith.index_cast %get3A_458 : i32 to index
        %get3A_460 = arith.index_cast %add3A_451 : i32 to index
        %get3A_461 = arith.constant 16 : index
        %get3A_462 = tpu.vector_load %arg6[%get3A_459, %get3A_460, %get3A_461] {strides = array<i32>} : memref<4x104x128xf32, #tpu.memory_space<vmem>>, vector<16xf32>,
        %add3A_463 = arith.addf %add3A_411, %get3A_462 : vector<16xf32>
        %get3A_464 = arith.constant 1 : i32
        %get3A_465 = arith.index_cast %get3A_464 : i32 to index
        %get3A_466 = arith.index_cast %add3A_451 : i32 to index
        %get3A_467 = arith.constant 32 : index
        %get3A_468 = tpu.vector_load %arg6[%get3A_465, %get3A_466, %get3A_467] {strides = array<i32>} : memref<4x104x128xf32, #tpu.memory_space<vmem>>, vector<16xf32>,
        %add3A_469 = arith.addf %add3A_417, %get3A_468 : vector<16xf32>
        %get3A_470 = arith.constant 1 : i32
        %get3A_471 = arith.index_cast %get3A_470 : i32 to index
        %get3A_472 = arith.index_cast %add3A_451 : i32 to index
        %get3A_473 = arith.constant 48 : index
        %get3A_474 = tpu.vector_load %arg6[%get3A_471, %get3A_472, %get3A_473] {strides = array<i32>} : memref<4x104x128xf32, #tpu.memory_space<vmem>>, vector<16xf32>,
        %add3A_475 = arith.addf %add3A_423, %get3A_474 : vector<16xf32>
        %get3A_476 = arith.constant 1 : i32
        %get3A_477 = arith.index_cast %get3A_476 : i32 to index
        %get3A_478 = arith.index_cast %add3A_451 : i32 to index
        %get3A_479 = arith.constant 64 : index
        %get3A_480 = tpu.vector_load %arg6[%get3A_477, %get3A_478, %get3A_479] {strides = array<i32>} : memref<4x104x128xf32, #tpu.memory_space<vmem>>, vector<16xf32>,
        %add3A_481 = arith.addf %add3A_429, %get3A_480 : vector<16xf32>
        %get3A_482 = arith.constant 1 : i32
        %get3A_483 = arith.index_cast %get3A_482 : i32 to index
        %get3A_484 = arith.index_cast %add3A_451 : i32 to index
        %get3A_485 = arith.constant 80 : index
        %get3A_486 = tpu.vector_load %arg6[%get3A_483, %get3A_484, %get3A_485] {strides = array<i32>} : memref<4x104x128xf32, #tpu.memory_space<vmem>>, vector<16xf32>,
        %add3A_487 = arith.addf %add3A_435, %get3A_486 : vector<16xf32>
        %get3A_488 = arith.constant 1 : i32
        %get3A_489 = arith.index_cast %get3A_488 : i32 to index
        %get3A_490 = arith.index_cast %add3A_451 : i32 to index
        %get3A_491 = arith.constant 96 : index
        %get3A_492 = tpu.vector_load %arg6[%get3A_489, %get3A_490, %get3A_491] {strides = array<i32>} : memref<4x104x128xf32, #tpu.memory_space<vmem>>, vector<16xf32>,
        %add3A_493 = arith.addf %add3A_441, %get3A_492 : vector<16xf32>
        %get3A_494 = arith.constant 1 : i32
        %get3A_495 = arith.index_cast %get3A_494 : i32 to index
        %get3A_496 = arith.index_cast %add3A_451 : i32 to index
        %get3A_497 = arith.constant 112 : index
        %get3A_498 = tpu.vector_load %arg6[%get3A_495, %get3A_496, %get3A_497] {strides = array<i32>} : memref<4x104x128xf32, #tpu.memory_space<vmem>>, vector<16xf32>,
        %add3A_499 = arith.addf %add3A_447, %get3A_498 : vector<16xf32>
        %mul3A_500 = arith.constant 10 : i32
        %mul3A_501 = arith.muli %scan3A_216, %mul3A_500 : i32
        %add3A_502 = arith.constant 5 : i32
        %add3A_503 = arith.addi %mul3A_501, %add3A_502 : i32
        %get3A_504 = arith.constant 1 : i32
        %get3A_505 = arith.index_cast %get3A_504 : i32 to index
        %get3A_506 = arith.index_cast %add3A_503 : i32 to index
        %get3A_507 = arith.constant 0 : index
        %get3A_508 = tpu.vector_load %arg6[%get3A_505, %get3A_506, %get3A_507] {strides = array<i32>} : memref<4x104x128xf32, #tpu.memory_space<vmem>>, vector<16xf32>,
        %add3A_509 = arith.addf %add3A_457, %get3A_508 : vector<16xf32>
        %get3A_510 = arith.constant 1 : i32
        %get3A_511 = arith.index_cast %get3A_510 : i32 to index
        %get3A_512 = arith.index_cast %add3A_503 : i32 to index
        %get3A_513 = arith.constant 16 : index
        %get3A_514 = tpu.vector_load %arg6[%get3A_511, %get3A_512, %get3A_513] {strides = array<i32>} : memref<4x104x128xf32, #tpu.memory_space<vmem>>, vector<16xf32>,
        %add3A_515 = arith.addf %add3A_463, %get3A_514 : vector<16xf32>
        %get3A_516 = arith.constant 1 : i32
        %get3A_517 = arith.index_cast %get3A_516 : i32 to index
        %get3A_518 = arith.index_cast %add3A_503 : i32 to index
        %get3A_519 = arith.constant 32 : index
        %get3A_520 = tpu.vector_load %arg6[%get3A_517, %get3A_518, %get3A_519] {strides = array<i32>} : memref<4x104x128xf32, #tpu.memory_space<vmem>>, vector<16xf32>,
        %add3A_521 = arith.addf %add3A_469, %get3A_520 : vector<16xf32>
        %get3A_522 = arith.constant 1 : i32
        %get3A_523 = arith.index_cast %get3A_522 : i32 to index
        %get3A_524 = arith.index_cast %add3A_503 : i32 to index
        %get3A_525 = arith.constant 48 : index
        %get3A_526 = tpu.vector_load %arg6[%get3A_523, %get3A_524, %get3A_525] {strides = array<i32>} : memref<4x104x128xf32, #tpu.memory_space<vmem>>, vector<16xf32>,
        %add3A_527 = arith.addf %add3A_475, %get3A_526 : vector<16xf32>
        %get3A_528 = arith.constant 1 : i32
        %get3A_529 = arith.index_cast %get3A_528 : i32 to index
        %get3A_530 = arith.index_cast %add3A_503 : i32 to index
        %get3A_531 = arith.constant 64 : index
        %get3A_532 = tpu.vector_load %arg6[%get3A_529, %get3A_530, %get3A_531] {strides = array<i32>} : memref<4x104x128xf32, #tpu.memory_space<vmem>>, vector<16xf32>,
        %add3A_533 = arith.addf %add3A_481, %get3A_532 : vector<16xf32>
        %get3A_534 = arith.constant 1 : i32
        %get3A_535 = arith.index_cast %get3A_534 : i32 to index
        %get3A_536 = arith.index_cast %add3A_503 : i32 to index
        %get3A_537 = arith.constant 80 : index
        %get3A_538 = tpu.vector_load %arg6[%get3A_535, %get3A_536, %get3A_537] {strides = array<i32>} : memref<4x104x128xf32, #tpu.memory_space<vmem>>, vector<16xf32>,
        %add3A_539 = arith.addf %add3A_487, %get3A_538 : vector<16xf32>
        %get3A_540 = arith.constant 1 : i32
        %get3A_541 = arith.index_cast %get3A_540 : i32 to index
        %get3A_542 = arith.index_cast %add3A_503 : i32 to index
        %get3A_543 = arith.constant 96 : index
        %get3A_544 = tpu.vector_load %arg6[%get3A_541, %get3A_542, %get3A_543] {strides = array<i32>} : memref<4x104x128xf32, #tpu.memory_space<vmem>>, vector<16xf32>,
        %add3A_545 = arith.addf %add3A_493, %get3A_544 : vector<16xf32>
        %get3A_546 = arith.constant 1 : i32
        %get3A_547 = arith.index_cast %get3A_546 : i32 to index
        %get3A_548 = arith.index_cast %add3A_503 : i32 to index
        %get3A_549 = arith.constant 112 : index
        %get3A_550 = tpu.vector_load %arg6[%get3A_547, %get3A_548, %get3A_549] {strides = array<i32>} : memref<4x104x128xf32, #tpu.memory_space<vmem>>, vector<16xf32>,
        %add3A_551 = arith.addf %add3A_499, %get3A_550 : vector<16xf32>
        %mul3A_552 = arith.constant 10 : i32
        %mul3A_553 = arith.muli %scan3A_216, %mul3A_552 : i32
        %add3A_554 = arith.constant 6 : i32
        %add3A_555 = arith.addi %mul3A_553, %add3A_554 : i32
        %get3A_556 = arith.constant 1 : i32
        %get3A_557 = arith.index_cast %get3A_556 : i32 to index
        %get3A_558 = arith.index_cast %add3A_555 : i32 to index
        %get3A_559 = arith.constant 0 : index
        %get3A_560 = tpu.vector_load %arg6[%get3A_557, %get3A_558, %get3A_559] {strides = array<i32>} : memref<4x104x128xf32, #tpu.memory_space<vmem>>, vector<16xf32>,
        %add3A_561 = arith.addf %add3A_509, %get3A_560 : vector<16xf32>
        %get3A_562 = arith.constant 1 : i32
        %get3A_563 = arith.index_cast %get3A_562 : i32 to index
        %get3A_564 = arith.index_cast %add3A_555 : i32 to index
        %get3A_565 = arith.constant 16 : index
        %get3A_566 = tpu.vector_load %arg6[%get3A_563, %get3A_564, %get3A_565] {strides = array<i32>} : memref<4x104x128xf32, #tpu.memory_space<vmem>>, vector<16xf32>,
        %add3A_567 = arith.addf %add3A_515, %get3A_566 : vector<16xf32>
        %get3A_568 = arith.constant 1 : i32
        %get3A_569 = arith.index_cast %get3A_568 : i32 to index
        %get3A_570 = arith.index_cast %add3A_555 : i32 to index
        %get3A_571 = arith.constant 32 : index
        %get3A_572 = tpu.vector_load %arg6[%get3A_569, %get3A_570, %get3A_571] {strides = array<i32>} : memref<4x104x128xf32, #tpu.memory_space<vmem>>, vector<16xf32>,
        %add3A_573 = arith.addf %add3A_521, %get3A_572 : vector<16xf32>
        %get3A_574 = arith.constant 1 : i32
        %get3A_575 = arith.index_cast %get3A_574 : i32 to index
        %get3A_576 = arith.index_cast %add3A_555 : i32 to index
        %get3A_577 = arith.constant 48 : index
        %get3A_578 = tpu.vector_load %arg6[%get3A_575, %get3A_576, %get3A_577] {strides = array<i32>} : memref<4x104x128xf32, #tpu.memory_space<vmem>>, vector<16xf32>,
        %add3A_579 = arith.addf %add3A_527, %get3A_578 : vector<16xf32>
        %get3A_580 = arith.constant 1 : i32
        %get3A_581 = arith.index_cast %get3A_580 : i32 to index
        %get3A_582 = arith.index_cast %add3A_555 : i32 to index
        %get3A_583 = arith.constant 64 : index
        %get3A_584 = tpu.vector_load %arg6[%get3A_581, %get3A_582, %get3A_583] {strides = array<i32>} : memref<4x104x128xf32, #tpu.memory_space<vmem>>, vector<16xf32>,
        %add3A_585 = arith.addf %add3A_533, %get3A_584 : vector<16xf32>
        %get3A_586 = arith.constant 1 : i32
        %get3A_587 = arith.index_cast %get3A_586 : i32 to index
        %get3A_588 = arith.index_cast %add3A_555 : i32 to index
        %get3A_589 = arith.constant 80 : index
        %get3A_590 = tpu.vector_load %arg6[%get3A_587, %get3A_588, %get3A_589] {strides = array<i32>} : memref<4x104x128xf32, #tpu.memory_space<vmem>>, vector<16xf32>,
        %add3A_591 = arith.addf %add3A_539, %get3A_590 : vector<16xf32>
        %get3A_592 = arith.constant 1 : i32
        %get3A_593 = arith.index_cast %get3A_592 : i32 to index
        %get3A_594 = arith.index_cast %add3A_555 : i32 to index
        %get3A_595 = arith.constant 96 : index
        %get3A_596 = tpu.vector_load %arg6[%get3A_593, %get3A_594, %get3A_595] {strides = array<i32>} : memref<4x104x128xf32, #tpu.memory_space<vmem>>, vector<16xf32>,
        %add3A_597 = arith.addf %add3A_545, %get3A_596 : vector<16xf32>
        %get3A_598 = arith.constant 1 : i32
        %get3A_599 = arith.index_cast %get3A_598 : i32 to index
        %get3A_600 = arith.index_cast %add3A_555 : i32 to index
        %get3A_601 = arith.constant 112 : index
        %get3A_602 = tpu.vector_load %arg6[%get3A_599, %get3A_600, %get3A_601] {strides = array<i32>} : memref<4x104x128xf32, #tpu.memory_space<vmem>>, vector<16xf32>,
        %add3A_603 = arith.addf %add3A_551, %get3A_602 : vector<16xf32>
        %mul3A_604 = arith.constant 10 : i32
        %mul3A_605 = arith.muli %scan3A_216, %mul3A_604 : i32
        %add3A_606 = arith.constant 7 : i32
        %add3A_607 = arith.addi %mul3A_605, %add3A_606 : i32
        %get3A_608 = arith.constant 1 : i32
        %get3A_609 = arith.index_cast %get3A_608 : i32 to index
        %get3A_610 = arith.index_cast %add3A_607 : i32 to index
        %get3A_611 = arith.constant 0 : index
        %get3A_612 = tpu.vector_load %arg6[%get3A_609, %get3A_610, %get3A_611] {strides = array<i32>} : memref<4x104x128xf32, #tpu.memory_space<vmem>>, vector<16xf32>,
        %add3A_613 = arith.addf %add3A_561, %get3A_612 : vector<16xf32>
        %get3A_614 = arith.constant 1 : i32
        %get3A_615 = arith.index_cast %get3A_614 : i32 to index
        %get3A_616 = arith.index_cast %add3A_607 : i32 to index
        %get3A_617 = arith.constant 16 : index
        %get3A_618 = tpu.vector_load %arg6[%get3A_615, %get3A_616, %get3A_617] {strides = array<i32>} : memref<4x104x128xf32, #tpu.memory_space<vmem>>, vector<16xf32>,
        %add3A_619 = arith.addf %add3A_567, %get3A_618 : vector<16xf32>
        %get3A_620 = arith.constant 1 : i32
        %get3A_621 = arith.index_cast %get3A_620 : i32 to index
        %get3A_622 = arith.index_cast %add3A_607 : i32 to index
        %get3A_623 = arith.constant 32 : index
        %get3A_624 = tpu.vector_load %arg6[%get3A_621, %get3A_622, %get3A_623] {strides = array<i32>} : memref<4x104x128xf32, #tpu.memory_space<vmem>>, vector<16xf32>,
        %add3A_625 = arith.addf %add3A_573, %get3A_624 : vector<16xf32>
        %get3A_626 = arith.constant 1 : i32
        %get3A_627 = arith.index_cast %get3A_626 : i32 to index
        %get3A_628 = arith.index_cast %add3A_607 : i32 to index
        %get3A_629 = arith.constant 48 : index
        %get3A_630 = tpu.vector_load %arg6[%get3A_627, %get3A_628, %get3A_629] {strides = array<i32>} : memref<4x104x128xf32, #tpu.memory_space<vmem>>, vector<16xf32>,
        %add3A_631 = arith.addf %add3A_579, %get3A_630 : vector<16xf32>
        %get3A_632 = arith.constant 1 : i32
        %get3A_633 = arith.index_cast %get3A_632 : i32 to index
        %get3A_634 = arith.index_cast %add3A_607 : i32 to index
        %get3A_635 = arith.constant 64 : index
        %get3A_636 = tpu.vector_load %arg6[%get3A_633, %get3A_634, %get3A_635] {strides = array<i32>} : memref<4x104x128xf32, #tpu.memory_space<vmem>>, vector<16xf32>,
        %add3A_637 = arith.addf %add3A_585, %get3A_636 : vector<16xf32>
        %get3A_638 = arith.constant 1 : i32
        %get3A_639 = arith.index_cast %get3A_638 : i32 to index
        %get3A_640 = arith.index_cast %add3A_607 : i32 to index
        %get3A_641 = arith.constant 80 : index
        %get3A_642 = tpu.vector_load %arg6[%get3A_639, %get3A_640, %get3A_641] {strides = array<i32>} : memref<4x104x128xf32, #tpu.memory_space<vmem>>, vector<16xf32>,
        %add3A_643 = arith.addf %add3A_591, %get3A_642 : vector<16xf32>
        %get3A_644 = arith.constant 1 : i32
        %get3A_645 = arith.index_cast %get3A_644 : i32 to index
        %get3A_646 = arith.index_cast %add3A_607 : i32 to index
        %get3A_647 = arith.constant 96 : index
        %get3A_648 = tpu.vector_load %arg6[%get3A_645, %get3A_646, %get3A_647] {strides = array<i32>} : memref<4x104x128xf32, #tpu.memory_space<vmem>>, vector<16xf32>,
        %add3A_649 = arith.addf %add3A_597, %get3A_648 : vector<16xf32>
        %get3A_650 = arith.constant 1 : i32
        %get3A_651 = arith.index_cast %get3A_650 : i32 to index
        %get3A_652 = arith.index_cast %add3A_607 : i32 to index
        %get3A_653 = arith.constant 112 : index
        %get3A_654 = tpu.vector_load %arg6[%get3A_651, %get3A_652, %get3A_653] {strides = array<i32>} : memref<4x104x128xf32, #tpu.memory_space<vmem>>, vector<16xf32>,
        %add3A_655 = arith.addf %add3A_603, %get3A_654 : vector<16xf32>
        %mul3A_656 = arith.constant 10 : i32
        %mul3A_657 = arith.muli %scan3A_216, %mul3A_656 : i32
        %add3A_658 = arith.constant 8 : i32
        %add3A_659 = arith.addi %mul3A_657, %add3A_658 : i32
        %get3A_660 = arith.constant 1 : i32
        %get3A_661 = arith.index_cast %get3A_660 : i32 to index
        %get3A_662 = arith.index_cast %add3A_659 : i32 to index
        %get3A_663 = arith.constant 0 : index
        %get3A_664 = tpu.vector_load %arg6[%get3A_661, %get3A_662, %get3A_663] {strides = array<i32>} : memref<4x104x128xf32, #tpu.memory_space<vmem>>, vector<16xf32>,
        %add3A_665 = arith.addf %add3A_613, %get3A_664 : vector<16xf32>
        %get3A_666 = arith.constant 1 : i32
        %get3A_667 = arith.index_cast %get3A_666 : i32 to index
        %get3A_668 = arith.index_cast %add3A_659 : i32 to index
        %get3A_669 = arith.constant 16 : index
        %get3A_670 = tpu.vector_load %arg6[%get3A_667, %get3A_668, %get3A_669] {strides = array<i32>} : memref<4x104x128xf32, #tpu.memory_space<vmem>>, vector<16xf32>,
        %add3A_671 = arith.addf %add3A_619, %get3A_670 : vector<16xf32>
        %get3A_672 = arith.constant 1 : i32
        %get3A_673 = arith.index_cast %get3A_672 : i32 to index
        %get3A_674 = arith.index_cast %add3A_659 : i32 to index
        %get3A_675 = arith.constant 32 : index
        %get3A_676 = tpu.vector_load %arg6[%get3A_673, %get3A_674, %get3A_675] {strides = array<i32>} : memref<4x104x128xf32, #tpu.memory_space<vmem>>, vector<16xf32>,
        %add3A_677 = arith.addf %add3A_625, %get3A_676 : vector<16xf32>
        %get3A_678 = arith.constant 1 : i32
        %get3A_679 = arith.index_cast %get3A_678 : i32 to index
        %get3A_680 = arith.index_cast %add3A_659 : i32 to index
        %get3A_681 = arith.constant 48 : index
        %get3A_682 = tpu.vector_load %arg6[%get3A_679, %get3A_680, %get3A_681] {strides = array<i32>} : memref<4x104x128xf32, #tpu.memory_space<vmem>>, vector<16xf32>,
        %add3A_683 = arith.addf %add3A_631, %get3A_682 : vector<16xf32>
        %get3A_684 = arith.constant 1 : i32
        %get3A_685 = arith.index_cast %get3A_684 : i32 to index
        %get3A_686 = arith.index_cast %add3A_659 : i32 to index
        %get3A_687 = arith.constant 64 : index
        %get3A_688 = tpu.vector_load %arg6[%get3A_685, %get3A_686, %get3A_687] {strides = array<i32>} : memref<4x104x128xf32, #tpu.memory_space<vmem>>, vector<16xf32>,
        %add3A_689 = arith.addf %add3A_637, %get3A_688 : vector<16xf32>
        %get3A_690 = arith.constant 1 : i32
        %get3A_691 = arith.index_cast %get3A_690 : i32 to index
        %get3A_692 = arith.index_cast %add3A_659 : i32 to index
        %get3A_693 = arith.constant 80 : index
        %get3A_694 = tpu.vector_load %arg6[%get3A_691, %get3A_692, %get3A_693] {strides = array<i32>} : memref<4x104x128xf32, #tpu.memory_space<vmem>>, vector<16xf32>,
        %add3A_695 = arith.addf %add3A_643, %get3A_694 : vector<16xf32>
        %get3A_696 = arith.constant 1 : i32
        %get3A_697 = arith.index_cast %get3A_696 : i32 to index
        %get3A_698 = arith.index_cast %add3A_659 : i32 to index
        %get3A_699 = arith.constant 96 : index
        %get3A_700 = tpu.vector_load %arg6[%get3A_697, %get3A_698, %get3A_699] {strides = array<i32>} : memref<4x104x128xf32, #tpu.memory_space<vmem>>, vector<16xf32>,
        %add3A_701 = arith.addf %add3A_649, %get3A_700 : vector<16xf32>
        %get3A_702 = arith.constant 1 : i32
        %get3A_703 = arith.index_cast %get3A_702 : i32 to index
        %get3A_704 = arith.index_cast %add3A_659 : i32 to index
        %get3A_705 = arith.constant 112 : index
        %get3A_706 = tpu.vector_load %arg6[%get3A_703, %get3A_704, %get3A_705] {strides = array<i32>} : memref<4x104x128xf32, #tpu.memory_space<vmem>>, vector<16xf32>,
        %add3A_707 = arith.addf %add3A_655, %get3A_706 : vector<16xf32>
        %mul3A_708 = arith.constant 10 : i32
        %mul3A_709 = arith.muli %scan3A_216, %mul3A_708 : i32
        %add3A_710 = arith.constant 9 : i32
        %add3A_711 = arith.addi %mul3A_709, %add3A_710 : i32
        %get3A_712 = arith.constant 1 : i32
        %get3A_713 = arith.index_cast %get3A_712 : i32 to index
        %get3A_714 = arith.index_cast %add3A_711 : i32 to index
        %get3A_715 = arith.constant 0 : index
        %get3A_716 = tpu.vector_load %arg6[%get3A_713, %get3A_714, %get3A_715] {strides = array<i32>} : memref<4x104x128xf32, #tpu.memory_space<vmem>>, vector<16xf32>,
        %add3A_717 = arith.addf %add3A_665, %get3A_716 : vector<16xf32>
        %get3A_718 = arith.constant 1 : i32
        %get3A_719 = arith.index_cast %get3A_718 : i32 to index
        %get3A_720 = arith.index_cast %add3A_711 : i32 to index
        %get3A_721 = arith.constant 16 : index
        %get3A_722 = tpu.vector_load %arg6[%get3A_719, %get3A_720, %get3A_721] {strides = array<i32>} : memref<4x104x128xf32, #tpu.memory_space<vmem>>, vector<16xf32>,
        %add3A_723 = arith.addf %add3A_671, %get3A_722 : vector<16xf32>
        %get3A_724 = arith.constant 1 : i32
        %get3A_725 = arith.index_cast %get3A_724 : i32 to index
        %get3A_726 = arith.index_cast %add3A_711 : i32 to index
        %get3A_727 = arith.constant 32 : index
        %get3A_728 = tpu.vector_load %arg6[%get3A_725, %get3A_726, %get3A_727] {strides = array<i32>} : memref<4x104x128xf32, #tpu.memory_space<vmem>>, vector<16xf32>,
        %add3A_729 = arith.addf %add3A_677, %get3A_728 : vector<16xf32>
        %get3A_730 = arith.constant 1 : i32
        %get3A_731 = arith.index_cast %get3A_730 : i32 to index
        %get3A_732 = arith.index_cast %add3A_711 : i32 to index
        %get3A_733 = arith.constant 48 : index
        %get3A_734 = tpu.vector_load %arg6[%get3A_731, %get3A_732, %get3A_733] {strides = array<i32>} : memref<4x104x128xf32, #tpu.memory_space<vmem>>, vector<16xf32>,
        %add3A_735 = arith.addf %add3A_683, %get3A_734 : vector<16xf32>
        %get3A_736 = arith.constant 1 : i32
        %get3A_737 = arith.index_cast %get3A_736 : i32 to index
        %get3A_738 = arith.index_cast %add3A_711 : i32 to index
        %get3A_739 = arith.constant 64 : index
        %get3A_740 = tpu.vector_load %arg6[%get3A_737, %get3A_738, %get3A_739] {strides = array<i32>} : memref<4x104x128xf32, #tpu.memory_space<vmem>>, vector<16xf32>,
        %add3A_741 = arith.addf %add3A_689, %get3A_740 : vector<16xf32>
        %get3A_742 = arith.constant 1 : i32
        %get3A_743 = arith.index_cast %get3A_742 : i32 to index
        %get3A_744 = arith.index_cast %add3A_711 : i32 to index
        %get3A_745 = arith.constant 80 : index
        %get3A_746 = tpu.vector_load %arg6[%get3A_743, %get3A_744, %get3A_745] {strides = array<i32>} : memref<4x104x128xf32, #tpu.memory_space<vmem>>, vector<16xf32>,
        %add3A_747 = arith.addf %add3A_695, %get3A_746 : vector<16xf32>
        %get3A_748 = arith.constant 1 : i32
        %get3A_749 = arith.index_cast %get3A_748 : i32 to index
        %get3A_750 = arith.index_cast %add3A_711 : i32 to index
        %get3A_751 = arith.constant 96 : index
        %get3A_752 = tpu.vector_load %arg6[%get3A_749, %get3A_750, %get3A_751] {strides = array<i32>} : memref<4x104x128xf32, #tpu.memory_space<vmem>>, vector<16xf32>,
        %add3A_753 = arith.addf %add3A_701, %get3A_752 : vector<16xf32>
        %get3A_754 = arith.constant 1 : i32
        %get3A_755 = arith.index_cast %get3A_754 : i32 to index
        %get3A_756 = arith.index_cast %add3A_711 : i32 to index
        %get3A_757 = arith.constant 112 : index
        %get3A_758 = tpu.vector_load %arg6[%get3A_755, %get3A_756, %get3A_757] {strides = array<i32>} : memref<4x104x128xf32, #tpu.memory_space<vmem>>, vector<16xf32>,
        %add3A_759 = arith.addf %add3A_707, %get3A_758 : vector<16xf32>
        %max3A = arith.constant 0.000000e+00 : f32
        %max3A_760 = vector.broadcast %max3A : f32 to vector<16xf32>
        %max3A_761 = arith.maximumf %add3A_717, %max3A_760 : vector<16xf32>
        %add3A_762 = arith.addf %scan3A_217, %max3A_761 : vector<16xf32>
        %max3A_763 = arith.constant 0.000000e+00 : f32
        %max3A_764 = vector.broadcast %max3A_763 : f32 to vector<16xf32>
        %max3A_765 = arith.maximumf %add3A_723, %max3A_764 : vector<16xf32>
        %add3A_766 = arith.addf %scan3A_218, %max3A_765 : vector<16xf32>
        %max3A_767 = arith.constant 0.000000e+00 : f32
        %max3A_768 = vector.broadcast %max3A_767 : f32 to vector<16xf32>
        %max3A_769 = arith.maximumf %add3A_729, %max3A_768 : vector<16xf32>
        %add3A_770 = arith.addf %scan3A_219, %max3A_769 : vector<16xf32>
        %max3A_771 = arith.constant 0.000000e+00 : f32
        %max3A_772 = vector.broadcast %max3A_771 : f32 to vector<16xf32>
        %max3A_773 = arith.maximumf %add3A_735, %max3A_772 : vector<16xf32>
        %add3A_774 = arith.addf %scan3A_220, %max3A_773 : vector<16xf32>
        %max3A_775 = arith.constant 0.000000e+00 : f32
        %max3A_776 = vector.broadcast %max3A_775 : f32 to vector<16xf32>
        %max3A_777 = arith.maximumf %add3A_741, %max3A_776 : vector<16xf32>
        %add3A_778 = arith.addf %scan3A_221, %max3A_777 : vector<16xf32>
        %max3A_779 = arith.constant 0.000000e+00 : f32
        %max3A_780 = vector.broadcast %max3A_779 : f32 to vector<16xf32>
        %max3A_781 = arith.maximumf %add3A_747, %max3A_780 : vector<16xf32>
        %add3A_782 = arith.addf %scan3A_222, %max3A_781 : vector<16xf32>
        %max3A_783 = arith.constant 0.000000e+00 : f32
        %max3A_784 = vector.broadcast %max3A_783 : f32 to vector<16xf32>
        %max3A_785 = arith.maximumf %add3A_753, %max3A_784 : vector<16xf32>
        %add3A_786 = arith.addf %scan3A_223, %max3A_785 : vector<16xf32>
        %max3A_787 = arith.constant 0.000000e+00 : f32
        %max3A_788 = vector.broadcast %max3A_787 : f32 to vector<16xf32>
        %max3A_789 = arith.maximumf %add3A_759, %max3A_788 : vector<16xf32>
        %add3A_790 = arith.addf %scan3A_224, %max3A_789 : vector<16xf32>
        scf.yield %add3A_762, %add3A_766, %add3A_770, %add3A_774, %add3A_778, %add3A_782, %add3A_786, %add3A_790 : vector<16xf32>, vector<16xf32>, vector<16xf32>, vector<16xf32>, vector<16xf32>, vector<16xf32>, vector<16xf32>, vector<16xf32>
      }
      %scan3A_118 = arith.constant 10 : i32
      %swap3A = arith.index_cast %add3A_74 : i32 to index
      %swap3A_119 = arith.constant 0 : index
      %swap3A_120 = tpu.vector_load %arg7[%swap3A, %swap3A_119] {strides = array<i32>} : memref<64x128xf32, #tpu.memory_space<vmem>>, vector<16xf32>,
      tpu.vector_store %arg7[%swap3A, %swap3A_119], %scan3A_117#0 {strides = array<i32>} : memref<64x128xf32, #tpu.memory_space<vmem>>, vector<16xf32>,
      %swap3A_121 = arith.index_cast %add3A_74 : i32 to index
      %swap3A_122 = arith.constant 16 : index
      %swap3A_123 = tpu.vector_load %arg7[%swap3A_121, %swap3A_122] {strides = array<i32>} : memref<64x128xf32, #tpu.memory_space<vmem>>, vector<16xf32>,
      tpu.vector_store %arg7[%swap3A_121, %swap3A_122], %scan3A_117#1 {strides = array<i32>} : memref<64x128xf32, #tpu.memory_space<vmem>>, vector<16xf32>,
      %swap3A_124 = arith.index_cast %add3A_74 : i32 to index
      %swap3A_125 = arith.constant 32 : index
      %swap3A_126 = tpu.vector_load %arg7[%swap3A_124, %swap3A_125] {strides = array<i32>} : memref<64x128xf32, #tpu.memory_space<vmem>>, vector<16xf32>,
      tpu.vector_store %arg7[%swap3A_124, %swap3A_125], %scan3A_117#2 {strides = array<i32>} : memref<64x128xf32, #tpu.memory_space<vmem>>, vector<16xf32>,
      %swap3A_127 = arith.index_cast %add3A_74 : i32 to index
      %swap3A_128 = arith.constant 48 : index
      %swap3A_129 = tpu.vector_load %arg7[%swap3A_127, %swap3A_128] {strides = array<i32>} : memref<64x128xf32, #tpu.memory_space<vmem>>, vector<16xf32>,
      tpu.vector_store %arg7[%swap3A_127, %swap3A_128], %scan3A_117#3 {strides = array<i32>} : memref<64x128xf32, #tpu.memory_space<vmem>>, vector<16xf32>,
      %swap3A_130 = arith.index_cast %add3A_74 : i32 to index
      %swap3A_131 = arith.constant 64 : index
      %swap3A_132 = tpu.vector_load %arg7[%swap3A_130, %swap3A_131] {strides = array<i32>} : memref<64x128xf32, #tpu.memory_space<vmem>>, vector<16xf32>,
      tpu.vector_store %arg7[%swap3A_130, %swap3A_131], %scan3A_117#4 {strides = array<i32>} : memref<64x128xf32, #tpu.memory_space<vmem>>, vector<16xf32>,
      %swap3A_133 = arith.index_cast %add3A_74 : i32 to index
      %swap3A_134 = arith.constant 80 : index
      %swap3A_135 = tpu.vector_load %arg7[%swap3A_133, %swap3A_134] {strides = array<i32>} : memref<64x128xf32, #tpu.memory_space<vmem>>, vector<16xf32>,
      tpu.vector_store %arg7[%swap3A_133, %swap3A_134], %scan3A_117#5 {strides = array<i32>} : memref<64x128xf32, #tpu.memory_space<vmem>>, vector<16xf32>,
      %swap3A_136 = arith.index_cast %add3A_74 : i32 to index
      %swap3A_137 = arith.constant 96 : index
      %swap3A_138 = tpu.vector_load %arg7[%swap3A_136, %swap3A_137] {strides = array<i32>} : memref<64x128xf32, #tpu.memory_space<vmem>>, vector<16xf32>,
      tpu.vector_store %arg7[%swap3A_136, %swap3A_137], %scan3A_117#6 {strides = array<i32>} : memref<64x128xf32, #tpu.memory_space<vmem>>, vector<16xf32>,
      %swap3A_139 = arith.index_cast %add3A_74 : i32 to index
      %swap3A_140 = arith.constant 112 : index
      %swap3A_141 = tpu.vector_load %arg7[%swap3A_139, %swap3A_140] {strides = array<i32>} : memref<64x128xf32, #tpu.memory_space<vmem>>, vector<16xf32>,
      tpu.vector_store %arg7[%swap3A_139, %swap3A_140], %scan3A_117#7 {strides = array<i32>} : memref<64x128xf32, #tpu.memory_space<vmem>>, vector<16xf32>,
      %mul3A_142 = arith.constant 2 : i32
      %mul3A_143 = arith.muli %scan3A_8, %mul3A_142 : i32
      %add3A_144 = arith.constant 1 : i32
      %add3A_145 = arith.addi %mul3A_143, %add3A_144 : i32
      %broadcast_in_dim3A_146 = arith.constant 0.000000e+00 : f32
      %broadcast_in_dim3A_147 = vector.broadcast %broadcast_in_dim3A_146 : f32 to vector<16xf32>
      %broadcast_in_dim3A_148 = arith.constant 0.000000e+00 : f32
      %broadcast_in_dim3A_149 = vector.broadcast %broadcast_in_dim3A_148 : f32 to vector<16xf32>
      %broadcast_in_dim3A_150 = arith.constant 0.000000e+00 : f32
      %broadcast_in_dim3A_151 = vector.broadcast %broadcast_in_dim3A_150 : f32 to vector<16xf32>
      %broadcast_in_dim3A_152 = arith.constant 0.000000e+00 : f32
      %broadcast_in_dim3A_153 = vector.broadcast %broadcast_in_dim3A_152 : f32 to vector<16xf32>
      %broadcast_in_dim3A_154 = arith.constant 0.000000e+00 : f32
      %broadcast_in_dim3A_155 = vector.broadcast %broadcast_in_dim3A_154 : f32 to vector<16xf32>
      %broadcast_in_dim3A_156 = arith.constant 0.000000e+00 : f32
      %broadcast_in_dim3A_157 = vector.broadcast %broadcast_in_dim3A_156 : f32 to vector<16xf32>
      %broadcast_in_dim3A_158 = arith.constant 0.000000e+00 : f32
      %broadcast_in_dim3A_159 = vector.broadcast %broadcast_in_dim3A_158 : f32 to vector<16xf32>
      %broadcast_in_dim3A_160 = arith.constant 0.000000e+00 : f32
      %broadcast_in_dim3A_161 = vector.broadcast %broadcast_in_dim3A_160 : f32 to vector<16xf32>
      %dma_wait3A_162 = arith.constant 2 : i32
      %dma_wait3A_163 = arith.constant 0 : i32
      %dma_wait3A_164 = arith.constant 0 : i32
      %dma_wait3A_165 = tpu.memref_slice %arg6[%dma_wait3A_162, %dma_wait3A_163, %dma_wait3A_164] : memref<4x104x128xf32, #tpu.memory_space<vmem>> -> memref<1x104x128xf32, #tpu.memory_space<vmem>>
      %dma_wait3A_166 = tpu.memref_squeeze %dma_wait3A_165 : memref<1x104x128xf32, #tpu.memory_space<vmem>> -> memref<104x128xf32, #tpu.memory_space<vmem>>
      %dma_wait3A_167 = tpu.memref_slice %arg5[%multiple_of3A_45] : memref<13312xi32, #tpu.memory_space<vmem>> -> memref<104xi32, #tpu.memory_space<vmem>>
      %dma_wait3A_168 = arith.constant 0 : i32
      %dma_wait3A_169 = arith.constant 0 : i32
      %dma_wait3A_170 = tpu.memref_slice %arg2[%dma_wait3A_168, %dma_wait3A_169] : memref<50000x128xf32, #tpu.memory_space<hbm>> -> memref<50000x128xf32, #tpu.memory_space<hbm>>
      tpu.wait_indirect_dma semaphore(%arg10 : memref<!tpu.dma_semaphore, #tpu.memory_space<semaphore_mem>>) src(%dma_wait3A_170 : memref<50000x128xf32, #tpu.memory_space<hbm>>) dst(%dma_wait3A_166 : memref<104x128xf32, #tpu.memory_space<vmem>>)
      %scan3A_171 = arith.constant 0 : i32
      %scan3A_172 = arith.constant 10 : i32
      %scan3A_173 = arith.addi %scan3A_171, %scan3A_172 : i32
      %scan3A_174 = arith.constant 1 : i32
      %scan3A_175:8 = scf.for %scan3A_216 = %scan3A_171 to %scan3A_173 step %scan3A_174 iter_args(%scan3A_217 = %broadcast_in_dim3A_147, %scan3A_218 = %broadcast_in_dim3A_149, %scan3A_219 = %broadcast_in_dim3A_151, %scan3A_220 = %broadcast_in_dim3A_153, %scan3A_221 = %broadcast_in_dim3A_155, %scan3A_222 = %broadcast_in_dim3A_157, %scan3A_223 = %broadcast_in_dim3A_159, %scan3A_224 = %broadcast_in_dim3A_161) -> (vector<16xf32>, vector<16xf32>, vector<16xf32>, vector<16xf32>, vector<16xf32>, vector<16xf32>, vector<16xf32>, vector<16xf32>)  : i32 {
        %broadcast_in_dim3A_225 = arith.constant 0.000000e+00 : f32
        %broadcast_in_dim3A_226 = vector.broadcast %broadcast_in_dim3A_225 : f32 to vector<16xf32>
        %broadcast_in_dim3A_227 = arith.constant 0.000000e+00 : f32
        %broadcast_in_dim3A_228 = vector.broadcast %broadcast_in_dim3A_227 : f32 to vector<16xf32>
        %broadcast_in_dim3A_229 = arith.constant 0.000000e+00 : f32
        %broadcast_in_dim3A_230 = vector.broadcast %broadcast_in_dim3A_229 : f32 to vector<16xf32>
        %broadcast_in_dim3A_231 = arith.constant 0.000000e+00 : f32
        %broadcast_in_dim3A_232 = vector.broadcast %broadcast_in_dim3A_231 : f32 to vector<16xf32>
        %broadcast_in_dim3A_233 = arith.constant 0.000000e+00 : f32
        %broadcast_in_dim3A_234 = vector.broadcast %broadcast_in_dim3A_233 : f32 to vector<16xf32>
        %broadcast_in_dim3A_235 = arith.constant 0.000000e+00 : f32
        %broadcast_in_dim3A_236 = vector.broadcast %broadcast_in_dim3A_235 : f32 to vector<16xf32>
        %broadcast_in_dim3A_237 = arith.constant 0.000000e+00 : f32
        %broadcast_in_dim3A_238 = vector.broadcast %broadcast_in_dim3A_237 : f32 to vector<16xf32>
        %broadcast_in_dim3A_239 = arith.constant 0.000000e+00 : f32
        %broadcast_in_dim3A_240 = vector.broadcast %broadcast_in_dim3A_239 : f32 to vector<16xf32>
        %mul3A_241 = arith.constant 10 : i32
        %mul3A_242 = arith.muli %scan3A_216, %mul3A_241 : i32
        %add3A_243 = arith.constant 0 : i32
        %add3A_244 = arith.addi %mul3A_242, %add3A_243 : i32
        %get3A = arith.constant 2 : i32
        %get3A_245 = arith.index_cast %get3A : i32 to index
        %get3A_246 = arith.index_cast %add3A_244 : i32 to index
        %get3A_247 = arith.constant 0 : index
        %get3A_248 = tpu.vector_load %arg6[%get3A_245, %get3A_246, %get3A_247] {strides = array<i32>} : memref<4x104x128xf32, #tpu.memory_space<vmem>>, vector<16xf32>,
        %add3A_249 = arith.addf %broadcast_in_dim3A_226, %get3A_248 : vector<16xf32>
        %get3A_250 = arith.constant 2 : i32
        %get3A_251 = arith.index_cast %get3A_250 : i32 to index
        %get3A_252 = arith.index_cast %add3A_244 : i32 to index
        %get3A_253 = arith.constant 16 : index
        %get3A_254 = tpu.vector_load %arg6[%get3A_251, %get3A_252, %get3A_253] {strides = array<i32>} : memref<4x104x128xf32, #tpu.memory_space<vmem>>, vector<16xf32>,
        %add3A_255 = arith.addf %broadcast_in_dim3A_228, %get3A_254 : vector<16xf32>
        %get3A_256 = arith.constant 2 : i32
        %get3A_257 = arith.index_cast %get3A_256 : i32 to index
        %get3A_258 = arith.index_cast %add3A_244 : i32 to index
        %get3A_259 = arith.constant 32 : index
        %get3A_260 = tpu.vector_load %arg6[%get3A_257, %get3A_258, %get3A_259] {strides = array<i32>} : memref<4x104x128xf32, #tpu.memory_space<vmem>>, vector<16xf32>,
        %add3A_261 = arith.addf %broadcast_in_dim3A_230, %get3A_260 : vector<16xf32>
        %get3A_262 = arith.constant 2 : i32
        %get3A_263 = arith.index_cast %get3A_262 : i32 to index
        %get3A_264 = arith.index_cast %add3A_244 : i32 to index
        %get3A_265 = arith.constant 48 : index
        %get3A_266 = tpu.vector_load %arg6[%get3A_263, %get3A_264, %get3A_265] {strides = array<i32>} : memref<4x104x128xf32, #tpu.memory_space<vmem>>, vector<16xf32>,
        %add3A_267 = arith.addf %broadcast_in_dim3A_232, %get3A_266 : vector<16xf32>
        %get3A_268 = arith.constant 2 : i32
        %get3A_269 = arith.index_cast %get3A_268 : i32 to index
        %get3A_270 = arith.index_cast %add3A_244 : i32 to index
        %get3A_271 = arith.constant 64 : index
        %get3A_272 = tpu.vector_load %arg6[%get3A_269, %get3A_270, %get3A_271] {strides = array<i32>} : memref<4x104x128xf32, #tpu.memory_space<vmem>>, vector<16xf32>,
        %add3A_273 = arith.addf %broadcast_in_dim3A_234, %get3A_272 : vector<16xf32>
        %get3A_274 = arith.constant 2 : i32
        %get3A_275 = arith.index_cast %get3A_274 : i32 to index
        %get3A_276 = arith.index_cast %add3A_244 : i32 to index
        %get3A_277 = arith.constant 80 : index
        %get3A_278 = tpu.vector_load %arg6[%get3A_275, %get3A_276, %get3A_277] {strides = array<i32>} : memref<4x104x128xf32, #tpu.memory_space<vmem>>, vector<16xf32>,
        %add3A_279 = arith.addf %broadcast_in_dim3A_236, %get3A_278 : vector<16xf32>
        %get3A_280 = arith.constant 2 : i32
        %get3A_281 = arith.index_cast %get3A_280 : i32 to index
        %get3A_282 = arith.index_cast %add3A_244 : i32 to index
        %get3A_283 = arith.constant 96 : index
        %get3A_284 = tpu.vector_load %arg6[%get3A_281, %get3A_282, %get3A_283] {strides = array<i32>} : memref<4x104x128xf32, #tpu.memory_space<vmem>>, vector<16xf32>,
        %add3A_285 = arith.addf %broadcast_in_dim3A_238, %get3A_284 : vector<16xf32>
        %get3A_286 = arith.constant 2 : i32
        %get3A_287 = arith.index_cast %get3A_286 : i32 to index
        %get3A_288 = arith.index_cast %add3A_244 : i32 to index
        %get3A_289 = arith.constant 112 : index
        %get3A_290 = tpu.vector_load %arg6[%get3A_287, %get3A_288, %get3A_289] {strides = array<i32>} : memref<4x104x128xf32, #tpu.memory_space<vmem>>, vector<16xf32>,
        %add3A_291 = arith.addf %broadcast_in_dim3A_240, %get3A_290 : vector<16xf32>
        %mul3A_292 = arith.constant 10 : i32
        %mul3A_293 = arith.muli %scan3A_216, %mul3A_292 : i32
        %add3A_294 = arith.constant 1 : i32
        %add3A_295 = arith.addi %mul3A_293, %add3A_294 : i32
        %get3A_296 = arith.constant 2 : i32
        %get3A_297 = arith.index_cast %get3A_296 : i32 to index
        %get3A_298 = arith.index_cast %add3A_295 : i32 to index
        %get3A_299 = arith.constant 0 : index
        %get3A_300 = tpu.vector_load %arg6[%get3A_297, %get3A_298, %get3A_299] {strides = array<i32>} : memref<4x104x128xf32, #tpu.memory_space<vmem>>, vector<16xf32>,
        %add3A_301 = arith.addf %add3A_249, %get3A_300 : vector<16xf32>
        %get3A_302 = arith.constant 2 : i32
        %get3A_303 = arith.index_cast %get3A_302 : i32 to index
        %get3A_304 = arith.index_cast %add3A_295 : i32 to index
        %get3A_305 = arith.constant 16 : index
        %get3A_306 = tpu.vector_load %arg6[%get3A_303, %get3A_304, %get3A_305] {strides = array<i32>} : memref<4x104x128xf32, #tpu.memory_space<vmem>>, vector<16xf32>,
        %add3A_307 = arith.addf %add3A_255, %get3A_306 : vector<16xf32>
        %get3A_308 = arith.constant 2 : i32
        %get3A_309 = arith.index_cast %get3A_308 : i32 to index
        %get3A_310 = arith.index_cast %add3A_295 : i32 to index
        %get3A_311 = arith.constant 32 : index
        %get3A_312 = tpu.vector_load %arg6[%get3A_309, %get3A_310, %get3A_311] {strides = array<i32>} : memref<4x104x128xf32, #tpu.memory_space<vmem>>, vector<16xf32>,
        %add3A_313 = arith.addf %add3A_261, %get3A_312 : vector<16xf32>
        %get3A_314 = arith.constant 2 : i32
        %get3A_315 = arith.index_cast %get3A_314 : i32 to index
        %get3A_316 = arith.index_cast %add3A_295 : i32 to index
        %get3A_317 = arith.constant 48 : index
        %get3A_318 = tpu.vector_load %arg6[%get3A_315, %get3A_316, %get3A_317] {strides = array<i32>} : memref<4x104x128xf32, #tpu.memory_space<vmem>>, vector<16xf32>,
        %add3A_319 = arith.addf %add3A_267, %get3A_318 : vector<16xf32>
        %get3A_320 = arith.constant 2 : i32
        %get3A_321 = arith.index_cast %get3A_320 : i32 to index
        %get3A_322 = arith.index_cast %add3A_295 : i32 to index
        %get3A_323 = arith.constant 64 : index
        %get3A_324 = tpu.vector_load %arg6[%get3A_321, %get3A_322, %get3A_323] {strides = array<i32>} : memref<4x104x128xf32, #tpu.memory_space<vmem>>, vector<16xf32>,
        %add3A_325 = arith.addf %add3A_273, %get3A_324 : vector<16xf32>
        %get3A_326 = arith.constant 2 : i32
        %get3A_327 = arith.index_cast %get3A_326 : i32 to index
        %get3A_328 = arith.index_cast %add3A_295 : i32 to index
        %get3A_329 = arith.constant 80 : index
        %get3A_330 = tpu.vector_load %arg6[%get3A_327, %get3A_328, %get3A_329] {strides = array<i32>} : memref<4x104x128xf32, #tpu.memory_space<vmem>>, vector<16xf32>,
        %add3A_331 = arith.addf %add3A_279, %get3A_330 : vector<16xf32>
        %get3A_332 = arith.constant 2 : i32
        %get3A_333 = arith.index_cast %get3A_332 : i32 to index
        %get3A_334 = arith.index_cast %add3A_295 : i32 to index
        %get3A_335 = arith.constant 96 : index
        %get3A_336 = tpu.vector_load %arg6[%get3A_333, %get3A_334, %get3A_335] {strides = array<i32>} : memref<4x104x128xf32, #tpu.memory_space<vmem>>, vector<16xf32>,
        %add3A_337 = arith.addf %add3A_285, %get3A_336 : vector<16xf32>
        %get3A_338 = arith.constant 2 : i32
        %get3A_339 = arith.index_cast %get3A_338 : i32 to index
        %get3A_340 = arith.index_cast %add3A_295 : i32 to index
        %get3A_341 = arith.constant 112 : index
        %get3A_342 = tpu.vector_load %arg6[%get3A_339, %get3A_340, %get3A_341] {strides = array<i32>} : memref<4x104x128xf32, #tpu.memory_space<vmem>>, vector<16xf32>,
        %add3A_343 = arith.addf %add3A_291, %get3A_342 : vector<16xf32>
        %mul3A_344 = arith.constant 10 : i32
        %mul3A_345 = arith.muli %scan3A_216, %mul3A_344 : i32
        %add3A_346 = arith.constant 2 : i32
        %add3A_347 = arith.addi %mul3A_345, %add3A_346 : i32
        %get3A_348 = arith.constant 2 : i32
        %get3A_349 = arith.index_cast %get3A_348 : i32 to index
        %get3A_350 = arith.index_cast %add3A_347 : i32 to index
        %get3A_351 = arith.constant 0 : index
        %get3A_352 = tpu.vector_load %arg6[%get3A_349, %get3A_350, %get3A_351] {strides = array<i32>} : memref<4x104x128xf32, #tpu.memory_space<vmem>>, vector<16xf32>,
        %add3A_353 = arith.addf %add3A_301, %get3A_352 : vector<16xf32>
        %get3A_354 = arith.constant 2 : i32
        %get3A_355 = arith.index_cast %get3A_354 : i32 to index
        %get3A_356 = arith.index_cast %add3A_347 : i32 to index
        %get3A_357 = arith.constant 16 : index
        %get3A_358 = tpu.vector_load %arg6[%get3A_355, %get3A_356, %get3A_357] {strides = array<i32>} : memref<4x104x128xf32, #tpu.memory_space<vmem>>, vector<16xf32>,
        %add3A_359 = arith.addf %add3A_307, %get3A_358 : vector<16xf32>
        %get3A_360 = arith.constant 2 : i32
        %get3A_361 = arith.index_cast %get3A_360 : i32 to index
        %get3A_362 = arith.index_cast %add3A_347 : i32 to index
        %get3A_363 = arith.constant 32 : index
        %get3A_364 = tpu.vector_load %arg6[%get3A_361, %get3A_362, %get3A_363] {strides = array<i32>} : memref<4x104x128xf32, #tpu.memory_space<vmem>>, vector<16xf32>,
        %add3A_365 = arith.addf %add3A_313, %get3A_364 : vector<16xf32>
        %get3A_366 = arith.constant 2 : i32
        %get3A_367 = arith.index_cast %get3A_366 : i32 to index
        %get3A_368 = arith.index_cast %add3A_347 : i32 to index
        %get3A_369 = arith.constant 48 : index
        %get3A_370 = tpu.vector_load %arg6[%get3A_367, %get3A_368, %get3A_369] {strides = array<i32>} : memref<4x104x128xf32, #tpu.memory_space<vmem>>, vector<16xf32>,
        %add3A_371 = arith.addf %add3A_319, %get3A_370 : vector<16xf32>
        %get3A_372 = arith.constant 2 : i32
        %get3A_373 = arith.index_cast %get3A_372 : i32 to index
        %get3A_374 = arith.index_cast %add3A_347 : i32 to index
        %get3A_375 = arith.constant 64 : index
        %get3A_376 = tpu.vector_load %arg6[%get3A_373, %get3A_374, %get3A_375] {strides = array<i32>} : memref<4x104x128xf32, #tpu.memory_space<vmem>>, vector<16xf32>,
        %add3A_377 = arith.addf %add3A_325, %get3A_376 : vector<16xf32>
        %get3A_378 = arith.constant 2 : i32
        %get3A_379 = arith.index_cast %get3A_378 : i32 to index
        %get3A_380 = arith.index_cast %add3A_347 : i32 to index
        %get3A_381 = arith.constant 80 : index
        %get3A_382 = tpu.vector_load %arg6[%get3A_379, %get3A_380, %get3A_381] {strides = array<i32>} : memref<4x104x128xf32, #tpu.memory_space<vmem>>, vector<16xf32>,
        %add3A_383 = arith.addf %add3A_331, %get3A_382 : vector<16xf32>
        %get3A_384 = arith.constant 2 : i32
        %get3A_385 = arith.index_cast %get3A_384 : i32 to index
        %get3A_386 = arith.index_cast %add3A_347 : i32 to index
        %get3A_387 = arith.constant 96 : index
        %get3A_388 = tpu.vector_load %arg6[%get3A_385, %get3A_386, %get3A_387] {strides = array<i32>} : memref<4x104x128xf32, #tpu.memory_space<vmem>>, vector<16xf32>,
        %add3A_389 = arith.addf %add3A_337, %get3A_388 : vector<16xf32>
        %get3A_390 = arith.constant 2 : i32
        %get3A_391 = arith.index_cast %get3A_390 : i32 to index
        %get3A_392 = arith.index_cast %add3A_347 : i32 to index
        %get3A_393 = arith.constant 112 : index
        %get3A_394 = tpu.vector_load %arg6[%get3A_391, %get3A_392, %get3A_393] {strides = array<i32>} : memref<4x104x128xf32, #tpu.memory_space<vmem>>, vector<16xf32>,
        %add3A_395 = arith.addf %add3A_343, %get3A_394 : vector<16xf32>
        %mul3A_396 = arith.constant 10 : i32
        %mul3A_397 = arith.muli %scan3A_216, %mul3A_396 : i32
        %add3A_398 = arith.constant 3 : i32
        %add3A_399 = arith.addi %mul3A_397, %add3A_398 : i32
        %get3A_400 = arith.constant 2 : i32
        %get3A_401 = arith.index_cast %get3A_400 : i32 to index
        %get3A_402 = arith.index_cast %add3A_399 : i32 to index
        %get3A_403 = arith.constant 0 : index
        %get3A_404 = tpu.vector_load %arg6[%get3A_401, %get3A_402, %get3A_403] {strides = array<i32>} : memref<4x104x128xf32, #tpu.memory_space<vmem>>, vector<16xf32>,
        %add3A_405 = arith.addf %add3A_353, %get3A_404 : vector<16xf32>
        %get3A_406 = arith.constant 2 : i32
        %get3A_407 = arith.index_cast %get3A_406 : i32 to index
        %get3A_408 = arith.index_cast %add3A_399 : i32 to index
        %get3A_409 = arith.constant 16 : index
        %get3A_410 = tpu.vector_load %arg6[%get3A_407, %get3A_408, %get3A_409] {strides = array<i32>} : memref<4x104x128xf32, #tpu.memory_space<vmem>>, vector<16xf32>,
        %add3A_411 = arith.addf %add3A_359, %get3A_410 : vector<16xf32>
        %get3A_412 = arith.constant 2 : i32
        %get3A_413 = arith.index_cast %get3A_412 : i32 to index
        %get3A_414 = arith.index_cast %add3A_399 : i32 to index
        %get3A_415 = arith.constant 32 : index
        %get3A_416 = tpu.vector_load %arg6[%get3A_413, %get3A_414, %get3A_415] {strides = array<i32>} : memref<4x104x128xf32, #tpu.memory_space<vmem>>, vector<16xf32>,
        %add3A_417 = arith.addf %add3A_365, %get3A_416 : vector<16xf32>
        %get3A_418 = arith.constant 2 : i32
        %get3A_419 = arith.index_cast %get3A_418 : i32 to index
        %get3A_420 = arith.index_cast %add3A_399 : i32 to index
        %get3A_421 = arith.constant 48 : index
        %get3A_422 = tpu.vector_load %arg6[%get3A_419, %get3A_420, %get3A_421] {strides = array<i32>} : memref<4x104x128xf32, #tpu.memory_space<vmem>>, vector<16xf32>,
        %add3A_423 = arith.addf %add3A_371, %get3A_422 : vector<16xf32>
        %get3A_424 = arith.constant 2 : i32
        %get3A_425 = arith.index_cast %get3A_424 : i32 to index
        %get3A_426 = arith.index_cast %add3A_399 : i32 to index
        %get3A_427 = arith.constant 64 : index
        %get3A_428 = tpu.vector_load %arg6[%get3A_425, %get3A_426, %get3A_427] {strides = array<i32>} : memref<4x104x128xf32, #tpu.memory_space<vmem>>, vector<16xf32>,
        %add3A_429 = arith.addf %add3A_377, %get3A_428 : vector<16xf32>
        %get3A_430 = arith.constant 2 : i32
        %get3A_431 = arith.index_cast %get3A_430 : i32 to index
        %get3A_432 = arith.index_cast %add3A_399 : i32 to index
        %get3A_433 = arith.constant 80 : index
        %get3A_434 = tpu.vector_load %arg6[%get3A_431, %get3A_432, %get3A_433] {strides = array<i32>} : memref<4x104x128xf32, #tpu.memory_space<vmem>>, vector<16xf32>,
        %add3A_435 = arith.addf %add3A_383, %get3A_434 : vector<16xf32>
        %get3A_436 = arith.constant 2 : i32
        %get3A_437 = arith.index_cast %get3A_436 : i32 to index
        %get3A_438 = arith.index_cast %add3A_399 : i32 to index
        %get3A_439 = arith.constant 96 : index
        %get3A_440 = tpu.vector_load %arg6[%get3A_437, %get3A_438, %get3A_439] {strides = array<i32>} : memref<4x104x128xf32, #tpu.memory_space<vmem>>, vector<16xf32>,
        %add3A_441 = arith.addf %add3A_389, %get3A_440 : vector<16xf32>
        %get3A_442 = arith.constant 2 : i32
        %get3A_443 = arith.index_cast %get3A_442 : i32 to index
        %get3A_444 = arith.index_cast %add3A_399 : i32 to index
        %get3A_445 = arith.constant 112 : index
        %get3A_446 = tpu.vector_load %arg6[%get3A_443, %get3A_444, %get3A_445] {strides = array<i32>} : memref<4x104x128xf32, #tpu.memory_space<vmem>>, vector<16xf32>,
        %add3A_447 = arith.addf %add3A_395, %get3A_446 : vector<16xf32>
        %mul3A_448 = arith.constant 10 : i32
        %mul3A_449 = arith.muli %scan3A_216, %mul3A_448 : i32
        %add3A_450 = arith.constant 4 : i32
        %add3A_451 = arith.addi %mul3A_449, %add3A_450 : i32
        %get3A_452 = arith.constant 2 : i32
        %get3A_453 = arith.index_cast %get3A_452 : i32 to index
        %get3A_454 = arith.index_cast %add3A_451 : i32 to index
        %get3A_455 = arith.constant 0 : index
        %get3A_456 = tpu.vector_load %arg6[%get3A_453, %get3A_454, %get3A_455] {strides = array<i32>} : memref<4x104x128xf32, #tpu.memory_space<vmem>>, vector<16xf32>,
        %add3A_457 = arith.addf %add3A_405, %get3A_456 : vector<16xf32>
        %get3A_458 = arith.constant 2 : i32
        %get3A_459 = arith.index_cast %get3A_458 : i32 to index
        %get3A_460 = arith.index_cast %add3A_451 : i32 to index
        %get3A_461 = arith.constant 16 : index
        %get3A_462 = tpu.vector_load %arg6[%get3A_459, %get3A_460, %get3A_461] {strides = array<i32>} : memref<4x104x128xf32, #tpu.memory_space<vmem>>, vector<16xf32>,
        %add3A_463 = arith.addf %add3A_411, %get3A_462 : vector<16xf32>
        %get3A_464 = arith.constant 2 : i32
        %get3A_465 = arith.index_cast %get3A_464 : i32 to index
        %get3A_466 = arith.index_cast %add3A_451 : i32 to index
        %get3A_467 = arith.constant 32 : index
        %get3A_468 = tpu.vector_load %arg6[%get3A_465, %get3A_466, %get3A_467] {strides = array<i32>} : memref<4x104x128xf32, #tpu.memory_space<vmem>>, vector<16xf32>,
        %add3A_469 = arith.addf %add3A_417, %get3A_468 : vector<16xf32>
        %get3A_470 = arith.constant 2 : i32
        %get3A_471 = arith.index_cast %get3A_470 : i32 to index
        %get3A_472 = arith.index_cast %add3A_451 : i32 to index
        %get3A_473 = arith.constant 48 : index
        %get3A_474 = tpu.vector_load %arg6[%get3A_471, %get3A_472, %get3A_473] {strides = array<i32>} : memref<4x104x128xf32, #tpu.memory_space<vmem>>, vector<16xf32>,
        %add3A_475 = arith.addf %add3A_423, %get3A_474 : vector<16xf32>
        %get3A_476 = arith.constant 2 : i32
        %get3A_477 = arith.index_cast %get3A_476 : i32 to index
        %get3A_478 = arith.index_cast %add3A_451 : i32 to index
        %get3A_479 = arith.constant 64 : index
        %get3A_480 = tpu.vector_load %arg6[%get3A_477, %get3A_478, %get3A_479] {strides = array<i32>} : memref<4x104x128xf32, #tpu.memory_space<vmem>>, vector<16xf32>,
        %add3A_481 = arith.addf %add3A_429, %get3A_480 : vector<16xf32>
        %get3A_482 = arith.constant 2 : i32
        %get3A_483 = arith.index_cast %get3A_482 : i32 to index
        %get3A_484 = arith.index_cast %add3A_451 : i32 to index
        %get3A_485 = arith.constant 80 : index
        %get3A_486 = tpu.vector_load %arg6[%get3A_483, %get3A_484, %get3A_485] {strides = array<i32>} : memref<4x104x128xf32, #tpu.memory_space<vmem>>, vector<16xf32>,
        %add3A_487 = arith.addf %add3A_435, %get3A_486 : vector<16xf32>
        %get3A_488 = arith.constant 2 : i32
        %get3A_489 = arith.index_cast %get3A_488 : i32 to index
        %get3A_490 = arith.index_cast %add3A_451 : i32 to index
        %get3A_491 = arith.constant 96 : index
        %get3A_492 = tpu.vector_load %arg6[%get3A_489, %get3A_490, %get3A_491] {strides = array<i32>} : memref<4x104x128xf32, #tpu.memory_space<vmem>>, vector<16xf32>,
        %add3A_493 = arith.addf %add3A_441, %get3A_492 : vector<16xf32>
        %get3A_494 = arith.constant 2 : i32
        %get3A_495 = arith.index_cast %get3A_494 : i32 to index
        %get3A_496 = arith.index_cast %add3A_451 : i32 to index
        %get3A_497 = arith.constant 112 : index
        %get3A_498 = tpu.vector_load %arg6[%get3A_495, %get3A_496, %get3A_497] {strides = array<i32>} : memref<4x104x128xf32, #tpu.memory_space<vmem>>, vector<16xf32>,
        %add3A_499 = arith.addf %add3A_447, %get3A_498 : vector<16xf32>
        %mul3A_500 = arith.constant 10 : i32
        %mul3A_501 = arith.muli %scan3A_216, %mul3A_500 : i32
        %add3A_502 = arith.constant 5 : i32
        %add3A_503 = arith.addi %mul3A_501, %add3A_502 : i32
        %get3A_504 = arith.constant 2 : i32
        %get3A_505 = arith.index_cast %get3A_504 : i32 to index
        %get3A_506 = arith.index_cast %add3A_503 : i32 to index
        %get3A_507 = arith.constant 0 : index
        %get3A_508 = tpu.vector_load %arg6[%get3A_505, %get3A_506, %get3A_507] {strides = array<i32>} : memref<4x104x128xf32, #tpu.memory_space<vmem>>, vector<16xf32>,
        %add3A_509 = arith.addf %add3A_457, %get3A_508 : vector<16xf32>
        %get3A_510 = arith.constant 2 : i32
        %get3A_511 = arith.index_cast %get3A_510 : i32 to index
        %get3A_512 = arith.index_cast %add3A_503 : i32 to index
        %get3A_513 = arith.constant 16 : index
        %get3A_514 = tpu.vector_load %arg6[%get3A_511, %get3A_512, %get3A_513] {strides = array<i32>} : memref<4x104x128xf32, #tpu.memory_space<vmem>>, vector<16xf32>,
        %add3A_515 = arith.addf %add3A_463, %get3A_514 : vector<16xf32>
        %get3A_516 = arith.constant 2 : i32
        %get3A_517 = arith.index_cast %get3A_516 : i32 to index
        %get3A_518 = arith.index_cast %add3A_503 : i32 to index
        %get3A_519 = arith.constant 32 : index
        %get3A_520 = tpu.vector_load %arg6[%get3A_517, %get3A_518, %get3A_519] {strides = array<i32>} : memref<4x104x128xf32, #tpu.memory_space<vmem>>, vector<16xf32>,
        %add3A_521 = arith.addf %add3A_469, %get3A_520 : vector<16xf32>
        %get3A_522 = arith.constant 2 : i32
        %get3A_523 = arith.index_cast %get3A_522 : i32 to index
        %get3A_524 = arith.index_cast %add3A_503 : i32 to index
        %get3A_525 = arith.constant 48 : index
        %get3A_526 = tpu.vector_load %arg6[%get3A_523, %get3A_524, %get3A_525] {strides = array<i32>} : memref<4x104x128xf32, #tpu.memory_space<vmem>>, vector<16xf32>,
        %add3A_527 = arith.addf %add3A_475, %get3A_526 : vector<16xf32>
        %get3A_528 = arith.constant 2 : i32
        %get3A_529 = arith.index_cast %get3A_528 : i32 to index
        %get3A_530 = arith.index_cast %add3A_503 : i32 to index
        %get3A_531 = arith.constant 64 : index
        %get3A_532 = tpu.vector_load %arg6[%get3A_529, %get3A_530, %get3A_531] {strides = array<i32>} : memref<4x104x128xf32, #tpu.memory_space<vmem>>, vector<16xf32>,
        %add3A_533 = arith.addf %add3A_481, %get3A_532 : vector<16xf32>
        %get3A_534 = arith.constant 2 : i32
        %get3A_535 = arith.index_cast %get3A_534 : i32 to index
        %get3A_536 = arith.index_cast %add3A_503 : i32 to index
        %get3A_537 = arith.constant 80 : index
        %get3A_538 = tpu.vector_load %arg6[%get3A_535, %get3A_536, %get3A_537] {strides = array<i32>} : memref<4x104x128xf32, #tpu.memory_space<vmem>>, vector<16xf32>,
        %add3A_539 = arith.addf %add3A_487, %get3A_538 : vector<16xf32>
        %get3A_540 = arith.constant 2 : i32
        %get3A_541 = arith.index_cast %get3A_540 : i32 to index
        %get3A_542 = arith.index_cast %add3A_503 : i32 to index
        %get3A_543 = arith.constant 96 : index
        %get3A_544 = tpu.vector_load %arg6[%get3A_541, %get3A_542, %get3A_543] {strides = array<i32>} : memref<4x104x128xf32, #tpu.memory_space<vmem>>, vector<16xf32>,
        %add3A_545 = arith.addf %add3A_493, %get3A_544 : vector<16xf32>
        %get3A_546 = arith.constant 2 : i32
        %get3A_547 = arith.index_cast %get3A_546 : i32 to index
        %get3A_548 = arith.index_cast %add3A_503 : i32 to index
        %get3A_549 = arith.constant 112 : index
        %get3A_550 = tpu.vector_load %arg6[%get3A_547, %get3A_548, %get3A_549] {strides = array<i32>} : memref<4x104x128xf32, #tpu.memory_space<vmem>>, vector<16xf32>,
        %add3A_551 = arith.addf %add3A_499, %get3A_550 : vector<16xf32>
        %mul3A_552 = arith.constant 10 : i32
        %mul3A_553 = arith.muli %scan3A_216, %mul3A_552 : i32
        %add3A_554 = arith.constant 6 : i32
        %add3A_555 = arith.addi %mul3A_553, %add3A_554 : i32
        %get3A_556 = arith.constant 2 : i32
        %get3A_557 = arith.index_cast %get3A_556 : i32 to index
        %get3A_558 = arith.index_cast %add3A_555 : i32 to index
        %get3A_559 = arith.constant 0 : index
        %get3A_560 = tpu.vector_load %arg6[%get3A_557, %get3A_558, %get3A_559] {strides = array<i32>} : memref<4x104x128xf32, #tpu.memory_space<vmem>>, vector<16xf32>,
        %add3A_561 = arith.addf %add3A_509, %get3A_560 : vector<16xf32>
        %get3A_562 = arith.constant 2 : i32
        %get3A_563 = arith.index_cast %get3A_562 : i32 to index
        %get3A_564 = arith.index_cast %add3A_555 : i32 to index
        %get3A_565 = arith.constant 16 : index
        %get3A_566 = tpu.vector_load %arg6[%get3A_563, %get3A_564, %get3A_565] {strides = array<i32>} : memref<4x104x128xf32, #tpu.memory_space<vmem>>, vector<16xf32>,
        %add3A_567 = arith.addf %add3A_515, %get3A_566 : vector<16xf32>
        %get3A_568 = arith.constant 2 : i32
        %get3A_569 = arith.index_cast %get3A_568 : i32 to index
        %get3A_570 = arith.index_cast %add3A_555 : i32 to index
        %get3A_571 = arith.constant 32 : index
        %get3A_572 = tpu.vector_load %arg6[%get3A_569, %get3A_570, %get3A_571] {strides = array<i32>} : memref<4x104x128xf32, #tpu.memory_space<vmem>>, vector<16xf32>,
        %add3A_573 = arith.addf %add3A_521, %get3A_572 : vector<16xf32>
        %get3A_574 = arith.constant 2 : i32
        %get3A_575 = arith.index_cast %get3A_574 : i32 to index
        %get3A_576 = arith.index_cast %add3A_555 : i32 to index
        %get3A_577 = arith.constant 48 : index
        %get3A_578 = tpu.vector_load %arg6[%get3A_575, %get3A_576, %get3A_577] {strides = array<i32>} : memref<4x104x128xf32, #tpu.memory_space<vmem>>, vector<16xf32>,
        %add3A_579 = arith.addf %add3A_527, %get3A_578 : vector<16xf32>
        %get3A_580 = arith.constant 2 : i32
        %get3A_581 = arith.index_cast %get3A_580 : i32 to index
        %get3A_582 = arith.index_cast %add3A_555 : i32 to index
        %get3A_583 = arith.constant 64 : index
        %get3A_584 = tpu.vector_load %arg6[%get3A_581, %get3A_582, %get3A_583] {strides = array<i32>} : memref<4x104x128xf32, #tpu.memory_space<vmem>>, vector<16xf32>,
        %add3A_585 = arith.addf %add3A_533, %get3A_584 : vector<16xf32>
        %get3A_586 = arith.constant 2 : i32
        %get3A_587 = arith.index_cast %get3A_586 : i32 to index
        %get3A_588 = arith.index_cast %add3A_555 : i32 to index
        %get3A_589 = arith.constant 80 : index
        %get3A_590 = tpu.vector_load %arg6[%get3A_587, %get3A_588, %get3A_589] {strides = array<i32>} : memref<4x104x128xf32, #tpu.memory_space<vmem>>, vector<16xf32>,
        %add3A_591 = arith.addf %add3A_539, %get3A_590 : vector<16xf32>
        %get3A_592 = arith.constant 2 : i32
        %get3A_593 = arith.index_cast %get3A_592 : i32 to index
        %get3A_594 = arith.index_cast %add3A_555 : i32 to index
        %get3A_595 = arith.constant 96 : index
        %get3A_596 = tpu.vector_load %arg6[%get3A_593, %get3A_594, %get3A_595] {strides = array<i32>} : memref<4x104x128xf32, #tpu.memory_space<vmem>>, vector<16xf32>,
        %add3A_597 = arith.addf %add3A_545, %get3A_596 : vector<16xf32>
        %get3A_598 = arith.constant 2 : i32
        %get3A_599 = arith.index_cast %get3A_598 : i32 to index
        %get3A_600 = arith.index_cast %add3A_555 : i32 to index
        %get3A_601 = arith.constant 112 : index
        %get3A_602 = tpu.vector_load %arg6[%get3A_599, %get3A_600, %get3A_601] {strides = array<i32>} : memref<4x104x128xf32, #tpu.memory_space<vmem>>, vector<16xf32>,
        %add3A_603 = arith.addf %add3A_551, %get3A_602 : vector<16xf32>
        %mul3A_604 = arith.constant 10 : i32
        %mul3A_605 = arith.muli %scan3A_216, %mul3A_604 : i32
        %add3A_606 = arith.constant 7 : i32
        %add3A_607 = arith.addi %mul3A_605, %add3A_606 : i32
        %get3A_608 = arith.constant 2 : i32
        %get3A_609 = arith.index_cast %get3A_608 : i32 to index
        %get3A_610 = arith.index_cast %add3A_607 : i32 to index
        %get3A_611 = arith.constant 0 : index
        %get3A_612 = tpu.vector_load %arg6[%get3A_609, %get3A_610, %get3A_611] {strides = array<i32>} : memref<4x104x128xf32, #tpu.memory_space<vmem>>, vector<16xf32>,
        %add3A_613 = arith.addf %add3A_561, %get3A_612 : vector<16xf32>
        %get3A_614 = arith.constant 2 : i32
        %get3A_615 = arith.index_cast %get3A_614 : i32 to index
        %get3A_616 = arith.index_cast %add3A_607 : i32 to index
        %get3A_617 = arith.constant 16 : index
        %get3A_618 = tpu.vector_load %arg6[%get3A_615, %get3A_616, %get3A_617] {strides = array<i32>} : memref<4x104x128xf32, #tpu.memory_space<vmem>>, vector<16xf32>,
        %add3A_619 = arith.addf %add3A_567, %get3A_618 : vector<16xf32>
        %get3A_620 = arith.constant 2 : i32
        %get3A_621 = arith.index_cast %get3A_620 : i32 to index
        %get3A_622 = arith.index_cast %add3A_607 : i32 to index
        %get3A_623 = arith.constant 32 : index
        %get3A_624 = tpu.vector_load %arg6[%get3A_621, %get3A_622, %get3A_623] {strides = array<i32>} : memref<4x104x128xf32, #tpu.memory_space<vmem>>, vector<16xf32>,
        %add3A_625 = arith.addf %add3A_573, %get3A_624 : vector<16xf32>
        %get3A_626 = arith.constant 2 : i32
        %get3A_627 = arith.index_cast %get3A_626 : i32 to index
        %get3A_628 = arith.index_cast %add3A_607 : i32 to index
        %get3A_629 = arith.constant 48 : index
        %get3A_630 = tpu.vector_load %arg6[%get3A_627, %get3A_628, %get3A_629] {strides = array<i32>} : memref<4x104x128xf32, #tpu.memory_space<vmem>>, vector<16xf32>,
        %add3A_631 = arith.addf %add3A_579, %get3A_630 : vector<16xf32>
        %get3A_632 = arith.constant 2 : i32
        %get3A_633 = arith.index_cast %get3A_632 : i32 to index
        %get3A_634 = arith.index_cast %add3A_607 : i32 to index
        %get3A_635 = arith.constant 64 : index
        %get3A_636 = tpu.vector_load %arg6[%get3A_633, %get3A_634, %get3A_635] {strides = array<i32>} : memref<4x104x128xf32, #tpu.memory_space<vmem>>, vector<16xf32>,
        %add3A_637 = arith.addf %add3A_585, %get3A_636 : vector<16xf32>
        %get3A_638 = arith.constant 2 : i32
        %get3A_639 = arith.index_cast %get3A_638 : i32 to index
        %get3A_640 = arith.index_cast %add3A_607 : i32 to index
        %get3A_641 = arith.constant 80 : index
        %get3A_642 = tpu.vector_load %arg6[%get3A_639, %get3A_640, %get3A_641] {strides = array<i32>} : memref<4x104x128xf32, #tpu.memory_space<vmem>>, vector<16xf32>,
        %add3A_643 = arith.addf %add3A_591, %get3A_642 : vector<16xf32>
        %get3A_644 = arith.constant 2 : i32
        %get3A_645 = arith.index_cast %get3A_644 : i32 to index
        %get3A_646 = arith.index_cast %add3A_607 : i32 to index
        %get3A_647 = arith.constant 96 : index
        %get3A_648 = tpu.vector_load %arg6[%get3A_645, %get3A_646, %get3A_647] {strides = array<i32>} : memref<4x104x128xf32, #tpu.memory_space<vmem>>, vector<16xf32>,
        %add3A_649 = arith.addf %add3A_597, %get3A_648 : vector<16xf32>
        %get3A_650 = arith.constant 2 : i32
        %get3A_651 = arith.index_cast %get3A_650 : i32 to index
        %get3A_652 = arith.index_cast %add3A_607 : i32 to index
        %get3A_653 = arith.constant 112 : index
        %get3A_654 = tpu.vector_load %arg6[%get3A_651, %get3A_652, %get3A_653] {strides = array<i32>} : memref<4x104x128xf32, #tpu.memory_space<vmem>>, vector<16xf32>,
        %add3A_655 = arith.addf %add3A_603, %get3A_654 : vector<16xf32>
        %mul3A_656 = arith.constant 10 : i32
        %mul3A_657 = arith.muli %scan3A_216, %mul3A_656 : i32
        %add3A_658 = arith.constant 8 : i32
        %add3A_659 = arith.addi %mul3A_657, %add3A_658 : i32
        %get3A_660 = arith.constant 2 : i32
        %get3A_661 = arith.index_cast %get3A_660 : i32 to index
        %get3A_662 = arith.index_cast %add3A_659 : i32 to index
        %get3A_663 = arith.constant 0 : index
        %get3A_664 = tpu.vector_load %arg6[%get3A_661, %get3A_662, %get3A_663] {strides = array<i32>} : memref<4x104x128xf32, #tpu.memory_space<vmem>>, vector<16xf32>,
        %add3A_665 = arith.addf %add3A_613, %get3A_664 : vector<16xf32>
        %get3A_666 = arith.constant 2 : i32
        %get3A_667 = arith.index_cast %get3A_666 : i32 to index
        %get3A_668 = arith.index_cast %add3A_659 : i32 to index
        %get3A_669 = arith.constant 16 : index
        %get3A_670 = tpu.vector_load %arg6[%get3A_667, %get3A_668, %get3A_669] {strides = array<i32>} : memref<4x104x128xf32, #tpu.memory_space<vmem>>, vector<16xf32>,
        %add3A_671 = arith.addf %add3A_619, %get3A_670 : vector<16xf32>
        %get3A_672 = arith.constant 2 : i32
        %get3A_673 = arith.index_cast %get3A_672 : i32 to index
        %get3A_674 = arith.index_cast %add3A_659 : i32 to index
        %get3A_675 = arith.constant 32 : index
        %get3A_676 = tpu.vector_load %arg6[%get3A_673, %get3A_674, %get3A_675] {strides = array<i32>} : memref<4x104x128xf32, #tpu.memory_space<vmem>>, vector<16xf32>,
        %add3A_677 = arith.addf %add3A_625, %get3A_676 : vector<16xf32>
        %get3A_678 = arith.constant 2 : i32
        %get3A_679 = arith.index_cast %get3A_678 : i32 to index
        %get3A_680 = arith.index_cast %add3A_659 : i32 to index
        %get3A_681 = arith.constant 48 : index
        %get3A_682 = tpu.vector_load %arg6[%get3A_679, %get3A_680, %get3A_681] {strides = array<i32>} : memref<4x104x128xf32, #tpu.memory_space<vmem>>, vector<16xf32>,
        %add3A_683 = arith.addf %add3A_631, %get3A_682 : vector<16xf32>
        %get3A_684 = arith.constant 2 : i32
        %get3A_685 = arith.index_cast %get3A_684 : i32 to index
        %get3A_686 = arith.index_cast %add3A_659 : i32 to index
        %get3A_687 = arith.constant 64 : index
        %get3A_688 = tpu.vector_load %arg6[%get3A_685, %get3A_686, %get3A_687] {strides = array<i32>} : memref<4x104x128xf32, #tpu.memory_space<vmem>>, vector<16xf32>,
        %add3A_689 = arith.addf %add3A_637, %get3A_688 : vector<16xf32>
        %get3A_690 = arith.constant 2 : i32
        %get3A_691 = arith.index_cast %get3A_690 : i32 to index
        %get3A_692 = arith.index_cast %add3A_659 : i32 to index
        %get3A_693 = arith.constant 80 : index
        %get3A_694 = tpu.vector_load %arg6[%get3A_691, %get3A_692, %get3A_693] {strides = array<i32>} : memref<4x104x128xf32, #tpu.memory_space<vmem>>, vector<16xf32>,
        %add3A_695 = arith.addf %add3A_643, %get3A_694 : vector<16xf32>
        %get3A_696 = arith.constant 2 : i32
        %get3A_697 = arith.index_cast %get3A_696 : i32 to index
        %get3A_698 = arith.index_cast %add3A_659 : i32 to index
        %get3A_699 = arith.constant 96 : index
        %get3A_700 = tpu.vector_load %arg6[%get3A_697, %get3A_698, %get3A_699] {strides = array<i32>} : memref<4x104x128xf32, #tpu.memory_space<vmem>>, vector<16xf32>,
        %add3A_701 = arith.addf %add3A_649, %get3A_700 : vector<16xf32>
        %get3A_702 = arith.constant 2 : i32
        %get3A_703 = arith.index_cast %get3A_702 : i32 to index
        %get3A_704 = arith.index_cast %add3A_659 : i32 to index
        %get3A_705 = arith.constant 112 : index
        %get3A_706 = tpu.vector_load %arg6[%get3A_703, %get3A_704, %get3A_705] {strides = array<i32>} : memref<4x104x128xf32, #tpu.memory_space<vmem>>, vector<16xf32>,
        %add3A_707 = arith.addf %add3A_655, %get3A_706 : vector<16xf32>
        %mul3A_708 = arith.constant 10 : i32
        %mul3A_709 = arith.muli %scan3A_216, %mul3A_708 : i32
        %add3A_710 = arith.constant 9 : i32
        %add3A_711 = arith.addi %mul3A_709, %add3A_710 : i32
        %get3A_712 = arith.constant 2 : i32
        %get3A_713 = arith.index_cast %get3A_712 : i32 to index
        %get3A_714 = arith.index_cast %add3A_711 : i32 to index
        %get3A_715 = arith.constant 0 : index
        %get3A_716 = tpu.vector_load %arg6[%get3A_713, %get3A_714, %get3A_715] {strides = array<i32>} : memref<4x104x128xf32, #tpu.memory_space<vmem>>, vector<16xf32>,
        %add3A_717 = arith.addf %add3A_665, %get3A_716 : vector<16xf32>
        %get3A_718 = arith.constant 2 : i32
        %get3A_719 = arith.index_cast %get3A_718 : i32 to index
        %get3A_720 = arith.index_cast %add3A_711 : i32 to index
        %get3A_721 = arith.constant 16 : index
        %get3A_722 = tpu.vector_load %arg6[%get3A_719, %get3A_720, %get3A_721] {strides = array<i32>} : memref<4x104x128xf32, #tpu.memory_space<vmem>>, vector<16xf32>,
        %add3A_723 = arith.addf %add3A_671, %get3A_722 : vector<16xf32>
        %get3A_724 = arith.constant 2 : i32
        %get3A_725 = arith.index_cast %get3A_724 : i32 to index
        %get3A_726 = arith.index_cast %add3A_711 : i32 to index
        %get3A_727 = arith.constant 32 : index
        %get3A_728 = tpu.vector_load %arg6[%get3A_725, %get3A_726, %get3A_727] {strides = array<i32>} : memref<4x104x128xf32, #tpu.memory_space<vmem>>, vector<16xf32>,
        %add3A_729 = arith.addf %add3A_677, %get3A_728 : vector<16xf32>
        %get3A_730 = arith.constant 2 : i32
        %get3A_731 = arith.index_cast %get3A_730 : i32 to index
        %get3A_732 = arith.index_cast %add3A_711 : i32 to index
        %get3A_733 = arith.constant 48 : index
        %get3A_734 = tpu.vector_load %arg6[%get3A_731, %get3A_732, %get3A_733] {strides = array<i32>} : memref<4x104x128xf32, #tpu.memory_space<vmem>>, vector<16xf32>,
        %add3A_735 = arith.addf %add3A_683, %get3A_734 : vector<16xf32>
        %get3A_736 = arith.constant 2 : i32
        %get3A_737 = arith.index_cast %get3A_736 : i32 to index
        %get3A_738 = arith.index_cast %add3A_711 : i32 to index
        %get3A_739 = arith.constant 64 : index
        %get3A_740 = tpu.vector_load %arg6[%get3A_737, %get3A_738, %get3A_739] {strides = array<i32>} : memref<4x104x128xf32, #tpu.memory_space<vmem>>, vector<16xf32>,
        %add3A_741 = arith.addf %add3A_689, %get3A_740 : vector<16xf32>
        %get3A_742 = arith.constant 2 : i32
        %get3A_743 = arith.index_cast %get3A_742 : i32 to index
        %get3A_744 = arith.index_cast %add3A_711 : i32 to index
        %get3A_745 = arith.constant 80 : index
        %get3A_746 = tpu.vector_load %arg6[%get3A_743, %get3A_744, %get3A_745] {strides = array<i32>} : memref<4x104x128xf32, #tpu.memory_space<vmem>>, vector<16xf32>,
        %add3A_747 = arith.addf %add3A_695, %get3A_746 : vector<16xf32>
        %get3A_748 = arith.constant 2 : i32
        %get3A_749 = arith.index_cast %get3A_748 : i32 to index
        %get3A_750 = arith.index_cast %add3A_711 : i32 to index
        %get3A_751 = arith.constant 96 : index
        %get3A_752 = tpu.vector_load %arg6[%get3A_749, %get3A_750, %get3A_751] {strides = array<i32>} : memref<4x104x128xf32, #tpu.memory_space<vmem>>, vector<16xf32>,
        %add3A_753 = arith.addf %add3A_701, %get3A_752 : vector<16xf32>
        %get3A_754 = arith.constant 2 : i32
        %get3A_755 = arith.index_cast %get3A_754 : i32 to index
        %get3A_756 = arith.index_cast %add3A_711 : i32 to index
        %get3A_757 = arith.constant 112 : index
        %get3A_758 = tpu.vector_load %arg6[%get3A_755, %get3A_756, %get3A_757] {strides = array<i32>} : memref<4x104x128xf32, #tpu.memory_space<vmem>>, vector<16xf32>,
        %add3A_759 = arith.addf %add3A_707, %get3A_758 : vector<16xf32>
        %max3A = arith.constant 0.000000e+00 : f32
        %max3A_760 = vector.broadcast %max3A : f32 to vector<16xf32>
        %max3A_761 = arith.maximumf %add3A_717, %max3A_760 : vector<16xf32>
        %add3A_762 = arith.addf %scan3A_217, %max3A_761 : vector<16xf32>
        %max3A_763 = arith.constant 0.000000e+00 : f32
        %max3A_764 = vector.broadcast %max3A_763 : f32 to vector<16xf32>
        %max3A_765 = arith.maximumf %add3A_723, %max3A_764 : vector<16xf32>
        %add3A_766 = arith.addf %scan3A_218, %max3A_765 : vector<16xf32>
        %max3A_767 = arith.constant 0.000000e+00 : f32
        %max3A_768 = vector.broadcast %max3A_767 : f32 to vector<16xf32>
        %max3A_769 = arith.maximumf %add3A_729, %max3A_768 : vector<16xf32>
        %add3A_770 = arith.addf %scan3A_219, %max3A_769 : vector<16xf32>
        %max3A_771 = arith.constant 0.000000e+00 : f32
        %max3A_772 = vector.broadcast %max3A_771 : f32 to vector<16xf32>
        %max3A_773 = arith.maximumf %add3A_735, %max3A_772 : vector<16xf32>
        %add3A_774 = arith.addf %scan3A_220, %max3A_773 : vector<16xf32>
        %max3A_775 = arith.constant 0.000000e+00 : f32
        %max3A_776 = vector.broadcast %max3A_775 : f32 to vector<16xf32>
        %max3A_777 = arith.maximumf %add3A_741, %max3A_776 : vector<16xf32>
        %add3A_778 = arith.addf %scan3A_221, %max3A_777 : vector<16xf32>
        %max3A_779 = arith.constant 0.000000e+00 : f32
        %max3A_780 = vector.broadcast %max3A_779 : f32 to vector<16xf32>
        %max3A_781 = arith.maximumf %add3A_747, %max3A_780 : vector<16xf32>
        %add3A_782 = arith.addf %scan3A_222, %max3A_781 : vector<16xf32>
        %max3A_783 = arith.constant 0.000000e+00 : f32
        %max3A_784 = vector.broadcast %max3A_783 : f32 to vector<16xf32>
        %max3A_785 = arith.maximumf %add3A_753, %max3A_784 : vector<16xf32>
        %add3A_786 = arith.addf %scan3A_223, %max3A_785 : vector<16xf32>
        %max3A_787 = arith.constant 0.000000e+00 : f32
        %max3A_788 = vector.broadcast %max3A_787 : f32 to vector<16xf32>
        %max3A_789 = arith.maximumf %add3A_759, %max3A_788 : vector<16xf32>
        %add3A_790 = arith.addf %scan3A_224, %max3A_789 : vector<16xf32>
        scf.yield %add3A_762, %add3A_766, %add3A_770, %add3A_774, %add3A_778, %add3A_782, %add3A_786, %add3A_790 : vector<16xf32>, vector<16xf32>, vector<16xf32>, vector<16xf32>, vector<16xf32>, vector<16xf32>, vector<16xf32>, vector<16xf32>
      }
      %scan3A_176 = arith.constant 10 : i32
      %dma_wait3A_177 = arith.constant 3 : i32
      %dma_wait3A_178 = arith.constant 0 : i32
      %dma_wait3A_179 = arith.constant 0 : i32
      %dma_wait3A_180 = tpu.memref_slice %arg6[%dma_wait3A_177, %dma_wait3A_178, %dma_wait3A_179] : memref<4x104x128xf32, #tpu.memory_space<vmem>> -> memref<1x104x128xf32, #tpu.memory_space<vmem>>
      %dma_wait3A_181 = tpu.memref_squeeze %dma_wait3A_180 : memref<1x104x128xf32, #tpu.memory_space<vmem>> -> memref<104x128xf32, #tpu.memory_space<vmem>>
      %dma_wait3A_182 = tpu.memref_slice %arg5[%multiple_of3A_61] : memref<13312xi32, #tpu.memory_space<vmem>> -> memref<104xi32, #tpu.memory_space<vmem>>
      %dma_wait3A_183 = arith.constant 0 : i32
      %dma_wait3A_184 = arith.constant 0 : i32
      %dma_wait3A_185 = tpu.memref_slice %arg2[%dma_wait3A_183, %dma_wait3A_184] : memref<50000x128xf32, #tpu.memory_space<hbm>> -> memref<50000x128xf32, #tpu.memory_space<hbm>>
      tpu.wait_indirect_dma semaphore(%arg11 : memref<!tpu.dma_semaphore, #tpu.memory_space<semaphore_mem>>) src(%dma_wait3A_185 : memref<50000x128xf32, #tpu.memory_space<hbm>>) dst(%dma_wait3A_181 : memref<104x128xf32, #tpu.memory_space<vmem>>)
      %scan3A_186 = arith.constant 0 : i32
      %scan3A_187 = arith.constant 10 : i32
      %scan3A_188 = arith.addi %scan3A_186, %scan3A_187 : i32
      %scan3A_189 = arith.constant 1 : i32
      %scan3A_190:8 = scf.for %scan3A_216 = %scan3A_186 to %scan3A_188 step %scan3A_189 iter_args(%scan3A_217 = %scan3A_175#0, %scan3A_218 = %scan3A_175#1, %scan3A_219 = %scan3A_175#2, %scan3A_220 = %scan3A_175#3, %scan3A_221 = %scan3A_175#4, %scan3A_222 = %scan3A_175#5, %scan3A_223 = %scan3A_175#6, %scan3A_224 = %scan3A_175#7) -> (vector<16xf32>, vector<16xf32>, vector<16xf32>, vector<16xf32>, vector<16xf32>, vector<16xf32>, vector<16xf32>, vector<16xf32>)  : i32 {
        %broadcast_in_dim3A_225 = arith.constant 0.000000e+00 : f32
        %broadcast_in_dim3A_226 = vector.broadcast %broadcast_in_dim3A_225 : f32 to vector<16xf32>
        %broadcast_in_dim3A_227 = arith.constant 0.000000e+00 : f32
        %broadcast_in_dim3A_228 = vector.broadcast %broadcast_in_dim3A_227 : f32 to vector<16xf32>
        %broadcast_in_dim3A_229 = arith.constant 0.000000e+00 : f32
        %broadcast_in_dim3A_230 = vector.broadcast %broadcast_in_dim3A_229 : f32 to vector<16xf32>
        %broadcast_in_dim3A_231 = arith.constant 0.000000e+00 : f32
        %broadcast_in_dim3A_232 = vector.broadcast %broadcast_in_dim3A_231 : f32 to vector<16xf32>
        %broadcast_in_dim3A_233 = arith.constant 0.000000e+00 : f32
        %broadcast_in_dim3A_234 = vector.broadcast %broadcast_in_dim3A_233 : f32 to vector<16xf32>
        %broadcast_in_dim3A_235 = arith.constant 0.000000e+00 : f32
        %broadcast_in_dim3A_236 = vector.broadcast %broadcast_in_dim3A_235 : f32 to vector<16xf32>
        %broadcast_in_dim3A_237 = arith.constant 0.000000e+00 : f32
        %broadcast_in_dim3A_238 = vector.broadcast %broadcast_in_dim3A_237 : f32 to vector<16xf32>
        %broadcast_in_dim3A_239 = arith.constant 0.000000e+00 : f32
        %broadcast_in_dim3A_240 = vector.broadcast %broadcast_in_dim3A_239 : f32 to vector<16xf32>
        %mul3A_241 = arith.constant 10 : i32
        %mul3A_242 = arith.muli %scan3A_216, %mul3A_241 : i32
        %add3A_243 = arith.constant 0 : i32
        %add3A_244 = arith.addi %mul3A_242, %add3A_243 : i32
        %get3A = arith.constant 3 : i32
        %get3A_245 = arith.index_cast %get3A : i32 to index
        %get3A_246 = arith.index_cast %add3A_244 : i32 to index
        %get3A_247 = arith.constant 0 : index
        %get3A_248 = tpu.vector_load %arg6[%get3A_245, %get3A_246, %get3A_247] {strides = array<i32>} : memref<4x104x128xf32, #tpu.memory_space<vmem>>, vector<16xf32>,
        %add3A_249 = arith.addf %broadcast_in_dim3A_226, %get3A_248 : vector<16xf32>
        %get3A_250 = arith.constant 3 : i32
        %get3A_251 = arith.index_cast %get3A_250 : i32 to index
        %get3A_252 = arith.index_cast %add3A_244 : i32 to index
        %get3A_253 = arith.constant 16 : index
        %get3A_254 = tpu.vector_load %arg6[%get3A_251, %get3A_252, %get3A_253] {strides = array<i32>} : memref<4x104x128xf32, #tpu.memory_space<vmem>>, vector<16xf32>,
        %add3A_255 = arith.addf %broadcast_in_dim3A_228, %get3A_254 : vector<16xf32>
        %get3A_256 = arith.constant 3 : i32
        %get3A_257 = arith.index_cast %get3A_256 : i32 to index
        %get3A_258 = arith.index_cast %add3A_244 : i32 to index
        %get3A_259 = arith.constant 32 : index
        %get3A_260 = tpu.vector_load %arg6[%get3A_257, %get3A_258, %get3A_259] {strides = array<i32>} : memref<4x104x128xf32, #tpu.memory_space<vmem>>, vector<16xf32>,
        %add3A_261 = arith.addf %broadcast_in_dim3A_230, %get3A_260 : vector<16xf32>
        %get3A_262 = arith.constant 3 : i32
        %get3A_263 = arith.index_cast %get3A_262 : i32 to index
        %get3A_264 = arith.index_cast %add3A_244 : i32 to index
        %get3A_265 = arith.constant 48 : index
        %get3A_266 = tpu.vector_load %arg6[%get3A_263, %get3A_264, %get3A_265] {strides = array<i32>} : memref<4x104x128xf32, #tpu.memory_space<vmem>>, vector<16xf32>,
        %add3A_267 = arith.addf %broadcast_in_dim3A_232, %get3A_266 : vector<16xf32>
        %get3A_268 = arith.constant 3 : i32
        %get3A_269 = arith.index_cast %get3A_268 : i32 to index
        %get3A_270 = arith.index_cast %add3A_244 : i32 to index
        %get3A_271 = arith.constant 64 : index
        %get3A_272 = tpu.vector_load %arg6[%get3A_269, %get3A_270, %get3A_271] {strides = array<i32>} : memref<4x104x128xf32, #tpu.memory_space<vmem>>, vector<16xf32>,
        %add3A_273 = arith.addf %broadcast_in_dim3A_234, %get3A_272 : vector<16xf32>
        %get3A_274 = arith.constant 3 : i32
        %get3A_275 = arith.index_cast %get3A_274 : i32 to index
        %get3A_276 = arith.index_cast %add3A_244 : i32 to index
        %get3A_277 = arith.constant 80 : index
        %get3A_278 = tpu.vector_load %arg6[%get3A_275, %get3A_276, %get3A_277] {strides = array<i32>} : memref<4x104x128xf32, #tpu.memory_space<vmem>>, vector<16xf32>,
        %add3A_279 = arith.addf %broadcast_in_dim3A_236, %get3A_278 : vector<16xf32>
        %get3A_280 = arith.constant 3 : i32
        %get3A_281 = arith.index_cast %get3A_280 : i32 to index
        %get3A_282 = arith.index_cast %add3A_244 : i32 to index
        %get3A_283 = arith.constant 96 : index
        %get3A_284 = tpu.vector_load %arg6[%get3A_281, %get3A_282, %get3A_283] {strides = array<i32>} : memref<4x104x128xf32, #tpu.memory_space<vmem>>, vector<16xf32>,
        %add3A_285 = arith.addf %broadcast_in_dim3A_238, %get3A_284 : vector<16xf32>
        %get3A_286 = arith.constant 3 : i32
        %get3A_287 = arith.index_cast %get3A_286 : i32 to index
        %get3A_288 = arith.index_cast %add3A_244 : i32 to index
        %get3A_289 = arith.constant 112 : index
        %get3A_290 = tpu.vector_load %arg6[%get3A_287, %get3A_288, %get3A_289] {strides = array<i32>} : memref<4x104x128xf32, #tpu.memory_space<vmem>>, vector<16xf32>,
        %add3A_291 = arith.addf %broadcast_in_dim3A_240, %get3A_290 : vector<16xf32>
        %mul3A_292 = arith.constant 10 : i32
        %mul3A_293 = arith.muli %scan3A_216, %mul3A_292 : i32
        %add3A_294 = arith.constant 1 : i32
        %add3A_295 = arith.addi %mul3A_293, %add3A_294 : i32
        %get3A_296 = arith.constant 3 : i32
        %get3A_297 = arith.index_cast %get3A_296 : i32 to index
        %get3A_298 = arith.index_cast %add3A_295 : i32 to index
        %get3A_299 = arith.constant 0 : index
        %get3A_300 = tpu.vector_load %arg6[%get3A_297, %get3A_298, %get3A_299] {strides = array<i32>} : memref<4x104x128xf32, #tpu.memory_space<vmem>>, vector<16xf32>,
        %add3A_301 = arith.addf %add3A_249, %get3A_300 : vector<16xf32>
        %get3A_302 = arith.constant 3 : i32
        %get3A_303 = arith.index_cast %get3A_302 : i32 to index
        %get3A_304 = arith.index_cast %add3A_295 : i32 to index
        %get3A_305 = arith.constant 16 : index
        %get3A_306 = tpu.vector_load %arg6[%get3A_303, %get3A_304, %get3A_305] {strides = array<i32>} : memref<4x104x128xf32, #tpu.memory_space<vmem>>, vector<16xf32>,
        %add3A_307 = arith.addf %add3A_255, %get3A_306 : vector<16xf32>
        %get3A_308 = arith.constant 3 : i32
        %get3A_309 = arith.index_cast %get3A_308 : i32 to index
        %get3A_310 = arith.index_cast %add3A_295 : i32 to index
        %get3A_311 = arith.constant 32 : index
        %get3A_312 = tpu.vector_load %arg6[%get3A_309, %get3A_310, %get3A_311] {strides = array<i32>} : memref<4x104x128xf32, #tpu.memory_space<vmem>>, vector<16xf32>,
        %add3A_313 = arith.addf %add3A_261, %get3A_312 : vector<16xf32>
        %get3A_314 = arith.constant 3 : i32
        %get3A_315 = arith.index_cast %get3A_314 : i32 to index
        %get3A_316 = arith.index_cast %add3A_295 : i32 to index
        %get3A_317 = arith.constant 48 : index
        %get3A_318 = tpu.vector_load %arg6[%get3A_315, %get3A_316, %get3A_317] {strides = array<i32>} : memref<4x104x128xf32, #tpu.memory_space<vmem>>, vector<16xf32>,
        %add3A_319 = arith.addf %add3A_267, %get3A_318 : vector<16xf32>
        %get3A_320 = arith.constant 3 : i32
        %get3A_321 = arith.index_cast %get3A_320 : i32 to index
        %get3A_322 = arith.index_cast %add3A_295 : i32 to index
        %get3A_323 = arith.constant 64 : index
        %get3A_324 = tpu.vector_load %arg6[%get3A_321, %get3A_322, %get3A_323] {strides = array<i32>} : memref<4x104x128xf32, #tpu.memory_space<vmem>>, vector<16xf32>,
        %add3A_325 = arith.addf %add3A_273, %get3A_324 : vector<16xf32>
        %get3A_326 = arith.constant 3 : i32
        %get3A_327 = arith.index_cast %get3A_326 : i32 to index
        %get3A_328 = arith.index_cast %add3A_295 : i32 to index
        %get3A_329 = arith.constant 80 : index
        %get3A_330 = tpu.vector_load %arg6[%get3A_327, %get3A_328, %get3A_329] {strides = array<i32>} : memref<4x104x128xf32, #tpu.memory_space<vmem>>, vector<16xf32>,
        %add3A_331 = arith.addf %add3A_279, %get3A_330 : vector<16xf32>
        %get3A_332 = arith.constant 3 : i32
        %get3A_333 = arith.index_cast %get3A_332 : i32 to index
        %get3A_334 = arith.index_cast %add3A_295 : i32 to index
        %get3A_335 = arith.constant 96 : index
        %get3A_336 = tpu.vector_load %arg6[%get3A_333, %get3A_334, %get3A_335] {strides = array<i32>} : memref<4x104x128xf32, #tpu.memory_space<vmem>>, vector<16xf32>,
        %add3A_337 = arith.addf %add3A_285, %get3A_336 : vector<16xf32>
        %get3A_338 = arith.constant 3 : i32
        %get3A_339 = arith.index_cast %get3A_338 : i32 to index
        %get3A_340 = arith.index_cast %add3A_295 : i32 to index
        %get3A_341 = arith.constant 112 : index
        %get3A_342 = tpu.vector_load %arg6[%get3A_339, %get3A_340, %get3A_341] {strides = array<i32>} : memref<4x104x128xf32, #tpu.memory_space<vmem>>, vector<16xf32>,
        %add3A_343 = arith.addf %add3A_291, %get3A_342 : vector<16xf32>
        %mul3A_344 = arith.constant 10 : i32
        %mul3A_345 = arith.muli %scan3A_216, %mul3A_344 : i32
        %add3A_346 = arith.constant 2 : i32
        %add3A_347 = arith.addi %mul3A_345, %add3A_346 : i32
        %get3A_348 = arith.constant 3 : i32
        %get3A_349 = arith.index_cast %get3A_348 : i32 to index
        %get3A_350 = arith.index_cast %add3A_347 : i32 to index
        %get3A_351 = arith.constant 0 : index
        %get3A_352 = tpu.vector_load %arg6[%get3A_349, %get3A_350, %get3A_351] {strides = array<i32>} : memref<4x104x128xf32, #tpu.memory_space<vmem>>, vector<16xf32>,
        %add3A_353 = arith.addf %add3A_301, %get3A_352 : vector<16xf32>
        %get3A_354 = arith.constant 3 : i32
        %get3A_355 = arith.index_cast %get3A_354 : i32 to index
        %get3A_356 = arith.index_cast %add3A_347 : i32 to index
        %get3A_357 = arith.constant 16 : index
        %get3A_358 = tpu.vector_load %arg6[%get3A_355, %get3A_356, %get3A_357] {strides = array<i32>} : memref<4x104x128xf32, #tpu.memory_space<vmem>>, vector<16xf32>,
        %add3A_359 = arith.addf %add3A_307, %get3A_358 : vector<16xf32>
        %get3A_360 = arith.constant 3 : i32
        %get3A_361 = arith.index_cast %get3A_360 : i32 to index
        %get3A_362 = arith.index_cast %add3A_347 : i32 to index
        %get3A_363 = arith.constant 32 : index
        %get3A_364 = tpu.vector_load %arg6[%get3A_361, %get3A_362, %get3A_363] {strides = array<i32>} : memref<4x104x128xf32, #tpu.memory_space<vmem>>, vector<16xf32>,
        %add3A_365 = arith.addf %add3A_313, %get3A_364 : vector<16xf32>
        %get3A_366 = arith.constant 3 : i32
        %get3A_367 = arith.index_cast %get3A_366 : i32 to index
        %get3A_368 = arith.index_cast %add3A_347 : i32 to index
        %get3A_369 = arith.constant 48 : index
        %get3A_370 = tpu.vector_load %arg6[%get3A_367, %get3A_368, %get3A_369] {strides = array<i32>} : memref<4x104x128xf32, #tpu.memory_space<vmem>>, vector<16xf32>,
        %add3A_371 = arith.addf %add3A_319, %get3A_370 : vector<16xf32>
        %get3A_372 = arith.constant 3 : i32
        %get3A_373 = arith.index_cast %get3A_372 : i32 to index
        %get3A_374 = arith.index_cast %add3A_347 : i32 to index
        %get3A_375 = arith.constant 64 : index
        %get3A_376 = tpu.vector_load %arg6[%get3A_373, %get3A_374, %get3A_375] {strides = array<i32>} : memref<4x104x128xf32, #tpu.memory_space<vmem>>, vector<16xf32>,
        %add3A_377 = arith.addf %add3A_325, %get3A_376 : vector<16xf32>
        %get3A_378 = arith.constant 3 : i32
        %get3A_379 = arith.index_cast %get3A_378 : i32 to index
        %get3A_380 = arith.index_cast %add3A_347 : i32 to index
        %get3A_381 = arith.constant 80 : index
        %get3A_382 = tpu.vector_load %arg6[%get3A_379, %get3A_380, %get3A_381] {strides = array<i32>} : memref<4x104x128xf32, #tpu.memory_space<vmem>>, vector<16xf32>,
        %add3A_383 = arith.addf %add3A_331, %get3A_382 : vector<16xf32>
        %get3A_384 = arith.constant 3 : i32
        %get3A_385 = arith.index_cast %get3A_384 : i32 to index
        %get3A_386 = arith.index_cast %add3A_347 : i32 to index
        %get3A_387 = arith.constant 96 : index
        %get3A_388 = tpu.vector_load %arg6[%get3A_385, %get3A_386, %get3A_387] {strides = array<i32>} : memref<4x104x128xf32, #tpu.memory_space<vmem>>, vector<16xf32>,
        %add3A_389 = arith.addf %add3A_337, %get3A_388 : vector<16xf32>
        %get3A_390 = arith.constant 3 : i32
        %get3A_391 = arith.index_cast %get3A_390 : i32 to index
        %get3A_392 = arith.index_cast %add3A_347 : i32 to index
        %get3A_393 = arith.constant 112 : index
        %get3A_394 = tpu.vector_load %arg6[%get3A_391, %get3A_392, %get3A_393] {strides = array<i32>} : memref<4x104x128xf32, #tpu.memory_space<vmem>>, vector<16xf32>,
        %add3A_395 = arith.addf %add3A_343, %get3A_394 : vector<16xf32>
        %mul3A_396 = arith.constant 10 : i32
        %mul3A_397 = arith.muli %scan3A_216, %mul3A_396 : i32
        %add3A_398 = arith.constant 3 : i32
        %add3A_399 = arith.addi %mul3A_397, %add3A_398 : i32
        %get3A_400 = arith.constant 3 : i32
        %get3A_401 = arith.index_cast %get3A_400 : i32 to index
        %get3A_402 = arith.index_cast %add3A_399 : i32 to index
        %get3A_403 = arith.constant 0 : index
        %get3A_404 = tpu.vector_load %arg6[%get3A_401, %get3A_402, %get3A_403] {strides = array<i32>} : memref<4x104x128xf32, #tpu.memory_space<vmem>>, vector<16xf32>,
        %add3A_405 = arith.addf %add3A_353, %get3A_404 : vector<16xf32>
        %get3A_406 = arith.constant 3 : i32
        %get3A_407 = arith.index_cast %get3A_406 : i32 to index
        %get3A_408 = arith.index_cast %add3A_399 : i32 to index
        %get3A_409 = arith.constant 16 : index
        %get3A_410 = tpu.vector_load %arg6[%get3A_407, %get3A_408, %get3A_409] {strides = array<i32>} : memref<4x104x128xf32, #tpu.memory_space<vmem>>, vector<16xf32>,
        %add3A_411 = arith.addf %add3A_359, %get3A_410 : vector<16xf32>
        %get3A_412 = arith.constant 3 : i32
        %get3A_413 = arith.index_cast %get3A_412 : i32 to index
        %get3A_414 = arith.index_cast %add3A_399 : i32 to index
        %get3A_415 = arith.constant 32 : index
        %get3A_416 = tpu.vector_load %arg6[%get3A_413, %get3A_414, %get3A_415] {strides = array<i32>} : memref<4x104x128xf32, #tpu.memory_space<vmem>>, vector<16xf32>,
        %add3A_417 = arith.addf %add3A_365, %get3A_416 : vector<16xf32>
        %get3A_418 = arith.constant 3 : i32
        %get3A_419 = arith.index_cast %get3A_418 : i32 to index
        %get3A_420 = arith.index_cast %add3A_399 : i32 to index
        %get3A_421 = arith.constant 48 : index
        %get3A_422 = tpu.vector_load %arg6[%get3A_419, %get3A_420, %get3A_421] {strides = array<i32>} : memref<4x104x128xf32, #tpu.memory_space<vmem>>, vector<16xf32>,
        %add3A_423 = arith.addf %add3A_371, %get3A_422 : vector<16xf32>
        %get3A_424 = arith.constant 3 : i32
        %get3A_425 = arith.index_cast %get3A_424 : i32 to index
        %get3A_426 = arith.index_cast %add3A_399 : i32 to index
        %get3A_427 = arith.constant 64 : index
        %get3A_428 = tpu.vector_load %arg6[%get3A_425, %get3A_426, %get3A_427] {strides = array<i32>} : memref<4x104x128xf32, #tpu.memory_space<vmem>>, vector<16xf32>,
        %add3A_429 = arith.addf %add3A_377, %get3A_428 : vector<16xf32>
        %get3A_430 = arith.constant 3 : i32
        %get3A_431 = arith.index_cast %get3A_430 : i32 to index
        %get3A_432 = arith.index_cast %add3A_399 : i32 to index
        %get3A_433 = arith.constant 80 : index
        %get3A_434 = tpu.vector_load %arg6[%get3A_431, %get3A_432, %get3A_433] {strides = array<i32>} : memref<4x104x128xf32, #tpu.memory_space<vmem>>, vector<16xf32>,
        %add3A_435 = arith.addf %add3A_383, %get3A_434 : vector<16xf32>
        %get3A_436 = arith.constant 3 : i32
        %get3A_437 = arith.index_cast %get3A_436 : i32 to index
        %get3A_438 = arith.index_cast %add3A_399 : i32 to index
        %get3A_439 = arith.constant 96 : index
        %get3A_440 = tpu.vector_load %arg6[%get3A_437, %get3A_438, %get3A_439] {strides = array<i32>} : memref<4x104x128xf32, #tpu.memory_space<vmem>>, vector<16xf32>,
        %add3A_441 = arith.addf %add3A_389, %get3A_440 : vector<16xf32>
        %get3A_442 = arith.constant 3 : i32
        %get3A_443 = arith.index_cast %get3A_442 : i32 to index
        %get3A_444 = arith.index_cast %add3A_399 : i32 to index
        %get3A_445 = arith.constant 112 : index
        %get3A_446 = tpu.vector_load %arg6[%get3A_443, %get3A_444, %get3A_445] {strides = array<i32>} : memref<4x104x128xf32, #tpu.memory_space<vmem>>, vector<16xf32>,
        %add3A_447 = arith.addf %add3A_395, %get3A_446 : vector<16xf32>
        %mul3A_448 = arith.constant 10 : i32
        %mul3A_449 = arith.muli %scan3A_216, %mul3A_448 : i32
        %add3A_450 = arith.constant 4 : i32
        %add3A_451 = arith.addi %mul3A_449, %add3A_450 : i32
        %get3A_452 = arith.constant 3 : i32
        %get3A_453 = arith.index_cast %get3A_452 : i32 to index
        %get3A_454 = arith.index_cast %add3A_451 : i32 to index
        %get3A_455 = arith.constant 0 : index
        %get3A_456 = tpu.vector_load %arg6[%get3A_453, %get3A_454, %get3A_455] {strides = array<i32>} : memref<4x104x128xf32, #tpu.memory_space<vmem>>, vector<16xf32>,
        %add3A_457 = arith.addf %add3A_405, %get3A_456 : vector<16xf32>
        %get3A_458 = arith.constant 3 : i32
        %get3A_459 = arith.index_cast %get3A_458 : i32 to index
        %get3A_460 = arith.index_cast %add3A_451 : i32 to index
        %get3A_461 = arith.constant 16 : index
        %get3A_462 = tpu.vector_load %arg6[%get3A_459, %get3A_460, %get3A_461] {strides = array<i32>} : memref<4x104x128xf32, #tpu.memory_space<vmem>>, vector<16xf32>,
        %add3A_463 = arith.addf %add3A_411, %get3A_462 : vector<16xf32>
        %get3A_464 = arith.constant 3 : i32
        %get3A_465 = arith.index_cast %get3A_464 : i32 to index
        %get3A_466 = arith.index_cast %add3A_451 : i32 to index
        %get3A_467 = arith.constant 32 : index
        %get3A_468 = tpu.vector_load %arg6[%get3A_465, %get3A_466, %get3A_467] {strides = array<i32>} : memref<4x104x128xf32, #tpu.memory_space<vmem>>, vector<16xf32>,
        %add3A_469 = arith.addf %add3A_417, %get3A_468 : vector<16xf32>
        %get3A_470 = arith.constant 3 : i32
        %get3A_471 = arith.index_cast %get3A_470 : i32 to index
        %get3A_472 = arith.index_cast %add3A_451 : i32 to index
        %get3A_473 = arith.constant 48 : index
        %get3A_474 = tpu.vector_load %arg6[%get3A_471, %get3A_472, %get3A_473] {strides = array<i32>} : memref<4x104x128xf32, #tpu.memory_space<vmem>>, vector<16xf32>,
        %add3A_475 = arith.addf %add3A_423, %get3A_474 : vector<16xf32>
        %get3A_476 = arith.constant 3 : i32
        %get3A_477 = arith.index_cast %get3A_476 : i32 to index
        %get3A_478 = arith.index_cast %add3A_451 : i32 to index
        %get3A_479 = arith.constant 64 : index
        %get3A_480 = tpu.vector_load %arg6[%get3A_477, %get3A_478, %get3A_479] {strides = array<i32>} : memref<4x104x128xf32, #tpu.memory_space<vmem>>, vector<16xf32>,
        %add3A_481 = arith.addf %add3A_429, %get3A_480 : vector<16xf32>
        %get3A_482 = arith.constant 3 : i32
        %get3A_483 = arith.index_cast %get3A_482 : i32 to index
        %get3A_484 = arith.index_cast %add3A_451 : i32 to index
        %get3A_485 = arith.constant 80 : index
        %get3A_486 = tpu.vector_load %arg6[%get3A_483, %get3A_484, %get3A_485] {strides = array<i32>} : memref<4x104x128xf32, #tpu.memory_space<vmem>>, vector<16xf32>,
        %add3A_487 = arith.addf %add3A_435, %get3A_486 : vector<16xf32>
        %get3A_488 = arith.constant 3 : i32
        %get3A_489 = arith.index_cast %get3A_488 : i32 to index
        %get3A_490 = arith.index_cast %add3A_451 : i32 to index
        %get3A_491 = arith.constant 96 : index
        %get3A_492 = tpu.vector_load %arg6[%get3A_489, %get3A_490, %get3A_491] {strides = array<i32>} : memref<4x104x128xf32, #tpu.memory_space<vmem>>, vector<16xf32>,
        %add3A_493 = arith.addf %add3A_441, %get3A_492 : vector<16xf32>
        %get3A_494 = arith.constant 3 : i32
        %get3A_495 = arith.index_cast %get3A_494 : i32 to index
        %get3A_496 = arith.index_cast %add3A_451 : i32 to index
        %get3A_497 = arith.constant 112 : index
        %get3A_498 = tpu.vector_load %arg6[%get3A_495, %get3A_496, %get3A_497] {strides = array<i32>} : memref<4x104x128xf32, #tpu.memory_space<vmem>>, vector<16xf32>,
        %add3A_499 = arith.addf %add3A_447, %get3A_498 : vector<16xf32>
        %mul3A_500 = arith.constant 10 : i32
        %mul3A_501 = arith.muli %scan3A_216, %mul3A_500 : i32
        %add3A_502 = arith.constant 5 : i32
        %add3A_503 = arith.addi %mul3A_501, %add3A_502 : i32
        %get3A_504 = arith.constant 3 : i32
        %get3A_505 = arith.index_cast %get3A_504 : i32 to index
        %get3A_506 = arith.index_cast %add3A_503 : i32 to index
        %get3A_507 = arith.constant 0 : index
        %get3A_508 = tpu.vector_load %arg6[%get3A_505, %get3A_506, %get3A_507] {strides = array<i32>} : memref<4x104x128xf32, #tpu.memory_space<vmem>>, vector<16xf32>,
        %add3A_509 = arith.addf %add3A_457, %get3A_508 : vector<16xf32>
        %get3A_510 = arith.constant 3 : i32
        %get3A_511 = arith.index_cast %get3A_510 : i32 to index
        %get3A_512 = arith.index_cast %add3A_503 : i32 to index
        %get3A_513 = arith.constant 16 : index
        %get3A_514 = tpu.vector_load %arg6[%get3A_511, %get3A_512, %get3A_513] {strides = array<i32>} : memref<4x104x128xf32, #tpu.memory_space<vmem>>, vector<16xf32>,
        %add3A_515 = arith.addf %add3A_463, %get3A_514 : vector<16xf32>
        %get3A_516 = arith.constant 3 : i32
        %get3A_517 = arith.index_cast %get3A_516 : i32 to index
        %get3A_518 = arith.index_cast %add3A_503 : i32 to index
        %get3A_519 = arith.constant 32 : index
        %get3A_520 = tpu.vector_load %arg6[%get3A_517, %get3A_518, %get3A_519] {strides = array<i32>} : memref<4x104x128xf32, #tpu.memory_space<vmem>>, vector<16xf32>,
        %add3A_521 = arith.addf %add3A_469, %get3A_520 : vector<16xf32>
        %get3A_522 = arith.constant 3 : i32
        %get3A_523 = arith.index_cast %get3A_522 : i32 to index
        %get3A_524 = arith.index_cast %add3A_503 : i32 to index
        %get3A_525 = arith.constant 48 : index
        %get3A_526 = tpu.vector_load %arg6[%get3A_523, %get3A_524, %get3A_525] {strides = array<i32>} : memref<4x104x128xf32, #tpu.memory_space<vmem>>, vector<16xf32>,
        %add3A_527 = arith.addf %add3A_475, %get3A_526 : vector<16xf32>
        %get3A_528 = arith.constant 3 : i32
        %get3A_529 = arith.index_cast %get3A_528 : i32 to index
        %get3A_530 = arith.index_cast %add3A_503 : i32 to index
        %get3A_531 = arith.constant 64 : index
        %get3A_532 = tpu.vector_load %arg6[%get3A_529, %get3A_530, %get3A_531] {strides = array<i32>} : memref<4x104x128xf32, #tpu.memory_space<vmem>>, vector<16xf32>,
        %add3A_533 = arith.addf %add3A_481, %get3A_532 : vector<16xf32>
        %get3A_534 = arith.constant 3 : i32
        %get3A_535 = arith.index_cast %get3A_534 : i32 to index
        %get3A_536 = arith.index_cast %add3A_503 : i32 to index
        %get3A_537 = arith.constant 80 : index
        %get3A_538 = tpu.vector_load %arg6[%get3A_535, %get3A_536, %get3A_537] {strides = array<i32>} : memref<4x104x128xf32, #tpu.memory_space<vmem>>, vector<16xf32>,
        %add3A_539 = arith.addf %add3A_487, %get3A_538 : vector<16xf32>
        %get3A_540 = arith.constant 3 : i32
        %get3A_541 = arith.index_cast %get3A_540 : i32 to index
        %get3A_542 = arith.index_cast %add3A_503 : i32 to index
        %get3A_543 = arith.constant 96 : index
        %get3A_544 = tpu.vector_load %arg6[%get3A_541, %get3A_542, %get3A_543] {strides = array<i32>} : memref<4x104x128xf32, #tpu.memory_space<vmem>>, vector<16xf32>,
        %add3A_545 = arith.addf %add3A_493, %get3A_544 : vector<16xf32>
        %get3A_546 = arith.constant 3 : i32
        %get3A_547 = arith.index_cast %get3A_546 : i32 to index
        %get3A_548 = arith.index_cast %add3A_503 : i32 to index
        %get3A_549 = arith.constant 112 : index
        %get3A_550 = tpu.vector_load %arg6[%get3A_547, %get3A_548, %get3A_549] {strides = array<i32>} : memref<4x104x128xf32, #tpu.memory_space<vmem>>, vector<16xf32>,
        %add3A_551 = arith.addf %add3A_499, %get3A_550 : vector<16xf32>
        %mul3A_552 = arith.constant 10 : i32
        %mul3A_553 = arith.muli %scan3A_216, %mul3A_552 : i32
        %add3A_554 = arith.constant 6 : i32
        %add3A_555 = arith.addi %mul3A_553, %add3A_554 : i32
        %get3A_556 = arith.constant 3 : i32
        %get3A_557 = arith.index_cast %get3A_556 : i32 to index
        %get3A_558 = arith.index_cast %add3A_555 : i32 to index
        %get3A_559 = arith.constant 0 : index
        %get3A_560 = tpu.vector_load %arg6[%get3A_557, %get3A_558, %get3A_559] {strides = array<i32>} : memref<4x104x128xf32, #tpu.memory_space<vmem>>, vector<16xf32>,
        %add3A_561 = arith.addf %add3A_509, %get3A_560 : vector<16xf32>
        %get3A_562 = arith.constant 3 : i32
        %get3A_563 = arith.index_cast %get3A_562 : i32 to index
        %get3A_564 = arith.index_cast %add3A_555 : i32 to index
        %get3A_565 = arith.constant 16 : index
        %get3A_566 = tpu.vector_load %arg6[%get3A_563, %get3A_564, %get3A_565] {strides = array<i32>} : memref<4x104x128xf32, #tpu.memory_space<vmem>>, vector<16xf32>,
        %add3A_567 = arith.addf %add3A_515, %get3A_566 : vector<16xf32>
        %get3A_568 = arith.constant 3 : i32
        %get3A_569 = arith.index_cast %get3A_568 : i32 to index
        %get3A_570 = arith.index_cast %add3A_555 : i32 to index
        %get3A_571 = arith.constant 32 : index
        %get3A_572 = tpu.vector_load %arg6[%get3A_569, %get3A_570, %get3A_571] {strides = array<i32>} : memref<4x104x128xf32, #tpu.memory_space<vmem>>, vector<16xf32>,
        %add3A_573 = arith.addf %add3A_521, %get3A_572 : vector<16xf32>
        %get3A_574 = arith.constant 3 : i32
        %get3A_575 = arith.index_cast %get3A_574 : i32 to index
        %get3A_576 = arith.index_cast %add3A_555 : i32 to index
        %get3A_577 = arith.constant 48 : index
        %get3A_578 = tpu.vector_load %arg6[%get3A_575, %get3A_576, %get3A_577] {strides = array<i32>} : memref<4x104x128xf32, #tpu.memory_space<vmem>>, vector<16xf32>,
        %add3A_579 = arith.addf %add3A_527, %get3A_578 : vector<16xf32>
        %get3A_580 = arith.constant 3 : i32
        %get3A_581 = arith.index_cast %get3A_580 : i32 to index
        %get3A_582 = arith.index_cast %add3A_555 : i32 to index
        %get3A_583 = arith.constant 64 : index
        %get3A_584 = tpu.vector_load %arg6[%get3A_581, %get3A_582, %get3A_583] {strides = array<i32>} : memref<4x104x128xf32, #tpu.memory_space<vmem>>, vector<16xf32>,
        %add3A_585 = arith.addf %add3A_533, %get3A_584 : vector<16xf32>
        %get3A_586 = arith.constant 3 : i32
        %get3A_587 = arith.index_cast %get3A_586 : i32 to index
        %get3A_588 = arith.index_cast %add3A_555 : i32 to index
        %get3A_589 = arith.constant 80 : index
        %get3A_590 = tpu.vector_load %arg6[%get3A_587, %get3A_588, %get3A_589] {strides = array<i32>} : memref<4x104x128xf32, #tpu.memory_space<vmem>>, vector<16xf32>,
        %add3A_591 = arith.addf %add3A_539, %get3A_590 : vector<16xf32>
        %get3A_592 = arith.constant 3 : i32
        %get3A_593 = arith.index_cast %get3A_592 : i32 to index
        %get3A_594 = arith.index_cast %add3A_555 : i32 to index
        %get3A_595 = arith.constant 96 : index
        %get3A_596 = tpu.vector_load %arg6[%get3A_593, %get3A_594, %get3A_595] {strides = array<i32>} : memref<4x104x128xf32, #tpu.memory_space<vmem>>, vector<16xf32>,
        %add3A_597 = arith.addf %add3A_545, %get3A_596 : vector<16xf32>
        %get3A_598 = arith.constant 3 : i32
        %get3A_599 = arith.index_cast %get3A_598 : i32 to index
        %get3A_600 = arith.index_cast %add3A_555 : i32 to index
        %get3A_601 = arith.constant 112 : index
        %get3A_602 = tpu.vector_load %arg6[%get3A_599, %get3A_600, %get3A_601] {strides = array<i32>} : memref<4x104x128xf32, #tpu.memory_space<vmem>>, vector<16xf32>,
        %add3A_603 = arith.addf %add3A_551, %get3A_602 : vector<16xf32>
        %mul3A_604 = arith.constant 10 : i32
        %mul3A_605 = arith.muli %scan3A_216, %mul3A_604 : i32
        %add3A_606 = arith.constant 7 : i32
        %add3A_607 = arith.addi %mul3A_605, %add3A_606 : i32
        %get3A_608 = arith.constant 3 : i32
        %get3A_609 = arith.index_cast %get3A_608 : i32 to index
        %get3A_610 = arith.index_cast %add3A_607 : i32 to index
        %get3A_611 = arith.constant 0 : index
        %get3A_612 = tpu.vector_load %arg6[%get3A_609, %get3A_610, %get3A_611] {strides = array<i32>} : memref<4x104x128xf32, #tpu.memory_space<vmem>>, vector<16xf32>,
        %add3A_613 = arith.addf %add3A_561, %get3A_612 : vector<16xf32>
        %get3A_614 = arith.constant 3 : i32
        %get3A_615 = arith.index_cast %get3A_614 : i32 to index
        %get3A_616 = arith.index_cast %add3A_607 : i32 to index
        %get3A_617 = arith.constant 16 : index
        %get3A_618 = tpu.vector_load %arg6[%get3A_615, %get3A_616, %get3A_617] {strides = array<i32>} : memref<4x104x128xf32, #tpu.memory_space<vmem>>, vector<16xf32>,
        %add3A_619 = arith.addf %add3A_567, %get3A_618 : vector<16xf32>
        %get3A_620 = arith.constant 3 : i32
        %get3A_621 = arith.index_cast %get3A_620 : i32 to index
        %get3A_622 = arith.index_cast %add3A_607 : i32 to index
        %get3A_623 = arith.constant 32 : index
        %get3A_624 = tpu.vector_load %arg6[%get3A_621, %get3A_622, %get3A_623] {strides = array<i32>} : memref<4x104x128xf32, #tpu.memory_space<vmem>>, vector<16xf32>,
        %add3A_625 = arith.addf %add3A_573, %get3A_624 : vector<16xf32>
        %get3A_626 = arith.constant 3 : i32
        %get3A_627 = arith.index_cast %get3A_626 : i32 to index
        %get3A_628 = arith.index_cast %add3A_607 : i32 to index
        %get3A_629 = arith.constant 48 : index
        %get3A_630 = tpu.vector_load %arg6[%get3A_627, %get3A_628, %get3A_629] {strides = array<i32>} : memref<4x104x128xf32, #tpu.memory_space<vmem>>, vector<16xf32>,
        %add3A_631 = arith.addf %add3A_579, %get3A_630 : vector<16xf32>
        %get3A_632 = arith.constant 3 : i32
        %get3A_633 = arith.index_cast %get3A_632 : i32 to index
        %get3A_634 = arith.index_cast %add3A_607 : i32 to index
        %get3A_635 = arith.constant 64 : index
        %get3A_636 = tpu.vector_load %arg6[%get3A_633, %get3A_634, %get3A_635] {strides = array<i32>} : memref<4x104x128xf32, #tpu.memory_space<vmem>>, vector<16xf32>,
        %add3A_637 = arith.addf %add3A_585, %get3A_636 : vector<16xf32>
        %get3A_638 = arith.constant 3 : i32
        %get3A_639 = arith.index_cast %get3A_638 : i32 to index
        %get3A_640 = arith.index_cast %add3A_607 : i32 to index
        %get3A_641 = arith.constant 80 : index
        %get3A_642 = tpu.vector_load %arg6[%get3A_639, %get3A_640, %get3A_641] {strides = array<i32>} : memref<4x104x128xf32, #tpu.memory_space<vmem>>, vector<16xf32>,
        %add3A_643 = arith.addf %add3A_591, %get3A_642 : vector<16xf32>
        %get3A_644 = arith.constant 3 : i32
        %get3A_645 = arith.index_cast %get3A_644 : i32 to index
        %get3A_646 = arith.index_cast %add3A_607 : i32 to index
        %get3A_647 = arith.constant 96 : index
        %get3A_648 = tpu.vector_load %arg6[%get3A_645, %get3A_646, %get3A_647] {strides = array<i32>} : memref<4x104x128xf32, #tpu.memory_space<vmem>>, vector<16xf32>,
        %add3A_649 = arith.addf %add3A_597, %get3A_648 : vector<16xf32>
        %get3A_650 = arith.constant 3 : i32
        %get3A_651 = arith.index_cast %get3A_650 : i32 to index
        %get3A_652 = arith.index_cast %add3A_607 : i32 to index
        %get3A_653 = arith.constant 112 : index
        %get3A_654 = tpu.vector_load %arg6[%get3A_651, %get3A_652, %get3A_653] {strides = array<i32>} : memref<4x104x128xf32, #tpu.memory_space<vmem>>, vector<16xf32>,
        %add3A_655 = arith.addf %add3A_603, %get3A_654 : vector<16xf32>
        %mul3A_656 = arith.constant 10 : i32
        %mul3A_657 = arith.muli %scan3A_216, %mul3A_656 : i32
        %add3A_658 = arith.constant 8 : i32
        %add3A_659 = arith.addi %mul3A_657, %add3A_658 : i32
        %get3A_660 = arith.constant 3 : i32
        %get3A_661 = arith.index_cast %get3A_660 : i32 to index
        %get3A_662 = arith.index_cast %add3A_659 : i32 to index
        %get3A_663 = arith.constant 0 : index
        %get3A_664 = tpu.vector_load %arg6[%get3A_661, %get3A_662, %get3A_663] {strides = array<i32>} : memref<4x104x128xf32, #tpu.memory_space<vmem>>, vector<16xf32>,
        %add3A_665 = arith.addf %add3A_613, %get3A_664 : vector<16xf32>
        %get3A_666 = arith.constant 3 : i32
        %get3A_667 = arith.index_cast %get3A_666 : i32 to index
        %get3A_668 = arith.index_cast %add3A_659 : i32 to index
        %get3A_669 = arith.constant 16 : index
        %get3A_670 = tpu.vector_load %arg6[%get3A_667, %get3A_668, %get3A_669] {strides = array<i32>} : memref<4x104x128xf32, #tpu.memory_space<vmem>>, vector<16xf32>,
        %add3A_671 = arith.addf %add3A_619, %get3A_670 : vector<16xf32>
        %get3A_672 = arith.constant 3 : i32
        %get3A_673 = arith.index_cast %get3A_672 : i32 to index
        %get3A_674 = arith.index_cast %add3A_659 : i32 to index
        %get3A_675 = arith.constant 32 : index
        %get3A_676 = tpu.vector_load %arg6[%get3A_673, %get3A_674, %get3A_675] {strides = array<i32>} : memref<4x104x128xf32, #tpu.memory_space<vmem>>, vector<16xf32>,
        %add3A_677 = arith.addf %add3A_625, %get3A_676 : vector<16xf32>
        %get3A_678 = arith.constant 3 : i32
        %get3A_679 = arith.index_cast %get3A_678 : i32 to index
        %get3A_680 = arith.index_cast %add3A_659 : i32 to index
        %get3A_681 = arith.constant 48 : index
        %get3A_682 = tpu.vector_load %arg6[%get3A_679, %get3A_680, %get3A_681] {strides = array<i32>} : memref<4x104x128xf32, #tpu.memory_space<vmem>>, vector<16xf32>,
        %add3A_683 = arith.addf %add3A_631, %get3A_682 : vector<16xf32>
        %get3A_684 = arith.constant 3 : i32
        %get3A_685 = arith.index_cast %get3A_684 : i32 to index
        %get3A_686 = arith.index_cast %add3A_659 : i32 to index
        %get3A_687 = arith.constant 64 : index
        %get3A_688 = tpu.vector_load %arg6[%get3A_685, %get3A_686, %get3A_687] {strides = array<i32>} : memref<4x104x128xf32, #tpu.memory_space<vmem>>, vector<16xf32>,
        %add3A_689 = arith.addf %add3A_637, %get3A_688 : vector<16xf32>
        %get3A_690 = arith.constant 3 : i32
        %get3A_691 = arith.index_cast %get3A_690 : i32 to index
        %get3A_692 = arith.index_cast %add3A_659 : i32 to index
        %get3A_693 = arith.constant 80 : index
        %get3A_694 = tpu.vector_load %arg6[%get3A_691, %get3A_692, %get3A_693] {strides = array<i32>} : memref<4x104x128xf32, #tpu.memory_space<vmem>>, vector<16xf32>,
        %add3A_695 = arith.addf %add3A_643, %get3A_694 : vector<16xf32>
        %get3A_696 = arith.constant 3 : i32
        %get3A_697 = arith.index_cast %get3A_696 : i32 to index
        %get3A_698 = arith.index_cast %add3A_659 : i32 to index
        %get3A_699 = arith.constant 96 : index
        %get3A_700 = tpu.vector_load %arg6[%get3A_697, %get3A_698, %get3A_699] {strides = array<i32>} : memref<4x104x128xf32, #tpu.memory_space<vmem>>, vector<16xf32>,
        %add3A_701 = arith.addf %add3A_649, %get3A_700 : vector<16xf32>
        %get3A_702 = arith.constant 3 : i32
        %get3A_703 = arith.index_cast %get3A_702 : i32 to index
        %get3A_704 = arith.index_cast %add3A_659 : i32 to index
        %get3A_705 = arith.constant 112 : index
        %get3A_706 = tpu.vector_load %arg6[%get3A_703, %get3A_704, %get3A_705] {strides = array<i32>} : memref<4x104x128xf32, #tpu.memory_space<vmem>>, vector<16xf32>,
        %add3A_707 = arith.addf %add3A_655, %get3A_706 : vector<16xf32>
        %mul3A_708 = arith.constant 10 : i32
        %mul3A_709 = arith.muli %scan3A_216, %mul3A_708 : i32
        %add3A_710 = arith.constant 9 : i32
        %add3A_711 = arith.addi %mul3A_709, %add3A_710 : i32
        %get3A_712 = arith.constant 3 : i32
        %get3A_713 = arith.index_cast %get3A_712 : i32 to index
        %get3A_714 = arith.index_cast %add3A_711 : i32 to index
        %get3A_715 = arith.constant 0 : index
        %get3A_716 = tpu.vector_load %arg6[%get3A_713, %get3A_714, %get3A_715] {strides = array<i32>} : memref<4x104x128xf32, #tpu.memory_space<vmem>>, vector<16xf32>,
        %add3A_717 = arith.addf %add3A_665, %get3A_716 : vector<16xf32>
        %get3A_718 = arith.constant 3 : i32
        %get3A_719 = arith.index_cast %get3A_718 : i32 to index
        %get3A_720 = arith.index_cast %add3A_711 : i32 to index
        %get3A_721 = arith.constant 16 : index
        %get3A_722 = tpu.vector_load %arg6[%get3A_719, %get3A_720, %get3A_721] {strides = array<i32>} : memref<4x104x128xf32, #tpu.memory_space<vmem>>, vector<16xf32>,
        %add3A_723 = arith.addf %add3A_671, %get3A_722 : vector<16xf32>
        %get3A_724 = arith.constant 3 : i32
        %get3A_725 = arith.index_cast %get3A_724 : i32 to index
        %get3A_726 = arith.index_cast %add3A_711 : i32 to index
        %get3A_727 = arith.constant 32 : index
        %get3A_728 = tpu.vector_load %arg6[%get3A_725, %get3A_726, %get3A_727] {strides = array<i32>} : memref<4x104x128xf32, #tpu.memory_space<vmem>>, vector<16xf32>,
        %add3A_729 = arith.addf %add3A_677, %get3A_728 : vector<16xf32>
        %get3A_730 = arith.constant 3 : i32
        %get3A_731 = arith.index_cast %get3A_730 : i32 to index
        %get3A_732 = arith.index_cast %add3A_711 : i32 to index
        %get3A_733 = arith.constant 48 : index
        %get3A_734 = tpu.vector_load %arg6[%get3A_731, %get3A_732, %get3A_733] {strides = array<i32>} : memref<4x104x128xf32, #tpu.memory_space<vmem>>, vector<16xf32>,
        %add3A_735 = arith.addf %add3A_683, %get3A_734 : vector<16xf32>
        %get3A_736 = arith.constant 3 : i32
        %get3A_737 = arith.index_cast %get3A_736 : i32 to index
        %get3A_738 = arith.index_cast %add3A_711 : i32 to index
        %get3A_739 = arith.constant 64 : index
        %get3A_740 = tpu.vector_load %arg6[%get3A_737, %get3A_738, %get3A_739] {strides = array<i32>} : memref<4x104x128xf32, #tpu.memory_space<vmem>>, vector<16xf32>,
        %add3A_741 = arith.addf %add3A_689, %get3A_740 : vector<16xf32>
        %get3A_742 = arith.constant 3 : i32
        %get3A_743 = arith.index_cast %get3A_742 : i32 to index
        %get3A_744 = arith.index_cast %add3A_711 : i32 to index
        %get3A_745 = arith.constant 80 : index
        %get3A_746 = tpu.vector_load %arg6[%get3A_743, %get3A_744, %get3A_745] {strides = array<i32>} : memref<4x104x128xf32, #tpu.memory_space<vmem>>, vector<16xf32>,
        %add3A_747 = arith.addf %add3A_695, %get3A_746 : vector<16xf32>
        %get3A_748 = arith.constant 3 : i32
        %get3A_749 = arith.index_cast %get3A_748 : i32 to index
        %get3A_750 = arith.index_cast %add3A_711 : i32 to index
        %get3A_751 = arith.constant 96 : index
        %get3A_752 = tpu.vector_load %arg6[%get3A_749, %get3A_750, %get3A_751] {strides = array<i32>} : memref<4x104x128xf32, #tpu.memory_space<vmem>>, vector<16xf32>,
        %add3A_753 = arith.addf %add3A_701, %get3A_752 : vector<16xf32>
        %get3A_754 = arith.constant 3 : i32
        %get3A_755 = arith.index_cast %get3A_754 : i32 to index
        %get3A_756 = arith.index_cast %add3A_711 : i32 to index
        %get3A_757 = arith.constant 112 : index
        %get3A_758 = tpu.vector_load %arg6[%get3A_755, %get3A_756, %get3A_757] {strides = array<i32>} : memref<4x104x128xf32, #tpu.memory_space<vmem>>, vector<16xf32>,
        %add3A_759 = arith.addf %add3A_707, %get3A_758 : vector<16xf32>
        %max3A = arith.constant 0.000000e+00 : f32
        %max3A_760 = vector.broadcast %max3A : f32 to vector<16xf32>
        %max3A_761 = arith.maximumf %add3A_717, %max3A_760 : vector<16xf32>
        %add3A_762 = arith.addf %scan3A_217, %max3A_761 : vector<16xf32>
        %max3A_763 = arith.constant 0.000000e+00 : f32
        %max3A_764 = vector.broadcast %max3A_763 : f32 to vector<16xf32>
        %max3A_765 = arith.maximumf %add3A_723, %max3A_764 : vector<16xf32>
        %add3A_766 = arith.addf %scan3A_218, %max3A_765 : vector<16xf32>
        %max3A_767 = arith.constant 0.000000e+00 : f32
        %max3A_768 = vector.broadcast %max3A_767 : f32 to vector<16xf32>
        %max3A_769 = arith.maximumf %add3A_729, %max3A_768 : vector<16xf32>
        %add3A_770 = arith.addf %scan3A_219, %max3A_769 : vector<16xf32>
        %max3A_771 = arith.constant 0.000000e+00 : f32
        %max3A_772 = vector.broadcast %max3A_771 : f32 to vector<16xf32>
        %max3A_773 = arith.maximumf %add3A_735, %max3A_772 : vector<16xf32>
        %add3A_774 = arith.addf %scan3A_220, %max3A_773 : vector<16xf32>
        %max3A_775 = arith.constant 0.000000e+00 : f32
        %max3A_776 = vector.broadcast %max3A_775 : f32 to vector<16xf32>
        %max3A_777 = arith.maximumf %add3A_741, %max3A_776 : vector<16xf32>
        %add3A_778 = arith.addf %scan3A_221, %max3A_777 : vector<16xf32>
        %max3A_779 = arith.constant 0.000000e+00 : f32
        %max3A_780 = vector.broadcast %max3A_779 : f32 to vector<16xf32>
        %max3A_781 = arith.maximumf %add3A_747, %max3A_780 : vector<16xf32>
        %add3A_782 = arith.addf %scan3A_222, %max3A_781 : vector<16xf32>
        %max3A_783 = arith.constant 0.000000e+00 : f32
        %max3A_784 = vector.broadcast %max3A_783 : f32 to vector<16xf32>
        %max3A_785 = arith.maximumf %add3A_753, %max3A_784 : vector<16xf32>
        %add3A_786 = arith.addf %scan3A_223, %max3A_785 : vector<16xf32>
        %max3A_787 = arith.constant 0.000000e+00 : f32
        %max3A_788 = vector.broadcast %max3A_787 : f32 to vector<16xf32>
        %max3A_789 = arith.maximumf %add3A_759, %max3A_788 : vector<16xf32>
        %add3A_790 = arith.addf %scan3A_224, %max3A_789 : vector<16xf32>
        scf.yield %add3A_762, %add3A_766, %add3A_770, %add3A_774, %add3A_778, %add3A_782, %add3A_786, %add3A_790 : vector<16xf32>, vector<16xf32>, vector<16xf32>, vector<16xf32>, vector<16xf32>, vector<16xf32>, vector<16xf32>, vector<16xf32>
      }
      %scan3A_191 = arith.constant 10 : i32
      %swap3A_192 = arith.index_cast %add3A_145 : i32 to index
      %swap3A_193 = arith.constant 0 : index
      %swap3A_194 = tpu.vector_load %arg7[%swap3A_192, %swap3A_193] {strides = array<i32>} : memref<64x128xf32, #tpu.memory_space<vmem>>, vector<16xf32>,
      tpu.vector_store %arg7[%swap3A_192, %swap3A_193], %scan3A_190#0 {strides = array<i32>} : memref<64x128xf32, #tpu.memory_space<vmem>>, vector<16xf32>,
      %swap3A_195 = arith.index_cast %add3A_145 : i32 to index
      %swap3A_196 = arith.constant 16 : index
      %swap3A_197 = tpu.vector_load %arg7[%swap3A_195, %swap3A_196] {strides = array<i32>} : memref<64x128xf32, #tpu.memory_space<vmem>>, vector<16xf32>,
      tpu.vector_store %arg7[%swap3A_195, %swap3A_196], %scan3A_190#1 {strides = array<i32>} : memref<64x128xf32, #tpu.memory_space<vmem>>, vector<16xf32>,
      %swap3A_198 = arith.index_cast %add3A_145 : i32 to index
      %swap3A_199 = arith.constant 32 : index
      %swap3A_200 = tpu.vector_load %arg7[%swap3A_198, %swap3A_199] {strides = array<i32>} : memref<64x128xf32, #tpu.memory_space<vmem>>, vector<16xf32>,
      tpu.vector_store %arg7[%swap3A_198, %swap3A_199], %scan3A_190#2 {strides = array<i32>} : memref<64x128xf32, #tpu.memory_space<vmem>>, vector<16xf32>,
      %swap3A_201 = arith.index_cast %add3A_145 : i32 to index
      %swap3A_202 = arith.constant 48 : index
      %swap3A_203 = tpu.vector_load %arg7[%swap3A_201, %swap3A_202] {strides = array<i32>} : memref<64x128xf32, #tpu.memory_space<vmem>>, vector<16xf32>,
      tpu.vector_store %arg7[%swap3A_201, %swap3A_202], %scan3A_190#3 {strides = array<i32>} : memref<64x128xf32, #tpu.memory_space<vmem>>, vector<16xf32>,
      %swap3A_204 = arith.index_cast %add3A_145 : i32 to index
      %swap3A_205 = arith.constant 64 : index
      %swap3A_206 = tpu.vector_load %arg7[%swap3A_204, %swap3A_205] {strides = array<i32>} : memref<64x128xf32, #tpu.memory_space<vmem>>, vector<16xf32>,
      tpu.vector_store %arg7[%swap3A_204, %swap3A_205], %scan3A_190#4 {strides = array<i32>} : memref<64x128xf32, #tpu.memory_space<vmem>>, vector<16xf32>,
      %swap3A_207 = arith.index_cast %add3A_145 : i32 to index
      %swap3A_208 = arith.constant 80 : index
      %swap3A_209 = tpu.vector_load %arg7[%swap3A_207, %swap3A_208] {strides = array<i32>} : memref<64x128xf32, #tpu.memory_space<vmem>>, vector<16xf32>,
      tpu.vector_store %arg7[%swap3A_207, %swap3A_208], %scan3A_190#5 {strides = array<i32>} : memref<64x128xf32, #tpu.memory_space<vmem>>, vector<16xf32>,
      %swap3A_210 = arith.index_cast %add3A_145 : i32 to index
      %swap3A_211 = arith.constant 96 : index
      %swap3A_212 = tpu.vector_load %arg7[%swap3A_210, %swap3A_211] {strides = array<i32>} : memref<64x128xf32, #tpu.memory_space<vmem>>, vector<16xf32>,
      tpu.vector_store %arg7[%swap3A_210, %swap3A_211], %scan3A_190#6 {strides = array<i32>} : memref<64x128xf32, #tpu.memory_space<vmem>>, vector<16xf32>,
      %swap3A_213 = arith.index_cast %add3A_145 : i32 to index
      %swap3A_214 = arith.constant 112 : index
      %swap3A_215 = tpu.vector_load %arg7[%swap3A_213, %swap3A_214] {strides = array<i32>} : memref<64x128xf32, #tpu.memory_space<vmem>>, vector<16xf32>,
      tpu.vector_store %arg7[%swap3A_213, %swap3A_214], %scan3A_190#7 {strides = array<i32>} : memref<64x128xf32, #tpu.memory_space<vmem>>, vector<16xf32>,
    }
    %scan3A_5 = arith.constant 32 : i32
    %mul3A_6 = arith.constant 64 : i32
    %mul3A_7 = arith.muli %add3A, %mul3A_6 : i32
    "tpu.region"() ({
      %run_scoped3A = tpu.sem_alloc : memref<!tpu.dma_semaphore, #tpu.memory_space<semaphore_mem>>
      %dma_start3A = arith.constant 0 : i32
      %dma_start3A_8 = tpu.memref_slice %arg4[%mul3A_7, %dma_start3A] : memref<2048x128xf32, #tpu.memory_space<hbm>> -> memref<64x128xf32, #tpu.memory_space<hbm>>
      %dma_start3A_9 = arith.constant 0 : i32
      %dma_start3A_10 = tpu.memref_slice %arg4[%mul3A_7, %dma_start3A_9] : memref<2048x128xf32, #tpu.memory_space<hbm>> -> memref<64x128xf32, #tpu.memory_space<hbm>>
      tpu.enqueue_dma source(%arg7 : memref<64x128xf32, #tpu.memory_space<vmem>>) target(%dma_start3A_10 : memref<64x128xf32, #tpu.memory_space<hbm>>) target_semaphore(%run_scoped3A : memref<!tpu.dma_semaphore, #tpu.memory_space<semaphore_mem>>)
      %dma_wait3A = arith.constant 0 : i32
      %dma_wait3A_11 = tpu.memref_slice %arg4[%mul3A_7, %dma_wait3A] : memref<2048x128xf32, #tpu.memory_space<hbm>> -> memref<64x128xf32, #tpu.memory_space<hbm>>
      %dma_wait3A_12 = arith.constant 0 : i32
      %dma_wait3A_13 = tpu.memref_slice %arg4[%mul3A_7, %dma_wait3A_12] : memref<2048x128xf32, #tpu.memory_space<hbm>> -> memref<64x128xf32, #tpu.memory_space<hbm>>
      tpu.wait_dma2 semaphore(%run_scoped3A : memref<!tpu.dma_semaphore, #tpu.memory_space<semaphore_mem>>) src(%arg7 : memref<64x128xf32, #tpu.memory_space<vmem>>) dst(%dma_wait3A_13 : memref<64x128xf32, #tpu.memory_space<hbm>>)
      tpu.yield
    }) : () -> ()
    return
  }
}

#map = affine_map<(d0, d1) -> (0, 0)>
#map1 = affine_map<(d0, d1) -> (0)>
module attributes {stable_mosaic.version = 14 : i64} {
  func.func @idx_kernel(%arg0: i32, %arg1: i32, %arg2: memref<50000x128xi32, #tpu.memory_space<hbm>>, %arg3: memref<4096xi32, #tpu.memory_space<hbm>>, %arg4: memref<32x13312xi32, #tpu.memory_space<hbm>>, %arg5: memref<128xi32, #tpu.memory_space<vmem>>, %arg6: memref<1280xi32, #tpu.memory_space<vmem>>, %arg7: memref<2x128x128xi32, #tpu.memory_space<vmem>>, %arg8: memref<13312xi32, #tpu.memory_space<vmem>>, %arg9: memref<!tpu.dma_semaphore, #tpu.memory_space<semaphore_mem>>, %arg10: memref<!tpu.dma_semaphore, #tpu.memory_space<semaphore_mem>>) attributes {dimension_semantics = [#tpu.dimension_semantics<core_parallel>, #tpu.dimension_semantics<subcore_parallel>], iteration_bounds = array<i64: 2, 16>, scalar_prefetch = 0 : i64, scratch_operands = 6 : i64, tpu.core_type = #tpu.core_type<sc_vector_subcore>, window_params = [{transform_indices = #map}, {transform_indices = #map1}, {transform_indices = #map}]} {
    %mul3A = arith.constant 2 : i32
    %mul3A_0 = arith.muli %arg1, %mul3A : i32
    %add3A = arith.addi %mul3A_0, %arg0 : i32
    %mul3A_1 = arith.constant 128 : i32
    %mul3A_2 = arith.muli %add3A, %mul3A_1 : i32
    "tpu.region"() ({
      %run_scoped3A = tpu.sem_alloc : memref<!tpu.dma_semaphore, #tpu.memory_space<semaphore_mem>>
      %dma_start3A_35 = tpu.memref_slice %arg3[%mul3A_2] : memref<4096xi32, #tpu.memory_space<hbm>> -> memref<128xi32, #tpu.memory_space<hbm>>
      %dma_start3A_36 = tpu.memref_slice %arg3[%mul3A_2] : memref<4096xi32, #tpu.memory_space<hbm>> -> memref<128xi32, #tpu.memory_space<hbm>>
      tpu.enqueue_dma source(%dma_start3A_36 : memref<128xi32, #tpu.memory_space<hbm>>) target(%arg5 : memref<128xi32, #tpu.memory_space<vmem>>) target_semaphore(%run_scoped3A : memref<!tpu.dma_semaphore, #tpu.memory_space<semaphore_mem>>)
      %dma_wait3A_37 = tpu.memref_slice %arg3[%mul3A_2] : memref<4096xi32, #tpu.memory_space<hbm>> -> memref<128xi32, #tpu.memory_space<hbm>>
      %dma_wait3A_38 = tpu.memref_slice %arg3[%mul3A_2] : memref<4096xi32, #tpu.memory_space<hbm>> -> memref<128xi32, #tpu.memory_space<hbm>>
      tpu.wait_dma2 semaphore(%run_scoped3A : memref<!tpu.dma_semaphore, #tpu.memory_space<semaphore_mem>>) src(%dma_wait3A_38 : memref<128xi32, #tpu.memory_space<hbm>>) dst(%arg5 : memref<128xi32, #tpu.memory_space<vmem>>)
      tpu.yield
    }) : () -> ()
    %dma_start3A = arith.constant 0 : i32
    %dma_start3A_3 = arith.constant 0 : i32
    %dma_start3A_4 = arith.constant 0 : i32
    %dma_start3A_5 = tpu.memref_slice %arg7[%dma_start3A, %dma_start3A_3, %dma_start3A_4] : memref<2x128x128xi32, #tpu.memory_space<vmem>> -> memref<1x128x128xi32, #tpu.memory_space<vmem>>
    %dma_start3A_6 = tpu.memref_squeeze %dma_start3A_5 : memref<1x128x128xi32, #tpu.memory_space<vmem>> -> memref<128x128xi32, #tpu.memory_space<vmem>>
    %dma_start3A_7 = arith.constant 0 : i32
    %dma_start3A_8 = arith.constant 0 : i32
    %dma_start3A_9 = tpu.memref_slice %arg2[%dma_start3A_7, %dma_start3A_8] : memref<50000x128xi32, #tpu.memory_space<hbm>> -> memref<50000x128xi32, #tpu.memory_space<hbm>>
    tpu.enqueue_indirect_dma source(%dma_start3A_9 : memref<50000x128xi32, #tpu.memory_space<hbm>>) target(%dma_start3A_6 : memref<128x128xi32, #tpu.memory_space<vmem>>) offsets(%arg5 : memref<128xi32, #tpu.memory_space<vmem>>) semaphore(%arg9 : memref<!tpu.dma_semaphore, #tpu.memory_space<semaphore_mem>>)
    %dma_wait3A = arith.constant 0 : i32
    %dma_wait3A_10 = arith.constant 0 : i32
    %dma_wait3A_11 = arith.constant 0 : i32
    %dma_wait3A_12 = tpu.memref_slice %arg7[%dma_wait3A, %dma_wait3A_10, %dma_wait3A_11] : memref<2x128x128xi32, #tpu.memory_space<vmem>> -> memref<1x128x128xi32, #tpu.memory_space<vmem>>
    %dma_wait3A_13 = tpu.memref_squeeze %dma_wait3A_12 : memref<1x128x128xi32, #tpu.memory_space<vmem>> -> memref<128x128xi32, #tpu.memory_space<vmem>>
    %dma_wait3A_14 = arith.constant 0 : i32
    %dma_wait3A_15 = arith.constant 0 : i32
    %dma_wait3A_16 = tpu.memref_slice %arg2[%dma_wait3A_14, %dma_wait3A_15] : memref<50000x128xi32, #tpu.memory_space<hbm>> -> memref<50000x128xi32, #tpu.memory_space<hbm>>
    tpu.wait_indirect_dma semaphore(%arg9 : memref<!tpu.dma_semaphore, #tpu.memory_space<semaphore_mem>>) src(%dma_wait3A_16 : memref<50000x128xi32, #tpu.memory_space<hbm>>) dst(%dma_wait3A_13 : memref<128x128xi32, #tpu.memory_space<vmem>>)
    %iota3A = tpu.iota {dimensions = array<i32: 0>} : vector<16xi32>
    %broadcast_in_dim3A = arith.constant 0 : i32
    %broadcast_in_dim3A_17 = vector.broadcast %broadcast_in_dim3A : i32 to vector<16xi32>
    %scan3A = arith.constant 0 : i32
    %scan3A_18 = arith.constant 0 : i32
    %scan3A_19 = arith.constant 80 : i32
    %scan3A_20 = arith.addi %scan3A_18, %scan3A_19 : i32
    %scan3A_21 = arith.constant 1 : i32
    scf.for %scan3A_35 = %scan3A_18 to %scan3A_20 step %scan3A_21  : i32 {
      %mul3A_36 = arith.constant 16 : i32
      %mul3A_37 = arith.muli %scan3A_35, %mul3A_36 : i32
      %add3A_38 = vector.broadcast %mul3A_37 : i32 to vector<16xi32>
      %add3A_39 = arith.addi %add3A_38, %iota3A : vector<16xi32>
      %mul3A_40 = arith.constant 6554 : i32
      %mul3A_41 = vector.broadcast %mul3A_40 : i32 to vector<16xi32>
      %mul3A_42 = arith.muli %add3A_39, %mul3A_41 : vector<16xi32>
      %shift_right_arithmetic3A = arith.constant 16 : i32
      %shift_right_arithmetic3A_43 = vector.broadcast %shift_right_arithmetic3A : i32 to vector<16xi32>
      %shift_right_arithmetic3A_44 = arith.shrsi %mul3A_42, %shift_right_arithmetic3A_43 : vector<16xi32>
      %mul3A_45 = arith.constant 10 : i32
      %mul3A_46 = vector.broadcast %mul3A_45 : i32 to vector<16xi32>
      %mul3A_47 = arith.muli %shift_right_arithmetic3A_44, %mul3A_46 : vector<16xi32>
      %sub3A = arith.subi %add3A_39, %mul3A_47 : vector<16xi32>
      %gather3A = tpu.vector_load_idx %arg7[%broadcast_in_dim3A_17, %shift_right_arithmetic3A_44, %sub3A] : memref<2x128x128xi32, #tpu.memory_space<vmem>>[vector<16xi32>, vector<16xi32>, vector<16xi32>], vector<16xi32>,
      %mul3A_48 = arith.constant 16 : i32
      %mul3A_49 = arith.muli %scan3A_35, %mul3A_48 : i32
      %multiple_of3A = tpu.assume_multiple %mul3A_49, 16 : i32
      %swap3A = arith.index_cast %multiple_of3A : i32 to index
      %swap3A_50 = tpu.vector_load %arg6[%swap3A] {strides = array<i32>} : memref<1280xi32, #tpu.memory_space<vmem>>, vector<16xi32>,
      tpu.vector_store %arg6[%swap3A], %gather3A {strides = array<i32>} : memref<1280xi32, #tpu.memory_space<vmem>>, vector<16xi32>,
    }
    %scan3A_22 = arith.constant 80 : i32
    %scan3A_23 = arith.constant 0 : i32
    %scan3A_24 = arith.constant 0 : i32
    %scan3A_25 = arith.constant 8 : i32
    %scan3A_26 = arith.addi %scan3A_24, %scan3A_25 : i32
    %scan3A_27 = arith.constant 1 : i32
    scf.for %scan3A_35 = %scan3A_24 to %scan3A_26 step %scan3A_27  : i32 {
      %mul3A_36 = arith.constant 16 : i32
      %mul3A_37 = arith.muli %scan3A_35, %mul3A_36 : i32
      %add3A_38 = vector.broadcast %mul3A_37 : i32 to vector<16xi32>
      %add3A_39 = arith.addi %add3A_38, %iota3A : vector<16xi32>
      %mul3A_40 = arith.constant 104 : i32
      %mul3A_41 = vector.broadcast %mul3A_40 : i32 to vector<16xi32>
      %mul3A_42 = arith.muli %add3A_39, %mul3A_41 : vector<16xi32>
      %add3A_43 = arith.constant 100 : i32
      %add3A_44 = vector.broadcast %add3A_43 : i32 to vector<16xi32>
      %add3A_45 = arith.addi %mul3A_42, %add3A_44 : vector<16xi32>
      tpu.vector_store_idx %arg8[%add3A_45], %broadcast_in_dim3A_17 : memref<13312xi32, #tpu.memory_space<vmem>>[vector<16xi32>], vector<16xi32>,
      %mul3A_46 = arith.constant 104 : i32
      %mul3A_47 = vector.broadcast %mul3A_46 : i32 to vector<16xi32>
      %mul3A_48 = arith.muli %add3A_39, %mul3A_47 : vector<16xi32>
      %add3A_49 = arith.constant 101 : i32
      %add3A_50 = vector.broadcast %add3A_49 : i32 to vector<16xi32>
      %add3A_51 = arith.addi %mul3A_48, %add3A_50 : vector<16xi32>
      tpu.vector_store_idx %arg8[%add3A_51], %broadcast_in_dim3A_17 : memref<13312xi32, #tpu.memory_space<vmem>>[vector<16xi32>], vector<16xi32>,
      %mul3A_52 = arith.constant 104 : i32
      %mul3A_53 = vector.broadcast %mul3A_52 : i32 to vector<16xi32>
      %mul3A_54 = arith.muli %add3A_39, %mul3A_53 : vector<16xi32>
      %add3A_55 = arith.constant 102 : i32
      %add3A_56 = vector.broadcast %add3A_55 : i32 to vector<16xi32>
      %add3A_57 = arith.addi %mul3A_54, %add3A_56 : vector<16xi32>
      tpu.vector_store_idx %arg8[%add3A_57], %broadcast_in_dim3A_17 : memref<13312xi32, #tpu.memory_space<vmem>>[vector<16xi32>], vector<16xi32>,
      %mul3A_58 = arith.constant 104 : i32
      %mul3A_59 = vector.broadcast %mul3A_58 : i32 to vector<16xi32>
      %mul3A_60 = arith.muli %add3A_39, %mul3A_59 : vector<16xi32>
      %add3A_61 = arith.constant 103 : i32
      %add3A_62 = vector.broadcast %add3A_61 : i32 to vector<16xi32>
      %add3A_63 = arith.addi %mul3A_60, %add3A_62 : vector<16xi32>
      tpu.vector_store_idx %arg8[%add3A_63], %broadcast_in_dim3A_17 : memref<13312xi32, #tpu.memory_space<vmem>>[vector<16xi32>], vector<16xi32>,
    }
    %scan3A_28 = arith.constant 8 : i32
    %scan3A_29 = arith.constant 0 : i32
    %scan3A_30 = arith.constant 0 : i32
    %scan3A_31 = arith.constant 5 : i32
    %scan3A_32 = arith.addi %scan3A_30, %scan3A_31 : i32
    %scan3A_33 = arith.constant 1 : i32
    scf.for %scan3A_35 = %scan3A_30 to %scan3A_32 step %scan3A_33  : i32 {
      %mul3A_36 = arith.constant 2 : i32
      %mul3A_37 = arith.muli %scan3A_35, %mul3A_36 : i32
      %add3A_38 = arith.constant 0 : i32
      %add3A_39 = arith.addi %mul3A_37, %add3A_38 : i32
      %mul3A_40 = arith.constant 128 : i32
      %mul3A_41 = arith.muli %add3A_39, %mul3A_40 : i32
      %multiple_of3A = tpu.assume_multiple %mul3A_41, 8 : i32
      %dma_start3A_42 = arith.constant 0 : i32
      %dma_start3A_43 = arith.constant 0 : i32
      %dma_start3A_44 = arith.constant 0 : i32
      %dma_start3A_45 = tpu.memref_slice %arg7[%dma_start3A_42, %dma_start3A_43, %dma_start3A_44] : memref<2x128x128xi32, #tpu.memory_space<vmem>> -> memref<1x128x128xi32, #tpu.memory_space<vmem>>
      %dma_start3A_46 = tpu.memref_squeeze %dma_start3A_45 : memref<1x128x128xi32, #tpu.memory_space<vmem>> -> memref<128x128xi32, #tpu.memory_space<vmem>>
      %dma_start3A_47 = tpu.memref_slice %arg6[%multiple_of3A] : memref<1280xi32, #tpu.memory_space<vmem>> -> memref<128xi32, #tpu.memory_space<vmem>>
      %dma_start3A_48 = arith.constant 0 : i32
      %dma_start3A_49 = arith.constant 0 : i32
      %dma_start3A_50 = tpu.memref_slice %arg2[%dma_start3A_48, %dma_start3A_49] : memref<50000x128xi32, #tpu.memory_space<hbm>> -> memref<50000x128xi32, #tpu.memory_space<hbm>>
      tpu.enqueue_indirect_dma source(%dma_start3A_50 : memref<50000x128xi32, #tpu.memory_space<hbm>>) target(%dma_start3A_46 : memref<128x128xi32, #tpu.memory_space<vmem>>) offsets(%dma_start3A_47 : memref<128xi32, #tpu.memory_space<vmem>>) semaphore(%arg9 : memref<!tpu.dma_semaphore, #tpu.memory_space<semaphore_mem>>)
      %mul3A_51 = arith.constant 2 : i32
      %mul3A_52 = arith.muli %scan3A_35, %mul3A_51 : i32
      %add3A_53 = arith.constant 1 : i32
      %add3A_54 = arith.addi %mul3A_52, %add3A_53 : i32
      %mul3A_55 = arith.constant 128 : i32
      %mul3A_56 = arith.muli %add3A_54, %mul3A_55 : i32
      %multiple_of3A_57 = tpu.assume_multiple %mul3A_56, 8 : i32
      %dma_start3A_58 = arith.constant 1 : i32
      %dma_start3A_59 = arith.constant 0 : i32
      %dma_start3A_60 = arith.constant 0 : i32
      %dma_start3A_61 = tpu.memref_slice %arg7[%dma_start3A_58, %dma_start3A_59, %dma_start3A_60] : memref<2x128x128xi32, #tpu.memory_space<vmem>> -> memref<1x128x128xi32, #tpu.memory_space<vmem>>
      %dma_start3A_62 = tpu.memref_squeeze %dma_start3A_61 : memref<1x128x128xi32, #tpu.memory_space<vmem>> -> memref<128x128xi32, #tpu.memory_space<vmem>>
      %dma_start3A_63 = tpu.memref_slice %arg6[%multiple_of3A_57] : memref<1280xi32, #tpu.memory_space<vmem>> -> memref<128xi32, #tpu.memory_space<vmem>>
      %dma_start3A_64 = arith.constant 0 : i32
      %dma_start3A_65 = arith.constant 0 : i32
      %dma_start3A_66 = tpu.memref_slice %arg2[%dma_start3A_64, %dma_start3A_65] : memref<50000x128xi32, #tpu.memory_space<hbm>> -> memref<50000x128xi32, #tpu.memory_space<hbm>>
      tpu.enqueue_indirect_dma source(%dma_start3A_66 : memref<50000x128xi32, #tpu.memory_space<hbm>>) target(%dma_start3A_62 : memref<128x128xi32, #tpu.memory_space<vmem>>) offsets(%dma_start3A_63 : memref<128xi32, #tpu.memory_space<vmem>>) semaphore(%arg10 : memref<!tpu.dma_semaphore, #tpu.memory_space<semaphore_mem>>)
      %dma_wait3A_67 = arith.constant 0 : i32
      %dma_wait3A_68 = arith.constant 0 : i32
      %dma_wait3A_69 = arith.constant 0 : i32
      %dma_wait3A_70 = tpu.memref_slice %arg7[%dma_wait3A_67, %dma_wait3A_68, %dma_wait3A_69] : memref<2x128x128xi32, #tpu.memory_space<vmem>> -> memref<1x128x128xi32, #tpu.memory_space<vmem>>
      %dma_wait3A_71 = tpu.memref_squeeze %dma_wait3A_70 : memref<1x128x128xi32, #tpu.memory_space<vmem>> -> memref<128x128xi32, #tpu.memory_space<vmem>>
      %dma_wait3A_72 = tpu.memref_slice %arg6[%multiple_of3A] : memref<1280xi32, #tpu.memory_space<vmem>> -> memref<128xi32, #tpu.memory_space<vmem>>
      %dma_wait3A_73 = arith.constant 0 : i32
      %dma_wait3A_74 = arith.constant 0 : i32
      %dma_wait3A_75 = tpu.memref_slice %arg2[%dma_wait3A_73, %dma_wait3A_74] : memref<50000x128xi32, #tpu.memory_space<hbm>> -> memref<50000x128xi32, #tpu.memory_space<hbm>>
      tpu.wait_indirect_dma semaphore(%arg9 : memref<!tpu.dma_semaphore, #tpu.memory_space<semaphore_mem>>) src(%dma_wait3A_75 : memref<50000x128xi32, #tpu.memory_space<hbm>>) dst(%dma_wait3A_71 : memref<128x128xi32, #tpu.memory_space<vmem>>)
      %mul3A_76 = arith.constant 2 : i32
      %mul3A_77 = arith.muli %scan3A_35, %mul3A_76 : i32
      %add3A_78 = arith.constant 0 : i32
      %add3A_79 = arith.addi %mul3A_77, %add3A_78 : i32
      %scan3A_80 = arith.constant 0 : i32
      %scan3A_81 = arith.constant 0 : i32
      %scan3A_82 = arith.constant 80 : i32
      %scan3A_83 = arith.addi %scan3A_81, %scan3A_82 : i32
      %scan3A_84 = arith.constant 1 : i32
      scf.for %scan3A_105 = %scan3A_81 to %scan3A_83 step %scan3A_84  : i32 {
        %mul3A_106 = arith.constant 16 : i32
        %mul3A_107 = arith.muli %scan3A_105, %mul3A_106 : i32
        %add3A_108 = vector.broadcast %mul3A_107 : i32 to vector<16xi32>
        %add3A_109 = arith.addi %add3A_108, %iota3A : vector<16xi32>
        %mul3A_110 = arith.constant 6554 : i32
        %mul3A_111 = vector.broadcast %mul3A_110 : i32 to vector<16xi32>
        %mul3A_112 = arith.muli %add3A_109, %mul3A_111 : vector<16xi32>
        %shift_right_arithmetic3A = arith.constant 16 : i32
        %shift_right_arithmetic3A_113 = vector.broadcast %shift_right_arithmetic3A : i32 to vector<16xi32>
        %shift_right_arithmetic3A_114 = arith.shrsi %mul3A_112, %shift_right_arithmetic3A_113 : vector<16xi32>
        %mul3A_115 = arith.constant 10 : i32
        %mul3A_116 = vector.broadcast %mul3A_115 : i32 to vector<16xi32>
        %mul3A_117 = arith.muli %shift_right_arithmetic3A_114, %mul3A_116 : vector<16xi32>
        %sub3A = arith.subi %add3A_109, %mul3A_117 : vector<16xi32>
        %mul3A_118 = arith.constant 128 : i32
        %mul3A_119 = arith.muli %add3A_79, %mul3A_118 : i32
        %add3A_120 = vector.broadcast %mul3A_119 : i32 to vector<16xi32>
        %add3A_121 = arith.addi %add3A_120, %shift_right_arithmetic3A_114 : vector<16xi32>
        %mul3A_122 = arith.constant 6554 : i32
        %mul3A_123 = vector.broadcast %mul3A_122 : i32 to vector<16xi32>
        %mul3A_124 = arith.muli %add3A_121, %mul3A_123 : vector<16xi32>
        %shift_right_arithmetic3A_125 = arith.constant 16 : i32
        %shift_right_arithmetic3A_126 = vector.broadcast %shift_right_arithmetic3A_125 : i32 to vector<16xi32>
        %shift_right_arithmetic3A_127 = arith.shrsi %mul3A_124, %shift_right_arithmetic3A_126 : vector<16xi32>
        %mul3A_128 = arith.constant 10 : i32
        %mul3A_129 = vector.broadcast %mul3A_128 : i32 to vector<16xi32>
        %mul3A_130 = arith.muli %shift_right_arithmetic3A_127, %mul3A_129 : vector<16xi32>
        %sub3A_131 = arith.subi %add3A_121, %mul3A_130 : vector<16xi32>
        %add3A_132 = arith.constant 0 : i32
        %add3A_133 = vector.broadcast %add3A_132 : i32 to vector<16xi32>
        %add3A_134 = arith.addi %broadcast_in_dim3A_17, %add3A_133 : vector<16xi32>
        %gather3A = tpu.vector_load_idx %arg7[%add3A_134, %shift_right_arithmetic3A_114, %sub3A] : memref<2x128x128xi32, #tpu.memory_space<vmem>>[vector<16xi32>, vector<16xi32>, vector<16xi32>], vector<16xi32>,
        %mul3A_135 = arith.constant 104 : i32
        %mul3A_136 = vector.broadcast %mul3A_135 : i32 to vector<16xi32>
        %mul3A_137 = arith.muli %shift_right_arithmetic3A_127, %mul3A_136 : vector<16xi32>
        %mul3A_138 = arith.constant 10 : i32
        %mul3A_139 = vector.broadcast %mul3A_138 : i32 to vector<16xi32>
        %mul3A_140 = arith.muli %sub3A_131, %mul3A_139 : vector<16xi32>
        %add3A_141 = arith.addi %mul3A_137, %mul3A_140 : vector<16xi32>
        %add3A_142 = arith.addi %add3A_141, %sub3A : vector<16xi32>
        tpu.vector_store_idx %arg8[%add3A_142], %gather3A : memref<13312xi32, #tpu.memory_space<vmem>>[vector<16xi32>], vector<16xi32>,
      }
      %scan3A_85 = arith.constant 80 : i32
      %dma_wait3A_86 = arith.constant 1 : i32
      %dma_wait3A_87 = arith.constant 0 : i32
      %dma_wait3A_88 = arith.constant 0 : i32
      %dma_wait3A_89 = tpu.memref_slice %arg7[%dma_wait3A_86, %dma_wait3A_87, %dma_wait3A_88] : memref<2x128x128xi32, #tpu.memory_space<vmem>> -> memref<1x128x128xi32, #tpu.memory_space<vmem>>
      %dma_wait3A_90 = tpu.memref_squeeze %dma_wait3A_89 : memref<1x128x128xi32, #tpu.memory_space<vmem>> -> memref<128x128xi32, #tpu.memory_space<vmem>>
      %dma_wait3A_91 = tpu.memref_slice %arg6[%multiple_of3A_57] : memref<1280xi32, #tpu.memory_space<vmem>> -> memref<128xi32, #tpu.memory_space<vmem>>
      %dma_wait3A_92 = arith.constant 0 : i32
      %dma_wait3A_93 = arith.constant 0 : i32
      %dma_wait3A_94 = tpu.memref_slice %arg2[%dma_wait3A_92, %dma_wait3A_93] : memref<50000x128xi32, #tpu.memory_space<hbm>> -> memref<50000x128xi32, #tpu.memory_space<hbm>>
      tpu.wait_indirect_dma semaphore(%arg10 : memref<!tpu.dma_semaphore, #tpu.memory_space<semaphore_mem>>) src(%dma_wait3A_94 : memref<50000x128xi32, #tpu.memory_space<hbm>>) dst(%dma_wait3A_90 : memref<128x128xi32, #tpu.memory_space<vmem>>)
      %mul3A_95 = arith.constant 2 : i32
      %mul3A_96 = arith.muli %scan3A_35, %mul3A_95 : i32
      %add3A_97 = arith.constant 1 : i32
      %add3A_98 = arith.addi %mul3A_96, %add3A_97 : i32
      %scan3A_99 = arith.constant 0 : i32
      %scan3A_100 = arith.constant 0 : i32
      %scan3A_101 = arith.constant 80 : i32
      %scan3A_102 = arith.addi %scan3A_100, %scan3A_101 : i32
      %scan3A_103 = arith.constant 1 : i32
      scf.for %scan3A_105 = %scan3A_100 to %scan3A_102 step %scan3A_103  : i32 {
        %mul3A_106 = arith.constant 16 : i32
        %mul3A_107 = arith.muli %scan3A_105, %mul3A_106 : i32
        %add3A_108 = vector.broadcast %mul3A_107 : i32 to vector<16xi32>
        %add3A_109 = arith.addi %add3A_108, %iota3A : vector<16xi32>
        %mul3A_110 = arith.constant 6554 : i32
        %mul3A_111 = vector.broadcast %mul3A_110 : i32 to vector<16xi32>
        %mul3A_112 = arith.muli %add3A_109, %mul3A_111 : vector<16xi32>
        %shift_right_arithmetic3A = arith.constant 16 : i32
        %shift_right_arithmetic3A_113 = vector.broadcast %shift_right_arithmetic3A : i32 to vector<16xi32>
        %shift_right_arithmetic3A_114 = arith.shrsi %mul3A_112, %shift_right_arithmetic3A_113 : vector<16xi32>
        %mul3A_115 = arith.constant 10 : i32
        %mul3A_116 = vector.broadcast %mul3A_115 : i32 to vector<16xi32>
        %mul3A_117 = arith.muli %shift_right_arithmetic3A_114, %mul3A_116 : vector<16xi32>
        %sub3A = arith.subi %add3A_109, %mul3A_117 : vector<16xi32>
        %mul3A_118 = arith.constant 128 : i32
        %mul3A_119 = arith.muli %add3A_98, %mul3A_118 : i32
        %add3A_120 = vector.broadcast %mul3A_119 : i32 to vector<16xi32>
        %add3A_121 = arith.addi %add3A_120, %shift_right_arithmetic3A_114 : vector<16xi32>
        %mul3A_122 = arith.constant 6554 : i32
        %mul3A_123 = vector.broadcast %mul3A_122 : i32 to vector<16xi32>
        %mul3A_124 = arith.muli %add3A_121, %mul3A_123 : vector<16xi32>
        %shift_right_arithmetic3A_125 = arith.constant 16 : i32
        %shift_right_arithmetic3A_126 = vector.broadcast %shift_right_arithmetic3A_125 : i32 to vector<16xi32>
        %shift_right_arithmetic3A_127 = arith.shrsi %mul3A_124, %shift_right_arithmetic3A_126 : vector<16xi32>
        %mul3A_128 = arith.constant 10 : i32
        %mul3A_129 = vector.broadcast %mul3A_128 : i32 to vector<16xi32>
        %mul3A_130 = arith.muli %shift_right_arithmetic3A_127, %mul3A_129 : vector<16xi32>
        %sub3A_131 = arith.subi %add3A_121, %mul3A_130 : vector<16xi32>
        %add3A_132 = arith.constant 1 : i32
        %add3A_133 = vector.broadcast %add3A_132 : i32 to vector<16xi32>
        %add3A_134 = arith.addi %broadcast_in_dim3A_17, %add3A_133 : vector<16xi32>
        %gather3A = tpu.vector_load_idx %arg7[%add3A_134, %shift_right_arithmetic3A_114, %sub3A] : memref<2x128x128xi32, #tpu.memory_space<vmem>>[vector<16xi32>, vector<16xi32>, vector<16xi32>], vector<16xi32>,
        %mul3A_135 = arith.constant 104 : i32
        %mul3A_136 = vector.broadcast %mul3A_135 : i32 to vector<16xi32>
        %mul3A_137 = arith.muli %shift_right_arithmetic3A_127, %mul3A_136 : vector<16xi32>
        %mul3A_138 = arith.constant 10 : i32
        %mul3A_139 = vector.broadcast %mul3A_138 : i32 to vector<16xi32>
        %mul3A_140 = arith.muli %sub3A_131, %mul3A_139 : vector<16xi32>
        %add3A_141 = arith.addi %mul3A_137, %mul3A_140 : vector<16xi32>
        %add3A_142 = arith.addi %add3A_141, %sub3A : vector<16xi32>
        tpu.vector_store_idx %arg8[%add3A_142], %gather3A : memref<13312xi32, #tpu.memory_space<vmem>>[vector<16xi32>], vector<16xi32>,
      }
      %scan3A_104 = arith.constant 80 : i32
    }
    %scan3A_34 = arith.constant 5 : i32
    "tpu.region"() ({
      %run_scoped3A = tpu.sem_alloc : memref<!tpu.dma_semaphore, #tpu.memory_space<semaphore_mem>>
      %dma_start3A_35 = arith.constant 0 : i32
      %dma_start3A_36 = tpu.memref_slice %arg4[%add3A, %dma_start3A_35] : memref<32x13312xi32, #tpu.memory_space<hbm>> -> memref<1x13312xi32, #tpu.memory_space<hbm>>
      %dma_start3A_37 = tpu.memref_squeeze %dma_start3A_36 : memref<1x13312xi32, #tpu.memory_space<hbm>> -> memref<13312xi32, #tpu.memory_space<hbm>>
      %dma_start3A_38 = arith.constant 0 : i32
      %dma_start3A_39 = tpu.memref_slice %arg4[%add3A, %dma_start3A_38] : memref<32x13312xi32, #tpu.memory_space<hbm>> -> memref<1x13312xi32, #tpu.memory_space<hbm>>
      %dma_start3A_40 = tpu.memref_squeeze %dma_start3A_39 : memref<1x13312xi32, #tpu.memory_space<hbm>> -> memref<13312xi32, #tpu.memory_space<hbm>>
      tpu.enqueue_dma source(%arg8 : memref<13312xi32, #tpu.memory_space<vmem>>) target(%dma_start3A_40 : memref<13312xi32, #tpu.memory_space<hbm>>) target_semaphore(%run_scoped3A : memref<!tpu.dma_semaphore, #tpu.memory_space<semaphore_mem>>)
      %dma_wait3A_41 = arith.constant 0 : i32
      %dma_wait3A_42 = tpu.memref_slice %arg4[%add3A, %dma_wait3A_41] : memref<32x13312xi32, #tpu.memory_space<hbm>> -> memref<1x13312xi32, #tpu.memory_space<hbm>>
      %dma_wait3A_43 = tpu.memref_squeeze %dma_wait3A_42 : memref<1x13312xi32, #tpu.memory_space<hbm>> -> memref<13312xi32, #tpu.memory_space<hbm>>
      %dma_wait3A_44 = arith.constant 0 : i32
      %dma_wait3A_45 = tpu.memref_slice %arg4[%add3A, %dma_wait3A_44] : memref<32x13312xi32, #tpu.memory_space<hbm>> -> memref<1x13312xi32, #tpu.memory_space<hbm>>
      %dma_wait3A_46 = tpu.memref_squeeze %dma_wait3A_45 : memref<1x13312xi32, #tpu.memory_space<hbm>> -> memref<13312xi32, #tpu.memory_space<hbm>>
      tpu.wait_dma2 semaphore(%run_scoped3A : memref<!tpu.dma_semaphore, #tpu.memory_space<semaphore_mem>>) src(%arg8 : memref<13312xi32, #tpu.memory_space<vmem>>) dst(%dma_wait3A_46 : memref<13312xi32, #tpu.memory_space<hbm>>)
      tpu.yield
    }) : () -> ()
    return
  }
}

module attributes {stable_mosaic.version = 14 : i64} {
  func.func @body(%arg0: i32, %arg1: memref<1000x10xi32, #tpu.memory_space<vmem>>, %arg2: memref<1000x128xi32, #tpu.memory_space<vmem>>) attributes {dimension_semantics = [#tpu.dimension_semantics<arbitrary>], iteration_bounds = array<i64: 50>, scalar_prefetch = 0 : i64, scratch_operands = 0 : i64, tpu.core_type = #tpu.core_type<tc>, window_params = [{transform_indices = @transform_0, window_bounds = array<i64: 1000, 10>}, {transform_indices = @transform_1, window_bounds = array<i64: 1000, 128>}]} {
    %get3A = arith.constant 0 : index
    %get3A_0 = arith.constant 0 : index
    %get3A_1 = vector.load %arg1[%get3A, %get3A_0] : memref<1000x10xi32, #tpu.memory_space<vmem>>, vector<1000x10xi32>
    %broadcast_in_dim3A = arith.constant 0 : i32
    %broadcast_in_dim3A_2 = vector.broadcast %broadcast_in_dim3A : i32 to vector<1000x118xi32>
    %concatenate3A = tpu.concatenate %get3A_1, %broadcast_in_dim3A_2 in 1 : vector<1000x10xi32>, vector<1000x118xi32> -> vector<1000x128xi32>
    %swap3A = arith.constant 0 : index
    %swap3A_3 = arith.constant 0 : index
    %swap3A_4 = vector.load %arg2[%swap3A, %swap3A_3] : memref<1000x128xi32, #tpu.memory_space<vmem>>, vector<1000x128xi32>
    tpu.vector_store %arg2[%swap3A, %swap3A_3], %concatenate3A {strides = array<i32>} : memref<1000x128xi32, #tpu.memory_space<vmem>>, vector<1000x128xi32>,
    return
  }
  func.func @transform_0(%arg0: i32) -> (i32, i32) {
    %c0_i32 = arith.constant 0 : i32
    %c0_i32_0 = arith.constant 0 : i32
    return %arg0, %c0_i32 : i32, i32
  }
  func.func @transform_1(%arg0: i32) -> (i32, i32) {
    %c0_i32 = arith.constant 0 : i32
    %c0_i32_0 = arith.constant 0 : i32
    return %arg0, %c0_i32 : i32, i32
  }
}

module attributes {stable_mosaic.version = 14 : i64} {
  func.func @body(%arg0: i32, %arg1: memref<1000x128xf32, #tpu.memory_space<vmem>>, %arg2: memref<128x128xf32, #tpu.memory_space<vmem>>, %arg3: memref<1000x128xf32, #tpu.memory_space<vmem>>) attributes {dimension_semantics = [#tpu.dimension_semantics<arbitrary>], iteration_bounds = array<i64: 50>, scalar_prefetch = 0 : i64, scratch_operands = 0 : i64, tpu.core_type = #tpu.core_type<tc>, window_params = [{transform_indices = @transform_0, window_bounds = array<i64: 1000, 128>}, {pipeline_mode = #tpu.pipeline_mode<synchronous>, transform_indices = @transform_1, window_bounds = array<i64: 128, 128>}, {transform_indices = @transform_2, window_bounds = array<i64: 1000, 128>}]} {
    %get3A = arith.constant 0 : index
    %get3A_0 = arith.constant 0 : index
    %get3A_1 = vector.load %arg1[%get3A, %get3A_0] : memref<1000x128xf32, #tpu.memory_space<vmem>>, vector<1000x128xf32>
    %get3A_2 = arith.constant 0 : index
    %get3A_3 = arith.constant 0 : index
    %get3A_4 = vector.load %arg2[%get3A_2, %get3A_3] : memref<128x128xf32, #tpu.memory_space<vmem>>, vector<128x128xf32>
    %dot_general3A = arith.constant dense<0.000000e+00> : vector<1000x128xf32>
    %dot_general3A_5 = tpu.matmul %get3A_1, %get3A_4, %dot_general3A {dimension_numbers = #tpu.dot_dimension_numbers<[1], [1], [0], [0], [0, 0, 1, 0], [], []>, transpose_lhs_hint = false} : vector<1000x128xf32>, vector<128x128xf32>, vector<1000x128xf32> -> vector<1000x128xf32>
    %swap3A = arith.constant 0 : index
    %swap3A_6 = arith.constant 0 : index
    %swap3A_7 = vector.load %arg3[%swap3A, %swap3A_6] : memref<1000x128xf32, #tpu.memory_space<vmem>>, vector<1000x128xf32>
    tpu.vector_store %arg3[%swap3A, %swap3A_6], %dot_general3A_5 {strides = array<i32>} : memref<1000x128xf32, #tpu.memory_space<vmem>>, vector<1000x128xf32>,
    return
  }
  func.func @transform_0(%arg0: i32) -> (i32, i32) {
    %c0_i32 = arith.constant 0 : i32
    %c0_i32_0 = arith.constant 0 : i32
    return %arg0, %c0_i32 : i32, i32
  }
  func.func @transform_1(%arg0: i32) -> (i32, i32) {
    %c0_i32 = arith.constant 0 : i32
    %c0_i32_0 = arith.constant 0 : i32
    %c0_i32_1 = arith.constant 0 : i32
    return %c0_i32, %c0_i32_0 : i32, i32
  }
  func.func @transform_2(%arg0: i32) -> (i32, i32) {
    %c0_i32 = arith.constant 0 : i32
    %c0_i32_0 = arith.constant 0 : i32
    return %arg0, %c0_i32 : i32, i32
  }
}

module attributes {stable_mosaic.version = 14 : i64} {
  func.func @body(%arg0: memref<2048x128xf32, #tpu.memory_space<vmem>>, %arg1: memref<128x128xf32, #tpu.memory_space<vmem>>, %arg2: memref<2x128xf32, #tpu.memory_space<vmem>>, %arg3: memref<2048x2xf32, #tpu.memory_space<vmem>>) attributes {dimension_semantics = [], scalar_prefetch = 0 : i64, scratch_operands = 0 : i64, tpu.core_type = #tpu.core_type<tc>} {
    %get3A = arith.constant 0 : index
    %get3A_0 = arith.constant 0 : index
    %get3A_1 = vector.load %arg2[%get3A, %get3A_0] : memref<2x128xf32, #tpu.memory_space<vmem>>, vector<2x128xf32>
    %get3A_2 = arith.constant 0 : index
    %get3A_3 = arith.constant 0 : index
    %get3A_4 = vector.load %arg1[%get3A_2, %get3A_3] : memref<128x128xf32, #tpu.memory_space<vmem>>, vector<128x128xf32>
    %dot_general3A = arith.constant dense<0.000000e+00> : vector<2x128xf32>
    %dot_general3A_5 = tpu.matmul %get3A_1, %get3A_4, %dot_general3A {dimension_numbers = #tpu.dot_dimension_numbers<[1], [0], [0], [1], [0, 0, 1, 1], [], []>, transpose_lhs_hint = false} : vector<2x128xf32>, vector<128x128xf32>, vector<2x128xf32> -> vector<2x128xf32>
    %get3A_6 = arith.constant 0 : index
    %get3A_7 = arith.constant 0 : index
    %get3A_8 = vector.load %arg0[%get3A_6, %get3A_7] : memref<2048x128xf32, #tpu.memory_space<vmem>>, vector<2048x128xf32>
    %dot_general3A_9 = arith.constant dense<0.000000e+00> : vector<2048x2xf32>
    %dot_general3A_10 = tpu.matmul %get3A_8, %dot_general3A_5, %dot_general3A_9 {dimension_numbers = #tpu.dot_dimension_numbers<[1], [1], [0], [0], [0, 0, 1, 0], [], []>, transpose_lhs_hint = false} : vector<2048x128xf32>, vector<2x128xf32>, vector<2048x2xf32> -> vector<2048x2xf32>
    %mul3A = arith.constant 5.000000e-03 : f32
    %mul3A_11 = vector.broadcast %mul3A : f32 to vector<2048x2xf32>
    %mul3A_12 = arith.mulf %mul3A_11, %dot_general3A_10 : vector<2048x2xf32>
    %swap3A = arith.constant 0 : index
    %swap3A_13 = arith.constant 0 : index
    %swap3A_14 = vector.load %arg3[%swap3A, %swap3A_13] : memref<2048x2xf32, #tpu.memory_space<vmem>>, vector<2048x2xf32>
    tpu.vector_store %arg3[%swap3A, %swap3A_13], %mul3A_12 {strides = array<i32>} : memref<2048x2xf32, #tpu.memory_space<vmem>>, vector<2048x2xf32>,
    return
  }
}

</mosaic_0001>

<sc_bundles>
// kernel: kernel.10.cloned.1.call-start
scs
__scs_entry_jumppad:
0x0: {  	(pc) =	sbr.rel $0x88, $3  }
0x1: {  	(tag) =	ssettag $0x0;
	lr =	simm.s32 $0x1  }
0x2: {  	[smem:$0x3F9B] =	sst lr;
	_ =	strace $0xD0000000  }
0x3: {  	_ = 	snop  }
0x4: {  	_ = 	snop  }
0x5: {  	_ = 	snop  }
0x6: {  	_ = 	snop  }
0x7: {  	_ = 	snop  }
__scs_overlays_trampoline_lowered:
0x8: {  	[smem:$0x3FAA] =	sst s0  }
0x9: {  	[smem:$0x3FAB] =	sst s1  }
0xa: {  	[smem:$0x3FAC] =	sst s2  }
0xb: {  	[smem:$0x3FAD] =	sst s3  }
0xc: {  	[smem:$0x3FAE] =	sst s4  }
0xd: {  	[smem:$0x3FAF] =	sst s5  }
0xe: {  	[smem:$0x3FB0] =	sst s6  }
0xf: {  	[smem:$0x3FB1] =	sst s7  }
0x10: {  	[smem:$0x3FB2] =	sst s8  }
0x11: {  	[smem:$0x3FB3] =	sst s9;
	s0 =	simm.s32 @!p0 $0x0  }
0x12: {  	s1 =	sld [smem:$0x3F99];
	s0 =	simm.s32 @p0 $0x1  }
0x13: {  	[smem:$0x3FB4] =	sst s0;
	s0 =	simm.s32 @!p1 $0x0  }
0x14: {  	s2 =	sld [smem:$0x3F98];
	s0 =	simm.s32 @p1 $0x1  }
0x15: {  	[smem:$0x3FB5] =	sst s0;
	s0 =	simm.s32 @!p2 $0x0  }
0x16: {  	s3 =	sld [smem:$0x3FDB];
	s0 =	simm.s32 @p2 $0x1  }
0x17: {  	s4 =	simm.s32 $0x1BF5;
	[smem:$0x3FB7] =	sst s0  }
0x18: {  	s0 =	sld [smem:$0x3F9A];
	_ =	swait.ge [sflag:s4], $0x0  }
0x19: {  	s7 =	sld [smem:$0x3F9B]  }
0x1a: {  	s8 =	sadd.s32 $0xFFFFE003, lr  }
0x1b: {  	s9 =	sadd.s32 $0xFFFFFEF7, lr;
	s5 =	simm.s32 $0xFFFFFFFF;
	p2 =	slt.u32 s8, $0xFFFFF086  }
0x1c: {  	p1 =	slt.u32 s9, $0xF7A;
	s5 =	simm.s32 @!p2 $0x0  }
0x1d: {  	s5 =	simm.s32 @p1 $0x1;
	p0 =	seq.s32 s7, s2  }
0x1e: {  	s7 =	smul.u32 @!p0 $0xF7A, s2;
	p2 =	seq.s32 @!p0 s5, $0x0  }
0x1f: {  	s9 =	smul.u32 $0xF7A, s1;
	s8 =	simm.s32 @!p0 $0x1BF5;
	p2 =	por !p2, p0  }
0x20: {  	[sflag:s8] =	ssyncset.s32 @!p0 $0xFFFFF086;
	s6 =	sadd.s32 @!p0 s3, s7;
	s7 =	simm.s32 @!p0 $0x108  }
0x21: {  	s3 =	sadd.s32 s3, s9;
	s6 =	sadd.s32 @!p0 $0x88, s6;
	s7 =	simm.s32 @p2 $0x1082  }
0x22: {  	[simem:s7], [sflag:s8] =	dma.local @!p0 [hbm:s6], $0xF7A  }
0x23: {  	s9 =	sor.u32 $0xD0000000, s2;
	s6 =	simm.s32 $0x108;
	_ =	swait.ge @!p0 [sflag:s8], $0x0  }
0x24: {  	s3 =	sadd.s32 $0x88, s3;
	s6 =	simm.s32 @!p1 $0x1082;
	[sflag:s4] =	ssyncset.s32 $0xFFFFF086  }
0x25: {  	[simem:s6], [sflag:s4] =	dma.local [hbm:s3], $0xF7A  }
0x26: {  	[smem:$0x3F9B] =	sst s1;
	(tag) =	ssettag s2;
	_ =	strace s9  }
0x27: {  	s1 =	sld [smem:$0x3FAB]  }
0x28: {  	s2 =	sld [smem:$0x3FAC]  }
0x29: {  	s4 =	sld [smem:$0x3FAE]  }
0x2a: {  	p0 =	seq.s32 s5, $0x0;
	s5 =	sld [smem:$0x3FAF]  }
0x2b: {  	s6 =	sld [smem:$0x3FB0]  }
0x2c: {  	s7 =	sld [smem:$0x3FB1]  }
0x2d: {  	s3 =	simm.s32 $0x108;
	s8 =	sld [smem:$0x3FB2]  }
0x2e: {  	s3 =	simm.s32 @!p0 $0x1082;
	s9 =	sld [smem:$0x3FB3]  }
0x2f: {  	lr =	sadd.s32 s0, s3;
	s0 =	sld [smem:$0x3FAA]  }
0x30: {  	s3 =	sld [smem:$0x3FAD]  }
0x31: {  	[smem:$0x3FB6] =	sst s10  }
0x32: {  	s10 =	sld [smem:$0x3FB4];
	_ =	sdelay $0x3  }
0x33: {  	p0 =	seq.s32 s10, $0x1;
	s10 =	sld [smem:$0x3FB6];
	_ =	sdelay $0x3  }
0x34: {  	[smem:$0x3FB6] =	sst s10  }
0x35: {  	s10 =	sld [smem:$0x3FB5];
	_ =	sdelay $0x3  }
0x36: {  	p1 =	seq.s32 s10, $0x1;
	s10 =	sld [smem:$0x3FB6];
	_ =	sdelay $0x3  }
0x37: {  	[smem:$0x3FB6] =	sst s10  }
0x38: {  	s10 =	sld [smem:$0x3FB7]  }
0x39: {  	_ = 	snop;
	(pc) =	sbr.ind lr, $3  }
0x3a: {  	_ = 	snop  }
0x3b: {  	_ = 	snop  }
0x3c: {  	p2 =	seq.s32 s10, $0x1;
	s10 =	sld [smem:$0x3FB6]  }
0x3d: {  	_ =	shalt  }
0x3e: {  	_ =	shalt  }
0x3f: {  	_ =	shalt  }
0x40: {  	_ =	shalt  }
0x41: {  	_ =	shalt  }
0x42: {  	_ =	shalt  }
0x43: {  	_ =	shalt  }
0x44: {  	_ =	shalt  }
0x45: {  	_ =	shalt  }
0x46: {  	_ =	shalt  }
0x47: {  	_ =	shalt  }
0x48: {  	_ =	shalt  }
0x49: {  	_ =	shalt  }
0x4a: {  	_ =	shalt  }
0x4b: {  	_ =	shalt  }
0x4c: {  	_ =	shalt  }
0x4d: {  	_ =	shalt  }
0x4e: {  	_ =	shalt  }
0x4f: {  	_ =	shalt  }
0x50: {  	_ =	shalt  }
0x51: {  	_ =	shalt  }
0x52: {  	_ =	shalt  }
0x53: {  	_ =	shalt  }
0x54: {  	_ =	shalt  }
0x55: {  	_ =	shalt  }
0x56: {  	_ =	shalt  }
0x57: {  	_ =	shalt  }
0x58: {  	_ =	shalt  }
0x59: {  	_ =	shalt  }
0x5a: {  	_ =	shalt  }
0x5b: {  	_ =	shalt  }
0x5c: {  	_ =	shalt  }
0x5d: {  	_ =	shalt  }
0x5e: {  	_ =	shalt  }
0x5f: {  	_ =	shalt  }
0x60: {  	_ =	shalt  }
0x61: {  	_ =	shalt  }
0x62: {  	_ =	shalt  }
0x63: {  	_ =	shalt  }
0x64: {  	_ =	shalt  }
0x65: {  	_ =	shalt  }
0x66: {  	_ =	shalt  }
0x67: {  	_ =	shalt  }
0x68: {  	_ =	shalt  }
0x69: {  	_ =	shalt  }
0x6a: {  	_ =	shalt  }
0x6b: {  	_ =	shalt  }
0x6c: {  	_ =	shalt  }
0x6d: {  	_ =	shalt  }
0x6e: {  	_ =	shalt  }
0x6f: {  	_ =	shalt  }
0x70: {  	_ =	shalt  }
0x71: {  	_ =	shalt  }
0x72: {  	_ =	shalt  }
0x73: {  	_ =	shalt  }
0x74: {  	_ =	shalt  }
0x75: {  	_ =	shalt  }
0x76: {  	_ =	shalt  }
0x77: {  	_ =	shalt  }
0x78: {  	_ =	shalt  }
0x79: {  	_ =	shalt  }
0x7a: {  	_ =	shalt  }
0x7b: {  	_ =	shalt  }
0x7c: {  	_ =	shalt  }
0x7d: {  	_ =	shalt  }
0x7e: {  	_ =	shalt  }
0x7f: {  	_ =	shalt  }
0x80: {  	_ =	shalt  }
0x81: {  	_ =	shalt  }
0x82: {  	_ =	shalt  }
0x83: {  	_ =	shalt  }
0x84: {  	_ =	shalt  }
0x85: {  	_ =	shalt  }
0x86: {  	_ =	shalt  }
0x87: {  	_ =	shalt  }
.Lfunc_end0:
.L_simem_size_0:
called_computation.1_lowered:
.L_overlay_start_0:
0x88: {  	s2 =	sld [smem:$0x3FD9]  }
0x89: {  	s3 =	sld [smem:$0x3FFE];
	_ =	sdelay $0x1  }
0x8a: {  	s1 =	srdreg.scid  }
0x8b: {  	s0 =	sand.u32 $0x1, s1  }
0x8c: {  	s16 =	sshll.u32 s0, $0xA;
	s2 =	sadd.s32 s3, s2  }
0x8d: {  	s2 =	sadd.s32 s2, s16  }
0x8e: {  	[smem:$0x3FC2] =	sst s2  }
0x8f: {  	_ = 	snop  }
0x90: {  	(tm) =	ssettm $0x1  }
0x91: {  	s17 =	sld [smem:$0x3FFB];
	_ =	sdelay $0x3  }
0x92: {  	_ =	strace s17  }
0x93: {  	s2 =	sld [smem:$0x3FFC];
	_ =	sdelay $0x3  }
0x94: {  	_ =	strace s2  }
0x95: {  	s2 =	sld [smem:$0x3FFD];
	_ =	sdelay $0x3  }
0x96: {  	_ =	strace s2  }
0x97: {  	_ =	strace $0x8FFFFFFF  }
0x98: {  	s18 =	sld [smem:$0x3FDB];
	_ =	sdelay $0x1  }
0x99: {  	s19 =	simm.s32 $_scs_section_size  }
0x9a: {  	s4 =	simm.s32 $_size__tile_overlayer_lowered;
	s5 =	simm.s32 $_tile_overlayer_lowered  }
0x9b: {  	s22 =	simm.s32 $0x1BFF;
	s21 =	sshll.u32 s5, $0x1;
	s2 =	sadd.s32 s19, s18  }
0x9c: {  	s6 =	simm.s32 $0x0;
	s20 =	sshll.u32 s4, $0x1;
	s4 =	sadd.s32 s21, s2  }
0x9d: {  	[timem:s6], [sflag:s22] =	dma.local [hbm:s4], s20  }
0x9e: {  	_ =	swait.ge [sflag:s22], s20  }
0x9f: {  	s3 =	ssub.s32 $0x0, s20;
	[sflag:s22] =	ssyncset.done $0x0  }
0xa0: {  	[sflag:s22] =	ssyncadd.s32 s3;
	_ =	sdelay $0x1  }
0xa1: {  	s23 =	simm.s32 $0x1B8B  }
0xa2: {  	_ =	swait.ge [sflag:s23], $0x1  }
0xa3: {  	[sflag:s23] =	ssyncset.done $0x0  }
0xa4: {  	s25 =	simm.s32 $0x1B8E;
	s24 =	sld [smem:$0x3FFE];
	[sflag:s23] =	ssyncadd.s32 $0xFFFFFFFF  }
0xa5: {  	s26 =	simm.s32 $execute0_lowered;
	[smem:$0x3FD2] =	sst s25  }
0xa6: {  	s4 =	sshll.u32 s26, $0x1;
	_ =	strace $0x80000049;
	[dreg:$0x1] =	wrdreg $0xFFFFFFFF  }
0xa7: {  	s28 =	simm.s32 $_size_execute0_lowered;
	s2 =	sadd.s32 s2, s4;
	[dreg:$0x0] =	wrdreg $0x0  }
0xa8: {  	s4 =	sshll.u32 s28, $0x1;
	[dreg:$0x2] =	wrdreg s2  }
0xa9: {  	[dreg:$0x3] =	wrdreg s4  }
0xaa: {  	[dreg:$0x4] =	wrdreg $0xC0  }
0xab: {  	_ =	task [dreg:s6], $0x5FFFF  }
0xac: {  	[dreg:$0x1] =	wrdreg $0xFFFFFFFF  }
0xad: {  	[dreg:$0x0] =	wrdreg $0x60  }
0xae: {  	[dreg:$0x2] =	wrdreg s24  }
0xaf: {  	[dreg:$0x3] =	wrdreg $0x9  }
0xb0: {  	_ =	task.clear_ibuf [dreg:s6], $0x4FFFF;
	_ =	strace $0x90000049  }
0xb1: {  	s29 =	simm.s32 $0x9;
	_ =	strace $0x8000004B  }
0xb2: {  	_ =	swait.ge [sflag:s29], $0x1  }
0xb3: {  	[sflag:s29] =	ssyncadd.s32 $0xFFFFFFFF  }
0xb4: {  	_ =	strace $0x9000004B  }
0xb5: {  	_ =	sfence  }
0xb6: {  	s30 =	sld [smem:$0x0];
	_ =	sdelay $0x2  }
0xb7: {  	s31 =	sshll.u32 s1, $0xD;
	s1 =	sshrl.u32 s1, $0x2  }
0xb8: {  	s3 =	sand.u32 $0x4000, s31;
	s1 =	sadd.s32 s1, s30  }
0xb9: {  	s0 =	sor.u32 s3, s0;
	s1 =	sshll.u32 s1, $0x11  }
0xba: {  	s0 =	sor.u32 s1, s0  }
0xbb: {  	s0 =	sadd.s32 $0x8F2B, s0  }
0xbc: {  	[sflag:s0] =	ssyncadd.remote.s32 $0x1  }
0xbd: {  	_ =	sfence.sel $0xFFFF  }
0xbe: {  	[dreg:$0x0] =	wrdreg $0xFFFFFFFF;
	(pc) =	sbr.abs _section_cstart, $3  }
0xbf: {  	[dreg:$0x1] =	wrdreg $0xFFFFFFFF  }
0xc0: {  	_ =	task.clear_ibuf [dreg:s6], $0x2FFFF;
	_ =	strace $0x9FFFFFFF  }
0xc1: {  	(tm) =	ssettm $0x7FFFFFFF  }
tec
execute0_lowered:
.L_overlay_start_1:
0x0: {  	(tag) =	ssettag $0x1  }
0x1: {  	s1 =	srdreg.scid  }
0x2: {  	s0 =	stileid.u32;
	s4 =	rddreg [dreg:$0x0];
	s9 =	simm.s32 $0x5  }
0x3: {  	s10 =	simm.s32 $0x68;
	s11 =	simm.s32 $0x3400;
	s12 =	simm.s32 $0x6800  }
0x4: {  	s13 =	simm.s32 $0x9C00;
	s14 =	simm.s32 $0xD000;
	s15 =	simm.s32 $0x1  }
0x5: {  	s16 =	simm.s32 $0x2;
	s17 =	simm.s32 $0x3;
	s18 =	simm.s32 $0x4  }
0x6: {  	s19 =	simm.s32 $0x10400;
	s20 =	simm.s32 $0x0;
	s5 =	sand.u32 $0x1, s1  }
0x7: {  	s2 =	sshll.u32 s0, $0x1;
	s1 =	rddreg [dreg:$0x1];
	s3 =	sshrl.u32 s0, $0x2  }
0x8: {  	s6 =	sor.u32 s5, s2;
	s2 =	simm.s32 $0x0;
	s7 =	smul.u32 $0x1A000, s3  }
0x9: {  	s3 =	sadd.s32 $0x187E00, s4;
	s5 =	ssub.s32 $0x2, s5;
	s29 =	sshll.u32 s6, $0x7  }
0xa: {  	[smem:$0x7FF] =	sst s2;
	s6 =	sshll.u32 s6, $0xA;
	s8 =	sand.u32 $0x380, s29  }
0xb: {  	s30 =	sshrl.u32 s5, $0x1;
	_ =	strace $0x8000004A;
	s7 =	sor.u32 s7, s8  }
0xc: {  	s6 =	sadd.s32 s6, s4;
	s31 =	ssub.s32 s5, s30;
	s7 =	sshrl.u32 s7, $0x3  }
0xd: {  	s5 =	sadd.s32 $0xE200, s6;
	s6 =	smax.u32 s31, $0x1;
	s7 =	sadd.s32 s7, s4  }
0xe: {  	s8 =	simm.s32 $0x400;
	s4 =	sadd.s32 $0x1200, s7;
	s7 =	simm.s32 $0x80  }
.LBB2_1:
0xf: {  	[tilespmem:s2], [sflag:$0x5] =	stream.strided.gather [hbm4b:s4+s7], $0x3400, s8, s7, $0x38;
	[tilespmem:$0x12400] =	vst v63  }
0x10: {  	_ =	swait.ge [sflag:s9], $0x3400  }
0x11: {  	[sflag:s9] =	ssyncset.done $0x0  }
0x12: {  	s21 =	simm.s32 $0x0;
	[sflag:s9] =	ssyncadd.s32 $0xFFFFCC00  }
.LBB2_2:
0x13: {  	s22 =	smul.u32 $0x680, s21;
	_ =	sdelay $0x1  }
0x14: {  	s22 =	sshra.s32 s22, $0x2  }
0x15: {  	[tilespmem:s11], [sflag:$0x1] =	stream.indirect.gather [hbm4b:s3+s10], $0x80, s22, s10, $0xb8;
	[tilespmem:$0x12400] =	vst v63  }
0x16: {  	s23 =	sadd.s32 $0x68, s22  }
0x17: {  	[tilespmem:s12], [sflag:$0x2] =	stream.indirect.gather [hbm4b:s3+s10], $0x80, s23, s10, $0xb8;
	[tilespmem:$0x12400] =	vst v63  }
0x18: {  	s31 =	sadd.s32 $0xD0, s22  }
0x19: {  	[tilespmem:s13], [sflag:$0x3] =	stream.indirect.gather [hbm4b:s3+s10], $0x80, s31, s10, $0xb8;
	[tilespmem:$0x12400] =	vst v63  }
0x1a: {  	s22 =	sadd.s32 $0x138, s22  }
0x1b: {  	[tilespmem:s14], [sflag:$0x4] =	stream.indirect.gather [hbm4b:s3+s10], $0x80, s22, s10, $0xb8;
	[tilespmem:$0x12400] =	vst v63  }
0x1c: {  	_ =	swait.ge [sflag:s15], $0x3400  }
0x1d: {  	[sflag:s15] =	ssyncset.done $0x0  }
0x1e: {  	s24 =	simm.s32 $0x0;
	[sflag:s15] =	ssyncadd.s32 $0xFFFFCC00  }
0x1f: {  	v0 =	vld [tilespmem:s24+$0x3470]  }
0x20: {  	v1 =	vld [tilespmem:s24+$0x3400]  }
0x21: {  	v2 =	vld [tilespmem:s24+$0x34F0]  }
0x22: {  	v3 =	vld [tilespmem:s24+$0x3410]  }
0x23: {  	v4 =	vld [tilespmem:s24+$0x3570]  }
0x24: {  	v5 =	vld [tilespmem:s24+$0x3420]  }
0x25: {  	v6 =	vld [tilespmem:s24+$0x35F0]  }
0x26: {  	v7 =	vld [tilespmem:s24+$0x3430]  }
0x27: {  	v8 =	vld [tilespmem:s24+$0x3670]  }
0x28: {  	v9 =	vld [tilespmem:s24+$0x3440]  }
0x29: {  	v10 =	vld [tilespmem:s24+$0x36F0]  }
0x2a: {  	v11 =	vld [tilespmem:s24+$0x3450]  }
0x2b: {  	v12 =	vld [tilespmem:s24+$0x3770]  }
0x2c: {  	v13 =	vld [tilespmem:s24+$0x3460]  }
0x2d: {  	v14 =	vld [tilespmem:s24+$0x37F0]  }
0x2e: {  	v15 =	vld [tilespmem:s24+$0x3480]  }
0x2f: {  	v16 =	vld [tilespmem:s24+$0x3870]  }
0x30: {  	v17 =	vld [tilespmem:s24+$0x3490]  }
0x31: {  	v18 =	vld [tilespmem:s24+$0x38F0]  }
0x32: {  	v19 =	vld [tilespmem:s24+$0x34A0]  }
0x33: {  	v20 =	vld [tilespmem:s24+$0x34B0]  }
0x34: {  	v21 =	vld [tilespmem:s24+$0x34C0]  }
0x35: {  	v22 =	vld [tilespmem:s24+$0x34D0]  }
0x36: {  	v23 =	vld [tilespmem:s24+$0x34E0]  }
0x37: {  	v24 =	vld [tilespmem:s24+$0x3500]  }
0x38: {  	v25 =	vld [tilespmem:s24+$0x3510]  }
0x39: {  	v26 =	vld [tilespmem:s24+$0x3520]  }
0x3a: {  	v27 =	vld [tilespmem:s24+$0x3530]  }
0x3b: {  	v28 =	vld [tilespmem:s24+$0x3540]  }
0x3c: {  	v29 =	vld [tilespmem:s24+$0x3550]  }
0x3d: {  	v30 =	vld [tilespmem:s24+$0x3560]  }
0x3e: {  	v31 =	vld [tilespmem:s24+$0x3580]  }
0x3f: {  	v32 =	vld [tilespmem:s24+$0x3590]  }
0x40: {  	v33 =	vld [tilespmem:s24+$0x35B0]  }
0x41: {  	v34 =	vld [tilespmem:s24+$0x35D0]  }
0x42: {  	v35 =	vld [tilespmem:s24+$0x3600]  }
0x43: {  	v36 =	vld [tilespmem:s24+$0x3620]  }
0x44: {  	v37 =	vld [tilespmem:s24+$0x3640];
	v0 =	vadd.f32 $0.0e+00, v0  }
0x45: {  	v38 =	vld [tilespmem:s24+$0x3660];
	v1 =	vadd.f32 $0.0e+00, v1  }
0x46: {  	v3 =	vadd.f32 $0.0e+00, v3;
	v0 =	vadd.f32 v2, v0;
	v2 =	vld [tilespmem:s24+$0x35A0]  }
0x47: {  	v5 =	vadd.f32 $0.0e+00, v5;
	v1 =	vadd.f32 v15, v1;
	v15 =	vld [tilespmem:s24+$0x3690]  }
0x48: {  	v7 =	vadd.f32 $0.0e+00, v7;
	v3 =	vadd.f32 v17, v3;
	v17 =	vld [tilespmem:s24+$0x36B0]  }
0x49: {  	v9 =	vadd.f32 $0.0e+00, v9;
	v5 =	vadd.f32 v19, v5;
	v19 =	vld [tilespmem:s24+$0x36D0]  }
0x4a: {  	v11 =	vadd.f32 $0.0e+00, v11;
	v7 =	vadd.f32 v20, v7;
	v20 =	vld [tilespmem:s24+$0x36E0]  }
0x4b: {  	v13 =	vadd.f32 $0.0e+00, v13;
	v9 =	vadd.f32 v21, v9;
	v21 =	vld [tilespmem:s24+$0x3700]  }
0x4c: {  	v11 =	vadd.f32 v22, v11;
	v22 =	vld [tilespmem:s24+$0x3710]  }
0x4d: {  	v13 =	vadd.f32 v23, v13;
	v23 =	vld [tilespmem:s24+$0x3720]  }
0x4e: {  	v0 =	vadd.f32 v4, v0;
	v4 =	vld [tilespmem:s24+$0x35C0]  }
0x4f: {  	v1 =	vadd.f32 v24, v1;
	v24 =	vld [tilespmem:s24+$0x3730]  }
0x50: {  	v3 =	vadd.f32 v25, v3;
	v5 =	vadd.f32 v26, v5;
	v25 =	vld [tilespmem:s24+$0x3740]  }
0x51: {  	v7 =	vadd.f32 v27, v7;
	v9 =	vadd.f32 v28, v9;
	v26 =	vld [tilespmem:s24+$0x3750]  }
0x52: {  	v11 =	vadd.f32 v29, v11;
	v0 =	vadd.f32 v6, v0;
	v6 =	vld [tilespmem:s24+$0x35E0]  }
0x53: {  	v2 =	vadd.f32 v2, v5;
	v5 =	vadd.f32 v33, v7;
	v7 =	vld [tilespmem:s24+$0x3760]  }
0x54: {  	v13 =	vadd.f32 v30, v13;
	v0 =	vadd.f32 v8, v0;
	v8 =	vld [tilespmem:s24+$0x3610]  }
0x55: {  	v4 =	vadd.f32 v4, v9;
	v9 =	vadd.f32 v34, v11;
	v11 =	vld [tilespmem:s24+$0x3780]  }
0x56: {  	v0 =	vadd.f32 v10, v0;
	v10 =	vld [tilespmem:s24+$0x3630]  }
0x57: {  	v3 =	vadd.f32 v32, v3;
	v6 =	vadd.f32 v6, v13;
	v13 =	vld [tilespmem:s24+$0x3790]  }
0x58: {  	v1 =	vadd.f32 v31, v1;
	v0 =	vadd.f32 v12, v0;
	v12 =	vld [tilespmem:s24+$0x3650]  }
0x59: {  	v3 =	vadd.f32 v8, v3;
	v8 =	vld [tilespmem:s24+$0x37A0]  }
0x5a: {  	v1 =	vadd.f32 v35, v1;
	v0 =	vadd.f32 v14, v0;
	v14 =	vld [tilespmem:s24+$0x3680]  }
0x5b: {  	v6 =	vadd.f32 v38, v6;
	v5 =	vadd.f32 v10, v5;
	v10 =	vld [tilespmem:s24+$0x37B0]  }
0x5c: {  	v2 =	vadd.f32 v36, v2;
	v3 =	vadd.f32 v15, v3;
	v15 =	vld [tilespmem:s24+$0x37E0]  }
0x5d: {  	v4 =	vadd.f32 v37, v4;
	v6 =	vadd.f32 v20, v6;
	v20 =	vld [tilespmem:s24+$0x3850]  }
0x5e: {  	v0 =	vadd.f32 v16, v0;
	v16 =	vld [tilespmem:s24+$0x36A0];
	v9 =	vadd.f32 v12, v9  }
0x5f: {  	v12 =	vld [tilespmem:s24+$0x37C0];
	v5 =	vadd.f32 v17, v5;
	v3 =	vadd.f32 v22, v3  }
0x60: {  	v17 =	vld [tilespmem:s24+$0x3810];
	v6 =	vadd.f32 v7, v6;
	v0 =	vadd.f32 v18, v0  }
0x61: {  	v18 =	vld [tilespmem:s24+$0x36C0];
	v1 =	vadd.f32 v14, v1;
	v9 =	vadd.f32 v19, v9  }
0x62: {  	v14 =	vld [tilespmem:s24+$0x37D0];
	v5 =	vadd.f32 v24, v5;
	v3 =	vadd.f32 v13, v3  }
0x63: {  	v19 =	vld [tilespmem:s24+$0x3830];
	v6 =	vadd.f32 v15, v6;
	v2 =	vadd.f32 v16, v2  }
0x64: {  	v16 =	vld [tilespmem:s24+$0x3800];
	v1 =	vadd.f32 v21, v1;
	v9 =	vadd.f32 v26, v9  }
0x65: {  	v0 =	vmax.f32 v0, $0.0e+00;
	v5 =	vadd.f32 v10, v5;
	v10 =	vld [tilespmem:s24+$0x3880];
	v3 =	vadd.f32 v17, v3  }
0x66: {  	v21 =	vld [tilespmem:s24+$0x3890];
	v4 =	vadd.f32 v18, v4;
	v11 =	vadd.f32 v11, v1;
	v1 =	vimm.f32 $0.0e+00  }
0x67: {  	v2 =	vadd.f32 v23, v2;
	v18 =	vld [tilespmem:s24+$0x3820];
	v0 =	vadd.f32 v0, v1  }
0x68: {  	v7 =	vld [tilespmem:s24+$0x3840];
	v14 =	vadd.f32 v14, v9;
	v13 =	vadd.f32 v19, v5  }
0x69: {  	v4 =	vadd.f32 v25, v4;
	v2 =	vadd.f32 v8, v2;
	v8 =	vld [tilespmem:s24+$0x3860]  }
0x6a: {  	v39 =	vld [tilespmem:s24+$0x38A0];
	v11 =	vadd.f32 v16, v11;
	v16 =	vadd.f32 v20, v14  }
0x6b: {  	v30 =	vld [tilespmem:s24+$0x38B0];
	v5 =	vimm.f32 $0.0e+00;
	v42 =	vadd.f32 v21, v3;
	v4 =	vadd.f32 v12, v4  }
0x6c: {  	v14 =	vld [tilespmem:s24+$0x38C0];
	v3 =	vimm.f32 $0.0e+00;
	v12 =	vadd.f32 v18, v2;
	v43 =	vadd.f32 v10, v11  }
0x6d: {  	v27 =	vld [tilespmem:s24+$0x38D0];
	v2 =	vimm.f32 $0.0e+00;
	v9 =	vadd.f32 v7, v4;
	v7 =	vimm.f32 $0.0e+00  }
0x6e: {  	s23 =	simm.s32 $0x2800;
	s22 =	simm.s32 $0x500;
	v23 =	vld [tilespmem:s24+$0x38E0];
	v4 =	vimm.f32 $0.0e+00;
	v8 =	vadd.f32 v8, v6;
	v6 =	vimm.f32 $0.0e+00  }
.LBB2_3:
0x6f: {  	p0 =	sne.s32 s23, $0xB400;
	v10 =	vld [tilespmem:s22+$0x3470];
	v11 =	vadd.f32 v39, v12;
	v12 =	vmax.f32 v43, $0.0e+00  }
0x70: {  	v15 =	vld [tilespmem:s22+$0x3400];
	v13 =	vadd.f32 v30, v13;
	v1 =	vadd.f32 v12, v1;
	v12 =	vmax.f32 v42, $0.0e+00  }
0x71: {  	v17 =	vld [tilespmem:s22+$0x34F0];
	v9 =	vadd.f32 v14, v9;
	v7 =	vadd.f32 v12, v7;
	v11 =	vmax.f32 v11, $0.0e+00  }
0x72: {  	v12 =	vld [tilespmem:s22+$0x3410];
	v14 =	vadd.f32 v27, v16;
	v6 =	vadd.f32 v11, v6;
	v11 =	vmax.f32 v13, $0.0e+00  }
0x73: {  	v13 =	vld [tilespmem:s22+$0x3570];
	v8 =	vadd.f32 v23, v8;
	v4 =	vadd.f32 v11, v4;
	v9 =	vmax.f32 v9, $0.0e+00  }
0x74: {  	v11 =	vld [tilespmem:s22+$0x3420];
	v10 =	vadd.f32 $0.0e+00, v10;
	v5 =	vadd.f32 v9, v5;
	v9 =	vmax.f32 v14, $0.0e+00  }
0x75: {  	v14 =	vadd.f32 $0.0e+00, v15;
	v15 =	vld [tilespmem:s22+$0x35F0];
	v3 =	vadd.f32 v9, v3;
	v8 =	vmax.f32 v8, $0.0e+00  }
0x76: {  	v9 =	vld [tilespmem:s22+$0x3430];
	v10 =	vadd.f32 v17, v10;
	v2 =	vadd.f32 v8, v2  }
0x77: {  	v8 =	vadd.f32 $0.0e+00, v12;
	v12 =	vld [tilespmem:s22+$0x3670]  }
0x78: {  	v16 =	vld [tilespmem:s22+$0x3440];
	v10 =	vadd.f32 v13, v10  }
0x79: {  	v11 =	vadd.f32 $0.0e+00, v11;
	v13 =	vld [tilespmem:s22+$0x36F0]  }
0x7a: {  	v17 =	vld [tilespmem:s22+$0x3450];
	v10 =	vadd.f32 v15, v10  }
0x7b: {  	v9 =	vadd.f32 $0.0e+00, v9;
	v15 =	vld [tilespmem:s22+$0x3770]  }
0x7c: {  	v18 =	vld [tilespmem:s22+$0x3460];
	v10 =	vadd.f32 v12, v10  }
0x7d: {  	v12 =	vadd.f32 $0.0e+00, v16;
	v16 =	vld [tilespmem:s22+$0x37F0]  }
0x7e: {  	v19 =	vld [tilespmem:s22+$0x3480];
	v10 =	vadd.f32 v13, v10  }
0x7f: {  	v13 =	vadd.f32 $0.0e+00, v17;
	v17 =	vld [tilespmem:s22+$0x3870]  }
0x80: {  	v20 =	vld [tilespmem:s22+$0x3490];
	v10 =	vadd.f32 v15, v10  }
0x81: {  	v15 =	vadd.f32 $0.0e+00, v18;
	v18 =	vld [tilespmem:s22+$0x38F0]  }
0x82: {  	v21 =	vld [tilespmem:s22+$0x34A0];
	v10 =	vadd.f32 v16, v10  }
0x83: {  	v14 =	vadd.f32 v19, v14;
	v16 =	vld [tilespmem:s22+$0x34B0]  }
0x84: {  	v19 =	vld [tilespmem:s22+$0x34C0];
	v10 =	vadd.f32 v17, v10  }
0x85: {  	v8 =	vadd.f32 v20, v8;
	v17 =	vld [tilespmem:s22+$0x34D0]  }
0x86: {  	v20 =	vld [tilespmem:s22+$0x34E0];
	v10 =	vadd.f32 v18, v10  }
0x87: {  	v11 =	vadd.f32 v21, v11;
	v18 =	vld [tilespmem:s22+$0x3500]  }
0x88: {  	v9 =	vadd.f32 v16, v9;
	v16 =	vld [tilespmem:s22+$0x3510];
	v10 =	vmax.f32 v10, $0.0e+00  }
0x89: {  	v12 =	vadd.f32 v19, v12;
	v19 =	vld [tilespmem:s22+$0x3520];
	v0 =	vadd.f32 v10, v0  }
0x8a: {  	v10 =	vadd.f32 v17, v13;
	v13 =	vld [tilespmem:s22+$0x3530]  }
0x8b: {  	v15 =	vadd.f32 v20, v15;
	v17 =	vld [tilespmem:s22+$0x3540]  }
0x8c: {  	v14 =	vadd.f32 v18, v14;
	v18 =	vld [tilespmem:s22+$0x3550]  }
0x8d: {  	v8 =	vadd.f32 v16, v8;
	v16 =	vld [tilespmem:s22+$0x3560]  }
0x8e: {  	v11 =	vadd.f32 v19, v11;
	v19 =	vld [tilespmem:s22+$0x3580]  }
0x8f: {  	v9 =	vadd.f32 v13, v9;
	v13 =	vld [tilespmem:s22+$0x3590]  }
0x90: {  	v12 =	vadd.f32 v17, v12;
	v17 =	vld [tilespmem:s22+$0x35A0]  }
0x91: {  	v10 =	vadd.f32 v18, v10;
	v18 =	vld [tilespmem:s22+$0x35B0]  }
0x92: {  	v15 =	vadd.f32 v16, v15;
	v16 =	vld [tilespmem:s22+$0x35C0]  }
0x93: {  	v14 =	vadd.f32 v19, v14;
	v19 =	vld [tilespmem:s22+$0x35D0]  }
0x94: {  	v8 =	vadd.f32 v13, v8;
	v13 =	vld [tilespmem:s22+$0x35E0]  }
0x95: {  	v11 =	vadd.f32 v17, v11;
	v17 =	vld [tilespmem:s22+$0x3600]  }
0x96: {  	v9 =	vadd.f32 v18, v9;
	v18 =	vld [tilespmem:s22+$0x3610]  }
0x97: {  	v12 =	vadd.f32 v16, v12;
	v16 =	vld [tilespmem:s22+$0x3620]  }
0x98: {  	v10 =	vadd.f32 v19, v10;
	v19 =	vld [tilespmem:s22+$0x3630]  }
0x99: {  	v13 =	vadd.f32 v13, v15;
	v15 =	vld [tilespmem:s22+$0x3640]  }
0x9a: {  	v14 =	vadd.f32 v17, v14;
	v17 =	vld [tilespmem:s22+$0x3650]  }
0x9b: {  	v8 =	vadd.f32 v18, v8;
	v18 =	vld [tilespmem:s22+$0x3660]  }
0x9c: {  	v11 =	vadd.f32 v16, v11;
	v16 =	vld [tilespmem:s22+$0x3680]  }
0x9d: {  	v9 =	vadd.f32 v19, v9;
	v19 =	vld [tilespmem:s22+$0x3690]  }
0x9e: {  	v12 =	vadd.f32 v15, v12;
	v15 =	vld [tilespmem:s22+$0x36A0]  }
0x9f: {  	v10 =	vadd.f32 v17, v10;
	v17 =	vld [tilespmem:s22+$0x36B0]  }
0xa0: {  	v13 =	vadd.f32 v18, v13;
	v18 =	vld [tilespmem:s22+$0x36C0]  }
0xa1: {  	v14 =	vadd.f32 v16, v14;
	v16 =	vld [tilespmem:s22+$0x36D0]  }
0xa2: {  	v8 =	vadd.f32 v19, v8;
	v19 =	vld [tilespmem:s22+$0x36E0]  }
0xa3: {  	v11 =	vadd.f32 v15, v11;
	v15 =	vld [tilespmem:s22+$0x3700]  }
0xa4: {  	v9 =	vadd.f32 v17, v9;
	v17 =	vld [tilespmem:s22+$0x3710]  }
0xa5: {  	v12 =	vadd.f32 v18, v12;
	v18 =	vld [tilespmem:s22+$0x3720]  }
0xa6: {  	v10 =	vadd.f32 v16, v10;
	v16 =	vld [tilespmem:s22+$0x3730]  }
0xa7: {  	v13 =	vadd.f32 v19, v13;
	v19 =	vld [tilespmem:s22+$0x3740]  }
0xa8: {  	v14 =	vadd.f32 v15, v14;
	v15 =	vld [tilespmem:s22+$0x3750]  }
0xa9: {  	v8 =	vadd.f32 v17, v8;
	v17 =	vld [tilespmem:s22+$0x3760]  }
0xaa: {  	v11 =	vadd.f32 v18, v11;
	v18 =	vld [tilespmem:s22+$0x3780]  }
0xab: {  	v9 =	vadd.f32 v16, v9;
	v16 =	vld [tilespmem:s22+$0x3790]  }
0xac: {  	v12 =	vadd.f32 v19, v12;
	v19 =	vld [tilespmem:s22+$0x37A0]  }
0xad: {  	v10 =	vadd.f32 v15, v10;
	v15 =	vld [tilespmem:s22+$0x37B0]  }
0xae: {  	v13 =	vadd.f32 v17, v13;
	v17 =	vld [tilespmem:s22+$0x37C0]  }
0xaf: {  	v14 =	vadd.f32 v18, v14;
	v18 =	vld [tilespmem:s22+$0x37D0]  }
0xb0: {  	v8 =	vadd.f32 v16, v8;
	v16 =	vld [tilespmem:s22+$0x37E0]  }
0xb1: {  	v11 =	vadd.f32 v19, v11;
	v19 =	vld [tilespmem:s22+$0x3800]  }
0xb2: {  	v9 =	vadd.f32 v15, v9;
	v15 =	vld [tilespmem:s22+$0x3810]  }
0xb3: {  	v17 =	vadd.f32 v17, v12;
	v12 =	vld [tilespmem:s22+$0x3820]  }
0xb4: {  	v10 =	vadd.f32 v18, v10;
	v18 =	vld [tilespmem:s22+$0x3830]  }
0xb5: {  	v20 =	vadd.f32 v16, v13;
	v16 =	vld [tilespmem:s22+$0x3840]  }
0xb6: {  	v19 =	vadd.f32 v19, v14;
	v14 =	vld [tilespmem:s22+$0x3850]  }
0xb7: {  	v15 =	vadd.f32 v15, v8;
	v8 =	vld [tilespmem:s22+$0x3860]  }
0xb8: {  	v12 =	vadd.f32 v12, v11;
	v11 =	vld [tilespmem:s22+$0x3880]  }
0xb9: {  	v13 =	vadd.f32 v18, v9;
	v18 =	vld [tilespmem:s22+$0x3890]  }
.Ltmp0:
0xba: {  	v9 =	vadd.f32 v16, v17;
	v39 =	vld [tilespmem:s22+$0x38A0];
	(pc) =	sbr.rel @p0 .LBB2_3-.Ltmp0, $4  }
0xbb: {  	v16 =	vadd.f32 v14, v10;
	v30 =	vld [tilespmem:s22+$0x38B0]  }
0xbc: {  	v8 =	vadd.f32 v8, v20;
	v14 =	vld [tilespmem:s22+$0x38C0]  }
0xbd: {  	v43 =	vadd.f32 v11, v19;
	v27 =	vld [tilespmem:s22+$0x38D0]  }
0xbe: {  	v42 =	vadd.f32 v18, v15;
	v23 =	vld [tilespmem:s22+$0x38E0];
	s22 =	sshra.s32 s23, $0x2;
	s23 =	sadd.s32 $0x1400, s23  }
0xbf: {  	v40 =	vld [tilespmem:s22+$0x3640];
	_ =	sdelay $0x4  }
0xc0: {  	[tilespmem:$0x1FE10] =	vst v40;
	v40 =	vld [tilespmem:s22+$0x3660];
	_ =	sdelay $0x4  }
0xc1: {  	[tilespmem:$0x1FE20] =	vst v40;
	v40 =	vld [tilespmem:s22+$0x3680];
	_ =	sdelay $0x4  }
0xc2: {  	[tilespmem:$0x1FE30] =	vst v40;
	v40 =	vld [tilespmem:s22+$0x3690];
	_ =	sdelay $0x4  }
0xc3: {  	[tilespmem:$0x1FE40] =	vst v40;
	v40 =	vld [tilespmem:s22+$0x36A0];
	_ =	sdelay $0x4  }
0xc4: {  	[tilespmem:$0x1FE50] =	vst v40;
	v40 =	vld [tilespmem:s22+$0x36B0];
	_ =	sdelay $0x4  }
0xc5: {  	[tilespmem:$0x1FE60] =	vst v40;
	v40 =	vld [tilespmem:s22+$0x36C0];
	_ =	sdelay $0x4  }
0xc6: {  	[tilespmem:$0x1FE70] =	vst v40;
	v40 =	vld [tilespmem:s22+$0x36D0];
	_ =	sdelay $0x4  }
0xc7: {  	[tilespmem:$0x1FE80] =	vst v40;
	v40 =	vld [tilespmem:s22+$0x36E0];
	_ =	sdelay $0x4  }
0xc8: {  	[tilespmem:$0x1FE90] =	vst v40;
	v40 =	vld [tilespmem:s22+$0x3700];
	_ =	sdelay $0x4  }
0xc9: {  	[tilespmem:$0x1FEA0] =	vst v40;
	v40 =	vld [tilespmem:s22+$0x3710];
	_ =	sdelay $0x4  }
0xca: {  	[tilespmem:$0x1FEB0] =	vst v40;
	v40 =	vld [tilespmem:s22+$0x3720];
	_ =	sdelay $0x4  }
0xcb: {  	[tilespmem:$0x1FEC0] =	vst v40;
	v40 =	vld [tilespmem:s22+$0x3730];
	_ =	sdelay $0x4  }
0xcc: {  	[tilespmem:$0x1FED0] =	vst v40;
	v40 =	vld [tilespmem:s22+$0x3740];
	_ =	sdelay $0x4  }
0xcd: {  	[tilespmem:$0x1FEE0] =	vst v40;
	v40 =	vld [tilespmem:s22+$0x3750];
	_ =	sdelay $0x4  }
0xce: {  	[tilespmem:$0x1FEF0] =	vst v40;
	v40 =	vld [tilespmem:s22+$0x3760];
	_ =	sdelay $0x4  }
0xcf: {  	[tilespmem:$0x1FF00] =	vst v40;
	v40 =	vld [tilespmem:s22+$0x3780];
	_ =	sdelay $0x3  }
0xd0: {  	v10 =	vld [tilespmem:s22+$0x3470]  }
0xd1: {  	[tilespmem:$0x1FF10] =	vst v40;
	v40 =	vld [tilespmem:s22+$0x3790]  }
0xd2: {  	v44 =	vld [tilespmem:s22+$0x3400]  }
0xd3: {  	v11 =	vld [tilespmem:s22+$0x34F0]  }
0xd4: {  	v45 =	vld [tilespmem:s22+$0x3410]  }
0xd5: {  	v15 =	vld [tilespmem:s22+$0x3570]  }
0xd6: {  	[tilespmem:$0x1FF20] =	vst v40;
	v40 =	vld [tilespmem:s22+$0x37A0]  }
0xd7: {  	v46 =	vld [tilespmem:s22+$0x3420]  }
0xd8: {  	v47 =	vld [tilespmem:s22+$0x35F0]  }
0xd9: {  	v48 =	vld [tilespmem:s22+$0x3430]  }
0xda: {  	v49 =	vld [tilespmem:s22+$0x3670]  }
0xdb: {  	[tilespmem:$0x1FF30] =	vst v40;
	v40 =	vld [tilespmem:s22+$0x37B0]  }
0xdc: {  	v50 =	vld [tilespmem:s22+$0x3440]  }
0xdd: {  	v51 =	vld [tilespmem:s22+$0x36F0]  }
0xde: {  	v52 =	vld [tilespmem:s22+$0x3450]  }
0xdf: {  	v53 =	vld [tilespmem:s22+$0x3770]  }
0xe0: {  	[tilespmem:$0x1FF40] =	vst v40;
	v40 =	vld [tilespmem:s22+$0x37C0]  }
0xe1: {  	v54 =	vld [tilespmem:s22+$0x3460]  }
0xe2: {  	v55 =	vld [tilespmem:s22+$0x37F0]  }
0xe3: {  	v56 =	vld [tilespmem:s22+$0x3480]  }
0xe4: {  	v57 =	vld [tilespmem:s22+$0x3870]  }
0xe5: {  	[tilespmem:$0x1FF50] =	vst v40;
	v40 =	vld [tilespmem:s22+$0x37D0]  }
0xe6: {  	v58 =	vld [tilespmem:s22+$0x3490]  }
0xe7: {  	v59 =	vld [tilespmem:s22+$0x38F0]  }
0xe8: {  	v60 =	vld [tilespmem:s22+$0x34A0]  }
0xe9: {  	v61 =	vld [tilespmem:s22+$0x34B0]  }
0xea: {  	[tilespmem:$0x1FF60] =	vst v40;
	v40 =	vld [tilespmem:s22+$0x37E0]  }
0xeb: {  	v62 =	vld [tilespmem:s22+$0x34C0]  }
0xec: {  	v63 =	vld [tilespmem:s22+$0x34D0]  }
0xed: {  	v17 =	vld [tilespmem:s22+$0x34E0]  }
0xee: {  	v18 =	vld [tilespmem:s22+$0x3500]  }
0xef: {  	[tilespmem:$0x1FF70] =	vst v40;
	v40 =	vld [tilespmem:s22+$0x3800]  }
0xf0: {  	v19 =	vld [tilespmem:s22+$0x3510]  }
0xf1: {  	v20 =	vld [tilespmem:s22+$0x3520]  }
0xf2: {  	v21 =	vld [tilespmem:s22+$0x3530]  }
0xf3: {  	v22 =	vld [tilespmem:s22+$0x3540];
	v10 =	vadd.f32 $0.0e+00, v10  }
0xf4: {  	[tilespmem:$0x1FF80] =	vst v40;
	v40 =	vld [tilespmem:s22+$0x3810]  }
0xf5: {  	v11 =	vadd.f32 v11, v10;
	v10 =	vld [tilespmem:s22+$0x3860]  }
0xf6: {  	v24 =	vld [tilespmem:s22+$0x3550]  }
0xf7: {  	v25 =	vld [tilespmem:s22+$0x3560]  }
0xf8: {  	v26 =	vld [tilespmem:s22+$0x3580]  }
0xf9: {  	[tilespmem:$0x1FF90] =	vst v40;
	v40 =	vld [tilespmem:s22+$0x3820]  }
0xfa: {  	[tilespmem:$0x1FFF0] =	vst v10;
	v10 =	vld [tilespmem:s22+$0x3880]  }
0xfb: {  	v28 =	vld [tilespmem:s22+$0x3590]  }
0xfc: {  	v29 =	vld [tilespmem:s22+$0x35A0]  }
0xfd: {  	v31 =	vld [tilespmem:s22+$0x35B0]  }
0xfe: {  	[tilespmem:$0x1FFA0] =	vst v40;
	v40 =	vld [tilespmem:s22+$0x3830]  }
0xff: {  	v32 =	vld [tilespmem:s22+$0x35C0];
	[tilespmem:$0x1FFE0] =	vst v10;
	v10 =	vadd.f32 v15, v11  }
0x100: {  	v33 =	vld [tilespmem:s22+$0x35D0]  }
0x101: {  	v34 =	vld [tilespmem:s22+$0x35E0];
	v10 =	vadd.f32 v47, v10  }
0x102: {  	v35 =	vld [tilespmem:s22+$0x3600]  }
0x103: {  	v10 =	vadd.f32 v49, v10;
	[tilespmem:$0x1FFB0] =	vst v40;
	v40 =	vld [tilespmem:s22+$0x3840]  }
0x104: {  	v36 =	vld [tilespmem:s22+$0x3610]  }
0x105: {  	v37 =	vld [tilespmem:s22+$0x3620];
	v10 =	vadd.f32 v51, v10  }
0x106: {  	v38 =	vld [tilespmem:s22+$0x3630];
	v8 =	vadd.f32 v23, v8  }
0x107: {  	v41 =	vld [tilespmem:s22+$0x3650];
	v10 =	vadd.f32 v53, v10  }
0x108: {  	v39 =	vadd.f32 v39, v12;
	v30 =	vadd.f32 v30, v13;
	v8 =	vmax.f32 v8, $0.0e+00;
	[tilespmem:$0x1FFC0] =	vst v40;
	v40 =	vld [tilespmem:s22+$0x3850]  }
0x109: {  	v43 =	vmax.f32 v43, $0.0e+00;
	v12 =	vld [tilespmem:s22+$0x38B0];
	v8 =	vadd.f32 v8, v2;
	v2 =	vadd.f32 v55, v10  }
0x10a: {  	v1 =	vadd.f32 v43, v1;
	v13 =	vld [tilespmem:s22+$0x38C0];
	v43 =	vadd.f32 v14, v9;
	v14 =	vmax.f32 v42, $0.0e+00  }
0x10b: {  	v9 =	vld [tilespmem:s22+$0x38D0];
	v14 =	vadd.f32 v14, v7;
	v2 =	vadd.f32 v57, v2  }
0x10c: {  	v16 =	vadd.f32 v27, v16;
	v7 =	vld [tilespmem:s22+$0x38E0];
	v55 =	vadd.f32 $0.0e+00, v46  }
0x10d: {  	v15 =	vld [tilespmem:s22+$0x3890];
	v2 =	vadd.f32 v59, v2;
	v59 =	vadd.f32 $0.0e+00, v50;
	[tilespmem:$0x1FFD0] =	vst v40  }
0x10e: {  	v11 =	vld [tilespmem:s22+$0x38A0];
	v47 =	vmax.f32 v39, $0.0e+00;
	v57 =	vadd.f32 v60, v55;
	v60 =	vadd.f32 $0.0e+00, v52;
	_ =	swait.ge [sflag:s16], $0x3400  }
0x10f: {  	v6 =	vadd.f32 v47, v6;
	v49 =	vmax.f32 v30, $0.0e+00;
	v47 =	vadd.f32 v62, v59;
	v40 =	vld [tilespmem:$0x1FE10]  }
0x110: {  	v16 =	vmax.f32 v16, $0.0e+00;
	v4 =	vadd.f32 v49, v4;
	v49 =	vadd.f32 v63, v60;
	v46 =	vld [tilespmem:$0x1FE20]  }
0x111: {  	v16 =	vadd.f32 v16, v3;
	v22 =	vadd.f32 v22, v47;
	v47 =	vld [tilespmem:$0x1FE30]  }
0x112: {  	v3 =	vadd.f32 $0.0e+00, v44;
	v51 =	vmax.f32 v43, $0.0e+00;
	v24 =	vadd.f32 v24, v49;
	v49 =	vld [tilespmem:$0x1FE40]  }
0x113: {  	v5 =	vadd.f32 v51, v5;
	v10 =	vadd.f32 $0.0e+00, v45;
	v51 =	vld [tilespmem:$0x1FE50]  }
0x114: {  	v3 =	vadd.f32 v56, v3;
	v56 =	vadd.f32 $0.0e+00, v48;
	v52 =	vld [tilespmem:$0x1FE60]  }
0x115: {  	v10 =	vadd.f32 v58, v10;
	v53 =	vld [tilespmem:$0x1FE70]  }
0x116: {  	v58 =	vadd.f32 v61, v56;
	v61 =	vadd.f32 $0.0e+00, v54;
	v54 =	vld [tilespmem:$0x1FE80]  }
0x117: {  	v55 =	vld [tilespmem:$0x1FE90]  }
0x118: {  	v56 =	vld [tilespmem:$0x1FEA0]  }
0x119: {  	v10 =	vadd.f32 v19, v10;
	v19 =	vadd.f32 v20, v57;
	v57 =	vld [tilespmem:$0x1FEB0]  }
0x11a: {  	v20 =	vadd.f32 v21, v58;
	v58 =	vld [tilespmem:$0x1FEC0]  }
0x11b: {  	v59 =	vld [tilespmem:$0x1FED0]  }
0x11c: {  	v60 =	vld [tilespmem:$0x1FEE0]  }
0x11d: {  	v17 =	vadd.f32 v17, v61;
	v61 =	vld [tilespmem:$0x1FEF0]  }
0x11e: {  	[sflag:s16] =	ssyncset.done $0x0;
	v62 =	vld [tilespmem:$0x1FF00]  }
0x11f: {  	s24 =	simm.s32 $0x0;
	v63 =	vld [tilespmem:$0x1FF10];
	[sflag:s16] =	ssyncadd.s32 $0xFFFFCC00  }
0x120: {  	v42 =	vld [tilespmem:s24+$0x6870]  }
0x121: {  	v23 =	vld [tilespmem:s24+$0x6800]  }
0x122: {  	v43 =	vld [tilespmem:s24+$0x68F0]  }
0x123: {  	v27 =	vld [tilespmem:s24+$0x6810]  }
0x124: {  	v44 =	vld [tilespmem:s24+$0x6970]  }
0x125: {  	v30 =	vld [tilespmem:s24+$0x6820]  }
0x126: {  	v48 =	vld [tilespmem:s24+$0x69F0]  }
0x127: {  	v2 =	vmax.f32 v2, $0.0e+00;
	v39 =	vld [tilespmem:s24+$0x6830]  }
0x128: {  	v0 =	vadd.f32 v2, v0;
	v2 =	vld [tilespmem:s24+$0x6A70]  }
0x129: {  	v50 =	vld [tilespmem:s24+$0x6840]  }
0x12a: {  	v3 =	vadd.f32 v18, v3;
	v18 =	vld [tilespmem:s24+$0x6AF0]  }
0x12b: {  	v21 =	vld [tilespmem:s24+$0x6850]  }
0x12c: {  	v45 =	vld [tilespmem:s24+$0x6B70]  }
0x12d: {  	v17 =	vadd.f32 v25, v17;
	v25 =	vld [tilespmem:s24+$0x6860]  }
0x12e: {  	v3 =	vadd.f32 v26, v3;
	v26 =	vld [tilespmem:s24+$0x6BF0]  }
0x12f: {  	v10 =	vadd.f32 v28, v10;
	v28 =	vld [tilespmem:s24+$0x6880]  }
0x130: {  	v19 =	vadd.f32 v29, v19;
	v29 =	vld [tilespmem:s24+$0x6C70]  }
0x131: {  	v20 =	vadd.f32 v31, v20;
	v31 =	vld [tilespmem:s24+$0x6890]  }
0x132: {  	v22 =	vadd.f32 v32, v22;
	v32 =	vld [tilespmem:s24+$0x6CF0]  }
0x133: {  	v24 =	vadd.f32 v33, v24;
	v33 =	vld [tilespmem:s24+$0x68A0]  }
0x134: {  	v17 =	vadd.f32 v34, v17;
	v34 =	vld [tilespmem:s24+$0x68B0]  }
0x135: {  	v3 =	vadd.f32 v35, v3;
	v35 =	vld [tilespmem:s24+$0x68C0]  }
0x136: {  	v10 =	vadd.f32 v36, v10;
	v36 =	vld [tilespmem:s24+$0x68D0]  }
0x137: {  	v19 =	vadd.f32 v37, v19;
	v37 =	vld [tilespmem:s24+$0x68E0]  }
0x138: {  	v20 =	vadd.f32 v38, v20;
	v38 =	vld [tilespmem:s24+$0x6900]  }
0x139: {  	v24 =	vadd.f32 v41, v24;
	v41 =	vld [tilespmem:s24+$0x6920]  }
0x13a: {  	v22 =	vadd.f32 v40, v22;
	v40 =	vld [tilespmem:s24+$0x6910]  }
0x13b: {  	v17 =	vadd.f32 v46, v17;
	v46 =	vld [tilespmem:s24+$0x6930]  }
0x13c: {  	v10 =	vadd.f32 v49, v10;
	v49 =	vld [tilespmem:$0x1FF20]  }
0x13d: {  	v19 =	vadd.f32 v51, v19;
	v51 =	vld [tilespmem:$0x1FF30]  }
0x13e: {  	v3 =	vadd.f32 v47, v3;
	v47 =	vld [tilespmem:s24+$0x6940]  }
0x13f: {  	v20 =	vadd.f32 v52, v20;
	v52 =	vld [tilespmem:$0x1FF40]  }
0x140: {  	v24 =	vadd.f32 v54, v24;
	v54 =	vld [tilespmem:$0x1FF60]  }
0x141: {  	v22 =	vadd.f32 v53, v22;
	v53 =	vld [tilespmem:$0x1FF50]  }
0x142: {  	v17 =	vadd.f32 v55, v17;
	v55 =	vld [tilespmem:$0x1FF70]  }
0x143: {  	v3 =	vadd.f32 v56, v3;
	v56 =	vld [tilespmem:$0x1FF80]  }
0x144: {  	v10 =	vadd.f32 v57, v10;
	v57 =	vld [tilespmem:$0x1FF90]  }
0x145: {  	v19 =	vadd.f32 v58, v19;
	v58 =	vld [tilespmem:$0x1FFA0]  }
0x146: {  	v20 =	vadd.f32 v59, v20;
	v42 =	vadd.f32 $0.0e+00, v42;
	v59 =	vld [tilespmem:$0x1FFB0]  }
0x147: {  	v24 =	vadd.f32 v61, v24;
	v61 =	vld [tilespmem:$0x1FFD0]  }
0x148: {  	v42 =	vadd.f32 v43, v42;
	v43 =	vld [tilespmem:s24+$0x69A0]  }
0x149: {  	v22 =	vadd.f32 v60, v22;
	v60 =	vld [tilespmem:$0x1FFC0]  }
0x14a: {  	v17 =	vadd.f32 v62, v17;
	v62 =	vld [tilespmem:$0x1FFE0]  }
0x14b: {  	v25 =	vadd.f32 $0.0e+00, v25;
	v3 =	vadd.f32 v63, v3;
	v63 =	vld [tilespmem:$0x1FFF0]  }
0x14c: {  	v21 =	vadd.f32 $0.0e+00, v21;
	v10 =	vadd.f32 v49, v10;
	v49 =	vld [tilespmem:s24+$0x6950]  }
0x14d: {  	v25 =	vadd.f32 v37, v25;
	v19 =	vadd.f32 v51, v19;
	v51 =	vld [tilespmem:s24+$0x6960]  }
0x14e: {  	v20 =	vadd.f32 v52, v20;
	v24 =	vadd.f32 v54, v24;
	v52 =	vld [tilespmem:s24+$0x6980]  }
0x14f: {  	v54 =	vld [tilespmem:s24+$0x69B0];
	v42 =	vadd.f32 v44, v42;
	v22 =	vadd.f32 v53, v22  }
0x150: {  	v44 =	vld [tilespmem:s24+$0x69C0];
	v17 =	vadd.f32 v55, v17;
	v3 =	vadd.f32 v56, v3  }
0x151: {  	v10 =	vadd.f32 v57, v10;
	v19 =	vadd.f32 v58, v19;
	v53 =	vld [tilespmem:s24+$0x6990]  }
0x152: {  	v20 =	vadd.f32 v59, v20;
	v24 =	vadd.f32 v61, v24;
	v56 =	vld [tilespmem:s24+$0x6AB0]  }
0x153: {  	v55 =	vadd.f32 $0.0e+00, v30;
	v57 =	vadd.f32 $0.0e+00, v39;
	v58 =	vld [tilespmem:s24+$0x6AC0]  }
0x154: {  	v59 =	vadd.f32 $0.0e+00, v50;
	v61 =	vld [tilespmem:s24+$0x6AE0];
	v22 =	vadd.f32 v60, v22  }
0x155: {  	v50 =	vld [tilespmem:s24+$0x6B40];
	v3 =	vadd.f32 v62, v3;
	v17 =	vadd.f32 v63, v17  }
0x156: {  	v10 =	vadd.f32 v15, v10;
	v15 =	vld [tilespmem:s24+$0x69D0];
	v11 =	vadd.f32 v11, v19  }
0x157: {  	v19 =	vadd.f32 v48, v42;
	v42 =	vld [tilespmem:s24+$0x69E0];
	v12 =	vadd.f32 v12, v20  }
0x158: {  	v20 =	vld [tilespmem:s24+$0x6A00];
	v9 =	vadd.f32 v9, v24;
	v25 =	vadd.f32 v51, v25;
	v3 =	vmax.f32 v3, $0.0e+00  }
0x159: {  	v60 =	vld [tilespmem:s24+$0x6AD0];
	v7 =	vadd.f32 v7, v17;
	v1 =	vadd.f32 v3, v1;
	v3 =	vmax.f32 v10, $0.0e+00  }
0x15a: {  	v62 =	vld [tilespmem:s24+$0x6B00];
	v10 =	vadd.f32 v2, v19;
	v2 =	vadd.f32 v3, v14;
	v3 =	vmax.f32 v11, $0.0e+00  }
0x15b: {  	v63 =	vld [tilespmem:s24+$0x6B10];
	v13 =	vadd.f32 v13, v22;
	v7 =	vmax.f32 v7, $0.0e+00;
	v3 =	vadd.f32 v3, v6  }
0x15c: {  	v48 =	vld [tilespmem:s24+$0x6B30];
	v9 =	vmax.f32 v9, $0.0e+00;
	v10 =	vadd.f32 v18, v10;
	v7 =	vadd.f32 v7, v8  }
0x15d: {  	v51 =	vld [tilespmem:s24+$0x6B50];
	v6 =	vmax.f32 v12, $0.0e+00;
	v8 =	vadd.f32 $0.0e+00, v27;
	v25 =	vadd.f32 v42, v25  }
0x15e: {  	v17 =	vld [tilespmem:s24+$0x6A80];
	v4 =	vadd.f32 v6, v4;
	v6 =	vmax.f32 v13, $0.0e+00;
	v10 =	vadd.f32 v45, v10  }
0x15f: {  	v22 =	vld [tilespmem:s24+$0x6AA0];
	v5 =	vadd.f32 v6, v5;
	v6 =	vadd.f32 v9, v16  }
0x160: {  	v19 =	vld [tilespmem:s24+$0x6A10];
	v16 =	vadd.f32 $0.0e+00, v23;
	v8 =	vadd.f32 v31, v8  }
0x161: {  	v11 =	vld [tilespmem:s24+$0x6A20];
	v23 =	vadd.f32 v33, v55;
	v10 =	vadd.f32 v26, v10  }
0x162: {  	v9 =	vld [tilespmem:s24+$0x6A60];
	v16 =	vadd.f32 v28, v16;
	v26 =	vadd.f32 v34, v57  }
0x163: {  	v14 =	vld [tilespmem:s24+$0x6A40];
	v28 =	vadd.f32 v35, v59;
	v8 =	vadd.f32 v40, v8  }
0x164: {  	v12 =	vld [tilespmem:s24+$0x6A30];
	v23 =	vadd.f32 v41, v23;
	v10 =	vadd.f32 v29, v10  }
0x165: {  	v18 =	vld [tilespmem:s24+$0x6A90];
	v16 =	vadd.f32 v38, v16;
	v26 =	vadd.f32 v46, v26  }
0x166: {  	v13 =	vld [tilespmem:s24+$0x6A50];
	v28 =	vadd.f32 v47, v28;
	v8 =	vadd.f32 v53, v8  }
0x167: {  	v45 =	vld [tilespmem:s24+$0x6B20];
	v23 =	vadd.f32 v43, v23;
	v9 =	vadd.f32 v9, v25  }
0x168: {  	v55 =	vld [tilespmem:s24+$0x6BC0];
	v10 =	vadd.f32 v32, v10;
	v16 =	vadd.f32 v52, v16  }
0x169: {  	v57 =	vld [tilespmem:s24+$0x6C20];
	v26 =	vadd.f32 v54, v26;
	v28 =	vadd.f32 v44, v28  }
0x16a: {  	v53 =	vld [tilespmem:s24+$0x6B60];
	v8 =	vadd.f32 v19, v8;
	v11 =	vadd.f32 v11, v23  }
0x16b: {  	v59 =	vld [tilespmem:s24+$0x6C40];
	v9 =	vadd.f32 v61, v9;
	v16 =	vadd.f32 v20, v16  }
0x16c: {  	v54 =	vld [tilespmem:s24+$0x6B80];
	v12 =	vadd.f32 v12, v26;
	v14 =	vadd.f32 v14, v28  }
0x16d: {  	v19 =	vld [tilespmem:s24+$0x6BB0];
	v10 =	vmax.f32 v10, $0.0e+00;
	v8 =	vadd.f32 v18, v8;
	v11 =	vadd.f32 v22, v11  }
0x16e: {  	v61 =	vld [tilespmem:s24+$0x6C60];
	v0 =	vadd.f32 v10, v0;
	v10 =	vadd.f32 v36, v21  }
0x16f: {  	v20 =	vld [tilespmem:s24+$0x6BA0];
	v9 =	vadd.f32 v53, v9;
	v16 =	vadd.f32 v17, v16  }
0x170: {  	v18 =	vld [tilespmem:s24+$0x6C00];
	v12 =	vadd.f32 v56, v12;
	v14 =	vadd.f32 v58, v14  }
0x171: {  	v17 =	vld [tilespmem:s24+$0x6BE0];
	v8 =	vadd.f32 v63, v8;
	v10 =	vadd.f32 v49, v10  }
0x172: {  	v56 =	vld [tilespmem:s24+$0x6C10];
	v11 =	vadd.f32 v45, v11;
	v16 =	vadd.f32 v62, v16  }
0x173: {  	v12 =	vadd.f32 v48, v12;
	v10 =	vadd.f32 v15, v10;
	v15 =	vld [tilespmem:s24+$0x6B90]  }
0x174: {  	v58 =	vld [tilespmem:s24+$0x6C30];
	v14 =	vadd.f32 v50, v14;
	v16 =	vadd.f32 v54, v16  }
0x175: {  	v12 =	vadd.f32 v19, v12;
	v19 =	vld [tilespmem:s24+$0x6C80];
	v10 =	vadd.f32 v13, v10  }
0x176: {  	v11 =	vadd.f32 v20, v11;
	v13 =	vld [tilespmem:s24+$0x6BD0];
	v63 =	vadd.f32 v17, v9  }
0x177: {  	v62 =	vld [tilespmem:s24+$0x6C90];
	v18 =	vadd.f32 v18, v16;
	v10 =	vadd.f32 v60, v10  }
0x178: {  	v60 =	vld [tilespmem:s24+$0x6C50];
	v8 =	vadd.f32 v15, v8;
	v15 =	vadd.f32 v55, v14  }
0x179: {  	v17 =	vld [tilespmem:s24+$0x6CA0];
	v14 =	vadd.f32 v57, v11;
	v10 =	vadd.f32 v51, v10  }
0x17a: {  	v16 =	vld [tilespmem:s24+$0x6CB0];
	v19 =	vadd.f32 v19, v18;
	v22 =	vadd.f32 v56, v8  }
0x17b: {  	v20 =	vadd.f32 v13, v10;
	v10 =	vadd.f32 v59, v15;
	v15 =	vld [tilespmem:s24+$0x6CC0]  }
0x17c: {  	v8 =	vadd.f32 v61, v63;
	v13 =	vadd.f32 v58, v12;
	v12 =	vld [tilespmem:s24+$0x6CD0]  }
0x17d: {  	s23 =	simm.s32 $0x2800;
	s22 =	simm.s32 $0x500;
	v11 =	vld [tilespmem:s24+$0x6CE0];
	v18 =	vadd.f32 v62, v22;
	v9 =	vadd.f32 v60, v20  }
.LBB2_5:
0x17e: {  	p0 =	sne.s32 s23, $0xB400;
	v20 =	vld [tilespmem:s22+$0x6870];
	v14 =	vadd.f32 v17, v14;
	v17 =	vmax.f32 v19, $0.0e+00  }
0x17f: {  	v19 =	vld [tilespmem:s22+$0x6800];
	v13 =	vadd.f32 v16, v13;
	v1 =	vadd.f32 v17, v1;
	v16 =	vmax.f32 v18, $0.0e+00  }
0x180: {  	v17 =	vld [tilespmem:s22+$0x68F0];
	v10 =	vadd.f32 v15, v10;
	v2 =	vadd.f32 v16, v2;
	v14 =	vmax.f32 v14, $0.0e+00  }
0x181: {  	v15 =	vld [tilespmem:s22+$0x6810];
	v9 =	vadd.f32 v12, v9;
	v3 =	vadd.f32 v14, v3;
	v12 =	vmax.f32 v13, $0.0e+00  }
0x182: {  	v13 =	vld [tilespmem:s22+$0x6970];
	v8 =	vadd.f32 v11, v8;
	v4 =	vadd.f32 v12, v4;
	v10 =	vmax.f32 v10, $0.0e+00  }
0x183: {  	v11 =	vld [tilespmem:s22+$0x6820];
	v12 =	vadd.f32 $0.0e+00, v20;
	v5 =	vadd.f32 v10, v5;
	v9 =	vmax.f32 v9, $0.0e+00  }
0x184: {  	v10 =	vadd.f32 $0.0e+00, v19;
	v14 =	vld [tilespmem:s22+$0x69F0];
	v6 =	vadd.f32 v9, v6;
	v8 =	vmax.f32 v8, $0.0e+00  }
0x185: {  	v9 =	vld [tilespmem:s22+$0x6830];
	v12 =	vadd.f32 v17, v12;
	v7 =	vadd.f32 v8, v7  }
0x186: {  	v8 =	vadd.f32 $0.0e+00, v15;
	v15 =	vld [tilespmem:s22+$0x6A70]  }
0x187: {  	v16 =	vld [tilespmem:s22+$0x6840];
	v12 =	vadd.f32 v13, v12  }
0x188: {  	v11 =	vadd.f32 $0.0e+00, v11;
	v13 =	vld [tilespmem:s22+$0x6AF0]  }
0x189: {  	v17 =	vld [tilespmem:s22+$0x6850];
	v12 =	vadd.f32 v14, v12  }
0x18a: {  	v9 =	vadd.f32 $0.0e+00, v9;
	v14 =	vld [tilespmem:s22+$0x6B70]  }
0x18b: {  	v18 =	vld [tilespmem:s22+$0x6860];
	v12 =	vadd.f32 v15, v12  }
0x18c: {  	v15 =	vadd.f32 $0.0e+00, v16;
	v16 =	vld [tilespmem:s22+$0x6BF0]  }
0x18d: {  	v19 =	vld [tilespmem:s22+$0x6880];
	v12 =	vadd.f32 v13, v12  }
0x18e: {  	v13 =	vadd.f32 $0.0e+00, v17;
	v17 =	vld [tilespmem:s22+$0x6C70]  }
0x18f: {  	v20 =	vld [tilespmem:s22+$0x6890];
	v12 =	vadd.f32 v14, v12  }
0x190: {  	v14 =	vadd.f32 $0.0e+00, v18;
	v18 =	vld [tilespmem:s22+$0x6CF0]  }
0x191: {  	v21 =	vld [tilespmem:s22+$0x68A0];
	v12 =	vadd.f32 v16, v12  }
0x192: {  	v10 =	vadd.f32 v19, v10;
	v16 =	vld [tilespmem:s22+$0x68B0]  }
0x193: {  	v19 =	vld [tilespmem:s22+$0x68C0];
	v12 =	vadd.f32 v17, v12  }
0x194: {  	v8 =	vadd.f32 v20, v8;
	v17 =	vld [tilespmem:s22+$0x68D0]  }
0x195: {  	v20 =	vld [tilespmem:s22+$0x68E0];
	v12 =	vadd.f32 v18, v12  }
0x196: {  	v11 =	vadd.f32 v21, v11;
	v18 =	vld [tilespmem:s22+$0x6900]  }
0x197: {  	v9 =	vadd.f32 v16, v9;
	v16 =	vld [tilespmem:s22+$0x6910];
	v12 =	vmax.f32 v12, $0.0e+00  }
0x198: {  	v15 =	vadd.f32 v19, v15;
	v19 =	vld [tilespmem:s22+$0x6920];
	v0 =	vadd.f32 v12, v0  }
0x199: {  	v12 =	vadd.f32 v17, v13;
	v13 =	vld [tilespmem:s22+$0x6930]  }
0x19a: {  	v14 =	vadd.f32 v20, v14;
	v17 =	vld [tilespmem:s22+$0x6940]  }
0x19b: {  	v10 =	vadd.f32 v18, v10;
	v18 =	vld [tilespmem:s22+$0x6950]  }
0x19c: {  	v8 =	vadd.f32 v16, v8;
	v16 =	vld [tilespmem:s22+$0x6960]  }
0x19d: {  	v11 =	vadd.f32 v19, v11;
	v19 =	vld [tilespmem:s22+$0x6980]  }
0x19e: {  	v9 =	vadd.f32 v13, v9;
	v13 =	vld [tilespmem:s22+$0x6990]  }
0x19f: {  	v15 =	vadd.f32 v17, v15;
	v17 =	vld [tilespmem:s22+$0x69A0]  }
0x1a0: {  	v12 =	vadd.f32 v18, v12;
	v18 =	vld [tilespmem:s22+$0x69B0]  }
0x1a1: {  	v14 =	vadd.f32 v16, v14;
	v16 =	vld [tilespmem:s22+$0x69C0]  }
0x1a2: {  	v10 =	vadd.f32 v19, v10;
	v19 =	vld [tilespmem:s22+$0x69D0]  }
0x1a3: {  	v8 =	vadd.f32 v13, v8;
	v13 =	vld [tilespmem:s22+$0x69E0]  }
0x1a4: {  	v11 =	vadd.f32 v17, v11;
	v17 =	vld [tilespmem:s22+$0x6A00]  }
0x1a5: {  	v9 =	vadd.f32 v18, v9;
	v18 =	vld [tilespmem:s22+$0x6A10]  }
0x1a6: {  	v15 =	vadd.f32 v16, v15;
	v16 =	vld [tilespmem:s22+$0x6A20]  }
0x1a7: {  	v12 =	vadd.f32 v19, v12;
	v19 =	vld [tilespmem:s22+$0x6A30]  }
0x1a8: {  	v13 =	vadd.f32 v13, v14;
	v14 =	vld [tilespmem:s22+$0x6A40]  }
0x1a9: {  	v10 =	vadd.f32 v17, v10;
	v17 =	vld [tilespmem:s22+$0x6A50]  }
0x1aa: {  	v8 =	vadd.f32 v18, v8;
	v18 =	vld [tilespmem:s22+$0x6A60]  }
0x1ab: {  	v11 =	vadd.f32 v16, v11;
	v16 =	vld [tilespmem:s22+$0x6A80]  }
0x1ac: {  	v9 =	vadd.f32 v19, v9;
	v19 =	vld [tilespmem:s22+$0x6A90]  }
0x1ad: {  	v14 =	vadd.f32 v14, v15;
	v15 =	vld [tilespmem:s22+$0x6AA0]  }
0x1ae: {  	v12 =	vadd.f32 v17, v12;
	v17 =	vld [tilespmem:s22+$0x6AB0]  }
0x1af: {  	v13 =	vadd.f32 v18, v13;
	v18 =	vld [tilespmem:s22+$0x6AC0]  }
0x1b0: {  	v10 =	vadd.f32 v16, v10;
	v16 =	vld [tilespmem:s22+$0x6AD0]  }
0x1b1: {  	v8 =	vadd.f32 v19, v8;
	v19 =	vld [tilespmem:s22+$0x6AE0]  }
0x1b2: {  	v11 =	vadd.f32 v15, v11;
	v15 =	vld [tilespmem:s22+$0x6B00]  }
0x1b3: {  	v9 =	vadd.f32 v17, v9;
	v17 =	vld [tilespmem:s22+$0x6B10]  }
0x1b4: {  	v14 =	vadd.f32 v18, v14;
	v18 =	vld [tilespmem:s22+$0x6B20]  }
0x1b5: {  	v12 =	vadd.f32 v16, v12;
	v16 =	vld [tilespmem:s22+$0x6B30]  }
0x1b6: {  	v13 =	vadd.f32 v19, v13;
	v19 =	vld [tilespmem:s22+$0x6B40]  }
0x1b7: {  	v10 =	vadd.f32 v15, v10;
	v15 =	vld [tilespmem:s22+$0x6B50]  }
0x1b8: {  	v8 =	vadd.f32 v17, v8;
	v17 =	vld [tilespmem:s22+$0x6B60]  }
0x1b9: {  	v11 =	vadd.f32 v18, v11;
	v18 =	vld [tilespmem:s22+$0x6B80]  }
0x1ba: {  	v9 =	vadd.f32 v16, v9;
	v16 =	vld [tilespmem:s22+$0x6B90]  }
0x1bb: {  	v14 =	vadd.f32 v19, v14;
	v19 =	vld [tilespmem:s22+$0x6BA0]  }
0x1bc: {  	v12 =	vadd.f32 v15, v12;
	v15 =	vld [tilespmem:s22+$0x6BB0]  }
0x1bd: {  	v13 =	vadd.f32 v17, v13;
	v17 =	vld [tilespmem:s22+$0x6BC0]  }
0x1be: {  	v10 =	vadd.f32 v18, v10;
	v18 =	vld [tilespmem:s22+$0x6BD0]  }
0x1bf: {  	v8 =	vadd.f32 v16, v8;
	v16 =	vld [tilespmem:s22+$0x6BE0]  }
0x1c0: {  	v11 =	vadd.f32 v19, v11;
	v19 =	vld [tilespmem:s22+$0x6C00]  }
0x1c1: {  	v9 =	vadd.f32 v15, v9;
	v15 =	vld [tilespmem:s22+$0x6C10]  }
0x1c2: {  	v17 =	vadd.f32 v17, v14;
	v14 =	vld [tilespmem:s22+$0x6C20]  }
0x1c3: {  	v12 =	vadd.f32 v18, v12;
	v18 =	vld [tilespmem:s22+$0x6C30]  }
0x1c4: {  	v20 =	vadd.f32 v16, v13;
	v16 =	vld [tilespmem:s22+$0x6C40]  }
0x1c5: {  	v19 =	vadd.f32 v19, v10;
	v21 =	vld [tilespmem:s22+$0x6C50]  }
0x1c6: {  	v22 =	vadd.f32 v15, v8;
	v8 =	vld [tilespmem:s22+$0x6C60]  }
0x1c7: {  	v14 =	vadd.f32 v14, v11;
	v11 =	vld [tilespmem:s22+$0x6C80]  }
0x1c8: {  	v13 =	vadd.f32 v18, v9;
	v18 =	vld [tilespmem:s22+$0x6C90]  }
.Ltmp1:
0x1c9: {  	v10 =	vadd.f32 v16, v17;
	v17 =	vld [tilespmem:s22+$0x6CA0];
	(pc) =	sbr.rel @p0 .LBB2_5-.Ltmp1, $4  }
0x1ca: {  	v9 =	vadd.f32 v21, v12;
	v16 =	vld [tilespmem:s22+$0x6CB0]  }
0x1cb: {  	v8 =	vadd.f32 v8, v20;
	v15 =	vld [tilespmem:s22+$0x6CC0]  }
0x1cc: {  	v19 =	vadd.f32 v11, v19;
	v12 =	vld [tilespmem:s22+$0x6CD0]  }
0x1cd: {  	v18 =	vadd.f32 v18, v22;
	v11 =	vld [tilespmem:s22+$0x6CE0];
	s22 =	sshra.s32 s23, $0x2;
	s23 =	sadd.s32 $0x1400, s23  }
0x1ce: {  	v20 =	vld [tilespmem:s22+$0x6870]  }
0x1cf: {  	v21 =	vld [tilespmem:s22+$0x6800]  }
0x1d0: {  	v22 =	vld [tilespmem:s22+$0x68F0]  }
0x1d1: {  	v23 =	vld [tilespmem:s22+$0x6810]  }
0x1d2: {  	v24 =	vld [tilespmem:s22+$0x6970]  }
0x1d3: {  	v25 =	vld [tilespmem:s22+$0x6820]  }
0x1d4: {  	v26 =	vld [tilespmem:s22+$0x69F0]  }
0x1d5: {  	v27 =	vld [tilespmem:s22+$0x6830]  }
0x1d6: {  	v28 =	vld [tilespmem:s22+$0x6A70]  }
0x1d7: {  	v29 =	vld [tilespmem:s22+$0x6840]  }
0x1d8: {  	v30 =	vld [tilespmem:s22+$0x6AF0]  }
0x1d9: {  	v31 =	vld [tilespmem:s22+$0x6850]  }
0x1da: {  	v32 =	vld [tilespmem:s22+$0x6B70]  }
0x1db: {  	v33 =	vld [tilespmem:s22+$0x6860]  }
0x1dc: {  	v34 =	vld [tilespmem:s22+$0x6BF0]  }
0x1dd: {  	v35 =	vld [tilespmem:s22+$0x6880]  }
0x1de: {  	v36 =	vld [tilespmem:s22+$0x6C70]  }
0x1df: {  	v37 =	vld [tilespmem:s22+$0x6890]  }
0x1e0: {  	v38 =	vld [tilespmem:s22+$0x68A0]  }
0x1e1: {  	v39 =	vld [tilespmem:s22+$0x68B0]  }
0x1e2: {  	v40 =	vld [tilespmem:s22+$0x68C0]  }
0x1e3: {  	v41 =	vld [tilespmem:s22+$0x68D0]  }
0x1e4: {  	v42 =	vld [tilespmem:s22+$0x68E0]  }
0x1e5: {  	v43 =	vld [tilespmem:s22+$0x6900]  }
0x1e6: {  	v44 =	vld [tilespmem:s22+$0x6910]  }
0x1e7: {  	v45 =	vld [tilespmem:s22+$0x6920]  }
0x1e8: {  	v46 =	vld [tilespmem:s22+$0x6930]  }
0x1e9: {  	v47 =	vld [tilespmem:s22+$0x6940]  }
0x1ea: {  	v48 =	vld [tilespmem:s22+$0x6950]  }
0x1eb: {  	v49 =	vld [tilespmem:s22+$0x6960]  }
0x1ec: {  	v50 =	vld [tilespmem:s22+$0x6980]  }
0x1ed: {  	v51 =	vld [tilespmem:s22+$0x6990]  }
0x1ee: {  	v52 =	vld [tilespmem:s22+$0x69A0]  }
0x1ef: {  	v53 =	vld [tilespmem:s22+$0x69B0]  }
0x1f0: {  	v54 =	vld [tilespmem:s22+$0x69C0]  }
0x1f1: {  	v55 =	vld [tilespmem:s22+$0x69E0]  }
0x1f2: {  	v63 =	vld [tilespmem:s22+$0x6B10]  }
0x1f3: {  	v14 =	vadd.f32 v17, v14;
	v17 =	vmax.f32 v19, $0.0e+00;
	v56 =	vld [tilespmem:s22+$0x6B90]  }
0x1f4: {  	v13 =	vadd.f32 v16, v13;
	v16 =	vld [tilespmem:s22+$0x6A10];
	v10 =	vadd.f32 v15, v10;
	v15 =	vmax.f32 v18, $0.0e+00  }
0x1f5: {  	v1 =	vadd.f32 v17, v1;
	v18 =	vld [tilespmem:s22+$0x6A20];
	v14 =	vmax.f32 v14, $0.0e+00;
	v2 =	vadd.f32 v15, v2  }
0x1f6: {  	v9 =	vadd.f32 v12, v9;
	v12 =	vld [tilespmem:s22+$0x6A30];
	v3 =	vadd.f32 v14, v3;
	v13 =	vmax.f32 v13, $0.0e+00  }
0x1f7: {  	v15 =	vld [tilespmem:s22+$0x6A40];
	v8 =	vadd.f32 v11, v8;
	v4 =	vadd.f32 v13, v4;
	v10 =	vmax.f32 v10, $0.0e+00  }
0x1f8: {  	v11 =	vld [tilespmem:s22+$0x6A50];
	v20 =	vadd.f32 $0.0e+00, v20;
	v9 =	vmax.f32 v9, $0.0e+00;
	v10 =	vadd.f32 v10, v5  }
0x1f9: {  	v5 =	vadd.f32 v9, v6;
	v6 =	vld [tilespmem:s22+$0x6A80];
	v9 =	vadd.f32 $0.0e+00, v21  }
0x1fa: {  	v8 =	vmax.f32 v8, $0.0e+00;
	v21 =	vadd.f32 $0.0e+00, v25;
	v25 =	vld [tilespmem:s22+$0x6AC0];
	v20 =	vadd.f32 v22, v20  }
0x1fb: {  	v22 =	vld [tilespmem:s22+$0x69D0];
	v7 =	vadd.f32 v8, v7;
	v8 =	vadd.f32 $0.0e+00, v23  }
0x1fc: {  	v23 =	vld [tilespmem:s22+$0x6AB0];
	v9 =	vadd.f32 v35, v9;
	v21 =	vadd.f32 v38, v21  }
0x1fd: {  	v19 =	vadd.f32 v24, v20;
	v20 =	vld [tilespmem:s22+$0x6A00];
	v24 =	vadd.f32 $0.0e+00, v27  }
0x1fe: {  	v27 =	vld [tilespmem:s22+$0x6AD0];
	v8 =	vadd.f32 v37, v8;
	v9 =	vadd.f32 v43, v9  }
0x1ff: {  	v21 =	vadd.f32 v45, v21;
	v17 =	vadd.f32 v26, v19;
	v19 =	vld [tilespmem:s22+$0x6AA0]  }
0x200: {  	v26 =	vadd.f32 $0.0e+00, v29;
	v29 =	vld [tilespmem:s22+$0x6AE0];
	v24 =	vadd.f32 v39, v24  }
0x201: {  	v8 =	vadd.f32 v44, v8;
	v44 =	vld [tilespmem:s22+$0x6B30];
	v9 =	vadd.f32 v50, v9  }
0x202: {  	v50 =	vld [tilespmem:s22+$0x6B60];
	v21 =	vadd.f32 v52, v21;
	v14 =	vadd.f32 v28, v17  }
0x203: {  	v52 =	vld [tilespmem:s22+$0x6B80];
	v28 =	vadd.f32 $0.0e+00, v31;
	v26 =	vadd.f32 v40, v26  }
0x204: {  	v17 =	vld [tilespmem:s22+$0x6A90];
	v24 =	vadd.f32 v46, v24;
	v8 =	vadd.f32 v51, v8  }
0x205: {  	v31 =	vld [tilespmem:s22+$0x6B00];
	v9 =	vadd.f32 v20, v9;
	v18 =	vadd.f32 v18, v21  }
0x206: {  	v46 =	vld [tilespmem:s22+$0x6B40];
	v13 =	vadd.f32 v30, v14;
	v30 =	vadd.f32 $0.0e+00, v33  }
0x207: {  	v20 =	vld [tilespmem:s22+$0x6BC0];
	v28 =	vadd.f32 v41, v28;
	v26 =	vadd.f32 v47, v26  }
0x208: {  	v21 =	vld [tilespmem:s22+$0x6BD0];
	v24 =	vadd.f32 v53, v24;
	v8 =	vadd.f32 v16, v8  }
0x209: {  	v14 =	vld [tilespmem:s22+$0x6A60];
	v6 =	vadd.f32 v6, v9;
	v13 =	vadd.f32 v32, v13  }
0x20a: {  	v16 =	vld [tilespmem:s22+$0x6BB0];
	v30 =	vadd.f32 v42, v30;
	v28 =	vadd.f32 v48, v28  }
0x20b: {  	v9 =	vld [tilespmem:s22+$0x6BE0];
	v26 =	vadd.f32 v54, v26;
	v12 =	vadd.f32 v12, v24  }
0x20c: {  	v42 =	vld [tilespmem:s22+$0x6B20];
	v8 =	vadd.f32 v17, v8;
	v17 =	vadd.f32 v19, v18  }
0x20d: {  	v48 =	vld [tilespmem:s22+$0x6B50];
	v6 =	vadd.f32 v31, v6;
	v13 =	vadd.f32 v34, v13  }
0x20e: {  	v24 =	vld [tilespmem:s22+$0x6C40];
	v30 =	vadd.f32 v49, v30;
	v22 =	vadd.f32 v22, v28  }
0x20f: {  	v18 =	vld [tilespmem:s22+$0x6C00];
	v15 =	vadd.f32 v15, v26;
	v12 =	vadd.f32 v23, v12  }
0x210: {  	v19 =	vld [tilespmem:s22+$0x6C10];
	v8 =	vadd.f32 v63, v8;
	v6 =	vadd.f32 v52, v6  }
0x211: {  	v23 =	vld [tilespmem:s22+$0x6C30];
	v13 =	vadd.f32 v36, v13;
	v11 =	vadd.f32 v11, v22  }
0x212: {  	v26 =	vld [tilespmem:s22+$0x6C60];
	v28 =	vadd.f32 v55, v30;
	v12 =	vadd.f32 v44, v12  }
0x213: {  	v15 =	vadd.f32 v25, v15;
	v11 =	vadd.f32 v27, v11;
	v27 =	vld [tilespmem:s22+$0x6C80]  }
0x214: {  	v14 =	vadd.f32 v14, v28;
	v12 =	vadd.f32 v16, v12;
	v16 =	vld [tilespmem:s22+$0x6C90]  }
0x215: {  	v30 =	vld [tilespmem:s22+$0x6BA0];
	v17 =	vadd.f32 v42, v17;
	v8 =	vadd.f32 v56, v8  }
0x216: {  	v22 =	vld [tilespmem:s22+$0x6C20];
	v15 =	vadd.f32 v46, v15;
	v14 =	vadd.f32 v29, v14  }
0x217: {  	v25 =	vld [tilespmem:s22+$0x6C50];
	v6 =	vadd.f32 v18, v6;
	v8 =	vadd.f32 v19, v8  }
0x218: {  	v18 =	vld [tilespmem:s22+$0x6CB0];
	v11 =	vadd.f32 v48, v11;
	v14 =	vadd.f32 v50, v14  }
0x219: {  	v6 =	vadd.f32 v27, v6;
	v8 =	vadd.f32 v16, v8;
	v16 =	vld [tilespmem:s22+$0x6CE0]  }
0x21a: {  	v15 =	vadd.f32 v20, v15;
	v9 =	vadd.f32 v9, v14;
	v14 =	vld [tilespmem:s22+$0x6CA0]  }
0x21b: {  	v17 =	vadd.f32 v30, v17;
	v11 =	vadd.f32 v21, v11;
	v21 =	vld [tilespmem:s22+$0x6CF0];
	v6 =	vmax.f32 v6, $0.0e+00  }
0x21c: {  	s31 =	sshll.u32 s21, $0x8;
	v19 =	vld [tilespmem:s22+$0x6CC0];
	v9 =	vadd.f32 v26, v9;
	v1 =	vadd.f32 v6, v1  }
0x21d: {  	v12 =	vadd.f32 v23, v12;
	v20 =	vld [tilespmem:s22+$0x6CD0];
	v17 =	vadd.f32 v22, v17;
	s22 =	sand.u32 $0x3FFFFF00, s31;
	v6 =	vmax.f32 v8, $0.0e+00  }
0x21e: {  	v2 =	vadd.f32 v6, v2;
	[tilespmem:s22+$0x10400] =	vst v1;
	v1 =	vadd.f32 v16, v9  }
0x21f: {  	v15 =	vadd.f32 v24, v15;
	v14 =	vadd.f32 v14, v17  }
0x220: {  	v12 =	vadd.f32 v18, v12;
	[tilespmem:s22+$0x10410] =	vst v2;
	v2 =	vadd.f32 v21, v13;
	v1 =	vmax.f32 v1, $0.0e+00  }
0x221: {  	v11 =	vadd.f32 v25, v11;
	v6 =	vmax.f32 v14, $0.0e+00;
	v1 =	vadd.f32 v1, v7  }
0x222: {  	v8 =	vadd.f32 v19, v15;
	v2 =	vmax.f32 v2, $0.0e+00;
	v3 =	vadd.f32 v6, v3  }
0x223: {  	v11 =	vadd.f32 v20, v11;
	v6 =	vmax.f32 v12, $0.0e+00;
	v0 =	vadd.f32 v2, v0;
	[tilespmem:s22+$0x10460] =	vst v1  }
0x224: {  	v4 =	vadd.f32 v6, v4;
	v6 =	vmax.f32 v8, $0.0e+00;
	[tilespmem:s22+$0x10420] =	vst v3  }
0x225: {  	v8 =	vmax.f32 v11, $0.0e+00;
	v6 =	vadd.f32 v6, v10;
	[tilespmem:s22+$0x10470] =	vst v0  }
0x226: {  	v3 =	vadd.f32 v8, v5;
	[tilespmem:s22+$0x10430] =	vst v4  }
0x227: {  	[tilespmem:s22+$0x10440] =	vst v6  }
0x228: {  	[tilespmem:s22+$0x10450] =	vst v3  }
0x229: {  	_ =	swait.ge [sflag:s17], $0x3400  }
0x22a: {  	[sflag:s17] =	ssyncset.done $0x0  }
0x22b: {  	s25 =	simm.s32 $0x0;
	[sflag:s17] =	ssyncadd.s32 $0xFFFFCC00  }
0x22c: {  	v0 =	vld [tilespmem:s25+$0x9C70]  }
0x22d: {  	v1 =	vld [tilespmem:s25+$0x9C00]  }
0x22e: {  	v2 =	vld [tilespmem:s25+$0x9CF0]  }
0x22f: {  	v3 =	vld [tilespmem:s25+$0x9C10]  }
0x230: {  	v4 =	vld [tilespmem:s25+$0x9D70]  }
0x231: {  	v5 =	vld [tilespmem:s25+$0x9C20]  }
0x232: {  	v6 =	vld [tilespmem:s25+$0x9DF0]  }
0x233: {  	v7 =	vld [tilespmem:s25+$0x9C30]  }
0x234: {  	v8 =	vld [tilespmem:s25+$0x9E70]  }
0x235: {  	v9 =	vld [tilespmem:s25+$0x9C40]  }
0x236: {  	v10 =	vld [tilespmem:s25+$0x9EF0]  }
0x237: {  	v11 =	vld [tilespmem:s25+$0x9C50]  }
0x238: {  	v12 =	vld [tilespmem:s25+$0x9F70]  }
0x239: {  	v13 =	vld [tilespmem:s25+$0x9C60]  }
0x23a: {  	v14 =	vld [tilespmem:s25+$0x9FF0]  }
0x23b: {  	v15 =	vld [tilespmem:s25+$0x9C80]  }
0x23c: {  	v16 =	vld [tilespmem:s25+$0xA070]  }
0x23d: {  	v17 =	vld [tilespmem:s25+$0x9C90]  }
0x23e: {  	v18 =	vld [tilespmem:s25+$0xA0F0]  }
0x23f: {  	v19 =	vld [tilespmem:s25+$0x9CA0]  }
0x240: {  	v20 =	vld [tilespmem:s25+$0x9CB0]  }
0x241: {  	v21 =	vld [tilespmem:s25+$0x9CC0]  }
0x242: {  	v22 =	vld [tilespmem:s25+$0x9CD0]  }
0x243: {  	v23 =	vld [tilespmem:s25+$0x9CE0]  }
0x244: {  	v24 =	vld [tilespmem:s25+$0x9D00]  }
0x245: {  	v25 =	vld [tilespmem:s25+$0x9D10]  }
0x246: {  	v26 =	vld [tilespmem:s25+$0x9D20]  }
0x247: {  	v27 =	vld [tilespmem:s25+$0x9D30]  }
0x248: {  	v28 =	vld [tilespmem:s25+$0x9D40]  }
0x249: {  	v29 =	vld [tilespmem:s25+$0x9D50]  }
0x24a: {  	v30 =	vld [tilespmem:s25+$0x9D60]  }
0x24b: {  	v31 =	vld [tilespmem:s25+$0x9D80]  }
0x24c: {  	v57 =	vld [tilespmem:s25+$0x9D90]  }
0x24d: {  	v58 =	vld [tilespmem:s25+$0x9DB0]  }
0x24e: {  	v59 =	vld [tilespmem:s25+$0x9DD0]  }
0x24f: {  	v60 =	vld [tilespmem:s25+$0x9E00]  }
0x250: {  	v61 =	vld [tilespmem:s25+$0x9E20]  }
0x251: {  	v62 =	vld [tilespmem:s25+$0x9E40];
	v0 =	vadd.f32 $0.0e+00, v0  }
0x252: {  	v63 =	vld [tilespmem:s25+$0x9E60];
	v1 =	vadd.f32 $0.0e+00, v1  }
0x253: {  	v3 =	vadd.f32 $0.0e+00, v3;
	v0 =	vadd.f32 v2, v0;
	v2 =	vld [tilespmem:s25+$0x9DA0]  }
0x254: {  	v5 =	vadd.f32 $0.0e+00, v5;
	v1 =	vadd.f32 v15, v1;
	v15 =	vld [tilespmem:s25+$0x9E90]  }
0x255: {  	v7 =	vadd.f32 $0.0e+00, v7;
	v3 =	vadd.f32 v17, v3;
	v17 =	vld [tilespmem:s25+$0x9EB0]  }
0x256: {  	v9 =	vadd.f32 $0.0e+00, v9;
	v5 =	vadd.f32 v19, v5;
	v19 =	vld [tilespmem:s25+$0x9ED0]  }
0x257: {  	v11 =	vadd.f32 $0.0e+00, v11;
	v7 =	vadd.f32 v20, v7;
	v20 =	vld [tilespmem:s25+$0x9EE0]  }
0x258: {  	v13 =	vadd.f32 $0.0e+00, v13;
	v9 =	vadd.f32 v21, v9;
	v21 =	vld [tilespmem:s25+$0x9F00]  }
0x259: {  	v11 =	vadd.f32 v22, v11;
	v22 =	vld [tilespmem:s25+$0x9F10]  }
0x25a: {  	v13 =	vadd.f32 v23, v13;
	v23 =	vld [tilespmem:s25+$0x9F20]  }
0x25b: {  	v0 =	vadd.f32 v4, v0;
	v4 =	vld [tilespmem:s25+$0x9DC0]  }
0x25c: {  	v1 =	vadd.f32 v24, v1;
	v24 =	vld [tilespmem:s25+$0x9F30]  }
0x25d: {  	v3 =	vadd.f32 v25, v3;
	v5 =	vadd.f32 v26, v5;
	v25 =	vld [tilespmem:s25+$0x9F40]  }
0x25e: {  	v7 =	vadd.f32 v27, v7;
	v9 =	vadd.f32 v28, v9;
	v26 =	vld [tilespmem:s25+$0x9F50]  }
0x25f: {  	v11 =	vadd.f32 v29, v11;
	v0 =	vadd.f32 v6, v0;
	v6 =	vld [tilespmem:s25+$0x9DE0]  }
0x260: {  	v2 =	vadd.f32 v2, v5;
	v5 =	vadd.f32 v58, v7;
	v7 =	vld [tilespmem:s25+$0x9F60]  }
0x261: {  	v13 =	vadd.f32 v30, v13;
	v0 =	vadd.f32 v8, v0;
	v8 =	vld [tilespmem:s25+$0x9E10]  }
0x262: {  	v4 =	vadd.f32 v4, v9;
	v9 =	vadd.f32 v59, v11;
	v11 =	vld [tilespmem:s25+$0x9F80]  }
0x263: {  	v0 =	vadd.f32 v10, v0;
	v10 =	vld [tilespmem:s25+$0x9E30]  }
0x264: {  	v3 =	vadd.f32 v57, v3;
	v6 =	vadd.f32 v6, v13;
	v13 =	vld [tilespmem:s25+$0x9F90]  }
0x265: {  	v0 =	vadd.f32 v12, v0;
	v12 =	vld [tilespmem:s25+$0x9E50]  }
0x266: {  	v3 =	vadd.f32 v8, v3;
	v8 =	vld [tilespmem:s25+$0x9FA0]  }
0x267: {  	v1 =	vadd.f32 v31, v1;
	v0 =	vadd.f32 v14, v0;
	v14 =	vld [tilespmem:s25+$0x9E80]  }
0x268: {  	v6 =	vadd.f32 v63, v6;
	v5 =	vadd.f32 v10, v5;
	v10 =	vld [tilespmem:s25+$0x9FB0]  }
0x269: {  	v1 =	vadd.f32 v60, v1;
	v3 =	vadd.f32 v15, v3;
	v15 =	vld [tilespmem:s25+$0x9FE0]  }
0x26a: {  	v2 =	vadd.f32 v61, v2;
	v6 =	vadd.f32 v20, v6;
	v20 =	vld [tilespmem:s25+$0xA030]  }
0x26b: {  	v4 =	vadd.f32 v62, v4;
	v0 =	vadd.f32 v16, v0;
	v16 =	vld [tilespmem:s25+$0x9EA0]  }
0x26c: {  	v9 =	vadd.f32 v12, v9;
	v12 =	vld [tilespmem:s25+$0x9FC0];
	v5 =	vadd.f32 v17, v5  }
0x26d: {  	v3 =	vadd.f32 v22, v3;
	v6 =	vadd.f32 v7, v6;
	v7 =	vld [tilespmem:s25+$0xA050]  }
0x26e: {  	v0 =	vadd.f32 v18, v0;
	v18 =	vld [tilespmem:s25+$0x9EC0];
	v1 =	vadd.f32 v14, v1  }
0x26f: {  	v14 =	vld [tilespmem:s25+$0x9FD0];
	v9 =	vadd.f32 v19, v9;
	v5 =	vadd.f32 v24, v5  }
0x270: {  	v19 =	vld [tilespmem:s25+$0xA020];
	v3 =	vadd.f32 v13, v3;
	v6 =	vadd.f32 v15, v6  }
0x271: {  	v0 =	vmax.f32 v0, $0.0e+00;
	v2 =	vadd.f32 v16, v2;
	v16 =	vld [tilespmem:s25+$0xA000];
	v17 =	vadd.f32 v21, v1  }
0x272: {  	v1 =	vimm.f32 $0.0e+00;
	v9 =	vadd.f32 v26, v9;
	v21 =	vld [tilespmem:s25+$0xA040];
	v5 =	vadd.f32 v10, v5  }
0x273: {  	v0 =	vadd.f32 v0, v1;
	v4 =	vadd.f32 v18, v4;
	v18 =	vld [tilespmem:s25+$0xA010]  }
0x274: {  	v2 =	vadd.f32 v23, v2;
	v11 =	vadd.f32 v11, v17;
	v17 =	vld [tilespmem:s25+$0xA060]  }
0x275: {  	v10 =	vld [tilespmem:s25+$0xA080];
	v13 =	vadd.f32 v20, v5;
	v4 =	vadd.f32 v25, v4  }
0x276: {  	v22 =	vld [tilespmem:s25+$0xA090];
	v2 =	vadd.f32 v8, v2;
	v8 =	vadd.f32 v14, v9  }
0x277: {  	v39 =	vld [tilespmem:s25+$0xA0A0];
	v5 =	vimm.f32 $0.0e+00;
	v11 =	vadd.f32 v16, v11;
	v4 =	vadd.f32 v12, v4  }
0x278: {  	v30 =	vld [tilespmem:s25+$0xA0B0];
	v12 =	vadd.f32 v19, v2;
	v16 =	vadd.f32 v7, v8;
	v7 =	vimm.f32 $0.0e+00  }
0x279: {  	v14 =	vld [tilespmem:s25+$0xA0C0];
	v2 =	vimm.f32 $0.0e+00;
	v3 =	vadd.f32 v18, v3;
	v8 =	vadd.f32 v17, v6  }
0x27a: {  	v27 =	vld [tilespmem:s25+$0xA0D0];
	v43 =	vadd.f32 v10, v11;
	v6 =	vimm.f32 $0.0e+00;
	v9 =	vadd.f32 v21, v4  }
0x27b: {  	s23 =	simm.s32 $0x500;
	s24 =	simm.s32 $0x2800;
	v23 =	vld [tilespmem:s25+$0xA0E0];
	v4 =	vimm.f32 $0.0e+00;
	v42 =	vadd.f32 v22, v3;
	v3 =	vimm.f32 $0.0e+00  }
.LBB2_7:
0x27c: {  	p0 =	sne.s32 s24, $0xB400;
	v10 =	vld [tilespmem:s23+$0x9C70];
	v11 =	vadd.f32 v39, v12;
	v12 =	vmax.f32 v43, $0.0e+00  }
0x27d: {  	v15 =	vld [tilespmem:s23+$0x9C00];
	v13 =	vadd.f32 v30, v13;
	v1 =	vadd.f32 v12, v1;
	v12 =	vmax.f32 v42, $0.0e+00  }
0x27e: {  	v17 =	vld [tilespmem:s23+$0x9CF0];
	v9 =	vadd.f32 v14, v9;
	v7 =	vadd.f32 v12, v7;
	v11 =	vmax.f32 v11, $0.0e+00  }
0x27f: {  	v12 =	vld [tilespmem:s23+$0x9C10];
	v14 =	vadd.f32 v27, v16;
	v6 =	vadd.f32 v11, v6;
	v11 =	vmax.f32 v13, $0.0e+00  }
0x280: {  	v13 =	vld [tilespmem:s23+$0x9D70];
	v8 =	vadd.f32 v23, v8;
	v4 =	vadd.f32 v11, v4;
	v9 =	vmax.f32 v9, $0.0e+00  }
0x281: {  	v11 =	vld [tilespmem:s23+$0x9C20];
	v10 =	vadd.f32 $0.0e+00, v10;
	v5 =	vadd.f32 v9, v5;
	v9 =	vmax.f32 v14, $0.0e+00  }
0x282: {  	v14 =	vadd.f32 $0.0e+00, v15;
	v15 =	vld [tilespmem:s23+$0x9DF0];
	v3 =	vadd.f32 v9, v3;
	v8 =	vmax.f32 v8, $0.0e+00  }
0x283: {  	v9 =	vld [tilespmem:s23+$0x9C30];
	v10 =	vadd.f32 v17, v10;
	v2 =	vadd.f32 v8, v2  }
0x284: {  	v8 =	vadd.f32 $0.0e+00, v12;
	v12 =	vld [tilespmem:s23+$0x9E70]  }
0x285: {  	v16 =	vld [tilespmem:s23+$0x9C40];
	v10 =	vadd.f32 v13, v10  }
0x286: {  	v11 =	vadd.f32 $0.0e+00, v11;
	v13 =	vld [tilespmem:s23+$0x9EF0]  }
0x287: {  	v17 =	vld [tilespmem:s23+$0x9C50];
	v10 =	vadd.f32 v15, v10  }
0x288: {  	v9 =	vadd.f32 $0.0e+00, v9;
	v15 =	vld [tilespmem:s23+$0x9F70]  }
0x289: {  	v18 =	vld [tilespmem:s23+$0x9C60];
	v10 =	vadd.f32 v12, v10  }
0x28a: {  	v12 =	vadd.f32 $0.0e+00, v16;
	v16 =	vld [tilespmem:s23+$0x9FF0]  }
0x28b: {  	v19 =	vld [tilespmem:s23+$0x9C80];
	v10 =	vadd.f32 v13, v10  }
0x28c: {  	v13 =	vadd.f32 $0.0e+00, v17;
	v17 =	vld [tilespmem:s23+$0xA070]  }
0x28d: {  	v20 =	vld [tilespmem:s23+$0x9C90];
	v10 =	vadd.f32 v15, v10  }
0x28e: {  	v15 =	vadd.f32 $0.0e+00, v18;
	v18 =	vld [tilespmem:s23+$0xA0F0]  }
0x28f: {  	v21 =	vld [tilespmem:s23+$0x9CA0];
	v10 =	vadd.f32 v16, v10  }
0x290: {  	v14 =	vadd.f32 v19, v14;
	v16 =	vld [tilespmem:s23+$0x9CB0]  }
0x291: {  	v19 =	vld [tilespmem:s23+$0x9CC0];
	v10 =	vadd.f32 v17, v10  }
0x292: {  	v8 =	vadd.f32 v20, v8;
	v17 =	vld [tilespmem:s23+$0x9CD0]  }
0x293: {  	v20 =	vld [tilespmem:s23+$0x9CE0];
	v10 =	vadd.f32 v18, v10  }
0x294: {  	v11 =	vadd.f32 v21, v11;
	v18 =	vld [tilespmem:s23+$0x9D00]  }
0x295: {  	v9 =	vadd.f32 v16, v9;
	v16 =	vld [tilespmem:s23+$0x9D10];
	v10 =	vmax.f32 v10, $0.0e+00  }
0x296: {  	v12 =	vadd.f32 v19, v12;
	v19 =	vld [tilespmem:s23+$0x9D20];
	v0 =	vadd.f32 v10, v0  }
0x297: {  	v10 =	vadd.f32 v17, v13;
	v13 =	vld [tilespmem:s23+$0x9D30]  }
0x298: {  	v15 =	vadd.f32 v20, v15;
	v17 =	vld [tilespmem:s23+$0x9D40]  }
0x299: {  	v14 =	vadd.f32 v18, v14;
	v18 =	vld [tilespmem:s23+$0x9D50]  }
0x29a: {  	v8 =	vadd.f32 v16, v8;
	v16 =	vld [tilespmem:s23+$0x9D60]  }
0x29b: {  	v11 =	vadd.f32 v19, v11;
	v19 =	vld [tilespmem:s23+$0x9D80]  }
0x29c: {  	v9 =	vadd.f32 v13, v9;
	v13 =	vld [tilespmem:s23+$0x9D90]  }
0x29d: {  	v12 =	vadd.f32 v17, v12;
	v17 =	vld [tilespmem:s23+$0x9DA0]  }
0x29e: {  	v10 =	vadd.f32 v18, v10;
	v18 =	vld [tilespmem:s23+$0x9DB0]  }
0x29f: {  	v15 =	vadd.f32 v16, v15;
	v16 =	vld [tilespmem:s23+$0x9DC0]  }
0x2a0: {  	v14 =	vadd.f32 v19, v14;
	v19 =	vld [tilespmem:s23+$0x9DD0]  }
0x2a1: {  	v8 =	vadd.f32 v13, v8;
	v13 =	vld [tilespmem:s23+$0x9DE0]  }
0x2a2: {  	v11 =	vadd.f32 v17, v11;
	v17 =	vld [tilespmem:s23+$0x9E00]  }
0x2a3: {  	v9 =	vadd.f32 v18, v9;
	v18 =	vld [tilespmem:s23+$0x9E10]  }
0x2a4: {  	v12 =	vadd.f32 v16, v12;
	v16 =	vld [tilespmem:s23+$0x9E20]  }
0x2a5: {  	v10 =	vadd.f32 v19, v10;
	v19 =	vld [tilespmem:s23+$0x9E30]  }
0x2a6: {  	v13 =	vadd.f32 v13, v15;
	v15 =	vld [tilespmem:s23+$0x9E40]  }
0x2a7: {  	v14 =	vadd.f32 v17, v14;
	v17 =	vld [tilespmem:s23+$0x9E50]  }
0x2a8: {  	v8 =	vadd.f32 v18, v8;
	v18 =	vld [tilespmem:s23+$0x9E60]  }
0x2a9: {  	v11 =	vadd.f32 v16, v11;
	v16 =	vld [tilespmem:s23+$0x9E80]  }
0x2aa: {  	v9 =	vadd.f32 v19, v9;
	v19 =	vld [tilespmem:s23+$0x9E90]  }
0x2ab: {  	v12 =	vadd.f32 v15, v12;
	v15 =	vld [tilespmem:s23+$0x9EA0]  }
0x2ac: {  	v10 =	vadd.f32 v17, v10;
	v17 =	vld [tilespmem:s23+$0x9EB0]  }
0x2ad: {  	v13 =	vadd.f32 v18, v13;
	v18 =	vld [tilespmem:s23+$0x9EC0]  }
0x2ae: {  	v14 =	vadd.f32 v16, v14;
	v16 =	vld [tilespmem:s23+$0x9ED0]  }
0x2af: {  	v8 =	vadd.f32 v19, v8;
	v19 =	vld [tilespmem:s23+$0x9EE0]  }
0x2b0: {  	v11 =	vadd.f32 v15, v11;
	v15 =	vld [tilespmem:s23+$0x9F00]  }
0x2b1: {  	v9 =	vadd.f32 v17, v9;
	v17 =	vld [tilespmem:s23+$0x9F10]  }
0x2b2: {  	v12 =	vadd.f32 v18, v12;
	v18 =	vld [tilespmem:s23+$0x9F20]  }
0x2b3: {  	v10 =	vadd.f32 v16, v10;
	v16 =	vld [tilespmem:s23+$0x9F30]  }
0x2b4: {  	v13 =	vadd.f32 v19, v13;
	v19 =	vld [tilespmem:s23+$0x9F40]  }
0x2b5: {  	v14 =	vadd.f32 v15, v14;
	v15 =	vld [tilespmem:s23+$0x9F50]  }
0x2b6: {  	v8 =	vadd.f32 v17, v8;
	v17 =	vld [tilespmem:s23+$0x9F60]  }
0x2b7: {  	v11 =	vadd.f32 v18, v11;
	v18 =	vld [tilespmem:s23+$0x9F80]  }
0x2b8: {  	v9 =	vadd.f32 v16, v9;
	v16 =	vld [tilespmem:s23+$0x9F90]  }
0x2b9: {  	v12 =	vadd.f32 v19, v12;
	v19 =	vld [tilespmem:s23+$0x9FA0]  }
0x2ba: {  	v10 =	vadd.f32 v15, v10;
	v15 =	vld [tilespmem:s23+$0x9FB0]  }
0x2bb: {  	v13 =	vadd.f32 v17, v13;
	v17 =	vld [tilespmem:s23+$0x9FC0]  }
0x2bc: {  	v14 =	vadd.f32 v18, v14;
	v18 =	vld [tilespmem:s23+$0x9FD0]  }
0x2bd: {  	v8 =	vadd.f32 v16, v8;
	v16 =	vld [tilespmem:s23+$0x9FE0]  }
0x2be: {  	v11 =	vadd.f32 v19, v11;
	v19 =	vld [tilespmem:s23+$0xA000]  }
0x2bf: {  	v9 =	vadd.f32 v15, v9;
	v15 =	vld [tilespmem:s23+$0xA010]  }
0x2c0: {  	v17 =	vadd.f32 v17, v12;
	v12 =	vld [tilespmem:s23+$0xA020]  }
0x2c1: {  	v10 =	vadd.f32 v18, v10;
	v18 =	vld [tilespmem:s23+$0xA030]  }
0x2c2: {  	v20 =	vadd.f32 v16, v13;
	v16 =	vld [tilespmem:s23+$0xA040]  }
0x2c3: {  	v19 =	vadd.f32 v19, v14;
	v14 =	vld [tilespmem:s23+$0xA050]  }
0x2c4: {  	v15 =	vadd.f32 v15, v8;
	v8 =	vld [tilespmem:s23+$0xA060]  }
0x2c5: {  	v12 =	vadd.f32 v12, v11;
	v11 =	vld [tilespmem:s23+$0xA080]  }
0x2c6: {  	v13 =	vadd.f32 v18, v9;
	v18 =	vld [tilespmem:s23+$0xA090]  }
.Ltmp2:
0x2c7: {  	v9 =	vadd.f32 v16, v17;
	v39 =	vld [tilespmem:s23+$0xA0A0];
	(pc) =	sbr.rel @p0 .LBB2_7-.Ltmp2, $4  }
0x2c8: {  	v16 =	vadd.f32 v14, v10;
	v30 =	vld [tilespmem:s23+$0xA0B0]  }
0x2c9: {  	v8 =	vadd.f32 v8, v20;
	v14 =	vld [tilespmem:s23+$0xA0C0]  }
0x2ca: {  	v43 =	vadd.f32 v11, v19;
	v27 =	vld [tilespmem:s23+$0xA0D0]  }
0x2cb: {  	v42 =	vadd.f32 v18, v15;
	v23 =	vld [tilespmem:s23+$0xA0E0];
	s23 =	sshra.s32 s24, $0x2;
	s24 =	sadd.s32 $0x1400, s24  }
0x2cc: {  	v40 =	vld [tilespmem:s23+$0x9E40];
	_ =	sdelay $0x4  }
0x2cd: {  	[tilespmem:$0x1FC20] =	vst v40;
	v40 =	vld [tilespmem:s23+$0x9E60];
	_ =	sdelay $0x4  }
0x2ce: {  	[tilespmem:$0x1FC30] =	vst v40;
	v40 =	vld [tilespmem:s23+$0x9E80];
	_ =	sdelay $0x4  }
0x2cf: {  	[tilespmem:$0x1FC40] =	vst v40;
	v40 =	vld [tilespmem:s23+$0x9E90];
	_ =	sdelay $0x4  }
0x2d0: {  	[tilespmem:$0x1FC50] =	vst v40;
	v40 =	vld [tilespmem:s23+$0x9EA0];
	_ =	sdelay $0x4  }
0x2d1: {  	[tilespmem:$0x1FC60] =	vst v40;
	v40 =	vld [tilespmem:s23+$0x9EB0];
	_ =	sdelay $0x4  }
0x2d2: {  	[tilespmem:$0x1FC70] =	vst v40;
	v40 =	vld [tilespmem:s23+$0x9EC0];
	_ =	sdelay $0x4  }
0x2d3: {  	[tilespmem:$0x1FC80] =	vst v40;
	v40 =	vld [tilespmem:s23+$0x9ED0];
	_ =	sdelay $0x4  }
0x2d4: {  	[tilespmem:$0x1FC90] =	vst v40;
	v40 =	vld [tilespmem:s23+$0x9EE0];
	_ =	sdelay $0x4  }
0x2d5: {  	[tilespmem:$0x1FCA0] =	vst v40;
	v40 =	vld [tilespmem:s23+$0x9F00];
	_ =	sdelay $0x4  }
0x2d6: {  	[tilespmem:$0x1FCB0] =	vst v40;
	v40 =	vld [tilespmem:s23+$0x9F10];
	_ =	sdelay $0x4  }
0x2d7: {  	[tilespmem:$0x1FCC0] =	vst v40;
	v40 =	vld [tilespmem:s23+$0x9F20];
	_ =	sdelay $0x4  }
0x2d8: {  	[tilespmem:$0x1FCD0] =	vst v40;
	v40 =	vld [tilespmem:s23+$0x9F30];
	_ =	sdelay $0x4  }
0x2d9: {  	[tilespmem:$0x1FCE0] =	vst v40;
	v40 =	vld [tilespmem:s23+$0x9F40];
	_ =	sdelay $0x4  }
0x2da: {  	[tilespmem:$0x1FCF0] =	vst v40;
	v40 =	vld [tilespmem:s23+$0x9F50];
	_ =	sdelay $0x4  }
0x2db: {  	[tilespmem:$0x1FD00] =	vst v40;
	v40 =	vld [tilespmem:s23+$0x9F60];
	_ =	sdelay $0x4  }
0x2dc: {  	[tilespmem:$0x1FD10] =	vst v40;
	v40 =	vld [tilespmem:s23+$0x9F80];
	_ =	sdelay $0x3  }
0x2dd: {  	v10 =	vld [tilespmem:s23+$0x9C70]  }
0x2de: {  	[tilespmem:$0x1FD20] =	vst v40;
	v40 =	vld [tilespmem:s23+$0x9F90]  }
0x2df: {  	v44 =	vld [tilespmem:s23+$0x9C00]  }
0x2e0: {  	v11 =	vld [tilespmem:s23+$0x9CF0]  }
0x2e1: {  	v45 =	vld [tilespmem:s23+$0x9C10]  }
0x2e2: {  	v15 =	vld [tilespmem:s23+$0x9D70]  }
0x2e3: {  	[tilespmem:$0x1FD30] =	vst v40;
	v40 =	vld [tilespmem:s23+$0x9FA0]  }
0x2e4: {  	v46 =	vld [tilespmem:s23+$0x9C20]  }
0x2e5: {  	v47 =	vld [tilespmem:s23+$0x9DF0]  }
0x2e6: {  	v48 =	vld [tilespmem:s23+$0x9C30]  }
0x2e7: {  	v49 =	vld [tilespmem:s23+$0x9E70]  }
0x2e8: {  	[tilespmem:$0x1FD40] =	vst v40;
	v40 =	vld [tilespmem:s23+$0x9FB0]  }
0x2e9: {  	v50 =	vld [tilespmem:s23+$0x9C40]  }
0x2ea: {  	v51 =	vld [tilespmem:s23+$0x9EF0]  }
0x2eb: {  	v52 =	vld [tilespmem:s23+$0x9C50]  }
0x2ec: {  	v53 =	vld [tilespmem:s23+$0x9F70]  }
0x2ed: {  	[tilespmem:$0x1FD50] =	vst v40;
	v40 =	vld [tilespmem:s23+$0x9FC0]  }
0x2ee: {  	v54 =	vld [tilespmem:s23+$0x9C60]  }
0x2ef: {  	v55 =	vld [tilespmem:s23+$0x9FF0]  }
0x2f0: {  	v56 =	vld [tilespmem:s23+$0x9C80]  }
0x2f1: {  	v57 =	vld [tilespmem:s23+$0xA070]  }
0x2f2: {  	[tilespmem:$0x1FD60] =	vst v40;
	v40 =	vld [tilespmem:s23+$0x9FD0]  }
0x2f3: {  	v58 =	vld [tilespmem:s23+$0x9C90]  }
0x2f4: {  	v59 =	vld [tilespmem:s23+$0xA0F0]  }
0x2f5: {  	v60 =	vld [tilespmem:s23+$0x9CA0]  }
0x2f6: {  	v61 =	vld [tilespmem:s23+$0x9CB0]  }
0x2f7: {  	[tilespmem:$0x1FD70] =	vst v40;
	v40 =	vld [tilespmem:s23+$0x9FE0]  }
0x2f8: {  	v62 =	vld [tilespmem:s23+$0x9CC0]  }
0x2f9: {  	v63 =	vld [tilespmem:s23+$0x9CD0]  }
0x2fa: {  	v17 =	vld [tilespmem:s23+$0x9CE0]  }
0x2fb: {  	v18 =	vld [tilespmem:s23+$0x9D00]  }
0x2fc: {  	[tilespmem:$0x1FD80] =	vst v40;
	v40 =	vld [tilespmem:s23+$0xA000]  }
0x2fd: {  	v19 =	vld [tilespmem:s23+$0x9D10]  }
0x2fe: {  	v20 =	vld [tilespmem:s23+$0x9D20]  }
0x2ff: {  	v21 =	vld [tilespmem:s23+$0x9D30]  }
0x300: {  	v22 =	vld [tilespmem:s23+$0x9D40];
	v10 =	vadd.f32 $0.0e+00, v10  }
0x301: {  	[tilespmem:$0x1FD90] =	vst v40;
	v40 =	vld [tilespmem:s23+$0xA010]  }
0x302: {  	v11 =	vadd.f32 v11, v10;
	v10 =	vld [tilespmem:s23+$0xA060]  }
0x303: {  	v24 =	vld [tilespmem:s23+$0x9D50]  }
0x304: {  	v25 =	vld [tilespmem:s23+$0x9D60]  }
0x305: {  	v26 =	vld [tilespmem:s23+$0x9D80]  }
0x306: {  	[tilespmem:$0x1FDA0] =	vst v40;
	v40 =	vld [tilespmem:s23+$0xA020]  }
0x307: {  	[tilespmem:$0x1FE00] =	vst v10;
	v10 =	vld [tilespmem:s23+$0xA080]  }
0x308: {  	v28 =	vld [tilespmem:s23+$0x9D90]  }
0x309: {  	v29 =	vld [tilespmem:s23+$0x9DA0]  }
0x30a: {  	v31 =	vld [tilespmem:s23+$0x9DB0]  }
0x30b: {  	[tilespmem:$0x1FDB0] =	vst v40;
	v40 =	vld [tilespmem:s23+$0xA030]  }
0x30c: {  	v32 =	vld [tilespmem:s23+$0x9DC0];
	[tilespmem:$0x1FDF0] =	vst v10;
	v10 =	vadd.f32 v15, v11  }
0x30d: {  	v33 =	vld [tilespmem:s23+$0x9DD0]  }
0x30e: {  	v34 =	vld [tilespmem:s23+$0x9DE0];
	v10 =	vadd.f32 v47, v10  }
0x30f: {  	v35 =	vld [tilespmem:s23+$0x9E00]  }
0x310: {  	v10 =	vadd.f32 v49, v10;
	[tilespmem:$0x1FDC0] =	vst v40;
	v40 =	vld [tilespmem:s23+$0xA040]  }
0x311: {  	v36 =	vld [tilespmem:s23+$0x9E10]  }
0x312: {  	v37 =	vld [tilespmem:s23+$0x9E20];
	v10 =	vadd.f32 v51, v10  }
0x313: {  	v38 =	vld [tilespmem:s23+$0x9E30];
	v8 =	vadd.f32 v23, v8  }
0x314: {  	v41 =	vld [tilespmem:s23+$0x9E50];
	v10 =	vadd.f32 v53, v10  }
0x315: {  	v39 =	vadd.f32 v39, v12;
	v30 =	vadd.f32 v30, v13;
	v8 =	vmax.f32 v8, $0.0e+00;
	[tilespmem:$0x1FDD0] =	vst v40;
	v40 =	vld [tilespmem:s23+$0xA050]  }
0x316: {  	v43 =	vmax.f32 v43, $0.0e+00;
	v12 =	vld [tilespmem:s23+$0xA0B0];
	v8 =	vadd.f32 v8, v2;
	v2 =	vadd.f32 v55, v10  }
0x317: {  	v1 =	vadd.f32 v43, v1;
	v13 =	vld [tilespmem:s23+$0xA0C0];
	v43 =	vadd.f32 v14, v9;
	v14 =	vmax.f32 v42, $0.0e+00  }
0x318: {  	v9 =	vld [tilespmem:s23+$0xA0D0];
	v14 =	vadd.f32 v14, v7;
	v2 =	vadd.f32 v57, v2  }
0x319: {  	v16 =	vadd.f32 v27, v16;
	v7 =	vld [tilespmem:s23+$0xA0E0];
	v55 =	vadd.f32 $0.0e+00, v46  }
0x31a: {  	v15 =	vld [tilespmem:s23+$0xA090];
	v2 =	vadd.f32 v59, v2;
	v59 =	vadd.f32 $0.0e+00, v50;
	[tilespmem:$0x1FDE0] =	vst v40  }
0x31b: {  	v11 =	vld [tilespmem:s23+$0xA0A0];
	v47 =	vmax.f32 v39, $0.0e+00;
	v57 =	vadd.f32 v60, v55;
	v60 =	vadd.f32 $0.0e+00, v52;
	_ =	swait.ge [sflag:s18], $0x3400  }
0x31c: {  	v6 =	vadd.f32 v47, v6;
	v49 =	vmax.f32 v30, $0.0e+00;
	v47 =	vadd.f32 v62, v59;
	v40 =	vld [tilespmem:$0x1FC20]  }
0x31d: {  	v16 =	vmax.f32 v16, $0.0e+00;
	v4 =	vadd.f32 v49, v4;
	v49 =	vadd.f32 v63, v60;
	v46 =	vld [tilespmem:$0x1FC30]  }
0x31e: {  	v16 =	vadd.f32 v16, v3;
	v22 =	vadd.f32 v22, v47;
	v47 =	vld [tilespmem:$0x1FC40]  }
0x31f: {  	v3 =	vadd.f32 $0.0e+00, v44;
	v51 =	vmax.f32 v43, $0.0e+00;
	v24 =	vadd.f32 v24, v49;
	v49 =	vld [tilespmem:$0x1FC50]  }
0x320: {  	v5 =	vadd.f32 v51, v5;
	v10 =	vadd.f32 $0.0e+00, v45;
	v51 =	vld [tilespmem:$0x1FC60]  }
0x321: {  	v3 =	vadd.f32 v56, v3;
	v56 =	vadd.f32 $0.0e+00, v48;
	v52 =	vld [tilespmem:$0x1FC70]  }
0x322: {  	v10 =	vadd.f32 v58, v10;
	v53 =	vld [tilespmem:$0x1FC80]  }
0x323: {  	v58 =	vadd.f32 v61, v56;
	v61 =	vadd.f32 $0.0e+00, v54;
	v54 =	vld [tilespmem:$0x1FC90]  }
0x324: {  	v55 =	vld [tilespmem:$0x1FCA0]  }
0x325: {  	v56 =	vld [tilespmem:$0x1FCB0]  }
0x326: {  	v10 =	vadd.f32 v19, v10;
	v19 =	vadd.f32 v20, v57;
	v57 =	vld [tilespmem:$0x1FCC0]  }
0x327: {  	v20 =	vadd.f32 v21, v58;
	v58 =	vld [tilespmem:$0x1FCD0]  }
0x328: {  	v59 =	vld [tilespmem:$0x1FCE0]  }
0x329: {  	v60 =	vld [tilespmem:$0x1FCF0]  }
0x32a: {  	v17 =	vadd.f32 v17, v61;
	v61 =	vld [tilespmem:$0x1FD00]  }
0x32b: {  	[sflag:s18] =	ssyncset.done $0x0;
	v62 =	vld [tilespmem:$0x1FD10]  }
0x32c: {  	s25 =	simm.s32 $0x0;
	v63 =	vld [tilespmem:$0x1FD20];
	[sflag:s18] =	ssyncadd.s32 $0xFFFFCC00  }
0x32d: {  	v42 =	vld [tilespmem:s25+$0xD070]  }
0x32e: {  	v23 =	vld [tilespmem:s25+$0xD000]  }
0x32f: {  	v43 =	vld [tilespmem:s25+$0xD0F0]  }
0x330: {  	v27 =	vld [tilespmem:s25+$0xD010]  }
0x331: {  	v44 =	vld [tilespmem:s25+$0xD170]  }
0x332: {  	v30 =	vld [tilespmem:s25+$0xD020]  }
0x333: {  	v48 =	vld [tilespmem:s25+$0xD1F0]  }
0x334: {  	v2 =	vmax.f32 v2, $0.0e+00;
	v39 =	vld [tilespmem:s25+$0xD030]  }
0x335: {  	v0 =	vadd.f32 v2, v0;
	v2 =	vld [tilespmem:s25+$0xD270]  }
0x336: {  	v50 =	vld [tilespmem:s25+$0xD040]  }
0x337: {  	v3 =	vadd.f32 v18, v3;
	v18 =	vld [tilespmem:s25+$0xD2F0]  }
0x338: {  	v21 =	vld [tilespmem:s25+$0xD050]  }
0x339: {  	v45 =	vld [tilespmem:s25+$0xD370]  }
0x33a: {  	v17 =	vadd.f32 v25, v17;
	v25 =	vld [tilespmem:s25+$0xD060]  }
0x33b: {  	v3 =	vadd.f32 v26, v3;
	v26 =	vld [tilespmem:s25+$0xD3F0]  }
0x33c: {  	v10 =	vadd.f32 v28, v10;
	v28 =	vld [tilespmem:s25+$0xD080]  }
0x33d: {  	v19 =	vadd.f32 v29, v19;
	v29 =	vld [tilespmem:s25+$0xD470]  }
0x33e: {  	v20 =	vadd.f32 v31, v20;
	v31 =	vld [tilespmem:s25+$0xD090]  }
0x33f: {  	v22 =	vadd.f32 v32, v22;
	v32 =	vld [tilespmem:s25+$0xD4F0]  }
0x340: {  	v24 =	vadd.f32 v33, v24;
	v33 =	vld [tilespmem:s25+$0xD0A0]  }
0x341: {  	v17 =	vadd.f32 v34, v17;
	v34 =	vld [tilespmem:s25+$0xD0B0]  }
0x342: {  	v3 =	vadd.f32 v35, v3;
	v35 =	vld [tilespmem:s25+$0xD0C0]  }
0x343: {  	v10 =	vadd.f32 v36, v10;
	v36 =	vld [tilespmem:s25+$0xD0D0]  }
0x344: {  	v19 =	vadd.f32 v37, v19;
	v37 =	vld [tilespmem:s25+$0xD0E0]  }
0x345: {  	v20 =	vadd.f32 v38, v20;
	v38 =	vld [tilespmem:s25+$0xD100]  }
0x346: {  	v24 =	vadd.f32 v41, v24;
	v41 =	vld [tilespmem:s25+$0xD120]  }
0x347: {  	v22 =	vadd.f32 v40, v22;
	v40 =	vld [tilespmem:s25+$0xD110]  }
0x348: {  	v17 =	vadd.f32 v46, v17;
	v46 =	vld [tilespmem:s25+$0xD130]  }
0x349: {  	v10 =	vadd.f32 v49, v10;
	v49 =	vld [tilespmem:$0x1FD30]  }
0x34a: {  	v19 =	vadd.f32 v51, v19;
	v51 =	vld [tilespmem:$0x1FD40]  }
0x34b: {  	v3 =	vadd.f32 v47, v3;
	v47 =	vld [tilespmem:s25+$0xD140]  }
0x34c: {  	v20 =	vadd.f32 v52, v20;
	v52 =	vld [tilespmem:$0x1FD50]  }
0x34d: {  	v24 =	vadd.f32 v54, v24;
	v54 =	vld [tilespmem:$0x1FD70]  }
0x34e: {  	v22 =	vadd.f32 v53, v22;
	v53 =	vld [tilespmem:$0x1FD60]  }
0x34f: {  	v17 =	vadd.f32 v55, v17;
	v55 =	vld [tilespmem:$0x1FD80]  }
0x350: {  	v3 =	vadd.f32 v56, v3;
	v56 =	vld [tilespmem:$0x1FD90]  }
0x351: {  	v10 =	vadd.f32 v57, v10;
	v57 =	vld [tilespmem:$0x1FDA0]  }
0x352: {  	v19 =	vadd.f32 v58, v19;
	v58 =	vld [tilespmem:$0x1FDB0]  }
0x353: {  	v20 =	vadd.f32 v59, v20;
	v42 =	vadd.f32 $0.0e+00, v42;
	v59 =	vld [tilespmem:$0x1FDC0]  }
0x354: {  	v24 =	vadd.f32 v61, v24;
	v61 =	vld [tilespmem:$0x1FDE0]  }
0x355: {  	v42 =	vadd.f32 v43, v42;
	v43 =	vld [tilespmem:s25+$0xD1A0]  }
0x356: {  	v22 =	vadd.f32 v60, v22;
	v60 =	vld [tilespmem:$0x1FDD0]  }
0x357: {  	v17 =	vadd.f32 v62, v17;
	v62 =	vld [tilespmem:$0x1FDF0]  }
0x358: {  	v25 =	vadd.f32 $0.0e+00, v25;
	v3 =	vadd.f32 v63, v3;
	v63 =	vld [tilespmem:$0x1FE00]  }
0x359: {  	v21 =	vadd.f32 $0.0e+00, v21;
	v10 =	vadd.f32 v49, v10;
	v49 =	vld [tilespmem:s25+$0xD150]  }
0x35a: {  	v25 =	vadd.f32 v37, v25;
	v19 =	vadd.f32 v51, v19;
	v51 =	vld [tilespmem:s25+$0xD160]  }
0x35b: {  	v20 =	vadd.f32 v52, v20;
	v24 =	vadd.f32 v54, v24;
	v52 =	vld [tilespmem:s25+$0xD180]  }
0x35c: {  	v54 =	vld [tilespmem:s25+$0xD1B0];
	v42 =	vadd.f32 v44, v42;
	v22 =	vadd.f32 v53, v22  }
0x35d: {  	v44 =	vld [tilespmem:s25+$0xD1C0];
	v17 =	vadd.f32 v55, v17;
	v3 =	vadd.f32 v56, v3  }
0x35e: {  	v10 =	vadd.f32 v57, v10;
	v19 =	vadd.f32 v58, v19;
	v53 =	vld [tilespmem:s25+$0xD190]  }
0x35f: {  	v20 =	vadd.f32 v59, v20;
	v24 =	vadd.f32 v61, v24;
	v56 =	vld [tilespmem:s25+$0xD2B0]  }
0x360: {  	v55 =	vadd.f32 $0.0e+00, v30;
	v57 =	vadd.f32 $0.0e+00, v39;
	v58 =	vld [tilespmem:s25+$0xD2C0]  }
0x361: {  	v59 =	vadd.f32 $0.0e+00, v50;
	v61 =	vld [tilespmem:s25+$0xD2E0];
	v22 =	vadd.f32 v60, v22  }
0x362: {  	v50 =	vld [tilespmem:s25+$0xD340];
	v3 =	vadd.f32 v62, v3;
	v17 =	vadd.f32 v63, v17  }
0x363: {  	v10 =	vadd.f32 v15, v10;
	v15 =	vld [tilespmem:s25+$0xD1D0];
	v11 =	vadd.f32 v11, v19  }
0x364: {  	v19 =	vadd.f32 v48, v42;
	v42 =	vld [tilespmem:s25+$0xD1E0];
	v12 =	vadd.f32 v12, v20  }
0x365: {  	v20 =	vld [tilespmem:s25+$0xD200];
	v9 =	vadd.f32 v9, v24;
	v25 =	vadd.f32 v51, v25;
	v3 =	vmax.f32 v3, $0.0e+00  }
0x366: {  	v60 =	vld [tilespmem:s25+$0xD2D0];
	v7 =	vadd.f32 v7, v17;
	v1 =	vadd.f32 v3, v1;
	v3 =	vmax.f32 v10, $0.0e+00  }
0x367: {  	v62 =	vld [tilespmem:s25+$0xD300];
	v10 =	vadd.f32 v2, v19;
	v2 =	vadd.f32 v3, v14;
	v3 =	vmax.f32 v11, $0.0e+00  }
0x368: {  	v63 =	vld [tilespmem:s25+$0xD310];
	v13 =	vadd.f32 v13, v22;
	v7 =	vmax.f32 v7, $0.0e+00;
	v3 =	vadd.f32 v3, v6  }
0x369: {  	v48 =	vld [tilespmem:s25+$0xD330];
	v9 =	vmax.f32 v9, $0.0e+00;
	v10 =	vadd.f32 v18, v10;
	v7 =	vadd.f32 v7, v8  }
0x36a: {  	v51 =	vld [tilespmem:s25+$0xD350];
	v6 =	vmax.f32 v12, $0.0e+00;
	v8 =	vadd.f32 $0.0e+00, v27;
	v25 =	vadd.f32 v42, v25  }
0x36b: {  	v17 =	vld [tilespmem:s25+$0xD280];
	v4 =	vadd.f32 v6, v4;
	v6 =	vmax.f32 v13, $0.0e+00;
	v10 =	vadd.f32 v45, v10  }
0x36c: {  	v22 =	vld [tilespmem:s25+$0xD2A0];
	v5 =	vadd.f32 v6, v5;
	v6 =	vadd.f32 v9, v16  }
0x36d: {  	v19 =	vld [tilespmem:s25+$0xD210];
	v16 =	vadd.f32 $0.0e+00, v23;
	v8 =	vadd.f32 v31, v8  }
0x36e: {  	v11 =	vld [tilespmem:s25+$0xD220];
	v23 =	vadd.f32 v33, v55;
	v10 =	vadd.f32 v26, v10  }
0x36f: {  	v9 =	vld [tilespmem:s25+$0xD260];
	v16 =	vadd.f32 v28, v16;
	v26 =	vadd.f32 v34, v57  }
0x370: {  	v14 =	vld [tilespmem:s25+$0xD240];
	v28 =	vadd.f32 v35, v59;
	v8 =	vadd.f32 v40, v8  }
0x371: {  	v12 =	vld [tilespmem:s25+$0xD230];
	v23 =	vadd.f32 v41, v23;
	v10 =	vadd.f32 v29, v10  }
0x372: {  	v18 =	vld [tilespmem:s25+$0xD290];
	v16 =	vadd.f32 v38, v16;
	v26 =	vadd.f32 v46, v26  }
0x373: {  	v13 =	vld [tilespmem:s25+$0xD250];
	v28 =	vadd.f32 v47, v28;
	v8 =	vadd.f32 v53, v8  }
0x374: {  	v45 =	vld [tilespmem:s25+$0xD320];
	v23 =	vadd.f32 v43, v23;
	v9 =	vadd.f32 v9, v25  }
0x375: {  	v55 =	vld [tilespmem:s25+$0xD3C0];
	v10 =	vadd.f32 v32, v10;
	v16 =	vadd.f32 v52, v16  }
0x376: {  	v57 =	vld [tilespmem:s25+$0xD420];
	v26 =	vadd.f32 v54, v26;
	v28 =	vadd.f32 v44, v28  }
0x377: {  	v53 =	vld [tilespmem:s25+$0xD360];
	v8 =	vadd.f32 v19, v8;
	v11 =	vadd.f32 v11, v23  }
0x378: {  	v59 =	vld [tilespmem:s25+$0xD440];
	v9 =	vadd.f32 v61, v9;
	v16 =	vadd.f32 v20, v16  }
0x379: {  	v54 =	vld [tilespmem:s25+$0xD380];
	v12 =	vadd.f32 v12, v26;
	v14 =	vadd.f32 v14, v28  }
0x37a: {  	v19 =	vld [tilespmem:s25+$0xD3B0];
	v10 =	vmax.f32 v10, $0.0e+00;
	v8 =	vadd.f32 v18, v8;
	v11 =	vadd.f32 v22, v11  }
0x37b: {  	v61 =	vld [tilespmem:s25+$0xD460];
	v0 =	vadd.f32 v10, v0;
	v10 =	vadd.f32 v36, v21  }
0x37c: {  	v20 =	vld [tilespmem:s25+$0xD3A0];
	v9 =	vadd.f32 v53, v9;
	v16 =	vadd.f32 v17, v16  }
0x37d: {  	v18 =	vld [tilespmem:s25+$0xD400];
	v12 =	vadd.f32 v56, v12;
	v14 =	vadd.f32 v58, v14  }
0x37e: {  	v17 =	vld [tilespmem:s25+$0xD3E0];
	v8 =	vadd.f32 v63, v8;
	v10 =	vadd.f32 v49, v10  }
0x37f: {  	v56 =	vld [tilespmem:s25+$0xD410];
	v11 =	vadd.f32 v45, v11;
	v16 =	vadd.f32 v62, v16  }
0x380: {  	v12 =	vadd.f32 v48, v12;
	v10 =	vadd.f32 v15, v10;
	v15 =	vld [tilespmem:s25+$0xD390]  }
0x381: {  	v58 =	vld [tilespmem:s25+$0xD430];
	v14 =	vadd.f32 v50, v14;
	v16 =	vadd.f32 v54, v16  }
0x382: {  	v12 =	vadd.f32 v19, v12;
	v19 =	vld [tilespmem:s25+$0xD480];
	v10 =	vadd.f32 v13, v10  }
0x383: {  	v11 =	vadd.f32 v20, v11;
	v13 =	vld [tilespmem:s25+$0xD3D0];
	v63 =	vadd.f32 v17, v9  }
0x384: {  	v62 =	vld [tilespmem:s25+$0xD490];
	v18 =	vadd.f32 v18, v16;
	v10 =	vadd.f32 v60, v10  }
0x385: {  	v60 =	vld [tilespmem:s25+$0xD450];
	v8 =	vadd.f32 v15, v8;
	v15 =	vadd.f32 v55, v14  }
0x386: {  	v17 =	vld [tilespmem:s25+$0xD4A0];
	v14 =	vadd.f32 v57, v11;
	v10 =	vadd.f32 v51, v10  }
0x387: {  	v16 =	vld [tilespmem:s25+$0xD4B0];
	v19 =	vadd.f32 v19, v18;
	v22 =	vadd.f32 v56, v8  }
0x388: {  	v20 =	vadd.f32 v13, v10;
	v10 =	vadd.f32 v59, v15;
	v15 =	vld [tilespmem:s25+$0xD4C0]  }
0x389: {  	v8 =	vadd.f32 v61, v63;
	v13 =	vadd.f32 v58, v12;
	v12 =	vld [tilespmem:s25+$0xD4D0]  }
0x38a: {  	s24 =	simm.s32 $0x2800;
	s23 =	simm.s32 $0x500;
	v11 =	vld [tilespmem:s25+$0xD4E0];
	v18 =	vadd.f32 v62, v22;
	v9 =	vadd.f32 v60, v20  }
.LBB2_9:
0x38b: {  	p0 =	sne.s32 s24, $0xB400;
	v20 =	vld [tilespmem:s23+$0xD070];
	v14 =	vadd.f32 v17, v14;
	v17 =	vmax.f32 v19, $0.0e+00  }
0x38c: {  	v19 =	vld [tilespmem:s23+$0xD000];
	v13 =	vadd.f32 v16, v13;
	v1 =	vadd.f32 v17, v1;
	v16 =	vmax.f32 v18, $0.0e+00  }
0x38d: {  	v17 =	vld [tilespmem:s23+$0xD0F0];
	v10 =	vadd.f32 v15, v10;
	v2 =	vadd.f32 v16, v2;
	v14 =	vmax.f32 v14, $0.0e+00  }
0x38e: {  	v15 =	vld [tilespmem:s23+$0xD010];
	v9 =	vadd.f32 v12, v9;
	v3 =	vadd.f32 v14, v3;
	v12 =	vmax.f32 v13, $0.0e+00  }
0x38f: {  	v13 =	vld [tilespmem:s23+$0xD170];
	v8 =	vadd.f32 v11, v8;
	v4 =	vadd.f32 v12, v4;
	v10 =	vmax.f32 v10, $0.0e+00  }
0x390: {  	v11 =	vld [tilespmem:s23+$0xD020];
	v12 =	vadd.f32 $0.0e+00, v20;
	v5 =	vadd.f32 v10, v5;
	v9 =	vmax.f32 v9, $0.0e+00  }
0x391: {  	v10 =	vadd.f32 $0.0e+00, v19;
	v14 =	vld [tilespmem:s23+$0xD1F0];
	v6 =	vadd.f32 v9, v6;
	v8 =	vmax.f32 v8, $0.0e+00  }
0x392: {  	v9 =	vld [tilespmem:s23+$0xD030];
	v12 =	vadd.f32 v17, v12;
	v7 =	vadd.f32 v8, v7  }
0x393: {  	v8 =	vadd.f32 $0.0e+00, v15;
	v15 =	vld [tilespmem:s23+$0xD270]  }
0x394: {  	v16 =	vld [tilespmem:s23+$0xD040];
	v12 =	vadd.f32 v13, v12  }
0x395: {  	v11 =	vadd.f32 $0.0e+00, v11;
	v13 =	vld [tilespmem:s23+$0xD2F0]  }
0x396: {  	v17 =	vld [tilespmem:s23+$0xD050];
	v12 =	vadd.f32 v14, v12  }
0x397: {  	v9 =	vadd.f32 $0.0e+00, v9;
	v14 =	vld [tilespmem:s23+$0xD370]  }
0x398: {  	v18 =	vld [tilespmem:s23+$0xD060];
	v12 =	vadd.f32 v15, v12  }
0x399: {  	v15 =	vadd.f32 $0.0e+00, v16;
	v16 =	vld [tilespmem:s23+$0xD3F0]  }
0x39a: {  	v19 =	vld [tilespmem:s23+$0xD080];
	v12 =	vadd.f32 v13, v12  }
0x39b: {  	v13 =	vadd.f32 $0.0e+00, v17;
	v17 =	vld [tilespmem:s23+$0xD470]  }
0x39c: {  	v20 =	vld [tilespmem:s23+$0xD090];
	v12 =	vadd.f32 v14, v12  }
0x39d: {  	v14 =	vadd.f32 $0.0e+00, v18;
	v18 =	vld [tilespmem:s23+$0xD4F0]  }
0x39e: {  	v21 =	vld [tilespmem:s23+$0xD0A0];
	v12 =	vadd.f32 v16, v12  }
0x39f: {  	v10 =	vadd.f32 v19, v10;
	v16 =	vld [tilespmem:s23+$0xD0B0]  }
0x3a0: {  	v19 =	vld [tilespmem:s23+$0xD0C0];
	v12 =	vadd.f32 v17, v12  }
0x3a1: {  	v8 =	vadd.f32 v20, v8;
	v17 =	vld [tilespmem:s23+$0xD0D0]  }
0x3a2: {  	v20 =	vld [tilespmem:s23+$0xD0E0];
	v12 =	vadd.f32 v18, v12  }
0x3a3: {  	v11 =	vadd.f32 v21, v11;
	v18 =	vld [tilespmem:s23+$0xD100]  }
0x3a4: {  	v9 =	vadd.f32 v16, v9;
	v16 =	vld [tilespmem:s23+$0xD110];
	v12 =	vmax.f32 v12, $0.0e+00  }
0x3a5: {  	v15 =	vadd.f32 v19, v15;
	v19 =	vld [tilespmem:s23+$0xD120];
	v0 =	vadd.f32 v12, v0  }
0x3a6: {  	v12 =	vadd.f32 v17, v13;
	v13 =	vld [tilespmem:s23+$0xD130]  }
0x3a7: {  	v14 =	vadd.f32 v20, v14;
	v17 =	vld [tilespmem:s23+$0xD140]  }
0x3a8: {  	v10 =	vadd.f32 v18, v10;
	v18 =	vld [tilespmem:s23+$0xD150]  }
0x3a9: {  	v8 =	vadd.f32 v16, v8;
	v16 =	vld [tilespmem:s23+$0xD160]  }
0x3aa: {  	v11 =	vadd.f32 v19, v11;
	v19 =	vld [tilespmem:s23+$0xD180]  }
0x3ab: {  	v9 =	vadd.f32 v13, v9;
	v13 =	vld [tilespmem:s23+$0xD190]  }
0x3ac: {  	v15 =	vadd.f32 v17, v15;
	v17 =	vld [tilespmem:s23+$0xD1A0]  }
0x3ad: {  	v12 =	vadd.f32 v18, v12;
	v18 =	vld [tilespmem:s23+$0xD1B0]  }
0x3ae: {  	v14 =	vadd.f32 v16, v14;
	v16 =	vld [tilespmem:s23+$0xD1C0]  }
0x3af: {  	v10 =	vadd.f32 v19, v10;
	v19 =	vld [tilespmem:s23+$0xD1D0]  }
0x3b0: {  	v8 =	vadd.f32 v13, v8;
	v13 =	vld [tilespmem:s23+$0xD1E0]  }
0x3b1: {  	v11 =	vadd.f32 v17, v11;
	v17 =	vld [tilespmem:s23+$0xD200]  }
0x3b2: {  	v9 =	vadd.f32 v18, v9;
	v18 =	vld [tilespmem:s23+$0xD210]  }
0x3b3: {  	v15 =	vadd.f32 v16, v15;
	v16 =	vld [tilespmem:s23+$0xD220]  }
0x3b4: {  	v12 =	vadd.f32 v19, v12;
	v19 =	vld [tilespmem:s23+$0xD230]  }
0x3b5: {  	v13 =	vadd.f32 v13, v14;
	v14 =	vld [tilespmem:s23+$0xD240]  }
0x3b6: {  	v10 =	vadd.f32 v17, v10;
	v17 =	vld [tilespmem:s23+$0xD250]  }
0x3b7: {  	v8 =	vadd.f32 v18, v8;
	v18 =	vld [tilespmem:s23+$0xD260]  }
0x3b8: {  	v11 =	vadd.f32 v16, v11;
	v16 =	vld [tilespmem:s23+$0xD280]  }
0x3b9: {  	v9 =	vadd.f32 v19, v9;
	v19 =	vld [tilespmem:s23+$0xD290]  }
0x3ba: {  	v14 =	vadd.f32 v14, v15;
	v15 =	vld [tilespmem:s23+$0xD2A0]  }
0x3bb: {  	v12 =	vadd.f32 v17, v12;
	v17 =	vld [tilespmem:s23+$0xD2B0]  }
0x3bc: {  	v13 =	vadd.f32 v18, v13;
	v18 =	vld [tilespmem:s23+$0xD2C0]  }
0x3bd: {  	v10 =	vadd.f32 v16, v10;
	v16 =	vld [tilespmem:s23+$0xD2D0]  }
0x3be: {  	v8 =	vadd.f32 v19, v8;
	v19 =	vld [tilespmem:s23+$0xD2E0]  }
0x3bf: {  	v11 =	vadd.f32 v15, v11;
	v15 =	vld [tilespmem:s23+$0xD300]  }
0x3c0: {  	v9 =	vadd.f32 v17, v9;
	v17 =	vld [tilespmem:s23+$0xD310]  }
0x3c1: {  	v14 =	vadd.f32 v18, v14;
	v18 =	vld [tilespmem:s23+$0xD320]  }
0x3c2: {  	v12 =	vadd.f32 v16, v12;
	v16 =	vld [tilespmem:s23+$0xD330]  }
0x3c3: {  	v13 =	vadd.f32 v19, v13;
	v19 =	vld [tilespmem:s23+$0xD340]  }
0x3c4: {  	v10 =	vadd.f32 v15, v10;
	v15 =	vld [tilespmem:s23+$0xD350]  }
0x3c5: {  	v8 =	vadd.f32 v17, v8;
	v17 =	vld [tilespmem:s23+$0xD360]  }
0x3c6: {  	v11 =	vadd.f32 v18, v11;
	v18 =	vld [tilespmem:s23+$0xD380]  }
0x3c7: {  	v9 =	vadd.f32 v16, v9;
	v16 =	vld [tilespmem:s23+$0xD390]  }
0x3c8: {  	v14 =	vadd.f32 v19, v14;
	v19 =	vld [tilespmem:s23+$0xD3A0]  }
0x3c9: {  	v12 =	vadd.f32 v15, v12;
	v15 =	vld [tilespmem:s23+$0xD3B0]  }
0x3ca: {  	v13 =	vadd.f32 v17, v13;
	v17 =	vld [tilespmem:s23+$0xD3C0]  }
0x3cb: {  	v10 =	vadd.f32 v18, v10;
	v18 =	vld [tilespmem:s23+$0xD3D0]  }
0x3cc: {  	v8 =	vadd.f32 v16, v8;
	v16 =	vld [tilespmem:s23+$0xD3E0]  }
0x3cd: {  	v11 =	vadd.f32 v19, v11;
	v19 =	vld [tilespmem:s23+$0xD400]  }
0x3ce: {  	v9 =	vadd.f32 v15, v9;
	v15 =	vld [tilespmem:s23+$0xD410]  }
0x3cf: {  	v17 =	vadd.f32 v17, v14;
	v14 =	vld [tilespmem:s23+$0xD420]  }
0x3d0: {  	v12 =	vadd.f32 v18, v12;
	v18 =	vld [tilespmem:s23+$0xD430]  }
0x3d1: {  	v20 =	vadd.f32 v16, v13;
	v16 =	vld [tilespmem:s23+$0xD440]  }
0x3d2: {  	v19 =	vadd.f32 v19, v10;
	v21 =	vld [tilespmem:s23+$0xD450]  }
0x3d3: {  	v22 =	vadd.f32 v15, v8;
	v8 =	vld [tilespmem:s23+$0xD460]  }
0x3d4: {  	v14 =	vadd.f32 v14, v11;
	v11 =	vld [tilespmem:s23+$0xD480]  }
0x3d5: {  	v13 =	vadd.f32 v18, v9;
	v18 =	vld [tilespmem:s23+$0xD490]  }
.Ltmp3:
0x3d6: {  	v10 =	vadd.f32 v16, v17;
	v17 =	vld [tilespmem:s23+$0xD4A0];
	(pc) =	sbr.rel @p0 .LBB2_9-.Ltmp3, $4  }
0x3d7: {  	v9 =	vadd.f32 v21, v12;
	v16 =	vld [tilespmem:s23+$0xD4B0]  }
0x3d8: {  	v8 =	vadd.f32 v8, v20;
	v15 =	vld [tilespmem:s23+$0xD4C0]  }
0x3d9: {  	v19 =	vadd.f32 v11, v19;
	v12 =	vld [tilespmem:s23+$0xD4D0]  }
0x3da: {  	v18 =	vadd.f32 v18, v22;
	v11 =	vld [tilespmem:s23+$0xD4E0];
	s23 =	sshra.s32 s24, $0x2;
	s24 =	sadd.s32 $0x1400, s24  }
0x3db: {  	v20 =	vld [tilespmem:s23+$0xD070]  }
0x3dc: {  	v21 =	vld [tilespmem:s23+$0xD000]  }
0x3dd: {  	v22 =	vld [tilespmem:s23+$0xD0F0]  }
0x3de: {  	v23 =	vld [tilespmem:s23+$0xD010]  }
0x3df: {  	v24 =	vld [tilespmem:s23+$0xD170]  }
0x3e0: {  	v25 =	vld [tilespmem:s23+$0xD020]  }
0x3e1: {  	v26 =	vld [tilespmem:s23+$0xD1F0]  }
0x3e2: {  	v27 =	vld [tilespmem:s23+$0xD030]  }
0x3e3: {  	v28 =	vld [tilespmem:s23+$0xD270]  }
0x3e4: {  	v29 =	vld [tilespmem:s23+$0xD040]  }
0x3e5: {  	v30 =	vld [tilespmem:s23+$0xD2F0]  }
0x3e6: {  	v31 =	vld [tilespmem:s23+$0xD050]  }
0x3e7: {  	v32 =	vld [tilespmem:s23+$0xD370]  }
0x3e8: {  	v33 =	vld [tilespmem:s23+$0xD060]  }
0x3e9: {  	v34 =	vld [tilespmem:s23+$0xD3F0]  }
0x3ea: {  	v35 =	vld [tilespmem:s23+$0xD080]  }
0x3eb: {  	v36 =	vld [tilespmem:s23+$0xD470]  }
0x3ec: {  	v37 =	vld [tilespmem:s23+$0xD090]  }
0x3ed: {  	v38 =	vld [tilespmem:s23+$0xD0A0]  }
0x3ee: {  	v39 =	vld [tilespmem:s23+$0xD0B0]  }
0x3ef: {  	v40 =	vld [tilespmem:s23+$0xD0C0]  }
0x3f0: {  	v41 =	vld [tilespmem:s23+$0xD0D0]  }
0x3f1: {  	v42 =	vld [tilespmem:s23+$0xD0E0]  }
0x3f2: {  	v43 =	vld [tilespmem:s23+$0xD100]  }
0x3f3: {  	v44 =	vld [tilespmem:s23+$0xD110]  }
0x3f4: {  	v45 =	vld [tilespmem:s23+$0xD120]  }
0x3f5: {  	v46 =	vld [tilespmem:s23+$0xD130]  }
0x3f6: {  	v47 =	vld [tilespmem:s23+$0xD140]  }
0x3f7: {  	v48 =	vld [tilespmem:s23+$0xD150]  }
0x3f8: {  	v49 =	vld [tilespmem:s23+$0xD160]  }
0x3f9: {  	v50 =	vld [tilespmem:s23+$0xD180]  }
0x3fa: {  	v51 =	vld [tilespmem:s23+$0xD190]  }
0x3fb: {  	v52 =	vld [tilespmem:s23+$0xD1A0]  }
0x3fc: {  	v53 =	vld [tilespmem:s23+$0xD1B0]  }
0x3fd: {  	v54 =	vld [tilespmem:s23+$0xD1C0]  }
0x3fe: {  	v55 =	vld [tilespmem:s23+$0xD1E0]  }
0x3ff: {  	v14 =	vadd.f32 v17, v14;
	v63 =	vmax.f32 v19, $0.0e+00;
	v17 =	vld [tilespmem:s23+$0xD290]  }
0x400: {  	v19 =	vld [tilespmem:s23+$0xD2A0];
	v13 =	vadd.f32 v16, v13;
	v1 =	vadd.f32 v63, v1;
	v57 =	vmax.f32 v18, $0.0e+00  }
0x401: {  	v16 =	vld [tilespmem:s23+$0xD210];
	v10 =	vadd.f32 v15, v10;
	v2 =	vadd.f32 v57, v2;
	v14 =	vmax.f32 v14, $0.0e+00  }
0x402: {  	v18 =	vld [tilespmem:s23+$0xD220];
	v9 =	vadd.f32 v12, v9;
	v3 =	vadd.f32 v14, v3;
	v13 =	vmax.f32 v13, $0.0e+00  }
0x403: {  	v15 =	vld [tilespmem:s23+$0xD240];
	v8 =	vadd.f32 v11, v8;
	v4 =	vadd.f32 v13, v4;
	v10 =	vmax.f32 v10, $0.0e+00  }
0x404: {  	v57 =	vld [tilespmem:s23+$0xD390];
	v20 =	vadd.f32 $0.0e+00, v20;
	v5 =	vadd.f32 v10, v5  }
0x405: {  	v12 =	vld [tilespmem:s23+$0xD230];
	v9 =	vmax.f32 v9, $0.0e+00;
	v61 =	vadd.f32 $0.0e+00, v21;
	v62 =	vadd.f32 $0.0e+00, v23  }
0x406: {  	v14 =	vld [tilespmem:s23+$0xD260];
	v63 =	vadd.f32 $0.0e+00, v25;
	v6 =	vadd.f32 v9, v6;
	v8 =	vmax.f32 v8, $0.0e+00  }
0x407: {  	v11 =	vld [tilespmem:s23+$0xD250];
	v20 =	vadd.f32 v22, v20;
	v7 =	vadd.f32 v8, v7  }
0x408: {  	v23 =	vld [tilespmem:s23+$0xD2B0];
	v10 =	vadd.f32 v35, v61;
	v35 =	vadd.f32 $0.0e+00, v29  }
0x409: {  	v25 =	vld [tilespmem:s23+$0xD2C0];
	v8 =	vadd.f32 v37, v62;
	v37 =	vadd.f32 $0.0e+00, v33  }
0x40a: {  	v9 =	vld [tilespmem:s23+$0xD280];
	v21 =	vadd.f32 v38, v63;
	v56 =	vadd.f32 v24, v20  }
0x40b: {  	v22 =	vld [tilespmem:s23+$0xD1D0];
	v10 =	vadd.f32 v43, v10;
	v8 =	vadd.f32 v44, v8  }
0x40c: {  	v20 =	vld [tilespmem:s23+$0xD200];
	v21 =	vadd.f32 v45, v21;
	v58 =	vadd.f32 v26, v56  }
0x40d: {  	v29 =	vld [tilespmem:s23+$0xD2E0];
	v26 =	vadd.f32 v40, v35;
	v10 =	vadd.f32 v50, v10  }
0x40e: {  	v33 =	vld [tilespmem:s23+$0xD320];
	v8 =	vadd.f32 v51, v8;
	v21 =	vadd.f32 v52, v21  }
0x40f: {  	v61 =	vld [tilespmem:s23+$0xD3C0];
	v59 =	vadd.f32 v28, v58;
	v26 =	vadd.f32 v47, v26  }
0x410: {  	v62 =	vld [tilespmem:s23+$0xD3D0];
	v8 =	vadd.f32 v16, v8;
	v18 =	vadd.f32 v18, v21  }
0x411: {  	v63 =	vld [tilespmem:s23+$0xD3E0];
	v10 =	vadd.f32 v20, v10;
	v60 =	vadd.f32 v30, v59  }
0x412: {  	v43 =	vld [tilespmem:s23+$0xD420];
	v30 =	vadd.f32 v42, v37;
	v26 =	vadd.f32 v54, v26  }
0x413: {  	v59 =	vld [tilespmem:s23+$0xD3A0];
	v8 =	vadd.f32 v17, v8;
	v40 =	vadd.f32 v19, v18  }
0x414: {  	v44 =	vld [tilespmem:s23+$0xD430];
	v9 =	vadd.f32 v9, v10;
	v13 =	vadd.f32 v32, v60  }
0x415: {  	v45 =	vld [tilespmem:s23+$0xD440];
	v30 =	vadd.f32 v49, v30;
	v15 =	vadd.f32 v15, v26  }
0x416: {  	v32 =	vld [tilespmem:s23+$0xD310];
	v17 =	vadd.f32 v33, v40;
	v13 =	vadd.f32 v34, v13  }
0x417: {  	v50 =	vld [tilespmem:s23+$0xD360];
	v34 =	vadd.f32 $0.0e+00, v27;
	v58 =	vadd.f32 v55, v30  }
0x418: {  	v56 =	vld [tilespmem:s23+$0xD380];
	v15 =	vadd.f32 v25, v15;
	v17 =	vadd.f32 v59, v17  }
0x419: {  	v47 =	vld [tilespmem:s23+$0xD460];
	v13 =	vadd.f32 v36, v13;
	v36 =	vadd.f32 $0.0e+00, v31  }
0x41a: {  	v31 =	vld [tilespmem:s23+$0xD300];
	v24 =	vadd.f32 v39, v34;
	v14 =	vadd.f32 v14, v58  }
0x41b: {  	v42 =	vld [tilespmem:s23+$0xD410];
	v8 =	vadd.f32 v32, v8;
	v17 =	vadd.f32 v43, v17  }
0x41c: {  	v49 =	vld [tilespmem:s23+$0xD490];
	v28 =	vadd.f32 v41, v36;
	v24 =	vadd.f32 v46, v24  }
0x41d: {  	v46 =	vld [tilespmem:s23+$0xD340];
	v14 =	vadd.f32 v29, v14;
	v8 =	vadd.f32 v57, v8  }
0x41e: {  	v27 =	vld [tilespmem:s23+$0xD2D0];
	v28 =	vadd.f32 v48, v28;
	v24 =	vadd.f32 v53, v24  }
0x41f: {  	v34 =	vld [tilespmem:s23+$0xD330];
	v14 =	vadd.f32 v50, v14;
	v9 =	vadd.f32 v31, v9  }
0x420: {  	v41 =	vld [tilespmem:s23+$0xD400];
	v8 =	vadd.f32 v42, v8;
	v22 =	vadd.f32 v22, v28  }
0x421: {  	v50 =	vld [tilespmem:s23+$0xD4A0];
	v12 =	vadd.f32 v12, v24;
	v10 =	vadd.f32 v63, v14  }
0x422: {  	v48 =	vld [tilespmem:s23+$0xD350];
	v15 =	vadd.f32 v46, v15;
	v9 =	vadd.f32 v56, v9  }
0x423: {  	v55 =	vld [tilespmem:s23+$0xD4F0];
	v8 =	vadd.f32 v49, v8;
	v11 =	vadd.f32 v11, v22  }
0x424: {  	v60 =	vld [tilespmem:s23+$0xD3B0];
	v12 =	vadd.f32 v23, v12;
	v10 =	vadd.f32 v47, v10  }
0x425: {  	v52 =	vld [tilespmem:s23+$0xD4C0];
	v15 =	vadd.f32 v61, v15;
	v11 =	vadd.f32 v27, v11  }
0x426: {  	v46 =	vld [tilespmem:s23+$0xD450];
	v9 =	vadd.f32 v41, v9;
	v14 =	vadd.f32 v50, v17  }
0x427: {  	v8 =	vmax.f32 v8, $0.0e+00;
	v12 =	vadd.f32 v34, v12;
	v11 =	vadd.f32 v48, v11;
	v48 =	vld [tilespmem:s23+$0xD480]  }
0x428: {  	v51 =	vld [tilespmem:s23+$0xD4B0];
	v61 =	vadd.f32 v55, v13;
	v2 =	vadd.f32 v8, v2  }
0x429: {  	v53 =	vld [tilespmem:s23+$0xD4D0];
	v15 =	vadd.f32 v45, v15;
	v57 =	vmax.f32 v14, $0.0e+00;
	v12 =	vadd.f32 v60, v12  }
0x42a: {  	v54 =	vld [tilespmem:s23+$0xD4E0];
	v3 =	vadd.f32 v57, v3;
	v11 =	vadd.f32 v62, v11  }
0x42b: {  	v56 =	vadd.f32 v52, v15;
	v12 =	vadd.f32 v44, v12  }
0x42c: {  	[tilespmem:s22+$0x10490] =	vst v2;
	v2 =	vmax.f32 v61, $0.0e+00;
	v11 =	vadd.f32 v46, v11;
	v9 =	vadd.f32 v48, v9  }
0x42d: {  	v0 =	vadd.f32 v2, v0;
	v60 =	vmax.f32 v56, $0.0e+00;
	v12 =	vadd.f32 v51, v12  }
0x42e: {  	s21 =	sadd.s32 $0x1, s21;
	[tilespmem:s22+$0x104A0] =	vst v3;
	v5 =	vadd.f32 v60, v5;
	v11 =	vadd.f32 v53, v11;
	v9 =	vmax.f32 v9, $0.0e+00  }
0x42f: {  	p0 =	sne.s32 s21, $0x20;
	v59 =	vadd.f32 v54, v10;
	[tilespmem:s22+$0x104F0] =	vst v0;
	v58 =	vmax.f32 v12, $0.0e+00;
	v1 =	vadd.f32 v9, v1  }
.Ltmp4:
0x430: {  	[tilespmem:s22+$0x104C0] =	vst v5;
	v4 =	vadd.f32 v58, v4;
	v62 =	vmax.f32 v11, $0.0e+00;
	(pc) =	sbr.rel @p0 .LBB2_2-.Ltmp4, $4  }
0x431: {  	v63 =	vadd.f32 v62, v6;
	[tilespmem:s22+$0x10480] =	vst v1;
	v1 =	vmax.f32 v59, $0.0e+00  }
0x432: {  	[tilespmem:s22+$0x104B0] =	vst v4;
	v1 =	vadd.f32 v1, v7  }
0x433: {  	[tilespmem:s22+$0x104D0] =	vst v63  }
0x434: {  	[tilespmem:s22+$0x104E0] =	vst v1  }
0x435: {  	s20 =	sadd.s32 $0x1, s20  }
0x436: {  	p0 =	sne.s32 s20, s6  }
.Ltmp5:
0x437: {  	_ = 	snop;
	(pc) =	sbr.rel @p0 .LBB2_1-.Ltmp5, $4  }
0x438: {  	[hbm4b:s5+s2] =	stream.linear.scatter [tilespmem:s19], [sflag:$0x5], $0x2000, $0x38;
	[tilespmem:$0x12400] =	vst v63  }
0x439: {  	_ =	swait.ge [sflag:s9], $0x2000  }
0x43a: {  	[sflag:s9] =	ssyncset.done $0x0  }
0x43b: {  	[sflag:s9] =	ssyncadd.s32 $0xFFFFE000  }
0x43c: {  	_ =	sfence.sel $0x180000  }
0x43d: {  	[bflag:$0x0] =	sbarrier.arrive $0xFFFF  }
0x43e: {  	p0 =	sne.s32 s0, $0x0;
	_ =	strace $0x9000004A  }
0x43f: {  	s0 =	sadd.s32 @!p0 $0x100000, s1;
	[bflag:$0x2] =	sbarrier.arrive $0xFFFF  }
0x440: {  	[sflag:s0] =	ssyncadd.tile.s32 @!p0 $0x1;
	_ =	shalt  }
.Lfunc_end2:
_tile_overlayer_lowered:
.L_overlay_start_2:
0x441: {  	(tag) =	ssettag $0x2  }
0x442: {  	s0 =	rddreg [dreg:$0x0];
	s2 =	stileid.u32  }
0x443: {  	s1 =	rddreg [dreg:$0x1];
	p0 =	sne.s32 s2, $0x0  }
0x444: {  	s3 =	rddreg [dreg:$0x2];
	[bflag:$0x3] =	sbarrier.arrive $0xFFFF;
	s2 =	simm.s32 @!p0 $0x1C05  }
0x445: {  	[timem:s3], [sflag:s2] =	dma.local @!p0 [hbm:s0], s1  }
0x446: {  	s0 =	simm.s32 @!p0 $0x5  }
0x447: {  	_ =	swait.ge @!p0 [sflag:s0], s1  }
0x448: {  	s1 =	ssub.s32 @!p0 $0x0, s1;
	[sflag:s0] =	ssyncset.done @!p0 $0x0  }
0x449: {  	[sflag:s0] =	ssyncadd.s32 @!p0 s1  }
0x44a: {  	[bflag:$0x3] =	sbarrier.arrive $0xFFFF  }
0x44b: {  	_ =	shalt  }

// kernel: kernel.7.cloned.1.call-start
scs
__scs_entry_jumppad:
0x0: {  	(pc) =	sbr.rel $0x88, $3  }
0x1: {  	(tag) =	ssettag $0x0;
	lr =	simm.s32 $0x1  }
0x2: {  	[smem:$0x3F9B] =	sst lr;
	_ =	strace $0xD0000000  }
0x3: {  	_ = 	snop  }
0x4: {  	_ = 	snop  }
0x5: {  	_ = 	snop  }
0x6: {  	_ = 	snop  }
0x7: {  	_ = 	snop  }
__scs_overlays_trampoline_lowered:
0x8: {  	[smem:$0x3FAA] =	sst s0  }
0x9: {  	[smem:$0x3FAB] =	sst s1  }
0xa: {  	[smem:$0x3FAC] =	sst s2  }
0xb: {  	[smem:$0x3FAD] =	sst s3  }
0xc: {  	[smem:$0x3FAE] =	sst s4  }
0xd: {  	[smem:$0x3FAF] =	sst s5  }
0xe: {  	[smem:$0x3FB0] =	sst s6  }
0xf: {  	[smem:$0x3FB1] =	sst s7  }
0x10: {  	[smem:$0x3FB2] =	sst s8  }
0x11: {  	[smem:$0x3FB3] =	sst s9;
	s0 =	simm.s32 @!p0 $0x0  }
0x12: {  	s1 =	sld [smem:$0x3F99];
	s0 =	simm.s32 @p0 $0x1  }
0x13: {  	[smem:$0x3FB4] =	sst s0;
	s0 =	simm.s32 @!p1 $0x0  }
0x14: {  	s2 =	sld [smem:$0x3F98];
	s0 =	simm.s32 @p1 $0x1  }
0x15: {  	[smem:$0x3FB5] =	sst s0;
	s0 =	simm.s32 @!p2 $0x0  }
0x16: {  	s3 =	sld [smem:$0x3FDB];
	s0 =	simm.s32 @p2 $0x1  }
0x17: {  	s4 =	simm.s32 $0x1BF5;
	[smem:$0x3FB7] =	sst s0  }
0x18: {  	s0 =	sld [smem:$0x3F9A];
	_ =	swait.ge [sflag:s4], $0x0  }
0x19: {  	s7 =	sld [smem:$0x3F9B]  }
0x1a: {  	s8 =	sadd.s32 $0xFFFFE003, lr  }
0x1b: {  	s9 =	sadd.s32 $0xFFFFFEF7, lr;
	s5 =	simm.s32 $0xFFFFFFFF;
	p2 =	slt.u32 s8, $0xFFFFF086  }
0x1c: {  	p1 =	slt.u32 s9, $0xF7A;
	s5 =	simm.s32 @!p2 $0x0  }
0x1d: {  	s5 =	simm.s32 @p1 $0x1;
	p0 =	seq.s32 s7, s2  }
0x1e: {  	s7 =	smul.u32 @!p0 $0xF7A, s2;
	p2 =	seq.s32 @!p0 s5, $0x0  }
0x1f: {  	s9 =	smul.u32 $0xF7A, s1;
	s8 =	simm.s32 @!p0 $0x1BF5;
	p2 =	por !p2, p0  }
0x20: {  	[sflag:s8] =	ssyncset.s32 @!p0 $0xFFFFF086;
	s6 =	sadd.s32 @!p0 s3, s7;
	s7 =	simm.s32 @!p0 $0x108  }
0x21: {  	s3 =	sadd.s32 s3, s9;
	s6 =	sadd.s32 @!p0 $0x88, s6;
	s7 =	simm.s32 @p2 $0x1082  }
0x22: {  	[simem:s7], [sflag:s8] =	dma.local @!p0 [hbm:s6], $0xF7A  }
0x23: {  	s9 =	sor.u32 $0xD0000000, s2;
	s6 =	simm.s32 $0x108;
	_ =	swait.ge @!p0 [sflag:s8], $0x0  }
0x24: {  	s3 =	sadd.s32 $0x88, s3;
	s6 =	simm.s32 @!p1 $0x1082;
	[sflag:s4] =	ssyncset.s32 $0xFFFFF086  }
0x25: {  	[simem:s6], [sflag:s4] =	dma.local [hbm:s3], $0xF7A  }
0x26: {  	[smem:$0x3F9B] =	sst s1;
	(tag) =	ssettag s2;
	_ =	strace s9  }
0x27: {  	s1 =	sld [smem:$0x3FAB]  }
0x28: {  	s2 =	sld [smem:$0x3FAC]  }
0x29: {  	s4 =	sld [smem:$0x3FAE]  }
0x2a: {  	p0 =	seq.s32 s5, $0x0;
	s5 =	sld [smem:$0x3FAF]  }
0x2b: {  	s6 =	sld [smem:$0x3FB0]  }
0x2c: {  	s7 =	sld [smem:$0x3FB1]  }
0x2d: {  	s3 =	simm.s32 $0x108;
	s8 =	sld [smem:$0x3FB2]  }
0x2e: {  	s3 =	simm.s32 @!p0 $0x1082;
	s9 =	sld [smem:$0x3FB3]  }
0x2f: {  	lr =	sadd.s32 s0, s3;
	s0 =	sld [smem:$0x3FAA]  }
0x30: {  	s3 =	sld [smem:$0x3FAD]  }
0x31: {  	[smem:$0x3FB6] =	sst s10  }
0x32: {  	s10 =	sld [smem:$0x3FB4];
	_ =	sdelay $0x3  }
0x33: {  	p0 =	seq.s32 s10, $0x1;
	s10 =	sld [smem:$0x3FB6];
	_ =	sdelay $0x3  }
0x34: {  	[smem:$0x3FB6] =	sst s10  }
0x35: {  	s10 =	sld [smem:$0x3FB5];
	_ =	sdelay $0x3  }
0x36: {  	p1 =	seq.s32 s10, $0x1;
	s10 =	sld [smem:$0x3FB6];
	_ =	sdelay $0x3  }
0x37: {  	[smem:$0x3FB6] =	sst s10  }
0x38: {  	s10 =	sld [smem:$0x3FB7]  }
0x39: {  	_ = 	snop;
	(pc) =	sbr.ind lr, $3  }
0x3a: {  	_ = 	snop  }
0x3b: {  	_ = 	snop  }
0x3c: {  	p2 =	seq.s32 s10, $0x1;
	s10 =	sld [smem:$0x3FB6]  }
0x3d: {  	_ =	shalt  }
0x3e: {  	_ =	shalt  }
0x3f: {  	_ =	shalt  }
0x40: {  	_ =	shalt  }
0x41: {  	_ =	shalt  }
0x42: {  	_ =	shalt  }
0x43: {  	_ =	shalt  }
0x44: {  	_ =	shalt  }
0x45: {  	_ =	shalt  }
0x46: {  	_ =	shalt  }
0x47: {  	_ =	shalt  }
0x48: {  	_ =	shalt  }
0x49: {  	_ =	shalt  }
0x4a: {  	_ =	shalt  }
0x4b: {  	_ =	shalt  }
0x4c: {  	_ =	shalt  }
0x4d: {  	_ =	shalt  }
0x4e: {  	_ =	shalt  }
0x4f: {  	_ =	shalt  }
0x50: {  	_ =	shalt  }
0x51: {  	_ =	shalt  }
0x52: {  	_ =	shalt  }
0x53: {  	_ =	shalt  }
0x54: {  	_ =	shalt  }
0x55: {  	_ =	shalt  }
0x56: {  	_ =	shalt  }
0x57: {  	_ =	shalt  }
0x58: {  	_ =	shalt  }
0x59: {  	_ =	shalt  }
0x5a: {  	_ =	shalt  }
0x5b: {  	_ =	shalt  }
0x5c: {  	_ =	shalt  }
0x5d: {  	_ =	shalt  }
0x5e: {  	_ =	shalt  }
0x5f: {  	_ =	shalt  }
0x60: {  	_ =	shalt  }
0x61: {  	_ =	shalt  }
0x62: {  	_ =	shalt  }
0x63: {  	_ =	shalt  }
0x64: {  	_ =	shalt  }
0x65: {  	_ =	shalt  }
0x66: {  	_ =	shalt  }
0x67: {  	_ =	shalt  }
0x68: {  	_ =	shalt  }
0x69: {  	_ =	shalt  }
0x6a: {  	_ =	shalt  }
0x6b: {  	_ =	shalt  }
0x6c: {  	_ =	shalt  }
0x6d: {  	_ =	shalt  }
0x6e: {  	_ =	shalt  }
0x6f: {  	_ =	shalt  }
0x70: {  	_ =	shalt  }
0x71: {  	_ =	shalt  }
0x72: {  	_ =	shalt  }
0x73: {  	_ =	shalt  }
0x74: {  	_ =	shalt  }
0x75: {  	_ =	shalt  }
0x76: {  	_ =	shalt  }
0x77: {  	_ =	shalt  }
0x78: {  	_ =	shalt  }
0x79: {  	_ =	shalt  }
0x7a: {  	_ =	shalt  }
0x7b: {  	_ =	shalt  }
0x7c: {  	_ =	shalt  }
0x7d: {  	_ =	shalt  }
0x7e: {  	_ =	shalt  }
0x7f: {  	_ =	shalt  }
0x80: {  	_ =	shalt  }
0x81: {  	_ =	shalt  }
0x82: {  	_ =	shalt  }
0x83: {  	_ =	shalt  }
0x84: {  	_ =	shalt  }
0x85: {  	_ =	shalt  }
0x86: {  	_ =	shalt  }
0x87: {  	_ =	shalt  }
.Lfunc_end0:
.L_simem_size_0:
called_computation_lowered:
.L_overlay_start_0:
0x88: {  	s2 =	sld [smem:$0x3FD9]  }
0x89: {  	s3 =	sld [smem:$0x3FFE];
	_ =	sdelay $0x1  }
0x8a: {  	s1 =	srdreg.scid  }
0x8b: {  	s0 =	sand.u32 $0x1, s1  }
0x8c: {  	s17 =	sshll.u32 s0, $0xA;
	s2 =	sadd.s32 s3, s2  }
0x8d: {  	s2 =	sadd.s32 s2, s17  }
0x8e: {  	[smem:$0x3FC2] =	sst s2  }
0x8f: {  	_ = 	snop  }
0x90: {  	s2 =	sld [smem:$0x3FD0];
	(tm) =	ssettm $0x1  }
0x91: {  	s18 =	sld [smem:$0x3FFB];
	_ =	sdelay $0x3  }
0x92: {  	_ =	strace s18  }
0x93: {  	s3 =	sld [smem:$0x3FFC];
	_ =	sdelay $0x3  }
0x94: {  	_ =	strace s3  }
0x95: {  	s3 =	sld [smem:$0x3FFD];
	_ =	sdelay $0x3  }
0x96: {  	_ =	strace s3  }
0x97: {  	_ =	strace $0x8FFFFFFF  }
0x98: {  	s19 =	sld [smem:$0x3FDB];
	_ =	sdelay $0x1  }
0x99: {  	s4 =	simm.s32 $_scs_section_size  }
0x9a: {  	s5 =	simm.s32 $_size__tile_overlayer_lowered;
	s6 =	simm.s32 $_tile_overlayer_lowered  }
0x9b: {  	s22 =	simm.s32 $0x1BFF;
	s21 =	sshll.u32 s6, $0x1;
	s3 =	sadd.s32 s4, s19  }
0x9c: {  	s7 =	simm.s32 $0x0;
	s20 =	sshll.u32 s5, $0x1;
	s5 =	sadd.s32 s21, s3  }
0x9d: {  	[timem:s7], [sflag:s22] =	dma.local [hbm:s5], s20  }
0x9e: {  	_ =	swait.ge [sflag:s22], s20  }
0x9f: {  	s4 =	ssub.s32 $0x0, s20;
	[sflag:s22] =	ssyncset.done $0x0  }
0xa0: {  	[sflag:s22] =	ssyncadd.s32 s4;
	_ =	sdelay $0x1  }
0xa1: {  	s23 =	simm.s32 $0x1B8B  }
0xa2: {  	_ =	swait.ge [sflag:s23], $0x1  }
0xa3: {  	[sflag:s23] =	ssyncset.done $0x0  }
0xa4: {  	s25 =	simm.s32 $0x1B8E;
	s24 =	sld [smem:$0x3FFE];
	[sflag:s23] =	ssyncadd.s32 $0xFFFFFFFF  }
0xa5: {  	s26 =	simm.s32 $execute0_lowered;
	[smem:$0x3FD2] =	sst s25  }
0xa6: {  	s5 =	sshll.u32 s26, $0x1;
	_ =	strace $0x80000046;
	[dreg:$0x1] =	wrdreg $0xFFFFFFFF  }
0xa7: {  	s28 =	simm.s32 $_size_execute0_lowered;
	s3 =	sadd.s32 s3, s5;
	[dreg:$0x0] =	wrdreg $0x0  }
0xa8: {  	s5 =	sshll.u32 s28, $0x1;
	[dreg:$0x2] =	wrdreg s3  }
0xa9: {  	[dreg:$0x3] =	wrdreg s5  }
0xaa: {  	[dreg:$0x4] =	wrdreg $0xC0  }
0xab: {  	_ =	task [dreg:s7], $0x5FFFF  }
0xac: {  	[dreg:$0x1] =	wrdreg $0xFFFFFFFF  }
0xad: {  	[dreg:$0x0] =	wrdreg $0x60  }
0xae: {  	[dreg:$0x2] =	wrdreg s24  }
0xaf: {  	[dreg:$0x3] =	wrdreg s2  }
0xb0: {  	[dreg:$0x4] =	wrdreg $0x9  }
0xb1: {  	_ =	task.clear_ibuf [dreg:s7], $0x5FFFF;
	_ =	strace $0x90000046  }
0xb2: {  	s29 =	simm.s32 $0x9;
	_ =	strace $0x80000048  }
0xb3: {  	_ =	swait.ge [sflag:s29], $0x1  }
0xb4: {  	[sflag:s29] =	ssyncadd.s32 $0xFFFFFFFF  }
0xb5: {  	_ =	strace $0x90000048  }
0xb6: {  	_ =	sfence  }
0xb7: {  	s30 =	sld [smem:$0x0];
	_ =	sdelay $0x2  }
0xb8: {  	s31 =	sshll.u32 s1, $0xD;
	s1 =	sshrl.u32 s1, $0x2  }
0xb9: {  	s3 =	sand.u32 $0x4000, s31;
	s1 =	sadd.s32 s1, s30  }
0xba: {  	s0 =	sor.u32 s3, s0;
	s1 =	sshll.u32 s1, $0x11  }
0xbb: {  	s0 =	sor.u32 s1, s0  }
0xbc: {  	s0 =	sadd.s32 $0x8F2B, s0  }
0xbd: {  	[sflag:s0] =	ssyncadd.remote.s32 $0x1  }
0xbe: {  	_ =	sfence.sel $0xFFFF  }
0xbf: {  	[dreg:$0x0] =	wrdreg $0xFFFFFFFF;
	(pc) =	sbr.abs _section_cstart, $3  }
0xc0: {  	[dreg:$0x1] =	wrdreg $0xFFFFFFFF  }
0xc1: {  	_ =	task.clear_ibuf [dreg:s7], $0x2FFFF;
	_ =	strace $0x9FFFFFFF  }
0xc2: {  	(tm) =	ssettm $0x7FFFFFFF  }
0xc3: {  	_ =	shalt  }
tec
execute0_lowered:
.L_overlay_start_1:
0x0: {  	(tag) =	ssettag $0x1  }
0x1: {  	v1 =	vimm.s32 $0x5C740C24;
	v2 =	vimm.s32 $0x7C142C44;
	v0 =	vlaneseq.u32  }
0x2: {  	vm0 =	vcmask $0x1F10;
	v3 =	vimm.s32 $0x3C546C04;
	v4 =	vimm.s32 $0x5D750D25  }
0x3: {  	v5 =	vimm.s32 $0x7D152D45;
	v1 =	vunpack.c.0.s8.s32 v1;
	v2 =	vunpack.c.0.s8.s32 v2  }
0x4: {  	v6 =	vimm.s32 $0x1D354D65;
	v7 =	vimm.s32 $0x3D556D05;
	v9 =	vimm.s32 $0x5E760E26  }
0x5: {  	v10 =	vimm.s32 $0x7E162E46;
	v1 =	vsel vm0, v2, v1;
	v2 =	vimm.s32 $0x1C344C64  }
0x6: {  	s4 =	rddreg [dreg:$0x0];
	v11 =	vimm.s32 $0x3F576F07;
	v3 =	vunpack.c.0.s8.s32 v3;
	v2 =	vunpack.c.0.s8.s32 v2  }
0x7: {  	s1 =	srdreg.scid;
	s0 =	stileid.u32;
	v4 =	vunpack.c.0.s8.s32 v4;
	v5 =	vunpack.c.0.s8.s32 v5;
	v6 =	vunpack.c.0.s8.s32 v6  }
0x8: {  	s5 =	rddreg [dreg:$0x1];
	s10 =	simm.s32 $0x8580;
	s11 =	simm.s32 $0x80;
	v7 =	vunpack.c.0.s8.s32 v7;
	v11 =	vunpack.c.0.s8.s32 v11;
	v2 =	vsel vm0, v3, v2  }
0x9: {  	s12 =	simm.s32 $0x4580;
	s13 =	simm.s32 $0x2;
	s14 =	simm.s32 $0x400;
	v3 =	vunpack.c.0.s8.s32 v9;
	v9 =	vunpack.c.0.s8.s32 v10;
	v10 =	vimm.s32 $0x1F374F67  }
0xa: {  	s15 =	simm.s32 $0x0;
	s19 =	simm.s32 $0x20;
	s3 =	sand.u32 $0x1, s1;
	v1 =	vcombine.low v2, v1;
	v2 =	vsel vm0, v5, v4;
	v4 =	vsel vm0, v7, v6  }
0xb: {  	s2 =	sshll.u32 s0, $0x1;
	s1 =	rddreg [dreg:$0x2];
	s7 =	sshrl.u32 s0, $0x2;
	v5 =	vimm.s32 $0x5F770F27;
	v7 =	vsel vm0, v9, v3;
	v3 =	vimm.s32 $0x1E364E66  }
0xc: {  	s6 =	sor.u32 s3, s2;
	s2 =	simm.s32 $0x0;
	s7 =	smul.u32 $0x1A000, s7;
	v2 =	vcombine.low v4, v2;
	v4 =	vunpack.c.0.s8.s32 v3;
	v3 =	vimm.s32 $0x3E566E06  }
0xd: {  	s30 =	ssub.s32 $0x2, s3;
	s3 =	sadd.s32 $0xC4800, s4;
	s8 =	sshll.u32 s6, $0x7;
	v10 =	vunpack.c.0.s8.s32 v10;
	v6 =	vunpack.c.0.s8.s32 v3;
	v3 =	vimm.s32 $0x7F172F47  }
0xe: {  	v8 =	vmul.u32 $0x68, v0;
	[smem:$0x7FF] =	sst s2;
	s9 =	sshrl.u32 s30, $0x1;
	s8 =	sand.u32 $0x380, s8;
	v5 =	vunpack.c.0.s8.s32 v5;
	v9 =	vunpack.c.0.s8.s32 v3  }
0xf: {  	s31 =	sshll.u32 s6, $0x4;
	_ =	strace $0x80000047;
	s7 =	sor.u32 s7, s8;
	v10 =	vsel vm0, v11, v10  }
0x10: {  	s8 =	ssub.s32 s30, s9;
	s9 =	simm.s32 $0x1;
	s7 =	sshrl.u32 s7, $0x3;
	v3 =	vadd.s32 $0x64, v8;
	v12 =	vsel vm0, v6, v4;
	v9 =	vsel vm0, v9, v5  }
0x11: {  	s6 =	smax.u32 s8, $0x1;
	s8 =	simm.s32 $0x580;
	s7 =	sadd.s32 s7, s4;
	v4 =	vimm.s32 $0x0;
	v6 =	vadd.s32 $0x66, v8;
	v9 =	vcombine.low v10, v9  }
0x12: {  	s4 =	sadd.s32 s5, s31;
	s5 =	sadd.s32 $0x1200, s7;
	s7 =	simm.s32 $0x3;
	v5 =	vadd.s32 $0x65, v8;
	v7 =	vcombine.low v12, v7;
	v8 =	vadd.s32 $0x67, v8  }
.LBB2_1:
0x13: {  	v10 =	vor.u32 s2, v0  }
0x14: {  	v11 =	vmul.u32 $0x199A, v10;
	_ =	sdelay $0x1  }
0x15: {  	v11 =	vshrl.u32 v11, $0x10  }
0x16: {  	v12 =	vmul.u32 $0xFFFFFFF6, v11  }
0x17: {  	s16 =	simm.s32 $0x10  }
0x18: {  	[tilespmem:s2], [sflag:$0x3] =	stream.linear.gather [hbm4b:s4+s2], $0x80, $0x38;
	v10 =	vadd.s32 v10, v12;
	v12 =	vor.u32 s16, v0;
	[tilespmem:$0xB980] =	vst v63  }
0x19: {  	_ =	swait.ge [sflag:s7], $0x80;
	v11 =	vshll.u32 v11, $0x7;
	v13 =	vand.u32 $0xFFFFFF80, v10;
	v14 =	vmul.u32 $0x199A, v12  }
0x1a: {  	[sflag:s7] =	ssyncset.done $0x0;
	v10 =	vand.u32 $0x7F, v10;
	v11 =	vadd.s32 v11, v13  }
0x1b: {  	[sflag:s7] =	ssyncadd.s32 $0xFFFFFF80;
	v10 =	vor.u32 v10, v11;
	v11 =	vshrl.u32 v14, $0x10  }
0x1c: {  	[tilespmem:s8], [sflag:$0x1] =	stream.indirect.gather [hbm4b:s3+s11], $0x80, s2, s11, $0xb8;
	v13 =	vmul.u32 $0xFFFFFFF6, v11;
	[tilespmem:$0xB980] =	vst v63  }
0x1d: {  	_ =	swait.ge [sflag:s9], $0x4000  }
0x1e: {  	s30 =	simm.s32 $0x20;
	[sflag:s9] =	ssyncset.done $0x0;
	v12 =	vadd.s32 v12, v13  }
0x1f: {  	[sflag:s9] =	ssyncadd.s32 $0xFFFFC000;
	v11 =	vshll.u32 v11, $0x7;
	v13 =	vor.u32 s30, v0;
	v14 =	vand.u32 $0xFFFFFF80, v12  }
0x20: {  	v15 =	vmul.u32 $0x199A, v13;
	v12 =	vand.u32 $0x7F, v12;
	v10 =	vld.idx.msk [tilespmem:v10+s8+$0x0], $0xffff;
	v11 =	vadd.s32 v11, v14  }
0x21: {  	v11 =	vor.u32 v12, v11  }
0x22: {  	v14 =	vshrl.u32 v15, $0x10  }
0x23: {  	v12 =	vmul.u32 $0xFFFFFFF6, v14;
	_ =	sdelay $0x1  }
0x24: {  	s31 =	simm.s32 $0x30;
	v12 =	vadd.s32 v13, v12;
	[tilespmem:s11+$0x0] =	vst v10  }
0x25: {  	s17 =	simm.s32 $0x40;
	s16 =	simm.s32 $0x80;
	v14 =	vshll.u32 v14, $0x7;
	v10 =	vor.u32 s31, v0;
	v13 =	vand.u32 $0xFFFFFF80, v12;
	v11 =	vld.idx.msk [tilespmem:v11+s8+$0x0], $0xffff  }
.LBB2_2:
0x26: {  	p0 =	sne.s32 s17, $0x4F0;
	v15 =	vmul.u32 $0x199A, v10;
	v12 =	vand.u32 $0x7F, v12;
	v13 =	vadd.s32 v14, v13  }
0x27: {  	v16 =	vor.u32 v12, v13  }
.Ltmp0:
0x28: {  	v14 =	vshrl.u32 v15, $0x10;
	(pc) =	sbr.rel @p0 .LBB2_2-.Ltmp0, $4  }
0x29: {  	v12 =	vmul.u32 $0xFFFFFFF6, v14  }
0x2a: {  	s16 =	sadd.s32 $0x10, s16  }
0x2b: {  	v12 =	vadd.s32 v10, v12;
	[tilespmem:s16+$0x0] =	vst v11  }
0x2c: {  	v14 =	vshll.u32 v14, $0x7;
	v10 =	vor.u32 s17, v0;
	s17 =	sadd.s32 $0x10, s17;
	v13 =	vand.u32 $0xFFFFFF80, v12;
	v11 =	vld.idx.msk [tilespmem:v16+s8+$0x0], $0xffff  }
0x2d: {  	v15 =	vmul.u32 $0x199A, v10  }
0x2e: {  	v12 =	vand.u32 $0x7F, v12;
	v13 =	vadd.s32 v14, v13  }
0x2f: {  	v12 =	vor.u32 v12, v13;
	v13 =	vshrl.u32 v15, $0x10  }
0x30: {  	v14 =	vmul.u32 $0xFFFFFFF6, v13;
	_ =	sdelay $0x1  }
0x31: {  	s16 =	sadd.s32 $0x10, s16;
	v10 =	vadd.s32 v10, v14  }
0x32: {  	v13 =	vshll.u32 v13, $0x7;
	[tilespmem:s16+$0x0] =	vst v11;
	v11 =	vand.u32 $0xFFFFFF80, v10  }
0x33: {  	v12 =	vld.idx.msk [tilespmem:v12+s8+$0x0], $0xffff;
	v10 =	vand.u32 $0x7F, v10;
	v11 =	vadd.s32 v13, v11  }
0x34: {  	v10 =	vor.u32 v10, v11;
	_ =	sdelay $0x2  }
0x35: {  	s17 =	sadd.s32 $0x10, s16  }
0x36: {  	s16 =	simm.s32 $0x0;
	[tilespmem:s17+$0x0] =	vst v12  }
0x37: {  	p1 =	por $0x1, $0x1;
	v11 =	vmov s16;
	v10 =	vld.idx.msk [tilespmem:v10+s8+$0x0], $0xffff  }
.Ltmp1:
0x38: {  	v11 =	vmul.u32 $0x68, v11;
	(pc) =	sbr.rel @!p1 .LBB2_4-.Ltmp1, $4  }
0x39: {  	_ = 	snop  }
0x3a: {  	v14 =	vbroadcast v11, $0x0  }
0x3b: {  	s17 =	sadd.s32 $0x10, s17  }
0x3c: {  	p0 =	por $0x0, $0x0;
	v15 =	vadd.s32 v3, v14;
	[tilespmem:s17+$0x0] =	vst v10;
	s17 =	simm.s32 $0x10  }
0x3d: {  	v10 =	vmov s17;
	v11 =	vand.u32 $0xFFFFFF80, v15;
	p1 =	por $0x1, $0x1  }
.Ltmp2:
0x3e: {  	v12 =	vmul.u32 $0x68, v10;
	v10 =	vor.u32 v1, v11;
	(pc) =	sbr.rel @!p1 .LBB2_6-.Ltmp2, $4  }
0x3f: {  	v11 =	vadd.s32 v5, v14  }
0x40: {  	v11 =	vand.u32 $0xFFFFFF80, v11;
	v13 =	vbroadcast v12, $0x0;
	v12 =	vadd.s32 v6, v14  }
0x41: {  	v11 =	vor.u32 v2, v11;
	v14 =	vadd.s32 v8, v14;
	v12 =	vand.u32 $0xFFFFFF80, v12  }
0x42: {  	s17 =	simm.s32 $0x20;
	p0 =	por $0x1, $0x1;
	v16 =	vand.u32 $0xFFFFFF80, v14;
	v15 =	vadd.s32 v3, v13;
	v12 =	vor.u32 v7, v12  }
.LBB2_7:
0x43: {  	v14 =	vmov s17;
	v15 =	vand.u32 $0xFFFFFF80, v15;
	[tilespmem:v10+s10+$0x0] =	vst.idx.msk $0xffff, v4;
	v17 =	vor.u32 v9, v16;
	v16 =	vmovc v13;
	p1 =	sne.s32 s17, $0x70  }
.Ltmp3:
0x44: {  	v13 =	vmul.u32 $0x68, v14;
	v10 =	vor.u32 v1, v15;
	(pc) =	sbr.rel @p1 .LBB2_7-.Ltmp3, $4  }
0x45: {  	v14 =	vadd.s32 v5, v16  }
0x46: {  	v15 =	vadd.s32 v6, v16;
	v14 =	vand.u32 $0xFFFFFF80, v14;
	v13 =	vbroadcast v13, $0x0;
	[tilespmem:v11+s10+$0x0] =	vst.idx.msk $0xffff, v4  }
0x47: {  	v16 =	vadd.s32 v8, v16;
	v11 =	vor.u32 v2, v14;
	v14 =	vand.u32 $0xFFFFFF80, v15;
	[tilespmem:v12+s10+$0x0] =	vst.idx.msk $0xffff, v4  }
0x48: {  	s17 =	sadd.s32 $0x10, s17;
	v16 =	vand.u32 $0xFFFFFF80, v16;
	v12 =	vor.u32 v7, v14;
	v15 =	vadd.s32 v3, v13;
	[tilespmem:v17+s10+$0x0] =	vst.idx.msk $0xffff, v4  }
0x49: {  	v14 =	vmov v13  }
.LBB2_9:
0x4a: {  	_ =	sdelay $0x1  }
0x4b: {  	v13 =	vand.u32 $0xFFFFFF80, v15;
	v15 =	vor.u32 @p0 v9, v16;
	v60 =	vadd.s32 v5, v14  }
0x4c: {  	v17 =	vadd.s32 v6, v14;
	v13 =	vor.u32 v1, v13;
	v16 =	vand.u32 $0xFFFFFF80, v60  }
0x4d: {  	[tilespmem:v10+s10+$0x0] =	vst.idx.msk @p0 $0xffff, v4;
	v62 =	vadd.s32 v8, v14;
	v61 =	vand.u32 $0xFFFFFF80, v17;
	v10 =	vor.u32 v2, v16  }
0x4e: {  	[tilespmem:v11+s10+$0x0] =	vst.idx.msk @p0 $0xffff, v4;
	v14 =	vand.u32 $0xFFFFFF80, v62;
	v11 =	vor.u32 v7, v61  }
0x4f: {  	[tilespmem:v12+s10+$0x0] =	vst.idx.msk @p0 $0xffff, v4;
	v63 =	vor.u32 v9, v14  }
0x50: {  	[tilespmem:v15+s10+$0x0] =	vst.idx.msk @p0 $0xffff, v4  }
0x51: {  	[tilespmem:v13+s10+$0x0] =	vst.idx.msk $0xffff, v4  }
0x52: {  	[tilespmem:v10+s10+$0x0] =	vst.idx.msk $0xffff, v4  }
0x53: {  	[tilespmem:v11+s10+$0x0] =	vst.idx.msk $0xffff, v4  }
0x54: {  	[tilespmem:v63+s10+$0x0] =	vst.idx.msk $0xffff, v4  }
.LBB2_10:
0x55: {  	s17 =	simm.s32 $0x0  }
0x56: {  	v11 =	vor.u32 s17, v0  }
0x57: {  	v10 =	vmul.u32 $0x199A, v11;
	_ =	sdelay $0x1  }
0x58: {  	v12 =	vshrl.u32 v10, $0x10  }
0x59: {  	s18 =	sshll.u32 s16, $0x8;
	v13 =	vmul.u32 $0xFFFFFFF6, v12  }
0x5a: {  	s31 =	simm.s32 $0x10;
	v10 =	vmov s18  }
0x5b: {  	v14 =	vor.u32 s31, v0;
	v20 =	vadd.s32 v11, v13;
	v11 =	vor.u32 v10, v12  }
0x5c: {  	s17 =	sor.u32 $0x80, s18;
	v12 =	vshll.u32 v12, $0x7;
	v13 =	vmul.u32 $0x199A, v11;
	v15 =	vand.u32 $0xFFFFFF80, v20  }
0x5d: {  	[tilespmem:s8], [sflag:$0x1] =	stream.indirect.gather [hbm4b:s3+s11], $0x80, s17, s11, $0xb8;
	v16 =	vmul.u32 $0x199A, v14;
	v17 =	vand.u32 $0x7F, v20;
	v12 =	vadd.s32 v12, v15;
	[tilespmem:$0xB980] =	vst v63  }
0x5e: {  	s18 =	sadd.s32 $0x100, s18;
	v15 =	vshrl.u32 v13, $0x10;
	v21 =	vor.u32 v17, v12  }
0x5f: {  	[tilespmem:s12], [sflag:$0x2] =	stream.indirect.gather [hbm4b:s3+s11], $0x80, s18, s11, $0xb8;
	v12 =	vor.u32 s19, v0;
	v17 =	vshrl.u32 v16, $0x10;
	v18 =	vmul.u32 $0xFFFFFFF6, v15;
	[tilespmem:$0xB980] =	vst v63  }
0x60: {  	_ =	swait.ge [sflag:s9], $0x4000;
	v13 =	vmul.u32 $0x199A, v12;
	v19 =	vmul.u32 $0xFFFFFFF6, v17  }
0x61: {  	[sflag:s9] =	ssyncset.done $0x0;
	v16 =	vshll.u32 v17, $0x7;
	v22 =	vmul.u32 $0x68, v15;
	v18 =	vadd.s32 v11, v18  }
0x62: {  	[sflag:s9] =	ssyncadd.s32 $0xFFFFC000;
	v11 =	vadd.s32 v14, v19;
	v14 =	vor.u32 v10, v17;
	v17 =	vmul.u32 $0xA, v18  }
0x63: {  	s18 =	simm.s32 $0x30;
	v20 =	vadd.s32 v20, v22;
	v18 =	vmul.u32 $0x199A, v14;
	v19 =	vand.u32 $0xFFFFFF80, v11;
	v15 =	vld.idx.msk [tilespmem:v21+s8+$0x0], $0xffff  }
.LBB2_11:
0x64: {  	p0 =	sne.s32 s18, $0x4F0;
	v21 =	vand.u32 $0x7F, v11;
	v16 =	vadd.s32 v16, v19;
	v19 =	vadd.s32 v17, v20  }
0x65: {  	v17 =	vshrl.u32 v18, $0x10;
	v20 =	vor.u32 v21, v16  }
.Ltmp4:
0x66: {  	v21 =	vor.u32 s18, v0;
	v18 =	vshrl.u32 v13, $0x10;
	v22 =	vmul.u32 $0xFFFFFFF6, v17;
	(pc) =	sbr.rel @p0 .LBB2_11-.Ltmp4, $4  }
0x67: {  	v13 =	vmul.u32 $0x199A, v21;
	v23 =	vmul.u32 $0xFFFFFFF6, v18  }
0x68: {  	v16 =	vshll.u32 v18, $0x7;
	v24 =	vmul.u32 $0x68, v17;
	v22 =	vadd.s32 v14, v22  }
0x69: {  	v23 =	vadd.s32 v12, v23;
	v14 =	vor.u32 v10, v18;
	v17 =	vmul.u32 $0xA, v22;
	[tilespmem:v19+s10+$0x0] =	vst.idx.msk $0xffff, v15  }
0x6a: {  	s18 =	sadd.s32 $0x10, s18;
	v12 =	vmovc v21;
	v18 =	vmul.u32 $0x199A, v14;
	v19 =	vand.u32 $0xFFFFFF80, v23;
	v15 =	vld.idx.msk [tilespmem:v20+s8+$0x0], $0xffff;
	v20 =	vadd.s32 v11, v24;
	v11 =	vmovc v23  }
0x6b: {  	v21 =	vand.u32 $0x7F, v11;
	v16 =	vadd.s32 v16, v19  }
0x6c: {  	v17 =	vadd.s32 v17, v20;
	v13 =	vshrl.u32 v13, $0x10;
	v18 =	vshrl.u32 v18, $0x10  }
0x6d: {  	v16 =	vor.u32 v21, v16;
	v20 =	vmul.u32 $0xFFFFFFF6, v13;
	v19 =	vmul.u32 $0xFFFFFFF6, v18  }
0x6e: {  	v21 =	vshll.u32 v13, $0x7;
	v10 =	vor.u32 v10, v13;
	v18 =	vmul.u32 $0x68, v18  }
0x6f: {  	v12 =	vadd.s32 v12, v20;
	v13 =	vadd.s32 v14, v19;
	v14 =	vmul.u32 $0x199A, v10  }
0x70: {  	s18 =	simm.s32 $0x0;
	v19 =	vand.u32 $0xFFFFFF80, v12;
	v11 =	vadd.s32 v11, v18;
	v13 =	vmul.u32 $0xA, v13  }
0x71: {  	v18 =	vor.u32 s18, v0;
	[tilespmem:v17+s10+$0x0] =	vst.idx.msk $0xffff, v15;
	v15 =	vand.u32 $0x7F, v12;
	v14 =	vshrl.u32 v14, $0x10  }
0x72: {  	v17 =	vadd.s32 v21, v19;
	v16 =	vld.idx.msk [tilespmem:v16+s8+$0x0], $0xffff;
	v11 =	vadd.s32 v13, v11;
	v13 =	vmul.u32 $0xFFFFFFF6, v14  }
0x73: {  	v15 =	vor.u32 v15, v17;
	v17 =	vmul.u32 $0x199A, v18  }
0x74: {  	v10 =	vadd.s32 v10, v13;
	v13 =	vmul.u32 $0x68, v14  }
0x75: {  	v14 =	vshrl.u32 v17, $0x10;
	v10 =	vmul.u32 $0xA, v10  }
0x76: {  	s30 =	simm.s32 $0x10;
	v12 =	vadd.s32 v12, v13;
	v13 =	vmul.u32 $0xFFFFFFF6, v14  }
0x77: {  	v19 =	vor.u32 s30, v0;
	[tilespmem:v11+s10+$0x0] =	vst.idx.msk $0xffff, v16;
	v12 =	vadd.s32 v10, v12  }
0x78: {  	v10 =	vmov s17;
	v16 =	vld.idx.msk [tilespmem:v15+s8+$0x0], $0xffff;
	v15 =	vmul.u32 $0x199A, v19;
	v11 =	vadd.s32 v18, v13  }
0x79: {  	v18 =	vadd.s32 v10, v14;
	v13 =	vshll.u32 v14, $0x7;
	v14 =	vand.u32 $0xFFFFFF80, v11  }
0x7a: {  	v17 =	vmul.u32 $0x199A, v18;
	v20 =	vand.u32 $0x7F, v11;
	v13 =	vadd.s32 v14, v13  }
0x7b: {  	v14 =	vshrl.u32 v15, $0x10;
	v13 =	vor.u32 v20, v13  }
0x7c: {  	v20 =	vshrl.u32 v17, $0x10;
	v21 =	vmul.u32 $0xFFFFFFF6, v14;
	v15 =	vadd.s32 $0x4000, v13  }
0x7d: {  	s31 =	simm.s32 $0x20;
	v17 =	vshll.u32 v14, $0x7;
	v22 =	vmul.u32 $0xFFFFFFF6, v20;
	[tilespmem:v12+s10+$0x0] =	vst.idx.msk $0xffff, v16  }
0x7e: {  	v13 =	vadd.s32 v10, v14;
	v12 =	vor.u32 s31, v0;
	v14 =	vadd.s32 v19, v21;
	_ =	swait.ge [sflag:s13], $0x4000  }
0x7f: {  	v19 =	vmul.u32 $0x68, v20;
	v16 =	vmul.u32 $0x199A, v12;
	v22 =	vadd.s32 v18, v22;
	[sflag:s13] =	ssyncset.done $0x0  }
0x80: {  	s17 =	simm.s32 $0x30;
	v18 =	vmul.u32 $0x199A, v13;
	v21 =	vand.u32 $0xFFFFFF80, v14;
	v20 =	vmul.u32 $0xA, v22;
	[sflag:s13] =	ssyncadd.s32 $0xFFFFC000  }
.LBB2_13:
0x81: {  	p0 =	sne.s32 s17, $0x4F0;
	v22 =	vand.u32 $0x7F, v14;
	v17 =	vadd.s32 v21, v17;
	v23 =	vld.idx.msk [tilespmem:v15+s8+$0x0], $0xffff;
	v15 =	vadd.s32 v11, v19;
	v11 =	vmovc v14  }
0x82: {  	v14 =	vor.u32 v22, v17;
	v22 =	vadd.s32 v20, v15  }
.Ltmp5:
0x83: {  	v17 =	vshrl.u32 v16, $0x10;
	v18 =	vshrl.u32 v18, $0x10;
	v15 =	vadd.s32 $0x4000, v14;
	(pc) =	sbr.rel @p0 .LBB2_13-.Ltmp5, $4  }
0x84: {  	v20 =	vor.u32 s17, v0;
	v14 =	vmul.u32 $0xFFFFFFF6, v17;
	v19 =	vmul.u32 $0xFFFFFFF6, v18  }
0x85: {  	v16 =	vmul.u32 $0x199A, v20;
	v21 =	vadd.s32 v10, v17;
	v17 =	vshll.u32 v17, $0x7  }
0x86: {  	v14 =	vadd.s32 v12, v14;
	v24 =	vadd.s32 v13, v19;
	v19 =	vmul.u32 $0x68, v18;
	v12 =	vmovc v20;
	v13 =	vmovc v21  }
0x87: {  	s17 =	sadd.s32 $0x10, s17;
	v18 =	vmul.u32 $0x199A, v13;
	v21 =	vand.u32 $0xFFFFFF80, v14;
	v20 =	vmul.u32 $0xA, v24;
	[tilespmem:v22+s10+$0x0] =	vst.idx.msk $0xffff, v23  }
0x88: {  	_ =	sdelay $0x1  }
0x89: {  	v22 =	vand.u32 $0x7F, v14  }
0x8a: {  	v17 =	vadd.s32 v21, v17;
	v11 =	vadd.s32 v11, v19;
	v16 =	vshrl.u32 v16, $0x10  }
0x8b: {  	v15 =	vld.idx.msk [tilespmem:v15+s8+$0x0], $0xffff;
	v17 =	vor.u32 v22, v17;
	v11 =	vadd.s32 v20, v11;
	v18 =	vshrl.u32 v18, $0x10  }
0x8c: {  	v55 =	vmul.u32 $0xFFFFFFF6, v16;
	v17 =	vadd.s32 $0x4000, v17;
	v56 =	vmul.u32 $0xFFFFFFF6, v18  }
0x8d: {  	v10 =	vadd.s32 v10, v16;
	v16 =	vshll.u32 v16, $0x7  }
0x8e: {  	v18 =	vmul.u32 $0x68, v18;
	v12 =	vadd.s32 v12, v55;
	v13 =	vadd.s32 v13, v56  }
0x8f: {  	v57 =	vmul.u32 $0x199A, v10;
	v58 =	vand.u32 $0xFFFFFF80, v12;
	v13 =	vmul.u32 $0xA, v13  }
0x90: {  	v60 =	vadd.s32 v14, v18;
	v59 =	vadd.s32 v58, v16;
	[tilespmem:v11+s10+$0x0] =	vst.idx.msk $0xffff, v15;
	v11 =	vand.u32 $0x7F, v12  }
0x91: {  	v62 =	vshrl.u32 v57, $0x10;
	v61 =	vld.idx.msk [tilespmem:v17+s8+$0x0], $0xffff;
	v11 =	vor.u32 v11, v59;
	v13 =	vadd.s32 v13, v60  }
0x92: {  	v63 =	vmul.u32 $0xFFFFFFF6, v62;
	v11 =	vadd.s32 $0x4000, v11;
	_ =	sdelay $0x1  }
0x93: {  	v14 =	vmul.u32 $0x68, v62;
	v10 =	vadd.s32 v10, v63  }
0x94: {  	v10 =	vmul.u32 $0xA, v10  }
0x95: {  	s16 =	sadd.s32 $0x1, s16;
	v12 =	vadd.s32 v12, v14;
	[tilespmem:v13+s10+$0x0] =	vst.idx.msk $0xffff, v61  }
0x96: {  	p0 =	sne.s32 s16, $0x5;
	v10 =	vadd.s32 v10, v12;
	v11 =	vld.idx.msk [tilespmem:v11+s8+$0x0], $0xffff  }
.Ltmp6:
0x97: {  	_ = 	snop;
	(pc) =	sbr.rel @p0 .LBB2_10-.Ltmp6, $2  }
0x98: {  	_ =	sdelay $0x2  }
0x99: {  	[tilespmem:v10+s10+$0x0] =	vst.idx.msk $0xffff, v11  }
0x9a: {  	[hbm4b:s5+s11] =	stream.strided.scatter [tilespmem:s10], [sflag:$0x3], $0x3400, s14, s11, $0x38;
	[tilespmem:$0xB980] =	vst v63  }
0x9b: {  	s15 =	sadd.s32 $0x1, s15  }
0x9c: {  	p0 =	sne.s32 s15, s6  }
.Ltmp7:
0x9d: {  	_ = 	snop;
	(pc) =	sbr.rel @p0 .LBB2_1-.Ltmp7, $4  }
.Ltmp8:
0x9e: {  	_ = 	snop;
	(pc) =	sbr.rel @!p0 .LBB2_16-.Ltmp8, $4  }
0x9f: {  	_ =	swait.ge [sflag:s7], $0x3400  }
0xa0: {  	[sflag:s7] =	ssyncset.done $0x0  }
0xa1: {  	[sflag:s7] =	ssyncadd.s32 $0xFFFFCC00  }
0xa2: {  	_ = 	snop  }
.LBB2_4:
.Ltmp9:
0xa3: {  	(pc) =	sbr.rel .LBB2_9-.Ltmp9, $2  }
0xa4: {  	_ =	sdelay $0x2  }
0xa5: {  	_ = 	snop  }
.LBB2_6:
.Ltmp10:
0xa6: {  	(pc) =	sbr.rel .LBB2_9-.Ltmp10, $2  }
0xa7: {  	_ =	sdelay $0x2  }
0xa8: {  	v14 =	vmov v13  }
.LBB2_16:
0xa9: {  	_ =	sfence.sel $0x180000  }
0xaa: {  	[bflag:$0x0] =	sbarrier.arrive $0xFFFF  }
0xab: {  	p0 =	sne.s32 s0, $0x0;
	_ =	strace $0x90000047  }
0xac: {  	s0 =	sadd.s32 @!p0 $0x100000, s1;
	[bflag:$0x2] =	sbarrier.arrive $0xFFFF  }
0xad: {  	[sflag:s0] =	ssyncadd.tile.s32 @!p0 $0x1;
	_ =	shalt  }
.Lfunc_end2:
_tile_overlayer_lowered:
.L_overlay_start_2:
0xae: {  	(tag) =	ssettag $0x2  }
0xaf: {  	s0 =	rddreg [dreg:$0x0];
	s2 =	stileid.u32  }
0xb0: {  	s1 =	rddreg [dreg:$0x1];
	p0 =	sne.s32 s2, $0x0  }
0xb1: {  	s3 =	rddreg [dreg:$0x2];
	[bflag:$0x3] =	sbarrier.arrive $0xFFFF;
	s2 =	simm.s32 @!p0 $0x1C03  }
0xb2: {  	[timem:s3], [sflag:s2] =	dma.local @!p0 [hbm:s0], s1  }
0xb3: {  	s0 =	simm.s32 @!p0 $0x3  }
0xb4: {  	_ =	swait.ge @!p0 [sflag:s0], s1  }
0xb5: {  	s1 =	ssub.s32 @!p0 $0x0, s1;
	[sflag:s0] =	ssyncset.done @!p0 $0x0  }
0xb6: {  	[sflag:s0] =	ssyncadd.s32 @!p0 s1  }
0xb7: {  	[bflag:$0x3] =	sbarrier.arrive $0xFFFF  }
0xb8: {  	_ =	shalt  }

</sc_bundles>
